<compile_context>
chip_gen: v7x
topology: tpu7x:2x2x1
jax: 0.10.2.dev20260603
libtpu: 0.0.44.dev20260713+nightly
codegen_flags: <defaults>
</compile_context>

<pallas_src>
import jax
import jax.numpy as jnp
from jax import lax
from jax.experimental import pallas as pl
from jax.experimental.pallas import tpu as pltpu, tpu_sc as plsc

N = 10000
M = 20000
E = 320000
D = 128
H = 64
L = 16
NC = 2
NS = 16
EPT = E // NS
K = 80
NB = EPT // K
NR = 5
NI = 10
G = 1
RPT = M // NS
ZR = 25


def _sc_body(vcat, srcr, dstr, osum, ocnt,
             sidx, didx, rows0, rows1, rows2, rows3, rows4, ones, zsum, zcnt,
             ssum, scnt,
             sg0, sg1, sg2, sg3, sg4, ss0, ss1, ss2, ss3, ss4,
             sc0, sc1, sc2, sc3, sc4,
             si0, si1, si2, si3, si4, si5, si6, si7, si8, si9, sz):
    c = lax.axis_index("c")
    s = lax.axis_index("s")
    rows = (rows0, rows1, rows2, rows3, rows4)
    sg = (sg0, sg1, sg2, sg3, sg4)
    ss = (ss0, ss1, ss2, ss3, ss4)
    sc = (sc0, sc1, sc2, sc3, sc4)
    si = (si0, si1, si2, si3, si4, si5, si6, si7, si8, si9)

    sbase = s * NB
    dbase = s * NB

    def fire_idx(j):
        q = j % NI
        pltpu.async_copy(srcr.at[sbase + j], sidx.at[q], si[q])
        pltpu.async_copy(dstr.at[dbase + j], didx.at[q], si[q])

    def wait_idx(q):
        pltpu.make_async_copy(srcr.at[sbase], sidx.at[q], si[q]).wait()
        pltpu.make_async_copy(dstr.at[dbase], didx.at[q], si[q]).wait()

    def xform_idx(q):
        for k in range(K // L):
            v = sidx[q, pl.ds(k * L, L)]
            sidx[q, pl.ds(k * L, L)] = v + v + c

    for j in range(NI - G):
        fire_idx(j)

    def fill_z(i, _):
        for k in range(H // L):
            zsum[i, pl.ds(k * L, L)] = jnp.zeros((L,), jnp.float32)
        zcnt[i, :] = jnp.zeros((L,), jnp.float32)
        return 0
    lax.fori_loop(0, ZR, fill_z, 0)

    def fill_ones(i, _):
        ones[i, :] = jnp.ones((L,), jnp.float32)
        return 0
    lax.fori_loop(0, K, fill_ones, 0)

    r0 = s * RPT

    def zfire(t, _):
        pltpu.async_copy(zsum, ssum.at[pl.ds(r0 + t * ZR, ZR), :], sz)
        pltpu.async_copy(zcnt, scnt.at[pl.ds(r0 + t * ZR, ZR), :], sz)
        return 0
    lax.fori_loop(0, RPT // ZR, zfire, 0)

    for j in range(NR - G):
        wait_idx(j)
        xform_idx(j)
        pltpu.async_copy(vcat.at[sidx.at[j]], rows[j], sg[j])

    def zdrain(t, _):
        pltpu.make_async_copy(zsum, ssum.at[pl.ds(r0, ZR), :], sz).wait()
        pltpu.make_async_copy(zcnt, scnt.at[pl.ds(r0, ZR), :], sz).wait()
        return 0
    lax.fori_loop(0, RPT // ZR, zdrain, 0)
    plsc.subcore_barrier()

    def step(i, _):
        for u in range(NI):
            j = i * NI + u
            b = u % NR
            p = (u - G) % NR
            qn = (u - G) % NI
            qg = (u + NR - G) % NI
            pltpu.make_async_copy(vcat.at[sidx.at[u]], rows[b], sg[b]).wait()
            pltpu.async_copy(rows[b], ssum.at[didx.at[u]], ss[b], add=True)

            @pl.when((j % NC == c))
            def _():
                pltpu.async_copy(ones, scnt.at[didx.at[u]], sc[b], add=True)

            @pl.when(j > G - 1)
            def _():
                pltpu.make_async_copy(rows[p], ssum.at[didx.at[u]], ss[p]).wait()

            @pl.when((j > G - 1) & ((j - G) % NC == c))
            def _():
                pltpu.make_async_copy(ones, scnt.at[didx.at[u]], sc[p]).wait()

            @pl.when(j + NI - G < NB)
            def _():
                pltpu.async_copy(srcr.at[sbase + j + NI - G], sidx.at[qn], si[qn])
                pltpu.async_copy(dstr.at[dbase + j + NI - G], didx.at[qn], si[qn])

            @pl.when(j + NR - G < NB)
            def _():
                pltpu.make_async_copy(srcr.at[sbase], sidx.at[qg], si[qg]).wait()
                pltpu.make_async_copy(dstr.at[dbase], didx.at[qg], si[qg]).wait()
                xform_idx(qg)
                pltpu.async_copy(vcat.at[sidx.at[qg]], rows[p], sg[p])
        return 0

    lax.fori_loop(0, NB // NI, step, 0)

    for t in range(NB - G, NB):
        bt = t % NR
        pltpu.make_async_copy(rows[bt], ssum.at[didx.at[0]], ss[bt]).wait()

        @pl.when((t % NC == c))
        def _():
            pltpu.make_async_copy(ones, scnt.at[didx.at[0]], sc[bt]).wait()

    plsc.subcore_barrier()

    w = c * NS + s
    pltpu.async_copy(ssum.at[pl.ds(s * RPT, RPT), :], osum.at[w], sz)
    pltpu.async_copy(scnt.at[pl.ds(s * RPT, RPT), :], ocnt.at[w], sz)
    pltpu.make_async_copy(ssum.at[pl.ds(s * RPT, RPT), :], osum.at[w], sz).wait()
    pltpu.make_async_copy(scnt.at[pl.ds(s * RPT, RPT), :], ocnt.at[w], sz).wait()


@jax.jit
def _sc_segment_sums(vcat, srcr, dstr):
    mesh = plsc.VectorSubcoreMesh(core_axis_name="c", subcore_axis_name="s")
    return pl.kernel(
        _sc_body,
        out_type=(
            jax.ShapeDtypeStruct((NC * NS, RPT, H), jnp.float32),
            jax.ShapeDtypeStruct((NC * NS, RPT, L), jnp.float32),
        ),
        mesh=mesh,
        compiler_params=pltpu.CompilerParams(use_tc_tiling_on_sc=False),
        scratch_types=[
            pltpu.VMEM((NI, K), jnp.int32),
            pltpu.VMEM((NI, K), jnp.int32),
            pltpu.VMEM((K, H), jnp.float32),
            pltpu.VMEM((K, H), jnp.float32),
            pltpu.VMEM((K, H), jnp.float32),
            pltpu.VMEM((K, H), jnp.float32),
            pltpu.VMEM((K, H), jnp.float32),
            pltpu.VMEM((K, L), jnp.float32),
            pltpu.VMEM((ZR, H), jnp.float32),
            pltpu.VMEM((ZR, L), jnp.float32),
            pltpu.VMEM_SHARED((M, H), jnp.float32),
            pltpu.VMEM_SHARED((M, L), jnp.float32),
        ] + [pltpu.SemaphoreType.DMA] * 26,
    )(vcat, srcr, dstr)


def _tc_body(s0, s1, c0, c1, w0, w1, b, out):
    cnt = jnp.maximum(c0[:, 0:1] + c1[:, 0:1], 1.0)
    inv = 1.0 / cnt
    out[...] = (
        jnp.dot(s0[...] * inv, w0[...], preferred_element_type=jnp.float32)
        + jnp.dot(s1[...] * inv, w1[...], preferred_element_type=jnp.float32)
        + b[...]
    )


@jax.jit
def _tc_epilogue(sums, cnts, W, b):
    R = 2000
    grid = (M // R,)
    return pl.pallas_call(
        _tc_body,
        grid=grid,
        in_specs=[
            pl.BlockSpec((R, H), lambda i: (i, 0)),
            pl.BlockSpec((R, H), lambda i: (i + M // R, 0)),
            pl.BlockSpec((R, L), lambda i: (i, 0)),
            pl.BlockSpec((R, L), lambda i: (i + M // R, 0)),
            pl.BlockSpec((H, D), lambda i: (0, 0)),
            pl.BlockSpec((H, D), lambda i: (0, 0)),
            pl.BlockSpec((1, D), lambda i: (0, 0)),
        ],
        out_specs=pl.BlockSpec((R, D), lambda i: (i, 0)),
        out_shape=jax.ShapeDtypeStruct((M, D), jnp.float32),
    )(sums, sums, cnts, cnts, W[:H], W[H:], b.reshape(1, D))


def kernel(vfeat, efeat, src_index, dst_index, W, b):
    vcat = vfeat.reshape(NC * N, H)
    srcr = src_index.reshape(NS * NB, K)
    dstr = dst_index.reshape(NS * NB, K)
    sums, cnts = _sc_segment_sums(vcat, srcr, dstr)
    sums = sums.reshape(NC * M, H)
    cnts = cnts.reshape(NC * M, L)
    efeat_out = _tc_epilogue(sums, cnts, W, b)
    return (vfeat, efeat_out)

# --- scband reference (transcript-rebuilt; emitter-appended) ---
"""Pipeline reference for scband-transformer-decoder-2576980378156 (READ-ONLY COPY).

The authoritative reference and input builder live on the scoring server;
editing this copy changes nothing except your own understanding.
"""

import jax, jax.numpy as jnp
import numpy as np

N_NODES = 10000
N_HEDGES = 20000
N_EDGES = 320000
D = 128


def setup_inputs(seed: int = 0) -> dict:
    key = jax.random.key(seed)
    k1, k2, k3, k4, k5 = jax.random.split(key, 5)
    vfeat = jax.random.normal(k1, (N_NODES, D), dtype=jnp.float32)
    efeat = jax.random.normal(k2, (N_HEDGES, D), dtype=jnp.float32)
    src_index = jax.random.randint(k3, (N_EDGES,), 0, N_NODES, dtype=jnp.int32)
    dst_index = jnp.sort(jax.random.randint(k4, (N_EDGES,), 0, N_HEDGES, dtype=jnp.int32))
    # final Linear(dim_hidden=128, output_dim=128) parameters
    W = jax.random.normal(k5, (D, D), dtype=jnp.float32) * (1.0 / np.sqrt(D))
    b = jnp.zeros((D,), dtype=jnp.float32)
    return {"vfeat": vfeat, "efeat": efeat, "src_index": src_index, "dst_index": dst_index, "W": W, "b": b}


def reference(vfeat, efeat, src_index, dst_index, W, b):
    # flag='node' path: update_all over 'in' edges (src node -> dst hyperedge).
    # message_func: v = src node feat, q = dst hyperedge feat (weight_dim == 0 so no edge weight).
    V = jnp.take(vfeat, src_index, axis=0)  # [E, D] gather (mailbox 'v')
    # v_reduce_func with num_mab_layers == 0 and num_pma_layers == 0:
    # enc_v / dec_v are empty stacks, so o = mean(v, dim=1) per destination node.
    num_dst = efeat.shape[0]
    sums = jax.ops.segment_sum(V, dst_index, num_segments=num_dst)  # [M, D] scatter-add
    counts = jax.ops.segment_sum(jnp.ones((V.shape[0], 1), V.dtype), dst_index, num_segments=num_dst)
    o = sums / jnp.maximum(counts, 1.0)  # segment mean
    # trailing layers: nn.Dropout(0.6) (identity in eval) then nn.Linear(dim_hidden, output_dim)
    efeat_out = o @ W + b  # [M, D]
    # forward returns (vfeat, efeat) with efeat replaced by reduced output (squeezed)
    return (vfeat, efeat_out)

if __name__ == "__main__":
    import jax
    _d = setup_inputs()
    print(jax.jit(kernel)(*tuple(_d.values())))

</pallas_src>

<mosaic_0001>
#map = affine_map<(d0, d1) -> (0, 0)>
#map1 = affine_map<(d0, d1) -> (0, 0, 0)>
module attributes {stable_mosaic.version = 14 : i64} {
  func.func @_sc_body(%arg0: i32, %arg1: i32, %arg2: memref<20000x64xf32, #tpu.memory_space<hbm>>, %arg3: memref<4000x80xi32, #tpu.memory_space<hbm>>, %arg4: memref<4000x80xi32, #tpu.memory_space<hbm>>, %arg5: memref<32x1250x64xf32, #tpu.memory_space<hbm>>, %arg6: memref<32x1250x16xf32, #tpu.memory_space<hbm>>, %arg7: memref<10x80xi32, #tpu.memory_space<vmem>>, %arg8: memref<10x80xi32, #tpu.memory_space<vmem>>, %arg9: memref<80x64xf32, #tpu.memory_space<vmem>>, %arg10: memref<80x64xf32, #tpu.memory_space<vmem>>, %arg11: memref<80x64xf32, #tpu.memory_space<vmem>>, %arg12: memref<80x64xf32, #tpu.memory_space<vmem>>, %arg13: memref<80x64xf32, #tpu.memory_space<vmem>>, %arg14: memref<80x16xf32, #tpu.memory_space<vmem>>, %arg15: memref<25x64xf32, #tpu.memory_space<vmem>>, %arg16: memref<25x16xf32, #tpu.memory_space<vmem>>, %arg17: memref<20000x64xf32, #tpu.memory_space<vmem_shared>>, %arg18: memref<20000x16xf32, #tpu.memory_space<vmem_shared>>, %arg19: memref<!tpu.dma_semaphore, #tpu.memory_space<semaphore_mem>>, %arg20: memref<!tpu.dma_semaphore, #tpu.memory_space<semaphore_mem>>, %arg21: memref<!tpu.dma_semaphore, #tpu.memory_space<semaphore_mem>>, %arg22: memref<!tpu.dma_semaphore, #tpu.memory_space<semaphore_mem>>, %arg23: memref<!tpu.dma_semaphore, #tpu.memory_space<semaphore_mem>>, %arg24: memref<!tpu.dma_semaphore, #tpu.memory_space<semaphore_mem>>, %arg25: memref<!tpu.dma_semaphore, #tpu.memory_space<semaphore_mem>>, %arg26: memref<!tpu.dma_semaphore, #tpu.memory_space<semaphore_mem>>, %arg27: memref<!tpu.dma_semaphore, #tpu.memory_space<semaphore_mem>>, %arg28: memref<!tpu.dma_semaphore, #tpu.memory_space<semaphore_mem>>, %arg29: memref<!tpu.dma_semaphore, #tpu.memory_space<semaphore_mem>>, %arg30: memref<!tpu.dma_semaphore, #tpu.memory_space<semaphore_mem>>, %arg31: memref<!tpu.dma_semaphore, #tpu.memory_space<semaphore_mem>>, %arg32: memref<!tpu.dma_semaphore, #tpu.memory_space<semaphore_mem>>, %arg33: memref<!tpu.dma_semaphore, #tpu.memory_space<semaphore_mem>>, %arg34: memref<!tpu.dma_semaphore, #tpu.memory_space<semaphore_mem>>, %arg35: memref<!tpu.dma_semaphore, #tpu.memory_space<semaphore_mem>>, %arg36: memref<!tpu.dma_semaphore, #tpu.memory_space<semaphore_mem>>, %arg37: memref<!tpu.dma_semaphore, #tpu.memory_space<semaphore_mem>>, %arg38: memref<!tpu.dma_semaphore, #tpu.memory_space<semaphore_mem>>, %arg39: memref<!tpu.dma_semaphore, #tpu.memory_space<semaphore_mem>>, %arg40: memref<!tpu.dma_semaphore, #tpu.memory_space<semaphore_mem>>, %arg41: memref<!tpu.dma_semaphore, #tpu.memory_space<semaphore_mem>>, %arg42: memref<!tpu.dma_semaphore, #tpu.memory_space<semaphore_mem>>, %arg43: memref<!tpu.dma_semaphore, #tpu.memory_space<semaphore_mem>>, %arg44: memref<!tpu.dma_semaphore, #tpu.memory_space<semaphore_mem>>) attributes {dimension_semantics = [#tpu.dimension_semantics<core_parallel>, #tpu.dimension_semantics<subcore_parallel>], iteration_bounds = array<i64: 2, 16>, scalar_prefetch = 0 : i64, scratch_operands = 38 : i64, tpu.core_type = #tpu.core_type<sc_vector_subcore>, window_params = [{transform_indices = #map}, {transform_indices = #map}, {transform_indices = #map}, {transform_indices = #map1}, {transform_indices = #map1}]} {
    %mul3A = arith.constant 250 : i32
    %mul3A_0 = arith.muli %arg1, %mul3A : i32
    %mul3A_1 = arith.constant 250 : i32
    %mul3A_2 = arith.muli %arg1, %mul3A_1 : i32
    %add3A = arith.constant 0 : i32
    %add3A_3 = arith.addi %mul3A_0, %add3A : i32
    %dma_start3A = arith.constant 0 : i32
    %dma_start3A_4 = arith.constant 0 : i32
    %dma_start3A_5 = tpu.memref_slice %arg7[%dma_start3A, %dma_start3A_4] : memref<10x80xi32, #tpu.memory_space<vmem>> -> memref<1x80xi32, #tpu.memory_space<vmem>>
    %dma_start3A_6 = tpu.memref_squeeze %dma_start3A_5 : memref<1x80xi32, #tpu.memory_space<vmem>> -> memref<80xi32, #tpu.memory_space<vmem>>
    %dma_start3A_7 = arith.constant 0 : i32
    %dma_start3A_8 = tpu.memref_slice %arg3[%add3A_3, %dma_start3A_7] : memref<4000x80xi32, #tpu.memory_space<hbm>> -> memref<1x80xi32, #tpu.memory_space<hbm>>
    %dma_start3A_9 = tpu.memref_squeeze %dma_start3A_8 : memref<1x80xi32, #tpu.memory_space<hbm>> -> memref<80xi32, #tpu.memory_space<hbm>>
    %dma_start3A_10 = arith.constant 0 : i32
    %dma_start3A_11 = tpu.memref_slice %arg7[%dma_start3A, %dma_start3A_10] : memref<10x80xi32, #tpu.memory_space<vmem>> -> memref<1x80xi32, #tpu.memory_space<vmem>>
    %dma_start3A_12 = tpu.memref_squeeze %dma_start3A_11 : memref<1x80xi32, #tpu.memory_space<vmem>> -> memref<80xi32, #tpu.memory_space<vmem>>
    %dma_start3A_13 = arith.constant 0 : i32
    %dma_start3A_14 = tpu.memref_slice %arg3[%add3A_3, %dma_start3A_13] : memref<4000x80xi32, #tpu.memory_space<hbm>> -> memref<1x80xi32, #tpu.memory_space<hbm>>
    %dma_start3A_15 = tpu.memref_squeeze %dma_start3A_14 : memref<1x80xi32, #tpu.memory_space<hbm>> -> memref<80xi32, #tpu.memory_space<hbm>>
    tpu.enqueue_dma source(%dma_start3A_15 : memref<80xi32, #tpu.memory_space<hbm>>) target(%dma_start3A_12 : memref<80xi32, #tpu.memory_space<vmem>>) target_semaphore(%arg34 : memref<!tpu.dma_semaphore, #tpu.memory_space<semaphore_mem>>)
    %add3A_16 = arith.constant 0 : i32
    %add3A_17 = arith.addi %mul3A_2, %add3A_16 : i32
    %dma_start3A_18 = arith.constant 0 : i32
    %dma_start3A_19 = arith.constant 0 : i32
    %dma_start3A_20 = tpu.memref_slice %arg8[%dma_start3A_18, %dma_start3A_19] : memref<10x80xi32, #tpu.memory_space<vmem>> -> memref<1x80xi32, #tpu.memory_space<vmem>>
    %dma_start3A_21 = tpu.memref_squeeze %dma_start3A_20 : memref<1x80xi32, #tpu.memory_space<vmem>> -> memref<80xi32, #tpu.memory_space<vmem>>
    %dma_start3A_22 = arith.constant 0 : i32
    %dma_start3A_23 = tpu.memref_slice %arg4[%add3A_17, %dma_start3A_22] : memref<4000x80xi32, #tpu.memory_space<hbm>> -> memref<1x80xi32, #tpu.memory_space<hbm>>
    %dma_start3A_24 = tpu.memref_squeeze %dma_start3A_23 : memref<1x80xi32, #tpu.memory_space<hbm>> -> memref<80xi32, #tpu.memory_space<hbm>>
    %dma_start3A_25 = arith.constant 0 : i32
    %dma_start3A_26 = tpu.memref_slice %arg8[%dma_start3A_18, %dma_start3A_25] : memref<10x80xi32, #tpu.memory_space<vmem>> -> memref<1x80xi32, #tpu.memory_space<vmem>>
    %dma_start3A_27 = tpu.memref_squeeze %dma_start3A_26 : memref<1x80xi32, #tpu.memory_space<vmem>> -> memref<80xi32, #tpu.memory_space<vmem>>
    %dma_start3A_28 = arith.constant 0 : i32
    %dma_start3A_29 = tpu.memref_slice %arg4[%add3A_17, %dma_start3A_28] : memref<4000x80xi32, #tpu.memory_space<hbm>> -> memref<1x80xi32, #tpu.memory_space<hbm>>
    %dma_start3A_30 = tpu.memref_squeeze %dma_start3A_29 : memref<1x80xi32, #tpu.memory_space<hbm>> -> memref<80xi32, #tpu.memory_space<hbm>>
    tpu.enqueue_dma source(%dma_start3A_30 : memref<80xi32, #tpu.memory_space<hbm>>) target(%dma_start3A_27 : memref<80xi32, #tpu.memory_space<vmem>>) target_semaphore(%arg34 : memref<!tpu.dma_semaphore, #tpu.memory_space<semaphore_mem>>)
    %add3A_31 = arith.constant 1 : i32
    %add3A_32 = arith.addi %mul3A_0, %add3A_31 : i32
    %dma_start3A_33 = arith.constant 1 : i32
    %dma_start3A_34 = arith.constant 0 : i32
    %dma_start3A_35 = tpu.memref_slice %arg7[%dma_start3A_33, %dma_start3A_34] : memref<10x80xi32, #tpu.memory_space<vmem>> -> memref<1x80xi32, #tpu.memory_space<vmem>>
    %dma_start3A_36 = tpu.memref_squeeze %dma_start3A_35 : memref<1x80xi32, #tpu.memory_space<vmem>> -> memref<80xi32, #tpu.memory_space<vmem>>
    %dma_start3A_37 = arith.constant 0 : i32
    %dma_start3A_38 = tpu.memref_slice %arg3[%add3A_32, %dma_start3A_37] : memref<4000x80xi32, #tpu.memory_space<hbm>> -> memref<1x80xi32, #tpu.memory_space<hbm>>
    %dma_start3A_39 = tpu.memref_squeeze %dma_start3A_38 : memref<1x80xi32, #tpu.memory_space<hbm>> -> memref<80xi32, #tpu.memory_space<hbm>>
    %dma_start3A_40 = arith.constant 0 : i32
    %dma_start3A_41 = tpu.memref_slice %arg7[%dma_start3A_33, %dma_start3A_40] : memref<10x80xi32, #tpu.memory_space<vmem>> -> memref<1x80xi32, #tpu.memory_space<vmem>>
    %dma_start3A_42 = tpu.memref_squeeze %dma_start3A_41 : memref<1x80xi32, #tpu.memory_space<vmem>> -> memref<80xi32, #tpu.memory_space<vmem>>
    %dma_start3A_43 = arith.constant 0 : i32
    %dma_start3A_44 = tpu.memref_slice %arg3[%add3A_32, %dma_start3A_43] : memref<4000x80xi32, #tpu.memory_space<hbm>> -> memref<1x80xi32, #tpu.memory_space<hbm>>
    %dma_start3A_45 = tpu.memref_squeeze %dma_start3A_44 : memref<1x80xi32, #tpu.memory_space<hbm>> -> memref<80xi32, #tpu.memory_space<hbm>>
    tpu.enqueue_dma source(%dma_start3A_45 : memref<80xi32, #tpu.memory_space<hbm>>) target(%dma_start3A_42 : memref<80xi32, #tpu.memory_space<vmem>>) target_semaphore(%arg35 : memref<!tpu.dma_semaphore, #tpu.memory_space<semaphore_mem>>)
    %add3A_46 = arith.constant 1 : i32
    %add3A_47 = arith.addi %mul3A_2, %add3A_46 : i32
    %dma_start3A_48 = arith.constant 1 : i32
    %dma_start3A_49 = arith.constant 0 : i32
    %dma_start3A_50 = tpu.memref_slice %arg8[%dma_start3A_48, %dma_start3A_49] : memref<10x80xi32, #tpu.memory_space<vmem>> -> memref<1x80xi32, #tpu.memory_space<vmem>>
    %dma_start3A_51 = tpu.memref_squeeze %dma_start3A_50 : memref<1x80xi32, #tpu.memory_space<vmem>> -> memref<80xi32, #tpu.memory_space<vmem>>
    %dma_start3A_52 = arith.constant 0 : i32
    %dma_start3A_53 = tpu.memref_slice %arg4[%add3A_47, %dma_start3A_52] : memref<4000x80xi32, #tpu.memory_space<hbm>> -> memref<1x80xi32, #tpu.memory_space<hbm>>
    %dma_start3A_54 = tpu.memref_squeeze %dma_start3A_53 : memref<1x80xi32, #tpu.memory_space<hbm>> -> memref<80xi32, #tpu.memory_space<hbm>>
    %dma_start3A_55 = arith.constant 0 : i32
    %dma_start3A_56 = tpu.memref_slice %arg8[%dma_start3A_48, %dma_start3A_55] : memref<10x80xi32, #tpu.memory_space<vmem>> -> memref<1x80xi32, #tpu.memory_space<vmem>>
    %dma_start3A_57 = tpu.memref_squeeze %dma_start3A_56 : memref<1x80xi32, #tpu.memory_space<vmem>> -> memref<80xi32, #tpu.memory_space<vmem>>
    %dma_start3A_58 = arith.constant 0 : i32
    %dma_start3A_59 = tpu.memref_slice %arg4[%add3A_47, %dma_start3A_58] : memref<4000x80xi32, #tpu.memory_space<hbm>> -> memref<1x80xi32, #tpu.memory_space<hbm>>
    %dma_start3A_60 = tpu.memref_squeeze %dma_start3A_59 : memref<1x80xi32, #tpu.memory_space<hbm>> -> memref<80xi32, #tpu.memory_space<hbm>>
    tpu.enqueue_dma source(%dma_start3A_60 : memref<80xi32, #tpu.memory_space<hbm>>) target(%dma_start3A_57 : memref<80xi32, #tpu.memory_space<vmem>>) target_semaphore(%arg35 : memref<!tpu.dma_semaphore, #tpu.memory_space<semaphore_mem>>)
    %add3A_61 = arith.constant 2 : i32
    %add3A_62 = arith.addi %mul3A_0, %add3A_61 : i32
    %dma_start3A_63 = arith.constant 2 : i32
    %dma_start3A_64 = arith.constant 0 : i32
    %dma_start3A_65 = tpu.memref_slice %arg7[%dma_start3A_63, %dma_start3A_64] : memref<10x80xi32, #tpu.memory_space<vmem>> -> memref<1x80xi32, #tpu.memory_space<vmem>>
    %dma_start3A_66 = tpu.memref_squeeze %dma_start3A_65 : memref<1x80xi32, #tpu.memory_space<vmem>> -> memref<80xi32, #tpu.memory_space<vmem>>
    %dma_start3A_67 = arith.constant 0 : i32
    %dma_start3A_68 = tpu.memref_slice %arg3[%add3A_62, %dma_start3A_67] : memref<4000x80xi32, #tpu.memory_space<hbm>> -> memref<1x80xi32, #tpu.memory_space<hbm>>
    %dma_start3A_69 = tpu.memref_squeeze %dma_start3A_68 : memref<1x80xi32, #tpu.memory_space<hbm>> -> memref<80xi32, #tpu.memory_space<hbm>>
    %dma_start3A_70 = arith.constant 0 : i32
    %dma_start3A_71 = tpu.memref_slice %arg7[%dma_start3A_63, %dma_start3A_70] : memref<10x80xi32, #tpu.memory_space<vmem>> -> memref<1x80xi32, #tpu.memory_space<vmem>>
    %dma_start3A_72 = tpu.memref_squeeze %dma_start3A_71 : memref<1x80xi32, #tpu.memory_space<vmem>> -> memref<80xi32, #tpu.memory_space<vmem>>
    %dma_start3A_73 = arith.constant 0 : i32
    %dma_start3A_74 = tpu.memref_slice %arg3[%add3A_62, %dma_start3A_73] : memref<4000x80xi32, #tpu.memory_space<hbm>> -> memref<1x80xi32, #tpu.memory_space<hbm>>
    %dma_start3A_75 = tpu.memref_squeeze %dma_start3A_74 : memref<1x80xi32, #tpu.memory_space<hbm>> -> memref<80xi32, #tpu.memory_space<hbm>>
    tpu.enqueue_dma source(%dma_start3A_75 : memref<80xi32, #tpu.memory_space<hbm>>) target(%dma_start3A_72 : memref<80xi32, #tpu.memory_space<vmem>>) target_semaphore(%arg36 : memref<!tpu.dma_semaphore, #tpu.memory_space<semaphore_mem>>)
    %add3A_76 = arith.constant 2 : i32
    %add3A_77 = arith.addi %mul3A_2, %add3A_76 : i32
    %dma_start3A_78 = arith.constant 2 : i32
    %dma_start3A_79 = arith.constant 0 : i32
    %dma_start3A_80 = tpu.memref_slice %arg8[%dma_start3A_78, %dma_start3A_79] : memref<10x80xi32, #tpu.memory_space<vmem>> -> memref<1x80xi32, #tpu.memory_space<vmem>>
    %dma_start3A_81 = tpu.memref_squeeze %dma_start3A_80 : memref<1x80xi32, #tpu.memory_space<vmem>> -> memref<80xi32, #tpu.memory_space<vmem>>
    %dma_start3A_82 = arith.constant 0 : i32
    %dma_start3A_83 = tpu.memref_slice %arg4[%add3A_77, %dma_start3A_82] : memref<4000x80xi32, #tpu.memory_space<hbm>> -> memref<1x80xi32, #tpu.memory_space<hbm>>
    %dma_start3A_84 = tpu.memref_squeeze %dma_start3A_83 : memref<1x80xi32, #tpu.memory_space<hbm>> -> memref<80xi32, #tpu.memory_space<hbm>>
    %dma_start3A_85 = arith.constant 0 : i32
    %dma_start3A_86 = tpu.memref_slice %arg8[%dma_start3A_78, %dma_start3A_85] : memref<10x80xi32, #tpu.memory_space<vmem>> -> memref<1x80xi32, #tpu.memory_space<vmem>>
    %dma_start3A_87 = tpu.memref_squeeze %dma_start3A_86 : memref<1x80xi32, #tpu.memory_space<vmem>> -> memref<80xi32, #tpu.memory_space<vmem>>
    %dma_start3A_88 = arith.constant 0 : i32
    %dma_start3A_89 = tpu.memref_slice %arg4[%add3A_77, %dma_start3A_88] : memref<4000x80xi32, #tpu.memory_space<hbm>> -> memref<1x80xi32, #tpu.memory_space<hbm>>
    %dma_start3A_90 = tpu.memref_squeeze %dma_start3A_89 : memref<1x80xi32, #tpu.memory_space<hbm>> -> memref<80xi32, #tpu.memory_space<hbm>>
    tpu.enqueue_dma source(%dma_start3A_90 : memref<80xi32, #tpu.memory_space<hbm>>) target(%dma_start3A_87 : memref<80xi32, #tpu.memory_space<vmem>>) target_semaphore(%arg36 : memref<!tpu.dma_semaphore, #tpu.memory_space<semaphore_mem>>)
    %add3A_91 = arith.constant 3 : i32
    %add3A_92 = arith.addi %mul3A_0, %add3A_91 : i32
    %dma_start3A_93 = arith.constant 3 : i32
    %dma_start3A_94 = arith.constant 0 : i32
    %dma_start3A_95 = tpu.memref_slice %arg7[%dma_start3A_93, %dma_start3A_94] : memref<10x80xi32, #tpu.memory_space<vmem>> -> memref<1x80xi32, #tpu.memory_space<vmem>>
    %dma_start3A_96 = tpu.memref_squeeze %dma_start3A_95 : memref<1x80xi32, #tpu.memory_space<vmem>> -> memref<80xi32, #tpu.memory_space<vmem>>
    %dma_start3A_97 = arith.constant 0 : i32
    %dma_start3A_98 = tpu.memref_slice %arg3[%add3A_92, %dma_start3A_97] : memref<4000x80xi32, #tpu.memory_space<hbm>> -> memref<1x80xi32, #tpu.memory_space<hbm>>
    %dma_start3A_99 = tpu.memref_squeeze %dma_start3A_98 : memref<1x80xi32, #tpu.memory_space<hbm>> -> memref<80xi32, #tpu.memory_space<hbm>>
    %dma_start3A_100 = arith.constant 0 : i32
    %dma_start3A_101 = tpu.memref_slice %arg7[%dma_start3A_93, %dma_start3A_100] : memref<10x80xi32, #tpu.memory_space<vmem>> -> memref<1x80xi32, #tpu.memory_space<vmem>>
    %dma_start3A_102 = tpu.memref_squeeze %dma_start3A_101 : memref<1x80xi32, #tpu.memory_space<vmem>> -> memref<80xi32, #tpu.memory_space<vmem>>
    %dma_start3A_103 = arith.constant 0 : i32
    %dma_start3A_104 = tpu.memref_slice %arg3[%add3A_92, %dma_start3A_103] : memref<4000x80xi32, #tpu.memory_space<hbm>> -> memref<1x80xi32, #tpu.memory_space<hbm>>
    %dma_start3A_105 = tpu.memref_squeeze %dma_start3A_104 : memref<1x80xi32, #tpu.memory_space<hbm>> -> memref<80xi32, #tpu.memory_space<hbm>>
    tpu.enqueue_dma source(%dma_start3A_105 : memref<80xi32, #tpu.memory_space<hbm>>) target(%dma_start3A_102 : memref<80xi32, #tpu.memory_space<vmem>>) target_semaphore(%arg37 : memref<!tpu.dma_semaphore, #tpu.memory_space<semaphore_mem>>)
    %add3A_106 = arith.constant 3 : i32
    %add3A_107 = arith.addi %mul3A_2, %add3A_106 : i32
    %dma_start3A_108 = arith.constant 3 : i32
    %dma_start3A_109 = arith.constant 0 : i32
    %dma_start3A_110 = tpu.memref_slice %arg8[%dma_start3A_108, %dma_start3A_109] : memref<10x80xi32, #tpu.memory_space<vmem>> -> memref<1x80xi32, #tpu.memory_space<vmem>>
    %dma_start3A_111 = tpu.memref_squeeze %dma_start3A_110 : memref<1x80xi32, #tpu.memory_space<vmem>> -> memref<80xi32, #tpu.memory_space<vmem>>
    %dma_start3A_112 = arith.constant 0 : i32
    %dma_start3A_113 = tpu.memref_slice %arg4[%add3A_107, %dma_start3A_112] : memref<4000x80xi32, #tpu.memory_space<hbm>> -> memref<1x80xi32, #tpu.memory_space<hbm>>
    %dma_start3A_114 = tpu.memref_squeeze %dma_start3A_113 : memref<1x80xi32, #tpu.memory_space<hbm>> -> memref<80xi32, #tpu.memory_space<hbm>>
    %dma_start3A_115 = arith.constant 0 : i32
    %dma_start3A_116 = tpu.memref_slice %arg8[%dma_start3A_108, %dma_start3A_115] : memref<10x80xi32, #tpu.memory_space<vmem>> -> memref<1x80xi32, #tpu.memory_space<vmem>>
    %dma_start3A_117 = tpu.memref_squeeze %dma_start3A_116 : memref<1x80xi32, #tpu.memory_space<vmem>> -> memref<80xi32, #tpu.memory_space<vmem>>
    %dma_start3A_118 = arith.constant 0 : i32
    %dma_start3A_119 = tpu.memref_slice %arg4[%add3A_107, %dma_start3A_118] : memref<4000x80xi32, #tpu.memory_space<hbm>> -> memref<1x80xi32, #tpu.memory_space<hbm>>
    %dma_start3A_120 = tpu.memref_squeeze %dma_start3A_119 : memref<1x80xi32, #tpu.memory_space<hbm>> -> memref<80xi32, #tpu.memory_space<hbm>>
    tpu.enqueue_dma source(%dma_start3A_120 : memref<80xi32, #tpu.memory_space<hbm>>) target(%dma_start3A_117 : memref<80xi32, #tpu.memory_space<vmem>>) target_semaphore(%arg37 : memref<!tpu.dma_semaphore, #tpu.memory_space<semaphore_mem>>)
    %add3A_121 = arith.constant 4 : i32
    %add3A_122 = arith.addi %mul3A_0, %add3A_121 : i32
    %dma_start3A_123 = arith.constant 4 : i32
    %dma_start3A_124 = arith.constant 0 : i32
    %dma_start3A_125 = tpu.memref_slice %arg7[%dma_start3A_123, %dma_start3A_124] : memref<10x80xi32, #tpu.memory_space<vmem>> -> memref<1x80xi32, #tpu.memory_space<vmem>>
    %dma_start3A_126 = tpu.memref_squeeze %dma_start3A_125 : memref<1x80xi32, #tpu.memory_space<vmem>> -> memref<80xi32, #tpu.memory_space<vmem>>
    %dma_start3A_127 = arith.constant 0 : i32
    %dma_start3A_128 = tpu.memref_slice %arg3[%add3A_122, %dma_start3A_127] : memref<4000x80xi32, #tpu.memory_space<hbm>> -> memref<1x80xi32, #tpu.memory_space<hbm>>
    %dma_start3A_129 = tpu.memref_squeeze %dma_start3A_128 : memref<1x80xi32, #tpu.memory_space<hbm>> -> memref<80xi32, #tpu.memory_space<hbm>>
    %dma_start3A_130 = arith.constant 0 : i32
    %dma_start3A_131 = tpu.memref_slice %arg7[%dma_start3A_123, %dma_start3A_130] : memref<10x80xi32, #tpu.memory_space<vmem>> -> memref<1x80xi32, #tpu.memory_space<vmem>>
    %dma_start3A_132 = tpu.memref_squeeze %dma_start3A_131 : memref<1x80xi32, #tpu.memory_space<vmem>> -> memref<80xi32, #tpu.memory_space<vmem>>
    %dma_start3A_133 = arith.constant 0 : i32
    %dma_start3A_134 = tpu.memref_slice %arg3[%add3A_122, %dma_start3A_133] : memref<4000x80xi32, #tpu.memory_space<hbm>> -> memref<1x80xi32, #tpu.memory_space<hbm>>
    %dma_start3A_135 = tpu.memref_squeeze %dma_start3A_134 : memref<1x80xi32, #tpu.memory_space<hbm>> -> memref<80xi32, #tpu.memory_space<hbm>>
    tpu.enqueue_dma source(%dma_start3A_135 : memref<80xi32, #tpu.memory_space<hbm>>) target(%dma_start3A_132 : memref<80xi32, #tpu.memory_space<vmem>>) target_semaphore(%arg38 : memref<!tpu.dma_semaphore, #tpu.memory_space<semaphore_mem>>)
    %add3A_136 = arith.constant 4 : i32
    %add3A_137 = arith.addi %mul3A_2, %add3A_136 : i32
    %dma_start3A_138 = arith.constant 4 : i32
    %dma_start3A_139 = arith.constant 0 : i32
    %dma_start3A_140 = tpu.memref_slice %arg8[%dma_start3A_138, %dma_start3A_139] : memref<10x80xi32, #tpu.memory_space<vmem>> -> memref<1x80xi32, #tpu.memory_space<vmem>>
    %dma_start3A_141 = tpu.memref_squeeze %dma_start3A_140 : memref<1x80xi32, #tpu.memory_space<vmem>> -> memref<80xi32, #tpu.memory_space<vmem>>
    %dma_start3A_142 = arith.constant 0 : i32
    %dma_start3A_143 = tpu.memref_slice %arg4[%add3A_137, %dma_start3A_142] : memref<4000x80xi32, #tpu.memory_space<hbm>> -> memref<1x80xi32, #tpu.memory_space<hbm>>
    %dma_start3A_144 = tpu.memref_squeeze %dma_start3A_143 : memref<1x80xi32, #tpu.memory_space<hbm>> -> memref<80xi32, #tpu.memory_space<hbm>>
    %dma_start3A_145 = arith.constant 0 : i32
    %dma_start3A_146 = tpu.memref_slice %arg8[%dma_start3A_138, %dma_start3A_145] : memref<10x80xi32, #tpu.memory_space<vmem>> -> memref<1x80xi32, #tpu.memory_space<vmem>>
    %dma_start3A_147 = tpu.memref_squeeze %dma_start3A_146 : memref<1x80xi32, #tpu.memory_space<vmem>> -> memref<80xi32, #tpu.memory_space<vmem>>
    %dma_start3A_148 = arith.constant 0 : i32
    %dma_start3A_149 = tpu.memref_slice %arg4[%add3A_137, %dma_start3A_148] : memref<4000x80xi32, #tpu.memory_space<hbm>> -> memref<1x80xi32, #tpu.memory_space<hbm>>
    %dma_start3A_150 = tpu.memref_squeeze %dma_start3A_149 : memref<1x80xi32, #tpu.memory_space<hbm>> -> memref<80xi32, #tpu.memory_space<hbm>>
    tpu.enqueue_dma source(%dma_start3A_150 : memref<80xi32, #tpu.memory_space<hbm>>) target(%dma_start3A_147 : memref<80xi32, #tpu.memory_space<vmem>>) target_semaphore(%arg38 : memref<!tpu.dma_semaphore, #tpu.memory_space<semaphore_mem>>)
    %add3A_151 = arith.constant 5 : i32
    %add3A_152 = arith.addi %mul3A_0, %add3A_151 : i32
    %dma_start3A_153 = arith.constant 5 : i32
    %dma_start3A_154 = arith.constant 0 : i32
    %dma_start3A_155 = tpu.memref_slice %arg7[%dma_start3A_153, %dma_start3A_154] : memref<10x80xi32, #tpu.memory_space<vmem>> -> memref<1x80xi32, #tpu.memory_space<vmem>>
    %dma_start3A_156 = tpu.memref_squeeze %dma_start3A_155 : memref<1x80xi32, #tpu.memory_space<vmem>> -> memref<80xi32, #tpu.memory_space<vmem>>
    %dma_start3A_157 = arith.constant 0 : i32
    %dma_start3A_158 = tpu.memref_slice %arg3[%add3A_152, %dma_start3A_157] : memref<4000x80xi32, #tpu.memory_space<hbm>> -> memref<1x80xi32, #tpu.memory_space<hbm>>
    %dma_start3A_159 = tpu.memref_squeeze %dma_start3A_158 : memref<1x80xi32, #tpu.memory_space<hbm>> -> memref<80xi32, #tpu.memory_space<hbm>>
    %dma_start3A_160 = arith.constant 0 : i32
    %dma_start3A_161 = tpu.memref_slice %arg7[%dma_start3A_153, %dma_start3A_160] : memref<10x80xi32, #tpu.memory_space<vmem>> -> memref<1x80xi32, #tpu.memory_space<vmem>>
    %dma_start3A_162 = tpu.memref_squeeze %dma_start3A_161 : memref<1x80xi32, #tpu.memory_space<vmem>> -> memref<80xi32, #tpu.memory_space<vmem>>
    %dma_start3A_163 = arith.constant 0 : i32
    %dma_start3A_164 = tpu.memref_slice %arg3[%add3A_152, %dma_start3A_163] : memref<4000x80xi32, #tpu.memory_space<hbm>> -> memref<1x80xi32, #tpu.memory_space<hbm>>
    %dma_start3A_165 = tpu.memref_squeeze %dma_start3A_164 : memref<1x80xi32, #tpu.memory_space<hbm>> -> memref<80xi32, #tpu.memory_space<hbm>>
    tpu.enqueue_dma source(%dma_start3A_165 : memref<80xi32, #tpu.memory_space<hbm>>) target(%dma_start3A_162 : memref<80xi32, #tpu.memory_space<vmem>>) target_semaphore(%arg39 : memref<!tpu.dma_semaphore, #tpu.memory_space<semaphore_mem>>)
    %add3A_166 = arith.constant 5 : i32
    %add3A_167 = arith.addi %mul3A_2, %add3A_166 : i32
    %dma_start3A_168 = arith.constant 5 : i32
    %dma_start3A_169 = arith.constant 0 : i32
    %dma_start3A_170 = tpu.memref_slice %arg8[%dma_start3A_168, %dma_start3A_169] : memref<10x80xi32, #tpu.memory_space<vmem>> -> memref<1x80xi32, #tpu.memory_space<vmem>>
    %dma_start3A_171 = tpu.memref_squeeze %dma_start3A_170 : memref<1x80xi32, #tpu.memory_space<vmem>> -> memref<80xi32, #tpu.memory_space<vmem>>
    %dma_start3A_172 = arith.constant 0 : i32
    %dma_start3A_173 = tpu.memref_slice %arg4[%add3A_167, %dma_start3A_172] : memref<4000x80xi32, #tpu.memory_space<hbm>> -> memref<1x80xi32, #tpu.memory_space<hbm>>
    %dma_start3A_174 = tpu.memref_squeeze %dma_start3A_173 : memref<1x80xi32, #tpu.memory_space<hbm>> -> memref<80xi32, #tpu.memory_space<hbm>>
    %dma_start3A_175 = arith.constant 0 : i32
    %dma_start3A_176 = tpu.memref_slice %arg8[%dma_start3A_168, %dma_start3A_175] : memref<10x80xi32, #tpu.memory_space<vmem>> -> memref<1x80xi32, #tpu.memory_space<vmem>>
    %dma_start3A_177 = tpu.memref_squeeze %dma_start3A_176 : memref<1x80xi32, #tpu.memory_space<vmem>> -> memref<80xi32, #tpu.memory_space<vmem>>
    %dma_start3A_178 = arith.constant 0 : i32
    %dma_start3A_179 = tpu.memref_slice %arg4[%add3A_167, %dma_start3A_178] : memref<4000x80xi32, #tpu.memory_space<hbm>> -> memref<1x80xi32, #tpu.memory_space<hbm>>
    %dma_start3A_180 = tpu.memref_squeeze %dma_start3A_179 : memref<1x80xi32, #tpu.memory_space<hbm>> -> memref<80xi32, #tpu.memory_space<hbm>>
    tpu.enqueue_dma source(%dma_start3A_180 : memref<80xi32, #tpu.memory_space<hbm>>) target(%dma_start3A_177 : memref<80xi32, #tpu.memory_space<vmem>>) target_semaphore(%arg39 : memref<!tpu.dma_semaphore, #tpu.memory_space<semaphore_mem>>)
    %add3A_181 = arith.constant 6 : i32
    %add3A_182 = arith.addi %mul3A_0, %add3A_181 : i32
    %dma_start3A_183 = arith.constant 6 : i32
    %dma_start3A_184 = arith.constant 0 : i32
    %dma_start3A_185 = tpu.memref_slice %arg7[%dma_start3A_183, %dma_start3A_184] : memref<10x80xi32, #tpu.memory_space<vmem>> -> memref<1x80xi32, #tpu.memory_space<vmem>>
    %dma_start3A_186 = tpu.memref_squeeze %dma_start3A_185 : memref<1x80xi32, #tpu.memory_space<vmem>> -> memref<80xi32, #tpu.memory_space<vmem>>
    %dma_start3A_187 = arith.constant 0 : i32
    %dma_start3A_188 = tpu.memref_slice %arg3[%add3A_182, %dma_start3A_187] : memref<4000x80xi32, #tpu.memory_space<hbm>> -> memref<1x80xi32, #tpu.memory_space<hbm>>
    %dma_start3A_189 = tpu.memref_squeeze %dma_start3A_188 : memref<1x80xi32, #tpu.memory_space<hbm>> -> memref<80xi32, #tpu.memory_space<hbm>>
    %dma_start3A_190 = arith.constant 0 : i32
    %dma_start3A_191 = tpu.memref_slice %arg7[%dma_start3A_183, %dma_start3A_190] : memref<10x80xi32, #tpu.memory_space<vmem>> -> memref<1x80xi32, #tpu.memory_space<vmem>>
    %dma_start3A_192 = tpu.memref_squeeze %dma_start3A_191 : memref<1x80xi32, #tpu.memory_space<vmem>> -> memref<80xi32, #tpu.memory_space<vmem>>
    %dma_start3A_193 = arith.constant 0 : i32
    %dma_start3A_194 = tpu.memref_slice %arg3[%add3A_182, %dma_start3A_193] : memref<4000x80xi32, #tpu.memory_space<hbm>> -> memref<1x80xi32, #tpu.memory_space<hbm>>
    %dma_start3A_195 = tpu.memref_squeeze %dma_start3A_194 : memref<1x80xi32, #tpu.memory_space<hbm>> -> memref<80xi32, #tpu.memory_space<hbm>>
    tpu.enqueue_dma source(%dma_start3A_195 : memref<80xi32, #tpu.memory_space<hbm>>) target(%dma_start3A_192 : memref<80xi32, #tpu.memory_space<vmem>>) target_semaphore(%arg40 : memref<!tpu.dma_semaphore, #tpu.memory_space<semaphore_mem>>)
    %add3A_196 = arith.constant 6 : i32
    %add3A_197 = arith.addi %mul3A_2, %add3A_196 : i32
    %dma_start3A_198 = arith.constant 6 : i32
    %dma_start3A_199 = arith.constant 0 : i32
    %dma_start3A_200 = tpu.memref_slice %arg8[%dma_start3A_198, %dma_start3A_199] : memref<10x80xi32, #tpu.memory_space<vmem>> -> memref<1x80xi32, #tpu.memory_space<vmem>>
    %dma_start3A_201 = tpu.memref_squeeze %dma_start3A_200 : memref<1x80xi32, #tpu.memory_space<vmem>> -> memref<80xi32, #tpu.memory_space<vmem>>
    %dma_start3A_202 = arith.constant 0 : i32
    %dma_start3A_203 = tpu.memref_slice %arg4[%add3A_197, %dma_start3A_202] : memref<4000x80xi32, #tpu.memory_space<hbm>> -> memref<1x80xi32, #tpu.memory_space<hbm>>
    %dma_start3A_204 = tpu.memref_squeeze %dma_start3A_203 : memref<1x80xi32, #tpu.memory_space<hbm>> -> memref<80xi32, #tpu.memory_space<hbm>>
    %dma_start3A_205 = arith.constant 0 : i32
    %dma_start3A_206 = tpu.memref_slice %arg8[%dma_start3A_198, %dma_start3A_205] : memref<10x80xi32, #tpu.memory_space<vmem>> -> memref<1x80xi32, #tpu.memory_space<vmem>>
    %dma_start3A_207 = tpu.memref_squeeze %dma_start3A_206 : memref<1x80xi32, #tpu.memory_space<vmem>> -> memref<80xi32, #tpu.memory_space<vmem>>
    %dma_start3A_208 = arith.constant 0 : i32
    %dma_start3A_209 = tpu.memref_slice %arg4[%add3A_197, %dma_start3A_208] : memref<4000x80xi32, #tpu.memory_space<hbm>> -> memref<1x80xi32, #tpu.memory_space<hbm>>
    %dma_start3A_210 = tpu.memref_squeeze %dma_start3A_209 : memref<1x80xi32, #tpu.memory_space<hbm>> -> memref<80xi32, #tpu.memory_space<hbm>>
    tpu.enqueue_dma source(%dma_start3A_210 : memref<80xi32, #tpu.memory_space<hbm>>) target(%dma_start3A_207 : memref<80xi32, #tpu.memory_space<vmem>>) target_semaphore(%arg40 : memref<!tpu.dma_semaphore, #tpu.memory_space<semaphore_mem>>)
    %add3A_211 = arith.constant 7 : i32
    %add3A_212 = arith.addi %mul3A_0, %add3A_211 : i32
    %dma_start3A_213 = arith.constant 7 : i32
    %dma_start3A_214 = arith.constant 0 : i32
    %dma_start3A_215 = tpu.memref_slice %arg7[%dma_start3A_213, %dma_start3A_214] : memref<10x80xi32, #tpu.memory_space<vmem>> -> memref<1x80xi32, #tpu.memory_space<vmem>>
    %dma_start3A_216 = tpu.memref_squeeze %dma_start3A_215 : memref<1x80xi32, #tpu.memory_space<vmem>> -> memref<80xi32, #tpu.memory_space<vmem>>
    %dma_start3A_217 = arith.constant 0 : i32
    %dma_start3A_218 = tpu.memref_slice %arg3[%add3A_212, %dma_start3A_217] : memref<4000x80xi32, #tpu.memory_space<hbm>> -> memref<1x80xi32, #tpu.memory_space<hbm>>
    %dma_start3A_219 = tpu.memref_squeeze %dma_start3A_218 : memref<1x80xi32, #tpu.memory_space<hbm>> -> memref<80xi32, #tpu.memory_space<hbm>>
    %dma_start3A_220 = arith.constant 0 : i32
    %dma_start3A_221 = tpu.memref_slice %arg7[%dma_start3A_213, %dma_start3A_220] : memref<10x80xi32, #tpu.memory_space<vmem>> -> memref<1x80xi32, #tpu.memory_space<vmem>>
    %dma_start3A_222 = tpu.memref_squeeze %dma_start3A_221 : memref<1x80xi32, #tpu.memory_space<vmem>> -> memref<80xi32, #tpu.memory_space<vmem>>
    %dma_start3A_223 = arith.constant 0 : i32
    %dma_start3A_224 = tpu.memref_slice %arg3[%add3A_212, %dma_start3A_223] : memref<4000x80xi32, #tpu.memory_space<hbm>> -> memref<1x80xi32, #tpu.memory_space<hbm>>
    %dma_start3A_225 = tpu.memref_squeeze %dma_start3A_224 : memref<1x80xi32, #tpu.memory_space<hbm>> -> memref<80xi32, #tpu.memory_space<hbm>>
    tpu.enqueue_dma source(%dma_start3A_225 : memref<80xi32, #tpu.memory_space<hbm>>) target(%dma_start3A_222 : memref<80xi32, #tpu.memory_space<vmem>>) target_semaphore(%arg41 : memref<!tpu.dma_semaphore, #tpu.memory_space<semaphore_mem>>)
    %add3A_226 = arith.constant 7 : i32
    %add3A_227 = arith.addi %mul3A_2, %add3A_226 : i32
    %dma_start3A_228 = arith.constant 7 : i32
    %dma_start3A_229 = arith.constant 0 : i32
    %dma_start3A_230 = tpu.memref_slice %arg8[%dma_start3A_228, %dma_start3A_229] : memref<10x80xi32, #tpu.memory_space<vmem>> -> memref<1x80xi32, #tpu.memory_space<vmem>>
    %dma_start3A_231 = tpu.memref_squeeze %dma_start3A_230 : memref<1x80xi32, #tpu.memory_space<vmem>> -> memref<80xi32, #tpu.memory_space<vmem>>
    %dma_start3A_232 = arith.constant 0 : i32
    %dma_start3A_233 = tpu.memref_slice %arg4[%add3A_227, %dma_start3A_232] : memref<4000x80xi32, #tpu.memory_space<hbm>> -> memref<1x80xi32, #tpu.memory_space<hbm>>
    %dma_start3A_234 = tpu.memref_squeeze %dma_start3A_233 : memref<1x80xi32, #tpu.memory_space<hbm>> -> memref<80xi32, #tpu.memory_space<hbm>>
    %dma_start3A_235 = arith.constant 0 : i32
    %dma_start3A_236 = tpu.memref_slice %arg8[%dma_start3A_228, %dma_start3A_235] : memref<10x80xi32, #tpu.memory_space<vmem>> -> memref<1x80xi32, #tpu.memory_space<vmem>>
    %dma_start3A_237 = tpu.memref_squeeze %dma_start3A_236 : memref<1x80xi32, #tpu.memory_space<vmem>> -> memref<80xi32, #tpu.memory_space<vmem>>
    %dma_start3A_238 = arith.constant 0 : i32
    %dma_start3A_239 = tpu.memref_slice %arg4[%add3A_227, %dma_start3A_238] : memref<4000x80xi32, #tpu.memory_space<hbm>> -> memref<1x80xi32, #tpu.memory_space<hbm>>
    %dma_start3A_240 = tpu.memref_squeeze %dma_start3A_239 : memref<1x80xi32, #tpu.memory_space<hbm>> -> memref<80xi32, #tpu.memory_space<hbm>>
    tpu.enqueue_dma source(%dma_start3A_240 : memref<80xi32, #tpu.memory_space<hbm>>) target(%dma_start3A_237 : memref<80xi32, #tpu.memory_space<vmem>>) target_semaphore(%arg41 : memref<!tpu.dma_semaphore, #tpu.memory_space<semaphore_mem>>)
    %add3A_241 = arith.constant 8 : i32
    %add3A_242 = arith.addi %mul3A_0, %add3A_241 : i32
    %dma_start3A_243 = arith.constant 8 : i32
    %dma_start3A_244 = arith.constant 0 : i32
    %dma_start3A_245 = tpu.memref_slice %arg7[%dma_start3A_243, %dma_start3A_244] : memref<10x80xi32, #tpu.memory_space<vmem>> -> memref<1x80xi32, #tpu.memory_space<vmem>>
    %dma_start3A_246 = tpu.memref_squeeze %dma_start3A_245 : memref<1x80xi32, #tpu.memory_space<vmem>> -> memref<80xi32, #tpu.memory_space<vmem>>
    %dma_start3A_247 = arith.constant 0 : i32
    %dma_start3A_248 = tpu.memref_slice %arg3[%add3A_242, %dma_start3A_247] : memref<4000x80xi32, #tpu.memory_space<hbm>> -> memref<1x80xi32, #tpu.memory_space<hbm>>
    %dma_start3A_249 = tpu.memref_squeeze %dma_start3A_248 : memref<1x80xi32, #tpu.memory_space<hbm>> -> memref<80xi32, #tpu.memory_space<hbm>>
    %dma_start3A_250 = arith.constant 0 : i32
    %dma_start3A_251 = tpu.memref_slice %arg7[%dma_start3A_243, %dma_start3A_250] : memref<10x80xi32, #tpu.memory_space<vmem>> -> memref<1x80xi32, #tpu.memory_space<vmem>>
    %dma_start3A_252 = tpu.memref_squeeze %dma_start3A_251 : memref<1x80xi32, #tpu.memory_space<vmem>> -> memref<80xi32, #tpu.memory_space<vmem>>
    %dma_start3A_253 = arith.constant 0 : i32
    %dma_start3A_254 = tpu.memref_slice %arg3[%add3A_242, %dma_start3A_253] : memref<4000x80xi32, #tpu.memory_space<hbm>> -> memref<1x80xi32, #tpu.memory_space<hbm>>
    %dma_start3A_255 = tpu.memref_squeeze %dma_start3A_254 : memref<1x80xi32, #tpu.memory_space<hbm>> -> memref<80xi32, #tpu.memory_space<hbm>>
    tpu.enqueue_dma source(%dma_start3A_255 : memref<80xi32, #tpu.memory_space<hbm>>) target(%dma_start3A_252 : memref<80xi32, #tpu.memory_space<vmem>>) target_semaphore(%arg42 : memref<!tpu.dma_semaphore, #tpu.memory_space<semaphore_mem>>)
    %add3A_256 = arith.constant 8 : i32
    %add3A_257 = arith.addi %mul3A_2, %add3A_256 : i32
    %dma_start3A_258 = arith.constant 8 : i32
    %dma_start3A_259 = arith.constant 0 : i32
    %dma_start3A_260 = tpu.memref_slice %arg8[%dma_start3A_258, %dma_start3A_259] : memref<10x80xi32, #tpu.memory_space<vmem>> -> memref<1x80xi32, #tpu.memory_space<vmem>>
    %dma_start3A_261 = tpu.memref_squeeze %dma_start3A_260 : memref<1x80xi32, #tpu.memory_space<vmem>> -> memref<80xi32, #tpu.memory_space<vmem>>
    %dma_start3A_262 = arith.constant 0 : i32
    %dma_start3A_263 = tpu.memref_slice %arg4[%add3A_257, %dma_start3A_262] : memref<4000x80xi32, #tpu.memory_space<hbm>> -> memref<1x80xi32, #tpu.memory_space<hbm>>
    %dma_start3A_264 = tpu.memref_squeeze %dma_start3A_263 : memref<1x80xi32, #tpu.memory_space<hbm>> -> memref<80xi32, #tpu.memory_space<hbm>>
    %dma_start3A_265 = arith.constant 0 : i32
    %dma_start3A_266 = tpu.memref_slice %arg8[%dma_start3A_258, %dma_start3A_265] : memref<10x80xi32, #tpu.memory_space<vmem>> -> memref<1x80xi32, #tpu.memory_space<vmem>>
    %dma_start3A_267 = tpu.memref_squeeze %dma_start3A_266 : memref<1x80xi32, #tpu.memory_space<vmem>> -> memref<80xi32, #tpu.memory_space<vmem>>
    %dma_start3A_268 = arith.constant 0 : i32
    %dma_start3A_269 = tpu.memref_slice %arg4[%add3A_257, %dma_start3A_268] : memref<4000x80xi32, #tpu.memory_space<hbm>> -> memref<1x80xi32, #tpu.memory_space<hbm>>
    %dma_start3A_270 = tpu.memref_squeeze %dma_start3A_269 : memref<1x80xi32, #tpu.memory_space<hbm>> -> memref<80xi32, #tpu.memory_space<hbm>>
    tpu.enqueue_dma source(%dma_start3A_270 : memref<80xi32, #tpu.memory_space<hbm>>) target(%dma_start3A_267 : memref<80xi32, #tpu.memory_space<vmem>>) target_semaphore(%arg42 : memref<!tpu.dma_semaphore, #tpu.memory_space<semaphore_mem>>)
    %scan3A = arith.constant 0 : i32
    %scan3A_271 = arith.constant 0 : i32
    %scan3A_272 = arith.constant 25 : i32
    %scan3A_273 = arith.addi %scan3A_271, %scan3A_272 : i32
    %scan3A_274 = arith.constant 1 : i32
    %scan3A_275 = scf.for %scan3A_761 = %scan3A_271 to %scan3A_273 step %scan3A_274 iter_args(%scan3A_762 = %scan3A) -> (i32)  : i32 {
      %broadcast_in_dim3A = arith.constant 0.000000e+00 : f32
      %broadcast_in_dim3A_763 = vector.broadcast %broadcast_in_dim3A : f32 to vector<16xf32>
      %swap3A_764 = arith.index_cast %scan3A_761 : i32 to index
      %swap3A_765 = arith.constant 0 : index
      %swap3A_766 = tpu.vector_load %arg15[%swap3A_764, %swap3A_765] {strides = array<i32>} : memref<25x64xf32, #tpu.memory_space<vmem>>, vector<1x16xf32>,
      %swap3A_767 = vector.shape_cast %swap3A_766 : vector<1x16xf32> to vector<16xf32>
      %swap3A_768 = vector.shape_cast %broadcast_in_dim3A_763 : vector<16xf32> to vector<1x16xf32>
      tpu.vector_store %arg15[%swap3A_764, %swap3A_765], %swap3A_768 {strides = array<i32>} : memref<25x64xf32, #tpu.memory_space<vmem>>, vector<1x16xf32>,
      %broadcast_in_dim3A_769 = arith.constant 0.000000e+00 : f32
      %broadcast_in_dim3A_770 = vector.broadcast %broadcast_in_dim3A_769 : f32 to vector<16xf32>
      %swap3A_771 = arith.index_cast %scan3A_761 : i32 to index
      %swap3A_772 = arith.constant 16 : index
      %swap3A_773 = tpu.vector_load %arg15[%swap3A_771, %swap3A_772] {strides = array<i32>} : memref<25x64xf32, #tpu.memory_space<vmem>>, vector<1x16xf32>,
      %swap3A_774 = vector.shape_cast %swap3A_773 : vector<1x16xf32> to vector<16xf32>
      %swap3A_775 = vector.shape_cast %broadcast_in_dim3A_770 : vector<16xf32> to vector<1x16xf32>
      tpu.vector_store %arg15[%swap3A_771, %swap3A_772], %swap3A_775 {strides = array<i32>} : memref<25x64xf32, #tpu.memory_space<vmem>>, vector<1x16xf32>,
      %broadcast_in_dim3A_776 = arith.constant 0.000000e+00 : f32
      %broadcast_in_dim3A_777 = vector.broadcast %broadcast_in_dim3A_776 : f32 to vector<16xf32>
      %swap3A_778 = arith.index_cast %scan3A_761 : i32 to index
      %swap3A_779 = arith.constant 32 : index
      %swap3A_780 = tpu.vector_load %arg15[%swap3A_778, %swap3A_779] {strides = array<i32>} : memref<25x64xf32, #tpu.memory_space<vmem>>, vector<1x16xf32>,
      %swap3A_781 = vector.shape_cast %swap3A_780 : vector<1x16xf32> to vector<16xf32>
      %swap3A_782 = vector.shape_cast %broadcast_in_dim3A_777 : vector<16xf32> to vector<1x16xf32>
      tpu.vector_store %arg15[%swap3A_778, %swap3A_779], %swap3A_782 {strides = array<i32>} : memref<25x64xf32, #tpu.memory_space<vmem>>, vector<1x16xf32>,
      %broadcast_in_dim3A_783 = arith.constant 0.000000e+00 : f32
      %broadcast_in_dim3A_784 = vector.broadcast %broadcast_in_dim3A_783 : f32 to vector<16xf32>
      %swap3A_785 = arith.index_cast %scan3A_761 : i32 to index
      %swap3A_786 = arith.constant 48 : index
      %swap3A_787 = tpu.vector_load %arg15[%swap3A_785, %swap3A_786] {strides = array<i32>} : memref<25x64xf32, #tpu.memory_space<vmem>>, vector<1x16xf32>,
      %swap3A_788 = vector.shape_cast %swap3A_787 : vector<1x16xf32> to vector<16xf32>
      %swap3A_789 = vector.shape_cast %broadcast_in_dim3A_784 : vector<16xf32> to vector<1x16xf32>
      tpu.vector_store %arg15[%swap3A_785, %swap3A_786], %swap3A_789 {strides = array<i32>} : memref<25x64xf32, #tpu.memory_space<vmem>>, vector<1x16xf32>,
      %broadcast_in_dim3A_790 = arith.constant 0.000000e+00 : f32
      %broadcast_in_dim3A_791 = vector.broadcast %broadcast_in_dim3A_790 : f32 to vector<16xf32>
      %swap3A_792 = arith.index_cast %scan3A_761 : i32 to index
      %swap3A_793 = arith.constant 0 : index
      %swap3A_794 = tpu.vector_load %arg16[%swap3A_792, %swap3A_793] {strides = array<i32>} : memref<25x16xf32, #tpu.memory_space<vmem>>, vector<1x16xf32>,
      %swap3A_795 = vector.shape_cast %swap3A_794 : vector<1x16xf32> to vector<16xf32>
      %swap3A_796 = vector.shape_cast %broadcast_in_dim3A_791 : vector<16xf32> to vector<1x16xf32>
      tpu.vector_store %arg16[%swap3A_792, %swap3A_793], %swap3A_796 {strides = array<i32>} : memref<25x16xf32, #tpu.memory_space<vmem>>, vector<1x16xf32>,
      %scan3A_797 = arith.constant 0 : i32
      scf.yield %scan3A_797 : i32
    }
    %scan3A_276 = arith.constant 25 : i32
    %scan3A_277 = arith.constant 0 : i32
    %scan3A_278 = arith.constant 0 : i32
    %scan3A_279 = arith.constant 80 : i32
    %scan3A_280 = arith.addi %scan3A_278, %scan3A_279 : i32
    %scan3A_281 = arith.constant 1 : i32
    %scan3A_282 = scf.for %scan3A_761 = %scan3A_278 to %scan3A_280 step %scan3A_281 iter_args(%scan3A_762 = %scan3A_277) -> (i32)  : i32 {
      %broadcast_in_dim3A = arith.constant 1.000000e+00 : f32
      %broadcast_in_dim3A_763 = vector.broadcast %broadcast_in_dim3A : f32 to vector<16xf32>
      %swap3A_764 = arith.index_cast %scan3A_761 : i32 to index
      %swap3A_765 = arith.constant 0 : index
      %swap3A_766 = tpu.vector_load %arg14[%swap3A_764, %swap3A_765] {strides = array<i32>} : memref<80x16xf32, #tpu.memory_space<vmem>>, vector<1x16xf32>,
      %swap3A_767 = vector.shape_cast %swap3A_766 : vector<1x16xf32> to vector<16xf32>
      %swap3A_768 = vector.shape_cast %broadcast_in_dim3A_763 : vector<16xf32> to vector<1x16xf32>
      tpu.vector_store %arg14[%swap3A_764, %swap3A_765], %swap3A_768 {strides = array<i32>} : memref<80x16xf32, #tpu.memory_space<vmem>>, vector<1x16xf32>,
      %scan3A_769 = arith.constant 0 : i32
      scf.yield %scan3A_769 : i32
    }
    %scan3A_283 = arith.constant 80 : i32
    %mul3A_284 = arith.constant 1250 : i32
    %mul3A_285 = arith.muli %arg1, %mul3A_284 : i32
    %scan3A_286 = arith.constant 0 : i32
    %scan3A_287 = arith.constant 0 : i32
    %scan3A_288 = arith.constant 50 : i32
    %scan3A_289 = arith.addi %scan3A_287, %scan3A_288 : i32
    %scan3A_290 = arith.constant 1 : i32
    %scan3A_291 = scf.for %scan3A_761 = %scan3A_287 to %scan3A_289 step %scan3A_290 iter_args(%scan3A_762 = %scan3A_286) -> (i32)  : i32 {
      %mul3A_763 = arith.constant 25 : i32
      %mul3A_764 = arith.muli %scan3A_761, %mul3A_763 : i32
      %add3A_765 = arith.addi %mul3A_285, %mul3A_764 : i32
      %dma_start3A_766 = arith.constant 0 : i32
      %dma_start3A_767 = tpu.memref_slice %arg17[%add3A_765, %dma_start3A_766] : memref<20000x64xf32, #tpu.memory_space<vmem_shared>> -> memref<25x64xf32, #tpu.memory_space<vmem_shared>>
      %dma_start3A_768 = arith.constant 0 : i32
      %dma_start3A_769 = tpu.memref_slice %arg17[%add3A_765, %dma_start3A_768] : memref<20000x64xf32, #tpu.memory_space<vmem_shared>> -> memref<25x64xf32, #tpu.memory_space<vmem_shared>>
      tpu.enqueue_dma source(%arg15 : memref<25x64xf32, #tpu.memory_space<vmem>>) target(%dma_start3A_769 : memref<25x64xf32, #tpu.memory_space<vmem_shared>>) target_semaphore(%arg44 : memref<!tpu.dma_semaphore, #tpu.memory_space<semaphore_mem>>)
      %mul3A_770 = arith.constant 25 : i32
      %mul3A_771 = arith.muli %scan3A_761, %mul3A_770 : i32
      %add3A_772 = arith.addi %mul3A_285, %mul3A_771 : i32
      %dma_start3A_773 = arith.constant 0 : i32
      %dma_start3A_774 = tpu.memref_slice %arg18[%add3A_772, %dma_start3A_773] : memref<20000x16xf32, #tpu.memory_space<vmem_shared>> -> memref<25x16xf32, #tpu.memory_space<vmem_shared>>
      %dma_start3A_775 = arith.constant 0 : i32
      %dma_start3A_776 = tpu.memref_slice %arg18[%add3A_772, %dma_start3A_775] : memref<20000x16xf32, #tpu.memory_space<vmem_shared>> -> memref<25x16xf32, #tpu.memory_space<vmem_shared>>
      tpu.enqueue_dma source(%arg16 : memref<25x16xf32, #tpu.memory_space<vmem>>) target(%dma_start3A_776 : memref<25x16xf32, #tpu.memory_space<vmem_shared>>) target_semaphore(%arg44 : memref<!tpu.dma_semaphore, #tpu.memory_space<semaphore_mem>>)
      %scan3A_777 = arith.constant 0 : i32
      scf.yield %scan3A_777 : i32
    }
    %scan3A_292 = arith.constant 50 : i32
    %dma_wait3A = arith.constant 0 : i32
    %dma_wait3A_293 = arith.constant 0 : i32
    %dma_wait3A_294 = tpu.memref_slice %arg7[%dma_wait3A, %dma_wait3A_293] : memref<10x80xi32, #tpu.memory_space<vmem>> -> memref<1x80xi32, #tpu.memory_space<vmem>>
    %dma_wait3A_295 = tpu.memref_squeeze %dma_wait3A_294 : memref<1x80xi32, #tpu.memory_space<vmem>> -> memref<80xi32, #tpu.memory_space<vmem>>
    %dma_wait3A_296 = arith.constant 0 : i32
    %dma_wait3A_297 = tpu.memref_slice %arg3[%mul3A_0, %dma_wait3A_296] : memref<4000x80xi32, #tpu.memory_space<hbm>> -> memref<1x80xi32, #tpu.memory_space<hbm>>
    %dma_wait3A_298 = tpu.memref_squeeze %dma_wait3A_297 : memref<1x80xi32, #tpu.memory_space<hbm>> -> memref<80xi32, #tpu.memory_space<hbm>>
    %dma_wait3A_299 = arith.constant 0 : i32
    %dma_wait3A_300 = tpu.memref_slice %arg7[%dma_wait3A, %dma_wait3A_299] : memref<10x80xi32, #tpu.memory_space<vmem>> -> memref<1x80xi32, #tpu.memory_space<vmem>>
    %dma_wait3A_301 = tpu.memref_squeeze %dma_wait3A_300 : memref<1x80xi32, #tpu.memory_space<vmem>> -> memref<80xi32, #tpu.memory_space<vmem>>
    %dma_wait3A_302 = arith.constant 0 : i32
    %dma_wait3A_303 = tpu.memref_slice %arg3[%mul3A_0, %dma_wait3A_302] : memref<4000x80xi32, #tpu.memory_space<hbm>> -> memref<1x80xi32, #tpu.memory_space<hbm>>
    %dma_wait3A_304 = tpu.memref_squeeze %dma_wait3A_303 : memref<1x80xi32, #tpu.memory_space<hbm>> -> memref<80xi32, #tpu.memory_space<hbm>>
    tpu.wait_dma2 semaphore(%arg34 : memref<!tpu.dma_semaphore, #tpu.memory_space<semaphore_mem>>) src(%dma_wait3A_304 : memref<80xi32, #tpu.memory_space<hbm>>) dst(%dma_wait3A_301 : memref<80xi32, #tpu.memory_space<vmem>>)
    %dma_wait3A_305 = arith.constant 0 : i32
    %dma_wait3A_306 = arith.constant 0 : i32
    %dma_wait3A_307 = tpu.memref_slice %arg8[%dma_wait3A_305, %dma_wait3A_306] : memref<10x80xi32, #tpu.memory_space<vmem>> -> memref<1x80xi32, #tpu.memory_space<vmem>>
    %dma_wait3A_308 = tpu.memref_squeeze %dma_wait3A_307 : memref<1x80xi32, #tpu.memory_space<vmem>> -> memref<80xi32, #tpu.memory_space<vmem>>
    %dma_wait3A_309 = arith.constant 0 : i32
    %dma_wait3A_310 = tpu.memref_slice %arg4[%mul3A_2, %dma_wait3A_309] : memref<4000x80xi32, #tpu.memory_space<hbm>> -> memref<1x80xi32, #tpu.memory_space<hbm>>
    %dma_wait3A_311 = tpu.memref_squeeze %dma_wait3A_310 : memref<1x80xi32, #tpu.memory_space<hbm>> -> memref<80xi32, #tpu.memory_space<hbm>>
    %dma_wait3A_312 = arith.constant 0 : i32
    %dma_wait3A_313 = tpu.memref_slice %arg8[%dma_wait3A_305, %dma_wait3A_312] : memref<10x80xi32, #tpu.memory_space<vmem>> -> memref<1x80xi32, #tpu.memory_space<vmem>>
    %dma_wait3A_314 = tpu.memref_squeeze %dma_wait3A_313 : memref<1x80xi32, #tpu.memory_space<vmem>> -> memref<80xi32, #tpu.memory_space<vmem>>
    %dma_wait3A_315 = arith.constant 0 : i32
    %dma_wait3A_316 = tpu.memref_slice %arg4[%mul3A_2, %dma_wait3A_315] : memref<4000x80xi32, #tpu.memory_space<hbm>> -> memref<1x80xi32, #tpu.memory_space<hbm>>
    %dma_wait3A_317 = tpu.memref_squeeze %dma_wait3A_316 : memref<1x80xi32, #tpu.memory_space<hbm>> -> memref<80xi32, #tpu.memory_space<hbm>>
    tpu.wait_dma2 semaphore(%arg34 : memref<!tpu.dma_semaphore, #tpu.memory_space<semaphore_mem>>) src(%dma_wait3A_317 : memref<80xi32, #tpu.memory_space<hbm>>) dst(%dma_wait3A_314 : memref<80xi32, #tpu.memory_space<vmem>>)
    %get3A = arith.constant 0 : i32
    %get3A_318 = arith.index_cast %get3A : i32 to index
    %get3A_319 = arith.constant 0 : index
    %get3A_320 = tpu.vector_load %arg7[%get3A_318, %get3A_319] {strides = array<i32>} : memref<10x80xi32, #tpu.memory_space<vmem>>, vector<1x16xi32>,
    %get3A_321 = vector.shape_cast %get3A_320 : vector<1x16xi32> to vector<16xi32>
    %add3A_322 = arith.addi %get3A_321, %get3A_321 : vector<16xi32>
    %add3A_323 = vector.broadcast %arg0 : i32 to vector<16xi32>
    %add3A_324 = arith.addi %add3A_322, %add3A_323 : vector<16xi32>
    %swap3A = arith.constant 0 : i32
    %swap3A_325 = arith.index_cast %swap3A : i32 to index
    %swap3A_326 = arith.constant 0 : index
    %swap3A_327 = tpu.vector_load %arg7[%swap3A_325, %swap3A_326] {strides = array<i32>} : memref<10x80xi32, #tpu.memory_space<vmem>>, vector<1x16xi32>,
    %swap3A_328 = vector.shape_cast %swap3A_327 : vector<1x16xi32> to vector<16xi32>
    %swap3A_329 = vector.shape_cast %add3A_324 : vector<16xi32> to vector<1x16xi32>
    tpu.vector_store %arg7[%swap3A_325, %swap3A_326], %swap3A_329 {strides = array<i32>} : memref<10x80xi32, #tpu.memory_space<vmem>>, vector<1x16xi32>,
    %get3A_330 = arith.constant 0 : i32
    %get3A_331 = arith.index_cast %get3A_330 : i32 to index
    %get3A_332 = arith.constant 16 : index
    %get3A_333 = tpu.vector_load %arg7[%get3A_331, %get3A_332] {strides = array<i32>} : memref<10x80xi32, #tpu.memory_space<vmem>>, vector<1x16xi32>,
    %get3A_334 = vector.shape_cast %get3A_333 : vector<1x16xi32> to vector<16xi32>
    %add3A_335 = arith.addi %get3A_334, %get3A_334 : vector<16xi32>
    %add3A_336 = vector.broadcast %arg0 : i32 to vector<16xi32>
    %add3A_337 = arith.addi %add3A_335, %add3A_336 : vector<16xi32>
    %swap3A_338 = arith.constant 0 : i32
    %swap3A_339 = arith.index_cast %swap3A_338 : i32 to index
    %swap3A_340 = arith.constant 16 : index
    %swap3A_341 = tpu.vector_load %arg7[%swap3A_339, %swap3A_340] {strides = array<i32>} : memref<10x80xi32, #tpu.memory_space<vmem>>, vector<1x16xi32>,
    %swap3A_342 = vector.shape_cast %swap3A_341 : vector<1x16xi32> to vector<16xi32>
    %swap3A_343 = vector.shape_cast %add3A_337 : vector<16xi32> to vector<1x16xi32>
    tpu.vector_store %arg7[%swap3A_339, %swap3A_340], %swap3A_343 {strides = array<i32>} : memref<10x80xi32, #tpu.memory_space<vmem>>, vector<1x16xi32>,
    %get3A_344 = arith.constant 0 : i32
    %get3A_345 = arith.index_cast %get3A_344 : i32 to index
    %get3A_346 = arith.constant 32 : index
    %get3A_347 = tpu.vector_load %arg7[%get3A_345, %get3A_346] {strides = array<i32>} : memref<10x80xi32, #tpu.memory_space<vmem>>, vector<1x16xi32>,
    %get3A_348 = vector.shape_cast %get3A_347 : vector<1x16xi32> to vector<16xi32>
    %add3A_349 = arith.addi %get3A_348, %get3A_348 : vector<16xi32>
    %add3A_350 = vector.broadcast %arg0 : i32 to vector<16xi32>
    %add3A_351 = arith.addi %add3A_349, %add3A_350 : vector<16xi32>
    %swap3A_352 = arith.constant 0 : i32
    %swap3A_353 = arith.index_cast %swap3A_352 : i32 to index
    %swap3A_354 = arith.constant 32 : index
    %swap3A_355 = tpu.vector_load %arg7[%swap3A_353, %swap3A_354] {strides = array<i32>} : memref<10x80xi32, #tpu.memory_space<vmem>>, vector<1x16xi32>,
    %swap3A_356 = vector.shape_cast %swap3A_355 : vector<1x16xi32> to vector<16xi32>
    %swap3A_357 = vector.shape_cast %add3A_351 : vector<16xi32> to vector<1x16xi32>
    tpu.vector_store %arg7[%swap3A_353, %swap3A_354], %swap3A_357 {strides = array<i32>} : memref<10x80xi32, #tpu.memory_space<vmem>>, vector<1x16xi32>,
    %get3A_358 = arith.constant 0 : i32
    %get3A_359 = arith.index_cast %get3A_358 : i32 to index
    %get3A_360 = arith.constant 48 : index
    %get3A_361 = tpu.vector_load %arg7[%get3A_359, %get3A_360] {strides = array<i32>} : memref<10x80xi32, #tpu.memory_space<vmem>>, vector<1x16xi32>,
    %get3A_362 = vector.shape_cast %get3A_361 : vector<1x16xi32> to vector<16xi32>
    %add3A_363 = arith.addi %get3A_362, %get3A_362 : vector<16xi32>
    %add3A_364 = vector.broadcast %arg0 : i32 to vector<16xi32>
    %add3A_365 = arith.addi %add3A_363, %add3A_364 : vector<16xi32>
    %swap3A_366 = arith.constant 0 : i32
    %swap3A_367 = arith.index_cast %swap3A_366 : i32 to index
    %swap3A_368 = arith.constant 48 : index
    %swap3A_369 = tpu.vector_load %arg7[%swap3A_367, %swap3A_368] {strides = array<i32>} : memref<10x80xi32, #tpu.memory_space<vmem>>, vector<1x16xi32>,
    %swap3A_370 = vector.shape_cast %swap3A_369 : vector<1x16xi32> to vector<16xi32>
    %swap3A_371 = vector.shape_cast %add3A_365 : vector<16xi32> to vector<1x16xi32>
    tpu.vector_store %arg7[%swap3A_367, %swap3A_368], %swap3A_371 {strides = array<i32>} : memref<10x80xi32, #tpu.memory_space<vmem>>, vector<1x16xi32>,
    %get3A_372 = arith.constant 0 : i32
    %get3A_373 = arith.index_cast %get3A_372 : i32 to index
    %get3A_374 = arith.constant 64 : index
    %get3A_375 = tpu.vector_load %arg7[%get3A_373, %get3A_374] {strides = array<i32>} : memref<10x80xi32, #tpu.memory_space<vmem>>, vector<1x16xi32>,
    %get3A_376 = vector.shape_cast %get3A_375 : vector<1x16xi32> to vector<16xi32>
    %add3A_377 = arith.addi %get3A_376, %get3A_376 : vector<16xi32>
    %add3A_378 = vector.broadcast %arg0 : i32 to vector<16xi32>
    %add3A_379 = arith.addi %add3A_377, %add3A_378 : vector<16xi32>
    %swap3A_380 = arith.constant 0 : i32
    %swap3A_381 = arith.index_cast %swap3A_380 : i32 to index
    %swap3A_382 = arith.constant 64 : index
    %swap3A_383 = tpu.vector_load %arg7[%swap3A_381, %swap3A_382] {strides = array<i32>} : memref<10x80xi32, #tpu.memory_space<vmem>>, vector<1x16xi32>,
    %swap3A_384 = vector.shape_cast %swap3A_383 : vector<1x16xi32> to vector<16xi32>
    %swap3A_385 = vector.shape_cast %add3A_379 : vector<16xi32> to vector<1x16xi32>
    tpu.vector_store %arg7[%swap3A_381, %swap3A_382], %swap3A_385 {strides = array<i32>} : memref<10x80xi32, #tpu.memory_space<vmem>>, vector<1x16xi32>,
    %dma_start3A_386 = arith.constant 0 : i32
    %dma_start3A_387 = arith.constant 0 : i32
    %dma_start3A_388 = tpu.memref_slice %arg7[%dma_start3A_386, %dma_start3A_387] : memref<10x80xi32, #tpu.memory_space<vmem>> -> memref<1x80xi32, #tpu.memory_space<vmem>>
    %dma_start3A_389 = tpu.memref_squeeze %dma_start3A_388 : memref<1x80xi32, #tpu.memory_space<vmem>> -> memref<80xi32, #tpu.memory_space<vmem>>
    %dma_start3A_390 = arith.constant 0 : i32
    %dma_start3A_391 = arith.constant 0 : i32
    %dma_start3A_392 = tpu.memref_slice %arg2[%dma_start3A_390, %dma_start3A_391] : memref<20000x64xf32, #tpu.memory_space<hbm>> -> memref<20000x64xf32, #tpu.memory_space<hbm>>
    tpu.enqueue_indirect_dma source(%dma_start3A_392 : memref<20000x64xf32, #tpu.memory_space<hbm>>) target(%arg9 : memref<80x64xf32, #tpu.memory_space<vmem>>) offsets(%dma_start3A_389 : memref<80xi32, #tpu.memory_space<vmem>>) semaphore(%arg19 : memref<!tpu.dma_semaphore, #tpu.memory_space<semaphore_mem>>)
    %dma_wait3A_393 = arith.constant 1 : i32
    %dma_wait3A_394 = arith.constant 0 : i32
    %dma_wait3A_395 = tpu.memref_slice %arg7[%dma_wait3A_393, %dma_wait3A_394] : memref<10x80xi32, #tpu.memory_space<vmem>> -> memref<1x80xi32, #tpu.memory_space<vmem>>
    %dma_wait3A_396 = tpu.memref_squeeze %dma_wait3A_395 : memref<1x80xi32, #tpu.memory_space<vmem>> -> memref<80xi32, #tpu.memory_space<vmem>>
    %dma_wait3A_397 = arith.constant 0 : i32
    %dma_wait3A_398 = tpu.memref_slice %arg3[%mul3A_0, %dma_wait3A_397] : memref<4000x80xi32, #tpu.memory_space<hbm>> -> memref<1x80xi32, #tpu.memory_space<hbm>>
    %dma_wait3A_399 = tpu.memref_squeeze %dma_wait3A_398 : memref<1x80xi32, #tpu.memory_space<hbm>> -> memref<80xi32, #tpu.memory_space<hbm>>
    %dma_wait3A_400 = arith.constant 0 : i32
    %dma_wait3A_401 = tpu.memref_slice %arg7[%dma_wait3A_393, %dma_wait3A_400] : memref<10x80xi32, #tpu.memory_space<vmem>> -> memref<1x80xi32, #tpu.memory_space<vmem>>
    %dma_wait3A_402 = tpu.memref_squeeze %dma_wait3A_401 : memref<1x80xi32, #tpu.memory_space<vmem>> -> memref<80xi32, #tpu.memory_space<vmem>>
    %dma_wait3A_403 = arith.constant 0 : i32
    %dma_wait3A_404 = tpu.memref_slice %arg3[%mul3A_0, %dma_wait3A_403] : memref<4000x80xi32, #tpu.memory_space<hbm>> -> memref<1x80xi32, #tpu.memory_space<hbm>>
    %dma_wait3A_405 = tpu.memref_squeeze %dma_wait3A_404 : memref<1x80xi32, #tpu.memory_space<hbm>> -> memref<80xi32, #tpu.memory_space<hbm>>
    tpu.wait_dma2 semaphore(%arg35 : memref<!tpu.dma_semaphore, #tpu.memory_space<semaphore_mem>>) src(%dma_wait3A_405 : memref<80xi32, #tpu.memory_space<hbm>>) dst(%dma_wait3A_402 : memref<80xi32, #tpu.memory_space<vmem>>)
    %dma_wait3A_406 = arith.constant 1 : i32
    %dma_wait3A_407 = arith.constant 0 : i32
    %dma_wait3A_408 = tpu.memref_slice %arg8[%dma_wait3A_406, %dma_wait3A_407] : memref<10x80xi32, #tpu.memory_space<vmem>> -> memref<1x80xi32, #tpu.memory_space<vmem>>
    %dma_wait3A_409 = tpu.memref_squeeze %dma_wait3A_408 : memref<1x80xi32, #tpu.memory_space<vmem>> -> memref<80xi32, #tpu.memory_space<vmem>>
    %dma_wait3A_410 = arith.constant 0 : i32
    %dma_wait3A_411 = tpu.memref_slice %arg4[%mul3A_2, %dma_wait3A_410] : memref<4000x80xi32, #tpu.memory_space<hbm>> -> memref<1x80xi32, #tpu.memory_space<hbm>>
    %dma_wait3A_412 = tpu.memref_squeeze %dma_wait3A_411 : memref<1x80xi32, #tpu.memory_space<hbm>> -> memref<80xi32, #tpu.memory_space<hbm>>
    %dma_wait3A_413 = arith.constant 0 : i32
    %dma_wait3A_414 = tpu.memref_slice %arg8[%dma_wait3A_406, %dma_wait3A_413] : memref<10x80xi32, #tpu.memory_space<vmem>> -> memref<1x80xi32, #tpu.memory_space<vmem>>
    %dma_wait3A_415 = tpu.memref_squeeze %dma_wait3A_414 : memref<1x80xi32, #tpu.memory_space<vmem>> -> memref<80xi32, #tpu.memory_space<vmem>>
    %dma_wait3A_416 = arith.constant 0 : i32
    %dma_wait3A_417 = tpu.memref_slice %arg4[%mul3A_2, %dma_wait3A_416] : memref<4000x80xi32, #tpu.memory_space<hbm>> -> memref<1x80xi32, #tpu.memory_space<hbm>>
    %dma_wait3A_418 = tpu.memref_squeeze %dma_wait3A_417 : memref<1x80xi32, #tpu.memory_space<hbm>> -> memref<80xi32, #tpu.memory_space<hbm>>
    tpu.wait_dma2 semaphore(%arg35 : memref<!tpu.dma_semaphore, #tpu.memory_space<semaphore_mem>>) src(%dma_wait3A_418 : memref<80xi32, #tpu.memory_space<hbm>>) dst(%dma_wait3A_415 : memref<80xi32, #tpu.memory_space<vmem>>)
    %get3A_419 = arith.constant 1 : i32
    %get3A_420 = arith.index_cast %get3A_419 : i32 to index
    %get3A_421 = arith.constant 0 : index
    %get3A_422 = tpu.vector_load %arg7[%get3A_420, %get3A_421] {strides = array<i32>} : memref<10x80xi32, #tpu.memory_space<vmem>>, vector<1x16xi32>,
    %get3A_423 = vector.shape_cast %get3A_422 : vector<1x16xi32> to vector<16xi32>
    %add3A_424 = arith.addi %get3A_423, %get3A_423 : vector<16xi32>
    %add3A_425 = vector.broadcast %arg0 : i32 to vector<16xi32>
    %add3A_426 = arith.addi %add3A_424, %add3A_425 : vector<16xi32>
    %swap3A_427 = arith.constant 1 : i32
    %swap3A_428 = arith.index_cast %swap3A_427 : i32 to index
    %swap3A_429 = arith.constant 0 : index
    %swap3A_430 = tpu.vector_load %arg7[%swap3A_428, %swap3A_429] {strides = array<i32>} : memref<10x80xi32, #tpu.memory_space<vmem>>, vector<1x16xi32>,
    %swap3A_431 = vector.shape_cast %swap3A_430 : vector<1x16xi32> to vector<16xi32>
    %swap3A_432 = vector.shape_cast %add3A_426 : vector<16xi32> to vector<1x16xi32>
    tpu.vector_store %arg7[%swap3A_428, %swap3A_429], %swap3A_432 {strides = array<i32>} : memref<10x80xi32, #tpu.memory_space<vmem>>, vector<1x16xi32>,
    %get3A_433 = arith.constant 1 : i32
    %get3A_434 = arith.index_cast %get3A_433 : i32 to index
    %get3A_435 = arith.constant 16 : index
    %get3A_436 = tpu.vector_load %arg7[%get3A_434, %get3A_435] {strides = array<i32>} : memref<10x80xi32, #tpu.memory_space<vmem>>, vector<1x16xi32>,
    %get3A_437 = vector.shape_cast %get3A_436 : vector<1x16xi32> to vector<16xi32>
    %add3A_438 = arith.addi %get3A_437, %get3A_437 : vector<16xi32>
    %add3A_439 = vector.broadcast %arg0 : i32 to vector<16xi32>
    %add3A_440 = arith.addi %add3A_438, %add3A_439 : vector<16xi32>
    %swap3A_441 = arith.constant 1 : i32
    %swap3A_442 = arith.index_cast %swap3A_441 : i32 to index
    %swap3A_443 = arith.constant 16 : index
    %swap3A_444 = tpu.vector_load %arg7[%swap3A_442, %swap3A_443] {strides = array<i32>} : memref<10x80xi32, #tpu.memory_space<vmem>>, vector<1x16xi32>,
    %swap3A_445 = vector.shape_cast %swap3A_444 : vector<1x16xi32> to vector<16xi32>
    %swap3A_446 = vector.shape_cast %add3A_440 : vector<16xi32> to vector<1x16xi32>
    tpu.vector_store %arg7[%swap3A_442, %swap3A_443], %swap3A_446 {strides = array<i32>} : memref<10x80xi32, #tpu.memory_space<vmem>>, vector<1x16xi32>,
    %get3A_447 = arith.constant 1 : i32
    %get3A_448 = arith.index_cast %get3A_447 : i32 to index
    %get3A_449 = arith.constant 32 : index
    %get3A_450 = tpu.vector_load %arg7[%get3A_448, %get3A_449] {strides = array<i32>} : memref<10x80xi32, #tpu.memory_space<vmem>>, vector<1x16xi32>,
    %get3A_451 = vector.shape_cast %get3A_450 : vector<1x16xi32> to vector<16xi32>
    %add3A_452 = arith.addi %get3A_451, %get3A_451 : vector<16xi32>
    %add3A_453 = vector.broadcast %arg0 : i32 to vector<16xi32>
    %add3A_454 = arith.addi %add3A_452, %add3A_453 : vector<16xi32>
    %swap3A_455 = arith.constant 1 : i32
    %swap3A_456 = arith.index_cast %swap3A_455 : i32 to index
    %swap3A_457 = arith.constant 32 : index
    %swap3A_458 = tpu.vector_load %arg7[%swap3A_456, %swap3A_457] {strides = array<i32>} : memref<10x80xi32, #tpu.memory_space<vmem>>, vector<1x16xi32>,
    %swap3A_459 = vector.shape_cast %swap3A_458 : vector<1x16xi32> to vector<16xi32>
    %swap3A_460 = vector.shape_cast %add3A_454 : vector<16xi32> to vector<1x16xi32>
    tpu.vector_store %arg7[%swap3A_456, %swap3A_457], %swap3A_460 {strides = array<i32>} : memref<10x80xi32, #tpu.memory_space<vmem>>, vector<1x16xi32>,
    %get3A_461 = arith.constant 1 : i32
    %get3A_462 = arith.index_cast %get3A_461 : i32 to index
    %get3A_463 = arith.constant 48 : index
    %get3A_464 = tpu.vector_load %arg7[%get3A_462, %get3A_463] {strides = array<i32>} : memref<10x80xi32, #tpu.memory_space<vmem>>, vector<1x16xi32>,
    %get3A_465 = vector.shape_cast %get3A_464 : vector<1x16xi32> to vector<16xi32>
    %add3A_466 = arith.addi %get3A_465, %get3A_465 : vector<16xi32>
    %add3A_467 = vector.broadcast %arg0 : i32 to vector<16xi32>
    %add3A_468 = arith.addi %add3A_466, %add3A_467 : vector<16xi32>
    %swap3A_469 = arith.constant 1 : i32
    %swap3A_470 = arith.index_cast %swap3A_469 : i32 to index
    %swap3A_471 = arith.constant 48 : index
    %swap3A_472 = tpu.vector_load %arg7[%swap3A_470, %swap3A_471] {strides = array<i32>} : memref<10x80xi32, #tpu.memory_space<vmem>>, vector<1x16xi32>,
    %swap3A_473 = vector.shape_cast %swap3A_472 : vector<1x16xi32> to vector<16xi32>
    %swap3A_474 = vector.shape_cast %add3A_468 : vector<16xi32> to vector<1x16xi32>
    tpu.vector_store %arg7[%swap3A_470, %swap3A_471], %swap3A_474 {strides = array<i32>} : memref<10x80xi32, #tpu.memory_space<vmem>>, vector<1x16xi32>,
    %get3A_475 = arith.constant 1 : i32
    %get3A_476 = arith.index_cast %get3A_475 : i32 to index
    %get3A_477 = arith.constant 64 : index
    %get3A_478 = tpu.vector_load %arg7[%get3A_476, %get3A_477] {strides = array<i32>} : memref<10x80xi32, #tpu.memory_space<vmem>>, vector<1x16xi32>,
    %get3A_479 = vector.shape_cast %get3A_478 : vector<1x16xi32> to vector<16xi32>
    %add3A_480 = arith.addi %get3A_479, %get3A_479 : vector<16xi32>
    %add3A_481 = vector.broadcast %arg0 : i32 to vector<16xi32>
    %add3A_482 = arith.addi %add3A_480, %add3A_481 : vector<16xi32>
    %swap3A_483 = arith.constant 1 : i32
    %swap3A_484 = arith.index_cast %swap3A_483 : i32 to index
    %swap3A_485 = arith.constant 64 : index
    %swap3A_486 = tpu.vector_load %arg7[%swap3A_484, %swap3A_485] {strides = array<i32>} : memref<10x80xi32, #tpu.memory_space<vmem>>, vector<1x16xi32>,
    %swap3A_487 = vector.shape_cast %swap3A_486 : vector<1x16xi32> to vector<16xi32>
    %swap3A_488 = vector.shape_cast %add3A_482 : vector<16xi32> to vector<1x16xi32>
    tpu.vector_store %arg7[%swap3A_484, %swap3A_485], %swap3A_488 {strides = array<i32>} : memref<10x80xi32, #tpu.memory_space<vmem>>, vector<1x16xi32>,
    %dma_start3A_489 = arith.constant 1 : i32
    %dma_start3A_490 = arith.constant 0 : i32
    %dma_start3A_491 = tpu.memref_slice %arg7[%dma_start3A_489, %dma_start3A_490] : memref<10x80xi32, #tpu.memory_space<vmem>> -> memref<1x80xi32, #tpu.memory_space<vmem>>
    %dma_start3A_492 = tpu.memref_squeeze %dma_start3A_491 : memref<1x80xi32, #tpu.memory_space<vmem>> -> memref<80xi32, #tpu.memory_space<vmem>>
    %dma_start3A_493 = arith.constant 0 : i32
    %dma_start3A_494 = arith.constant 0 : i32
    %dma_start3A_495 = tpu.memref_slice %arg2[%dma_start3A_493, %dma_start3A_494] : memref<20000x64xf32, #tpu.memory_space<hbm>> -> memref<20000x64xf32, #tpu.memory_space<hbm>>
    tpu.enqueue_indirect_dma source(%dma_start3A_495 : memref<20000x64xf32, #tpu.memory_space<hbm>>) target(%arg10 : memref<80x64xf32, #tpu.memory_space<vmem>>) offsets(%dma_start3A_492 : memref<80xi32, #tpu.memory_space<vmem>>) semaphore(%arg20 : memref<!tpu.dma_semaphore, #tpu.memory_space<semaphore_mem>>)
    %dma_wait3A_496 = arith.constant 2 : i32
    %dma_wait3A_497 = arith.constant 0 : i32
    %dma_wait3A_498 = tpu.memref_slice %arg7[%dma_wait3A_496, %dma_wait3A_497] : memref<10x80xi32, #tpu.memory_space<vmem>> -> memref<1x80xi32, #tpu.memory_space<vmem>>
    %dma_wait3A_499 = tpu.memref_squeeze %dma_wait3A_498 : memref<1x80xi32, #tpu.memory_space<vmem>> -> memref<80xi32, #tpu.memory_space<vmem>>
    %dma_wait3A_500 = arith.constant 0 : i32
    %dma_wait3A_501 = tpu.memref_slice %arg3[%mul3A_0, %dma_wait3A_500] : memref<4000x80xi32, #tpu.memory_space<hbm>> -> memref<1x80xi32, #tpu.memory_space<hbm>>
    %dma_wait3A_502 = tpu.memref_squeeze %dma_wait3A_501 : memref<1x80xi32, #tpu.memory_space<hbm>> -> memref<80xi32, #tpu.memory_space<hbm>>
    %dma_wait3A_503 = arith.constant 0 : i32
    %dma_wait3A_504 = tpu.memref_slice %arg7[%dma_wait3A_496, %dma_wait3A_503] : memref<10x80xi32, #tpu.memory_space<vmem>> -> memref<1x80xi32, #tpu.memory_space<vmem>>
    %dma_wait3A_505 = tpu.memref_squeeze %dma_wait3A_504 : memref<1x80xi32, #tpu.memory_space<vmem>> -> memref<80xi32, #tpu.memory_space<vmem>>
    %dma_wait3A_506 = arith.constant 0 : i32
    %dma_wait3A_507 = tpu.memref_slice %arg3[%mul3A_0, %dma_wait3A_506] : memref<4000x80xi32, #tpu.memory_space<hbm>> -> memref<1x80xi32, #tpu.memory_space<hbm>>
    %dma_wait3A_508 = tpu.memref_squeeze %dma_wait3A_507 : memref<1x80xi32, #tpu.memory_space<hbm>> -> memref<80xi32, #tpu.memory_space<hbm>>
    tpu.wait_dma2 semaphore(%arg36 : memref<!tpu.dma_semaphore, #tpu.memory_space<semaphore_mem>>) src(%dma_wait3A_508 : memref<80xi32, #tpu.memory_space<hbm>>) dst(%dma_wait3A_505 : memref<80xi32, #tpu.memory_space<vmem>>)
    %dma_wait3A_509 = arith.constant 2 : i32
    %dma_wait3A_510 = arith.constant 0 : i32
    %dma_wait3A_511 = tpu.memref_slice %arg8[%dma_wait3A_509, %dma_wait3A_510] : memref<10x80xi32, #tpu.memory_space<vmem>> -> memref<1x80xi32, #tpu.memory_space<vmem>>
    %dma_wait3A_512 = tpu.memref_squeeze %dma_wait3A_511 : memref<1x80xi32, #tpu.memory_space<vmem>> -> memref<80xi32, #tpu.memory_space<vmem>>
    %dma_wait3A_513 = arith.constant 0 : i32
    %dma_wait3A_514 = tpu.memref_slice %arg4[%mul3A_2, %dma_wait3A_513] : memref<4000x80xi32, #tpu.memory_space<hbm>> -> memref<1x80xi32, #tpu.memory_space<hbm>>
    %dma_wait3A_515 = tpu.memref_squeeze %dma_wait3A_514 : memref<1x80xi32, #tpu.memory_space<hbm>> -> memref<80xi32, #tpu.memory_space<hbm>>
    %dma_wait3A_516 = arith.constant 0 : i32
    %dma_wait3A_517 = tpu.memref_slice %arg8[%dma_wait3A_509, %dma_wait3A_516] : memref<10x80xi32, #tpu.memory_space<vmem>> -> memref<1x80xi32, #tpu.memory_space<vmem>>
    %dma_wait3A_518 = tpu.memref_squeeze %dma_wait3A_517 : memref<1x80xi32, #tpu.memory_space<vmem>> -> memref<80xi32, #tpu.memory_space<vmem>>
    %dma_wait3A_519 = arith.constant 0 : i32
    %dma_wait3A_520 = tpu.memref_slice %arg4[%mul3A_2, %dma_wait3A_519] : memref<4000x80xi32, #tpu.memory_space<hbm>> -> memref<1x80xi32, #tpu.memory_space<hbm>>
    %dma_wait3A_521 = tpu.memref_squeeze %dma_wait3A_520 : memref<1x80xi32, #tpu.memory_space<hbm>> -> memref<80xi32, #tpu.memory_space<hbm>>
    tpu.wait_dma2 semaphore(%arg36 : memref<!tpu.dma_semaphore, #tpu.memory_space<semaphore_mem>>) src(%dma_wait3A_521 : memref<80xi32, #tpu.memory_space<hbm>>) dst(%dma_wait3A_518 : memref<80xi32, #tpu.memory_space<vmem>>)
    %get3A_522 = arith.constant 2 : i32
    %get3A_523 = arith.index_cast %get3A_522 : i32 to index
    %get3A_524 = arith.constant 0 : index
    %get3A_525 = tpu.vector_load %arg7[%get3A_523, %get3A_524] {strides = array<i32>} : memref<10x80xi32, #tpu.memory_space<vmem>>, vector<1x16xi32>,
    %get3A_526 = vector.shape_cast %get3A_525 : vector<1x16xi32> to vector<16xi32>
    %add3A_527 = arith.addi %get3A_526, %get3A_526 : vector<16xi32>
    %add3A_528 = vector.broadcast %arg0 : i32 to vector<16xi32>
    %add3A_529 = arith.addi %add3A_527, %add3A_528 : vector<16xi32>
    %swap3A_530 = arith.constant 2 : i32
    %swap3A_531 = arith.index_cast %swap3A_530 : i32 to index
    %swap3A_532 = arith.constant 0 : index
    %swap3A_533 = tpu.vector_load %arg7[%swap3A_531, %swap3A_532] {strides = array<i32>} : memref<10x80xi32, #tpu.memory_space<vmem>>, vector<1x16xi32>,
    %swap3A_534 = vector.shape_cast %swap3A_533 : vector<1x16xi32> to vector<16xi32>
    %swap3A_535 = vector.shape_cast %add3A_529 : vector<16xi32> to vector<1x16xi32>
    tpu.vector_store %arg7[%swap3A_531, %swap3A_532], %swap3A_535 {strides = array<i32>} : memref<10x80xi32, #tpu.memory_space<vmem>>, vector<1x16xi32>,
    %get3A_536 = arith.constant 2 : i32
    %get3A_537 = arith.index_cast %get3A_536 : i32 to index
    %get3A_538 = arith.constant 16 : index
    %get3A_539 = tpu.vector_load %arg7[%get3A_537, %get3A_538] {strides = array<i32>} : memref<10x80xi32, #tpu.memory_space<vmem>>, vector<1x16xi32>,
    %get3A_540 = vector.shape_cast %get3A_539 : vector<1x16xi32> to vector<16xi32>
    %add3A_541 = arith.addi %get3A_540, %get3A_540 : vector<16xi32>
    %add3A_542 = vector.broadcast %arg0 : i32 to vector<16xi32>
    %add3A_543 = arith.addi %add3A_541, %add3A_542 : vector<16xi32>
    %swap3A_544 = arith.constant 2 : i32
    %swap3A_545 = arith.index_cast %swap3A_544 : i32 to index
    %swap3A_546 = arith.constant 16 : index
    %swap3A_547 = tpu.vector_load %arg7[%swap3A_545, %swap3A_546] {strides = array<i32>} : memref<10x80xi32, #tpu.memory_space<vmem>>, vector<1x16xi32>,
    %swap3A_548 = vector.shape_cast %swap3A_547 : vector<1x16xi32> to vector<16xi32>
    %swap3A_549 = vector.shape_cast %add3A_543 : vector<16xi32> to vector<1x16xi32>
    tpu.vector_store %arg7[%swap3A_545, %swap3A_546], %swap3A_549 {strides = array<i32>} : memref<10x80xi32, #tpu.memory_space<vmem>>, vector<1x16xi32>,
    %get3A_550 = arith.constant 2 : i32
    %get3A_551 = arith.index_cast %get3A_550 : i32 to index
    %get3A_552 = arith.constant 32 : index
    %get3A_553 = tpu.vector_load %arg7[%get3A_551, %get3A_552] {strides = array<i32>} : memref<10x80xi32, #tpu.memory_space<vmem>>, vector<1x16xi32>,
    %get3A_554 = vector.shape_cast %get3A_553 : vector<1x16xi32> to vector<16xi32>
    %add3A_555 = arith.addi %get3A_554, %get3A_554 : vector<16xi32>
    %add3A_556 = vector.broadcast %arg0 : i32 to vector<16xi32>
    %add3A_557 = arith.addi %add3A_555, %add3A_556 : vector<16xi32>
    %swap3A_558 = arith.constant 2 : i32
    %swap3A_559 = arith.index_cast %swap3A_558 : i32 to index
    %swap3A_560 = arith.constant 32 : index
    %swap3A_561 = tpu.vector_load %arg7[%swap3A_559, %swap3A_560] {strides = array<i32>} : memref<10x80xi32, #tpu.memory_space<vmem>>, vector<1x16xi32>,
    %swap3A_562 = vector.shape_cast %swap3A_561 : vector<1x16xi32> to vector<16xi32>
    %swap3A_563 = vector.shape_cast %add3A_557 : vector<16xi32> to vector<1x16xi32>
    tpu.vector_store %arg7[%swap3A_559, %swap3A_560], %swap3A_563 {strides = array<i32>} : memref<10x80xi32, #tpu.memory_space<vmem>>, vector<1x16xi32>,
    %get3A_564 = arith.constant 2 : i32
    %get3A_565 = arith.index_cast %get3A_564 : i32 to index
    %get3A_566 = arith.constant 48 : index
    %get3A_567 = tpu.vector_load %arg7[%get3A_565, %get3A_566] {strides = array<i32>} : memref<10x80xi32, #tpu.memory_space<vmem>>, vector<1x16xi32>,
    %get3A_568 = vector.shape_cast %get3A_567 : vector<1x16xi32> to vector<16xi32>
    %add3A_569 = arith.addi %get3A_568, %get3A_568 : vector<16xi32>
    %add3A_570 = vector.broadcast %arg0 : i32 to vector<16xi32>
    %add3A_571 = arith.addi %add3A_569, %add3A_570 : vector<16xi32>
    %swap3A_572 = arith.constant 2 : i32
    %swap3A_573 = arith.index_cast %swap3A_572 : i32 to index
    %swap3A_574 = arith.constant 48 : index
    %swap3A_575 = tpu.vector_load %arg7[%swap3A_573, %swap3A_574] {strides = array<i32>} : memref<10x80xi32, #tpu.memory_space<vmem>>, vector<1x16xi32>,
    %swap3A_576 = vector.shape_cast %swap3A_575 : vector<1x16xi32> to vector<16xi32>
    %swap3A_577 = vector.shape_cast %add3A_571 : vector<16xi32> to vector<1x16xi32>
    tpu.vector_store %arg7[%swap3A_573, %swap3A_574], %swap3A_577 {strides = array<i32>} : memref<10x80xi32, #tpu.memory_space<vmem>>, vector<1x16xi32>,
    %get3A_578 = arith.constant 2 : i32
    %get3A_579 = arith.index_cast %get3A_578 : i32 to index
    %get3A_580 = arith.constant 64 : index
    %get3A_581 = tpu.vector_load %arg7[%get3A_579, %get3A_580] {strides = array<i32>} : memref<10x80xi32, #tpu.memory_space<vmem>>, vector<1x16xi32>,
    %get3A_582 = vector.shape_cast %get3A_581 : vector<1x16xi32> to vector<16xi32>
    %add3A_583 = arith.addi %get3A_582, %get3A_582 : vector<16xi32>
    %add3A_584 = vector.broadcast %arg0 : i32 to vector<16xi32>
    %add3A_585 = arith.addi %add3A_583, %add3A_584 : vector<16xi32>
    %swap3A_586 = arith.constant 2 : i32
    %swap3A_587 = arith.index_cast %swap3A_586 : i32 to index
    %swap3A_588 = arith.constant 64 : index
    %swap3A_589 = tpu.vector_load %arg7[%swap3A_587, %swap3A_588] {strides = array<i32>} : memref<10x80xi32, #tpu.memory_space<vmem>>, vector<1x16xi32>,
    %swap3A_590 = vector.shape_cast %swap3A_589 : vector<1x16xi32> to vector<16xi32>
    %swap3A_591 = vector.shape_cast %add3A_585 : vector<16xi32> to vector<1x16xi32>
    tpu.vector_store %arg7[%swap3A_587, %swap3A_588], %swap3A_591 {strides = array<i32>} : memref<10x80xi32, #tpu.memory_space<vmem>>, vector<1x16xi32>,
    %dma_start3A_592 = arith.constant 2 : i32
    %dma_start3A_593 = arith.constant 0 : i32
    %dma_start3A_594 = tpu.memref_slice %arg7[%dma_start3A_592, %dma_start3A_593] : memref<10x80xi32, #tpu.memory_space<vmem>> -> memref<1x80xi32, #tpu.memory_space<vmem>>
    %dma_start3A_595 = tpu.memref_squeeze %dma_start3A_594 : memref<1x80xi32, #tpu.memory_space<vmem>> -> memref<80xi32, #tpu.memory_space<vmem>>
    %dma_start3A_596 = arith.constant 0 : i32
    %dma_start3A_597 = arith.constant 0 : i32
    %dma_start3A_598 = tpu.memref_slice %arg2[%dma_start3A_596, %dma_start3A_597] : memref<20000x64xf32, #tpu.memory_space<hbm>> -> memref<20000x64xf32, #tpu.memory_space<hbm>>
    tpu.enqueue_indirect_dma source(%dma_start3A_598 : memref<20000x64xf32, #tpu.memory_space<hbm>>) target(%arg11 : memref<80x64xf32, #tpu.memory_space<vmem>>) offsets(%dma_start3A_595 : memref<80xi32, #tpu.memory_space<vmem>>) semaphore(%arg21 : memref<!tpu.dma_semaphore, #tpu.memory_space<semaphore_mem>>)
    %dma_wait3A_599 = arith.constant 3 : i32
    %dma_wait3A_600 = arith.constant 0 : i32
    %dma_wait3A_601 = tpu.memref_slice %arg7[%dma_wait3A_599, %dma_wait3A_600] : memref<10x80xi32, #tpu.memory_space<vmem>> -> memref<1x80xi32, #tpu.memory_space<vmem>>
    %dma_wait3A_602 = tpu.memref_squeeze %dma_wait3A_601 : memref<1x80xi32, #tpu.memory_space<vmem>> -> memref<80xi32, #tpu.memory_space<vmem>>
    %dma_wait3A_603 = arith.constant 0 : i32
    %dma_wait3A_604 = tpu.memref_slice %arg3[%mul3A_0, %dma_wait3A_603] : memref<4000x80xi32, #tpu.memory_space<hbm>> -> memref<1x80xi32, #tpu.memory_space<hbm>>
    %dma_wait3A_605 = tpu.memref_squeeze %dma_wait3A_604 : memref<1x80xi32, #tpu.memory_space<hbm>> -> memref<80xi32, #tpu.memory_space<hbm>>
    %dma_wait3A_606 = arith.constant 0 : i32
    %dma_wait3A_607 = tpu.memref_slice %arg7[%dma_wait3A_599, %dma_wait3A_606] : memref<10x80xi32, #tpu.memory_space<vmem>> -> memref<1x80xi32, #tpu.memory_space<vmem>>
    %dma_wait3A_608 = tpu.memref_squeeze %dma_wait3A_607 : memref<1x80xi32, #tpu.memory_space<vmem>> -> memref<80xi32, #tpu.memory_space<vmem>>
    %dma_wait3A_609 = arith.constant 0 : i32
    %dma_wait3A_610 = tpu.memref_slice %arg3[%mul3A_0, %dma_wait3A_609] : memref<4000x80xi32, #tpu.memory_space<hbm>> -> memref<1x80xi32, #tpu.memory_space<hbm>>
    %dma_wait3A_611 = tpu.memref_squeeze %dma_wait3A_610 : memref<1x80xi32, #tpu.memory_space<hbm>> -> memref<80xi32, #tpu.memory_space<hbm>>
    tpu.wait_dma2 semaphore(%arg37 : memref<!tpu.dma_semaphore, #tpu.memory_space<semaphore_mem>>) src(%dma_wait3A_611 : memref<80xi32, #tpu.memory_space<hbm>>) dst(%dma_wait3A_608 : memref<80xi32, #tpu.memory_space<vmem>>)
    %dma_wait3A_612 = arith.constant 3 : i32
    %dma_wait3A_613 = arith.constant 0 : i32
    %dma_wait3A_614 = tpu.memref_slice %arg8[%dma_wait3A_612, %dma_wait3A_613] : memref<10x80xi32, #tpu.memory_space<vmem>> -> memref<1x80xi32, #tpu.memory_space<vmem>>
    %dma_wait3A_615 = tpu.memref_squeeze %dma_wait3A_614 : memref<1x80xi32, #tpu.memory_space<vmem>> -> memref<80xi32, #tpu.memory_space<vmem>>
    %dma_wait3A_616 = arith.constant 0 : i32
    %dma_wait3A_617 = tpu.memref_slice %arg4[%mul3A_2, %dma_wait3A_616] : memref<4000x80xi32, #tpu.memory_space<hbm>> -> memref<1x80xi32, #tpu.memory_space<hbm>>
    %dma_wait3A_618 = tpu.memref_squeeze %dma_wait3A_617 : memref<1x80xi32, #tpu.memory_space<hbm>> -> memref<80xi32, #tpu.memory_space<hbm>>
    %dma_wait3A_619 = arith.constant 0 : i32
    %dma_wait3A_620 = tpu.memref_slice %arg8[%dma_wait3A_612, %dma_wait3A_619] : memref<10x80xi32, #tpu.memory_space<vmem>> -> memref<1x80xi32, #tpu.memory_space<vmem>>
    %dma_wait3A_621 = tpu.memref_squeeze %dma_wait3A_620 : memref<1x80xi32, #tpu.memory_space<vmem>> -> memref<80xi32, #tpu.memory_space<vmem>>
    %dma_wait3A_622 = arith.constant 0 : i32
    %dma_wait3A_623 = tpu.memref_slice %arg4[%mul3A_2, %dma_wait3A_622] : memref<4000x80xi32, #tpu.memory_space<hbm>> -> memref<1x80xi32, #tpu.memory_space<hbm>>
    %dma_wait3A_624 = tpu.memref_squeeze %dma_wait3A_623 : memref<1x80xi32, #tpu.memory_space<hbm>> -> memref<80xi32, #tpu.memory_space<hbm>>
    tpu.wait_dma2 semaphore(%arg37 : memref<!tpu.dma_semaphore, #tpu.memory_space<semaphore_mem>>) src(%dma_wait3A_624 : memref<80xi32, #tpu.memory_space<hbm>>) dst(%dma_wait3A_621 : memref<80xi32, #tpu.memory_space<vmem>>)
    %get3A_625 = arith.constant 3 : i32
    %get3A_626 = arith.index_cast %get3A_625 : i32 to index
    %get3A_627 = arith.constant 0 : index
    %get3A_628 = tpu.vector_load %arg7[%get3A_626, %get3A_627] {strides = array<i32>} : memref<10x80xi32, #tpu.memory_space<vmem>>, vector<1x16xi32>,
    %get3A_629 = vector.shape_cast %get3A_628 : vector<1x16xi32> to vector<16xi32>
    %add3A_630 = arith.addi %get3A_629, %get3A_629 : vector<16xi32>
    %add3A_631 = vector.broadcast %arg0 : i32 to vector<16xi32>
    %add3A_632 = arith.addi %add3A_630, %add3A_631 : vector<16xi32>
    %swap3A_633 = arith.constant 3 : i32
    %swap3A_634 = arith.index_cast %swap3A_633 : i32 to index
    %swap3A_635 = arith.constant 0 : index
    %swap3A_636 = tpu.vector_load %arg7[%swap3A_634, %swap3A_635] {strides = array<i32>} : memref<10x80xi32, #tpu.memory_space<vmem>>, vector<1x16xi32>,
    %swap3A_637 = vector.shape_cast %swap3A_636 : vector<1x16xi32> to vector<16xi32>
    %swap3A_638 = vector.shape_cast %add3A_632 : vector<16xi32> to vector<1x16xi32>
    tpu.vector_store %arg7[%swap3A_634, %swap3A_635], %swap3A_638 {strides = array<i32>} : memref<10x80xi32, #tpu.memory_space<vmem>>, vector<1x16xi32>,
    %get3A_639 = arith.constant 3 : i32
    %get3A_640 = arith.index_cast %get3A_639 : i32 to index
    %get3A_641 = arith.constant 16 : index
    %get3A_642 = tpu.vector_load %arg7[%get3A_640, %get3A_641] {strides = array<i32>} : memref<10x80xi32, #tpu.memory_space<vmem>>, vector<1x16xi32>,
    %get3A_643 = vector.shape_cast %get3A_642 : vector<1x16xi32> to vector<16xi32>
    %add3A_644 = arith.addi %get3A_643, %get3A_643 : vector<16xi32>
    %add3A_645 = vector.broadcast %arg0 : i32 to vector<16xi32>
    %add3A_646 = arith.addi %add3A_644, %add3A_645 : vector<16xi32>
    %swap3A_647 = arith.constant 3 : i32
    %swap3A_648 = arith.index_cast %swap3A_647 : i32 to index
    %swap3A_649 = arith.constant 16 : index
    %swap3A_650 = tpu.vector_load %arg7[%swap3A_648, %swap3A_649] {strides = array<i32>} : memref<10x80xi32, #tpu.memory_space<vmem>>, vector<1x16xi32>,
    %swap3A_651 = vector.shape_cast %swap3A_650 : vector<1x16xi32> to vector<16xi32>
    %swap3A_652 = vector.shape_cast %add3A_646 : vector<16xi32> to vector<1x16xi32>
    tpu.vector_store %arg7[%swap3A_648, %swap3A_649], %swap3A_652 {strides = array<i32>} : memref<10x80xi32, #tpu.memory_space<vmem>>, vector<1x16xi32>,
    %get3A_653 = arith.constant 3 : i32
    %get3A_654 = arith.index_cast %get3A_653 : i32 to index
    %get3A_655 = arith.constant 32 : index
    %get3A_656 = tpu.vector_load %arg7[%get3A_654, %get3A_655] {strides = array<i32>} : memref<10x80xi32, #tpu.memory_space<vmem>>, vector<1x16xi32>,
    %get3A_657 = vector.shape_cast %get3A_656 : vector<1x16xi32> to vector<16xi32>
    %add3A_658 = arith.addi %get3A_657, %get3A_657 : vector<16xi32>
    %add3A_659 = vector.broadcast %arg0 : i32 to vector<16xi32>
    %add3A_660 = arith.addi %add3A_658, %add3A_659 : vector<16xi32>
    %swap3A_661 = arith.constant 3 : i32
    %swap3A_662 = arith.index_cast %swap3A_661 : i32 to index
    %swap3A_663 = arith.constant 32 : index
    %swap3A_664 = tpu.vector_load %arg7[%swap3A_662, %swap3A_663] {strides = array<i32>} : memref<10x80xi32, #tpu.memory_space<vmem>>, vector<1x16xi32>,
    %swap3A_665 = vector.shape_cast %swap3A_664 : vector<1x16xi32> to vector<16xi32>
    %swap3A_666 = vector.shape_cast %add3A_660 : vector<16xi32> to vector<1x16xi32>
    tpu.vector_store %arg7[%swap3A_662, %swap3A_663], %swap3A_666 {strides = array<i32>} : memref<10x80xi32, #tpu.memory_space<vmem>>, vector<1x16xi32>,
    %get3A_667 = arith.constant 3 : i32
    %get3A_668 = arith.index_cast %get3A_667 : i32 to index
    %get3A_669 = arith.constant 48 : index
    %get3A_670 = tpu.vector_load %arg7[%get3A_668, %get3A_669] {strides = array<i32>} : memref<10x80xi32, #tpu.memory_space<vmem>>, vector<1x16xi32>,
    %get3A_671 = vector.shape_cast %get3A_670 : vector<1x16xi32> to vector<16xi32>
    %add3A_672 = arith.addi %get3A_671, %get3A_671 : vector<16xi32>
    %add3A_673 = vector.broadcast %arg0 : i32 to vector<16xi32>
    %add3A_674 = arith.addi %add3A_672, %add3A_673 : vector<16xi32>
    %swap3A_675 = arith.constant 3 : i32
    %swap3A_676 = arith.index_cast %swap3A_675 : i32 to index
    %swap3A_677 = arith.constant 48 : index
    %swap3A_678 = tpu.vector_load %arg7[%swap3A_676, %swap3A_677] {strides = array<i32>} : memref<10x80xi32, #tpu.memory_space<vmem>>, vector<1x16xi32>,
    %swap3A_679 = vector.shape_cast %swap3A_678 : vector<1x16xi32> to vector<16xi32>
    %swap3A_680 = vector.shape_cast %add3A_674 : vector<16xi32> to vector<1x16xi32>
    tpu.vector_store %arg7[%swap3A_676, %swap3A_677], %swap3A_680 {strides = array<i32>} : memref<10x80xi32, #tpu.memory_space<vmem>>, vector<1x16xi32>,
    %get3A_681 = arith.constant 3 : i32
    %get3A_682 = arith.index_cast %get3A_681 : i32 to index
    %get3A_683 = arith.constant 64 : index
    %get3A_684 = tpu.vector_load %arg7[%get3A_682, %get3A_683] {strides = array<i32>} : memref<10x80xi32, #tpu.memory_space<vmem>>, vector<1x16xi32>,
    %get3A_685 = vector.shape_cast %get3A_684 : vector<1x16xi32> to vector<16xi32>
    %add3A_686 = arith.addi %get3A_685, %get3A_685 : vector<16xi32>
    %add3A_687 = vector.broadcast %arg0 : i32 to vector<16xi32>
    %add3A_688 = arith.addi %add3A_686, %add3A_687 : vector<16xi32>
    %swap3A_689 = arith.constant 3 : i32
    %swap3A_690 = arith.index_cast %swap3A_689 : i32 to index
    %swap3A_691 = arith.constant 64 : index
    %swap3A_692 = tpu.vector_load %arg7[%swap3A_690, %swap3A_691] {strides = array<i32>} : memref<10x80xi32, #tpu.memory_space<vmem>>, vector<1x16xi32>,
    %swap3A_693 = vector.shape_cast %swap3A_692 : vector<1x16xi32> to vector<16xi32>
    %swap3A_694 = vector.shape_cast %add3A_688 : vector<16xi32> to vector<1x16xi32>
    tpu.vector_store %arg7[%swap3A_690, %swap3A_691], %swap3A_694 {strides = array<i32>} : memref<10x80xi32, #tpu.memory_space<vmem>>, vector<1x16xi32>,
    %dma_start3A_695 = arith.constant 3 : i32
    %dma_start3A_696 = arith.constant 0 : i32
    %dma_start3A_697 = tpu.memref_slice %arg7[%dma_start3A_695, %dma_start3A_696] : memref<10x80xi32, #tpu.memory_space<vmem>> -> memref<1x80xi32, #tpu.memory_space<vmem>>
    %dma_start3A_698 = tpu.memref_squeeze %dma_start3A_697 : memref<1x80xi32, #tpu.memory_space<vmem>> -> memref<80xi32, #tpu.memory_space<vmem>>
    %dma_start3A_699 = arith.constant 0 : i32
    %dma_start3A_700 = arith.constant 0 : i32
    %dma_start3A_701 = tpu.memref_slice %arg2[%dma_start3A_699, %dma_start3A_700] : memref<20000x64xf32, #tpu.memory_space<hbm>> -> memref<20000x64xf32, #tpu.memory_space<hbm>>
    tpu.enqueue_indirect_dma source(%dma_start3A_701 : memref<20000x64xf32, #tpu.memory_space<hbm>>) target(%arg12 : memref<80x64xf32, #tpu.memory_space<vmem>>) offsets(%dma_start3A_698 : memref<80xi32, #tpu.memory_space<vmem>>) semaphore(%arg22 : memref<!tpu.dma_semaphore, #tpu.memory_space<semaphore_mem>>)
    %scan3A_702 = arith.constant 0 : i32
    %scan3A_703 = arith.constant 0 : i32
    %scan3A_704 = arith.constant 50 : i32
    %scan3A_705 = arith.addi %scan3A_703, %scan3A_704 : i32
    %scan3A_706 = arith.constant 1 : i32
    %scan3A_707 = scf.for %scan3A_761 = %scan3A_703 to %scan3A_705 step %scan3A_706 iter_args(%scan3A_762 = %scan3A_702) -> (i32)  : i32 {
      %dma_wait3A_763 = arith.constant 0 : i32
      %dma_wait3A_764 = tpu.memref_slice %arg17[%mul3A_285, %dma_wait3A_763] : memref<20000x64xf32, #tpu.memory_space<vmem_shared>> -> memref<25x64xf32, #tpu.memory_space<vmem_shared>>
      %dma_wait3A_765 = arith.constant 0 : i32
      %dma_wait3A_766 = tpu.memref_slice %arg17[%mul3A_285, %dma_wait3A_765] : memref<20000x64xf32, #tpu.memory_space<vmem_shared>> -> memref<25x64xf32, #tpu.memory_space<vmem_shared>>
      tpu.wait_dma2 semaphore(%arg44 : memref<!tpu.dma_semaphore, #tpu.memory_space<semaphore_mem>>) src(%arg15 : memref<25x64xf32, #tpu.memory_space<vmem>>) dst(%dma_wait3A_766 : memref<25x64xf32, #tpu.memory_space<vmem_shared>>)
      %dma_wait3A_767 = arith.constant 0 : i32
      %dma_wait3A_768 = tpu.memref_slice %arg18[%mul3A_285, %dma_wait3A_767] : memref<20000x16xf32, #tpu.memory_space<vmem_shared>> -> memref<25x16xf32, #tpu.memory_space<vmem_shared>>
      %dma_wait3A_769 = arith.constant 0 : i32
      %dma_wait3A_770 = tpu.memref_slice %arg18[%mul3A_285, %dma_wait3A_769] : memref<20000x16xf32, #tpu.memory_space<vmem_shared>> -> memref<25x16xf32, #tpu.memory_space<vmem_shared>>
      tpu.wait_dma2 semaphore(%arg44 : memref<!tpu.dma_semaphore, #tpu.memory_space<semaphore_mem>>) src(%arg16 : memref<25x16xf32, #tpu.memory_space<vmem>>) dst(%dma_wait3A_770 : memref<25x16xf32, #tpu.memory_space<vmem_shared>>)
      %scan3A_771 = arith.constant 0 : i32
      scf.yield %scan3A_771 : i32
    }
    %scan3A_708 = arith.constant 50 : i32
    %barrier3A = arith.constant 0 : index
    tpu.barrier barrier_id(%barrier3A)
    %scan3A_709 = arith.constant 0 : i32
    %scan3A_710 = arith.constant 0 : i32
    %scan3A_711 = arith.constant 25 : i32
    %scan3A_712 = arith.addi %scan3A_710, %scan3A_711 : i32
    %scan3A_713 = arith.constant 1 : i32
    %scan3A_714 = scf.for %scan3A_761 = %scan3A_710 to %scan3A_712 step %scan3A_713 iter_args(%scan3A_762 = %scan3A_709) -> (i32)  : i32 {
      %mul3A_763 = arith.constant 10 : i32
      %mul3A_764 = arith.muli %scan3A_761, %mul3A_763 : i32
      %add3A_765 = arith.constant 0 : i32
      %add3A_766 = arith.addi %mul3A_764, %add3A_765 : i32
      %dma_wait3A_767 = arith.constant 0 : i32
      %dma_wait3A_768 = arith.constant 0 : i32
      %dma_wait3A_769 = tpu.memref_slice %arg7[%dma_wait3A_767, %dma_wait3A_768] : memref<10x80xi32, #tpu.memory_space<vmem>> -> memref<1x80xi32, #tpu.memory_space<vmem>>
      %dma_wait3A_770 = tpu.memref_squeeze %dma_wait3A_769 : memref<1x80xi32, #tpu.memory_space<vmem>> -> memref<80xi32, #tpu.memory_space<vmem>>
      %dma_wait3A_771 = arith.constant 0 : i32
      %dma_wait3A_772 = arith.constant 0 : i32
      %dma_wait3A_773 = tpu.memref_slice %arg2[%dma_wait3A_771, %dma_wait3A_772] : memref<20000x64xf32, #tpu.memory_space<hbm>> -> memref<20000x64xf32, #tpu.memory_space<hbm>>
      tpu.wait_indirect_dma semaphore(%arg19 : memref<!tpu.dma_semaphore, #tpu.memory_space<semaphore_mem>>) src(%dma_wait3A_773 : memref<20000x64xf32, #tpu.memory_space<hbm>>) dst(%arg9 : memref<80x64xf32, #tpu.memory_space<vmem>>)
      %dma_start3A_774 = arith.constant 0 : i32
      %dma_start3A_775 = arith.constant 0 : i32
      %dma_start3A_776 = tpu.memref_slice %arg8[%dma_start3A_774, %dma_start3A_775] : memref<10x80xi32, #tpu.memory_space<vmem>> -> memref<1x80xi32, #tpu.memory_space<vmem>>
      %dma_start3A_777 = tpu.memref_squeeze %dma_start3A_776 : memref<1x80xi32, #tpu.memory_space<vmem>> -> memref<80xi32, #tpu.memory_space<vmem>>
      %dma_start3A_778 = arith.constant 0 : i32
      %dma_start3A_779 = arith.constant 0 : i32
      %dma_start3A_780 = tpu.memref_slice %arg17[%dma_start3A_778, %dma_start3A_779] : memref<20000x64xf32, #tpu.memory_space<vmem_shared>> -> memref<20000x64xf32, #tpu.memory_space<vmem_shared>>
      tpu.enqueue_indirect_dma source(%arg9 : memref<80x64xf32, #tpu.memory_space<vmem>>) target(%dma_start3A_780 : memref<20000x64xf32, #tpu.memory_space<vmem_shared>>) offsets(%dma_start3A_777 : memref<80xi32, #tpu.memory_space<vmem>>) semaphore(%arg24 : memref<!tpu.dma_semaphore, #tpu.memory_space<semaphore_mem>>) {add = true}
      %jit3A = arith.constant 2 : i32
      %eq3A_781 = arith.constant 0 : i32
      %eq3A_782 = arith.cmpi eq, %jit3A, %eq3A_781 : i32
      %jit3A_783 = arith.constant 1 : i32
      %select_n3A = arith.select %eq3A_782, %jit3A_783, %jit3A : i32
      %rem3A = arith.remsi %add3A_766, %select_n3A : i32
      %ne3A = arith.constant 0 : i32
      %ne3A_784 = arith.cmpi ne, %rem3A, %ne3A : i32
      %lt3A = arith.constant 0 : i32
      %lt3A_785 = arith.cmpi slt, %rem3A, %lt3A : i32
      %lt3A_786 = arith.constant 0 : i32
      %lt3A_787 = arith.cmpi slt, %select_n3A, %lt3A_786 : i32
      %ne3A_788 = arith.xori %lt3A_785, %lt3A_787 : i1
      %and3A = arith.andi %ne3A_788, %ne3A_784 : i1
      %add3A_789 = arith.addi %rem3A, %select_n3A : i32
      %select_n3A_790 = arith.select %and3A, %add3A_789, %rem3A : i32
      %eq3A_791 = arith.cmpi eq, %select_n3A_790, %arg0 : i32
      %convert_element_type3A_792 = arith.extui %eq3A_791 : i1 to i32
      %cond3A_793 = arith.constant 0 : i32
      %cond3A_794 = arith.cmpi ne, %convert_element_type3A_792, %cond3A_793 : i32
      scf.if %cond3A_794 {
        %dma_start3A_1616 = arith.constant 0 : i32
        %dma_start3A_1617 = arith.constant 0 : i32
        %dma_start3A_1618 = tpu.memref_slice %arg8[%dma_start3A_1616, %dma_start3A_1617] : memref<10x80xi32, #tpu.memory_space<vmem>> -> memref<1x80xi32, #tpu.memory_space<vmem>>
        %dma_start3A_1619 = tpu.memref_squeeze %dma_start3A_1618 : memref<1x80xi32, #tpu.memory_space<vmem>> -> memref<80xi32, #tpu.memory_space<vmem>>
        %dma_start3A_1620 = arith.constant 0 : i32
        %dma_start3A_1621 = arith.constant 0 : i32
        %dma_start3A_1622 = tpu.memref_slice %arg18[%dma_start3A_1620, %dma_start3A_1621] : memref<20000x16xf32, #tpu.memory_space<vmem_shared>> -> memref<20000x16xf32, #tpu.memory_space<vmem_shared>>
        tpu.enqueue_indirect_dma source(%arg14 : memref<80x16xf32, #tpu.memory_space<vmem>>) target(%dma_start3A_1622 : memref<20000x16xf32, #tpu.memory_space<vmem_shared>>) offsets(%dma_start3A_1619 : memref<80xi32, #tpu.memory_space<vmem>>) semaphore(%arg29 : memref<!tpu.dma_semaphore, #tpu.memory_space<semaphore_mem>>) {add = true}
      } else {
      }
      %gt3A = arith.constant 0 : i32
      %gt3A_795 = arith.cmpi sgt, %add3A_766, %gt3A : i32
      %convert_element_type3A_796 = arith.extui %gt3A_795 : i1 to i32
      %cond3A_797 = arith.constant 0 : i32
      %cond3A_798 = arith.cmpi ne, %convert_element_type3A_796, %cond3A_797 : i32
      scf.if %cond3A_798 {
        %dma_wait3A_1616 = arith.constant 0 : i32
        %dma_wait3A_1617 = arith.constant 0 : i32
        %dma_wait3A_1618 = tpu.memref_slice %arg8[%dma_wait3A_1616, %dma_wait3A_1617] : memref<10x80xi32, #tpu.memory_space<vmem>> -> memref<1x80xi32, #tpu.memory_space<vmem>>
        %dma_wait3A_1619 = tpu.memref_squeeze %dma_wait3A_1618 : memref<1x80xi32, #tpu.memory_space<vmem>> -> memref<80xi32, #tpu.memory_space<vmem>>
        %dma_wait3A_1620 = arith.constant 0 : i32
        %dma_wait3A_1621 = arith.constant 0 : i32
        %dma_wait3A_1622 = tpu.memref_slice %arg17[%dma_wait3A_1620, %dma_wait3A_1621] : memref<20000x64xf32, #tpu.memory_space<vmem_shared>> -> memref<20000x64xf32, #tpu.memory_space<vmem_shared>>
        tpu.wait_indirect_dma semaphore(%arg28 : memref<!tpu.dma_semaphore, #tpu.memory_space<semaphore_mem>>) src(%arg13 : memref<80x64xf32, #tpu.memory_space<vmem>>) dst(%dma_wait3A_1622 : memref<20000x64xf32, #tpu.memory_space<vmem_shared>>)
      } else {
      }
      %gt3A_799 = arith.constant 0 : i32
      %gt3A_800 = arith.cmpi sgt, %add3A_766, %gt3A_799 : i32
      %sub3A = arith.constant 1 : i32
      %sub3A_801 = arith.subi %add3A_766, %sub3A : i32
      %jit3A_802 = arith.constant 2 : i32
      %eq3A_803 = arith.constant 0 : i32
      %eq3A_804 = arith.cmpi eq, %jit3A_802, %eq3A_803 : i32
      %jit3A_805 = arith.constant 1 : i32
      %select_n3A_806 = arith.select %eq3A_804, %jit3A_805, %jit3A_802 : i32
      %rem3A_807 = arith.remsi %sub3A_801, %select_n3A_806 : i32
      %ne3A_808 = arith.constant 0 : i32
      %ne3A_809 = arith.cmpi ne, %rem3A_807, %ne3A_808 : i32
      %lt3A_810 = arith.constant 0 : i32
      %lt3A_811 = arith.cmpi slt, %rem3A_807, %lt3A_810 : i32
      %lt3A_812 = arith.constant 0 : i32
      %lt3A_813 = arith.cmpi slt, %select_n3A_806, %lt3A_812 : i32
      %ne3A_814 = arith.xori %lt3A_811, %lt3A_813 : i1
      %and3A_815 = arith.andi %ne3A_814, %ne3A_809 : i1
      %add3A_816 = arith.addi %rem3A_807, %select_n3A_806 : i32
      %select_n3A_817 = arith.select %and3A_815, %add3A_816, %rem3A_807 : i32
      %eq3A_818 = arith.cmpi eq, %select_n3A_817, %arg0 : i32
      %and3A_819 = arith.andi %gt3A_800, %eq3A_818 : i1
      %convert_element_type3A_820 = arith.extui %and3A_819 : i1 to i32
      %cond3A_821 = arith.constant 0 : i32
      %cond3A_822 = arith.cmpi ne, %convert_element_type3A_820, %cond3A_821 : i32
      scf.if %cond3A_822 {
        %dma_wait3A_1616 = arith.constant 0 : i32
        %dma_wait3A_1617 = arith.constant 0 : i32
        %dma_wait3A_1618 = tpu.memref_slice %arg8[%dma_wait3A_1616, %dma_wait3A_1617] : memref<10x80xi32, #tpu.memory_space<vmem>> -> memref<1x80xi32, #tpu.memory_space<vmem>>
        %dma_wait3A_1619 = tpu.memref_squeeze %dma_wait3A_1618 : memref<1x80xi32, #tpu.memory_space<vmem>> -> memref<80xi32, #tpu.memory_space<vmem>>
        %dma_wait3A_1620 = arith.constant 0 : i32
        %dma_wait3A_1621 = arith.constant 0 : i32
        %dma_wait3A_1622 = tpu.memref_slice %arg18[%dma_wait3A_1620, %dma_wait3A_1621] : memref<20000x16xf32, #tpu.memory_space<vmem_shared>> -> memref<20000x16xf32, #tpu.memory_space<vmem_shared>>
        tpu.wait_indirect_dma semaphore(%arg33 : memref<!tpu.dma_semaphore, #tpu.memory_space<semaphore_mem>>) src(%arg14 : memref<80x16xf32, #tpu.memory_space<vmem>>) dst(%dma_wait3A_1622 : memref<20000x16xf32, #tpu.memory_space<vmem_shared>>)
      } else {
      }
      %add3A_823 = arith.constant 10 : i32
      %add3A_824 = arith.addi %add3A_766, %add3A_823 : i32
      %sub3A_825 = arith.constant 1 : i32
      %sub3A_826 = arith.subi %add3A_824, %sub3A_825 : i32
      %lt3A_827 = arith.constant 250 : i32
      %lt3A_828 = arith.cmpi slt, %sub3A_826, %lt3A_827 : i32
      %convert_element_type3A_829 = arith.extui %lt3A_828 : i1 to i32
      %cond3A_830 = arith.constant 0 : i32
      %cond3A_831 = arith.cmpi ne, %convert_element_type3A_829, %cond3A_830 : i32
      scf.if %cond3A_831 {
        %add3A_1616 = arith.addi %mul3A_0, %add3A_766 : i32
        %add3A_1617 = arith.constant 10 : i32
        %add3A_1618 = arith.addi %add3A_1616, %add3A_1617 : i32
        %sub3A_1619 = arith.constant 1 : i32
        %sub3A_1620 = arith.subi %add3A_1618, %sub3A_1619 : i32
        %dma_start3A_1621 = arith.constant 9 : i32
        %dma_start3A_1622 = arith.constant 0 : i32
        %dma_start3A_1623 = tpu.memref_slice %arg7[%dma_start3A_1621, %dma_start3A_1622] : memref<10x80xi32, #tpu.memory_space<vmem>> -> memref<1x80xi32, #tpu.memory_space<vmem>>
        %dma_start3A_1624 = tpu.memref_squeeze %dma_start3A_1623 : memref<1x80xi32, #tpu.memory_space<vmem>> -> memref<80xi32, #tpu.memory_space<vmem>>
        %dma_start3A_1625 = arith.constant 0 : i32
        %dma_start3A_1626 = tpu.memref_slice %arg3[%sub3A_1620, %dma_start3A_1625] : memref<4000x80xi32, #tpu.memory_space<hbm>> -> memref<1x80xi32, #tpu.memory_space<hbm>>
        %dma_start3A_1627 = tpu.memref_squeeze %dma_start3A_1626 : memref<1x80xi32, #tpu.memory_space<hbm>> -> memref<80xi32, #tpu.memory_space<hbm>>
        %dma_start3A_1628 = arith.constant 0 : i32
        %dma_start3A_1629 = tpu.memref_slice %arg7[%dma_start3A_1621, %dma_start3A_1628] : memref<10x80xi32, #tpu.memory_space<vmem>> -> memref<1x80xi32, #tpu.memory_space<vmem>>
        %dma_start3A_1630 = tpu.memref_squeeze %dma_start3A_1629 : memref<1x80xi32, #tpu.memory_space<vmem>> -> memref<80xi32, #tpu.memory_space<vmem>>
        %dma_start3A_1631 = arith.constant 0 : i32
        %dma_start3A_1632 = tpu.memref_slice %arg3[%sub3A_1620, %dma_start3A_1631] : memref<4000x80xi32, #tpu.memory_space<hbm>> -> memref<1x80xi32, #tpu.memory_space<hbm>>
        %dma_start3A_1633 = tpu.memref_squeeze %dma_start3A_1632 : memref<1x80xi32, #tpu.memory_space<hbm>> -> memref<80xi32, #tpu.memory_space<hbm>>
        tpu.enqueue_dma source(%dma_start3A_1633 : memref<80xi32, #tpu.memory_space<hbm>>) target(%dma_start3A_1630 : memref<80xi32, #tpu.memory_space<vmem>>) target_semaphore(%arg43 : memref<!tpu.dma_semaphore, #tpu.memory_space<semaphore_mem>>)
        %add3A_1634 = arith.addi %mul3A_2, %add3A_766 : i32
        %add3A_1635 = arith.constant 10 : i32
        %add3A_1636 = arith.addi %add3A_1634, %add3A_1635 : i32
        %sub3A_1637 = arith.constant 1 : i32
        %sub3A_1638 = arith.subi %add3A_1636, %sub3A_1637 : i32
        %dma_start3A_1639 = arith.constant 9 : i32
        %dma_start3A_1640 = arith.constant 0 : i32
        %dma_start3A_1641 = tpu.memref_slice %arg8[%dma_start3A_1639, %dma_start3A_1640] : memref<10x80xi32, #tpu.memory_space<vmem>> -> memref<1x80xi32, #tpu.memory_space<vmem>>
        %dma_start3A_1642 = tpu.memref_squeeze %dma_start3A_1641 : memref<1x80xi32, #tpu.memory_space<vmem>> -> memref<80xi32, #tpu.memory_space<vmem>>
        %dma_start3A_1643 = arith.constant 0 : i32
        %dma_start3A_1644 = tpu.memref_slice %arg4[%sub3A_1638, %dma_start3A_1643] : memref<4000x80xi32, #tpu.memory_space<hbm>> -> memref<1x80xi32, #tpu.memory_space<hbm>>
        %dma_start3A_1645 = tpu.memref_squeeze %dma_start3A_1644 : memref<1x80xi32, #tpu.memory_space<hbm>> -> memref<80xi32, #tpu.memory_space<hbm>>
        %dma_start3A_1646 = arith.constant 0 : i32
        %dma_start3A_1647 = tpu.memref_slice %arg8[%dma_start3A_1639, %dma_start3A_1646] : memref<10x80xi32, #tpu.memory_space<vmem>> -> memref<1x80xi32, #tpu.memory_space<vmem>>
        %dma_start3A_1648 = tpu.memref_squeeze %dma_start3A_1647 : memref<1x80xi32, #tpu.memory_space<vmem>> -> memref<80xi32, #tpu.memory_space<vmem>>
        %dma_start3A_1649 = arith.constant 0 : i32
        %dma_start3A_1650 = tpu.memref_slice %arg4[%sub3A_1638, %dma_start3A_1649] : memref<4000x80xi32, #tpu.memory_space<hbm>> -> memref<1x80xi32, #tpu.memory_space<hbm>>
        %dma_start3A_1651 = tpu.memref_squeeze %dma_start3A_1650 : memref<1x80xi32, #tpu.memory_space<hbm>> -> memref<80xi32, #tpu.memory_space<hbm>>
        tpu.enqueue_dma source(%dma_start3A_1651 : memref<80xi32, #tpu.memory_space<hbm>>) target(%dma_start3A_1648 : memref<80xi32, #tpu.memory_space<vmem>>) target_semaphore(%arg43 : memref<!tpu.dma_semaphore, #tpu.memory_space<semaphore_mem>>)
      } else {
      }
      %add3A_832 = arith.constant 5 : i32
      %add3A_833 = arith.addi %add3A_766, %add3A_832 : i32
      %sub3A_834 = arith.constant 1 : i32
      %sub3A_835 = arith.subi %add3A_833, %sub3A_834 : i32
      %lt3A_836 = arith.constant 250 : i32
      %lt3A_837 = arith.cmpi slt, %sub3A_835, %lt3A_836 : i32
      %convert_element_type3A_838 = arith.extui %lt3A_837 : i1 to i32
      %cond3A_839 = arith.constant 0 : i32
      %cond3A_840 = arith.cmpi ne, %convert_element_type3A_838, %cond3A_839 : i32
      scf.if %cond3A_840 {
        %dma_wait3A_1616 = arith.constant 4 : i32
        %dma_wait3A_1617 = arith.constant 0 : i32
        %dma_wait3A_1618 = tpu.memref_slice %arg7[%dma_wait3A_1616, %dma_wait3A_1617] : memref<10x80xi32, #tpu.memory_space<vmem>> -> memref<1x80xi32, #tpu.memory_space<vmem>>
        %dma_wait3A_1619 = tpu.memref_squeeze %dma_wait3A_1618 : memref<1x80xi32, #tpu.memory_space<vmem>> -> memref<80xi32, #tpu.memory_space<vmem>>
        %dma_wait3A_1620 = arith.constant 0 : i32
        %dma_wait3A_1621 = tpu.memref_slice %arg3[%mul3A_0, %dma_wait3A_1620] : memref<4000x80xi32, #tpu.memory_space<hbm>> -> memref<1x80xi32, #tpu.memory_space<hbm>>
        %dma_wait3A_1622 = tpu.memref_squeeze %dma_wait3A_1621 : memref<1x80xi32, #tpu.memory_space<hbm>> -> memref<80xi32, #tpu.memory_space<hbm>>
        %dma_wait3A_1623 = arith.constant 0 : i32
        %dma_wait3A_1624 = tpu.memref_slice %arg7[%dma_wait3A_1616, %dma_wait3A_1623] : memref<10x80xi32, #tpu.memory_space<vmem>> -> memref<1x80xi32, #tpu.memory_space<vmem>>
        %dma_wait3A_1625 = tpu.memref_squeeze %dma_wait3A_1624 : memref<1x80xi32, #tpu.memory_space<vmem>> -> memref<80xi32, #tpu.memory_space<vmem>>
        %dma_wait3A_1626 = arith.constant 0 : i32
        %dma_wait3A_1627 = tpu.memref_slice %arg3[%mul3A_0, %dma_wait3A_1626] : memref<4000x80xi32, #tpu.memory_space<hbm>> -> memref<1x80xi32, #tpu.memory_space<hbm>>
        %dma_wait3A_1628 = tpu.memref_squeeze %dma_wait3A_1627 : memref<1x80xi32, #tpu.memory_space<hbm>> -> memref<80xi32, #tpu.memory_space<hbm>>
        tpu.wait_dma2 semaphore(%arg38 : memref<!tpu.dma_semaphore, #tpu.memory_space<semaphore_mem>>) src(%dma_wait3A_1628 : memref<80xi32, #tpu.memory_space<hbm>>) dst(%dma_wait3A_1625 : memref<80xi32, #tpu.memory_space<vmem>>)
        %dma_wait3A_1629 = arith.constant 4 : i32
        %dma_wait3A_1630 = arith.constant 0 : i32
        %dma_wait3A_1631 = tpu.memref_slice %arg8[%dma_wait3A_1629, %dma_wait3A_1630] : memref<10x80xi32, #tpu.memory_space<vmem>> -> memref<1x80xi32, #tpu.memory_space<vmem>>
        %dma_wait3A_1632 = tpu.memref_squeeze %dma_wait3A_1631 : memref<1x80xi32, #tpu.memory_space<vmem>> -> memref<80xi32, #tpu.memory_space<vmem>>
        %dma_wait3A_1633 = arith.constant 0 : i32
        %dma_wait3A_1634 = tpu.memref_slice %arg4[%mul3A_2, %dma_wait3A_1633] : memref<4000x80xi32, #tpu.memory_space<hbm>> -> memref<1x80xi32, #tpu.memory_space<hbm>>
        %dma_wait3A_1635 = tpu.memref_squeeze %dma_wait3A_1634 : memref<1x80xi32, #tpu.memory_space<hbm>> -> memref<80xi32, #tpu.memory_space<hbm>>
        %dma_wait3A_1636 = arith.constant 0 : i32
        %dma_wait3A_1637 = tpu.memref_slice %arg8[%dma_wait3A_1629, %dma_wait3A_1636] : memref<10x80xi32, #tpu.memory_space<vmem>> -> memref<1x80xi32, #tpu.memory_space<vmem>>
        %dma_wait3A_1638 = tpu.memref_squeeze %dma_wait3A_1637 : memref<1x80xi32, #tpu.memory_space<vmem>> -> memref<80xi32, #tpu.memory_space<vmem>>
        %dma_wait3A_1639 = arith.constant 0 : i32
        %dma_wait3A_1640 = tpu.memref_slice %arg4[%mul3A_2, %dma_wait3A_1639] : memref<4000x80xi32, #tpu.memory_space<hbm>> -> memref<1x80xi32, #tpu.memory_space<hbm>>
        %dma_wait3A_1641 = tpu.memref_squeeze %dma_wait3A_1640 : memref<1x80xi32, #tpu.memory_space<hbm>> -> memref<80xi32, #tpu.memory_space<hbm>>
        tpu.wait_dma2 semaphore(%arg38 : memref<!tpu.dma_semaphore, #tpu.memory_space<semaphore_mem>>) src(%dma_wait3A_1641 : memref<80xi32, #tpu.memory_space<hbm>>) dst(%dma_wait3A_1638 : memref<80xi32, #tpu.memory_space<vmem>>)
        %get3A_1642 = arith.constant 4 : i32
        %get3A_1643 = arith.index_cast %get3A_1642 : i32 to index
        %get3A_1644 = arith.constant 0 : index
        %get3A_1645 = tpu.vector_load %arg7[%get3A_1643, %get3A_1644] {strides = array<i32>} : memref<10x80xi32, #tpu.memory_space<vmem>>, vector<1x16xi32>,
        %get3A_1646 = vector.shape_cast %get3A_1645 : vector<1x16xi32> to vector<16xi32>
        %add3A_1647 = arith.addi %get3A_1646, %get3A_1646 : vector<16xi32>
        %add3A_1648 = vector.broadcast %arg0 : i32 to vector<16xi32>
        %add3A_1649 = arith.addi %add3A_1647, %add3A_1648 : vector<16xi32>
        %swap3A_1650 = arith.constant 4 : i32
        %swap3A_1651 = arith.index_cast %swap3A_1650 : i32 to index
        %swap3A_1652 = arith.constant 0 : index
        %swap3A_1653 = tpu.vector_load %arg7[%swap3A_1651, %swap3A_1652] {strides = array<i32>} : memref<10x80xi32, #tpu.memory_space<vmem>>, vector<1x16xi32>,
        %swap3A_1654 = vector.shape_cast %swap3A_1653 : vector<1x16xi32> to vector<16xi32>
        %swap3A_1655 = vector.shape_cast %add3A_1649 : vector<16xi32> to vector<1x16xi32>
        tpu.vector_store %arg7[%swap3A_1651, %swap3A_1652], %swap3A_1655 {strides = array<i32>} : memref<10x80xi32, #tpu.memory_space<vmem>>, vector<1x16xi32>,
        %get3A_1656 = arith.constant 4 : i32
        %get3A_1657 = arith.index_cast %get3A_1656 : i32 to index
        %get3A_1658 = arith.constant 16 : index
        %get3A_1659 = tpu.vector_load %arg7[%get3A_1657, %get3A_1658] {strides = array<i32>} : memref<10x80xi32, #tpu.memory_space<vmem>>, vector<1x16xi32>,
        %get3A_1660 = vector.shape_cast %get3A_1659 : vector<1x16xi32> to vector<16xi32>
        %add3A_1661 = arith.addi %get3A_1660, %get3A_1660 : vector<16xi32>
        %add3A_1662 = vector.broadcast %arg0 : i32 to vector<16xi32>
        %add3A_1663 = arith.addi %add3A_1661, %add3A_1662 : vector<16xi32>
        %swap3A_1664 = arith.constant 4 : i32
        %swap3A_1665 = arith.index_cast %swap3A_1664 : i32 to index
        %swap3A_1666 = arith.constant 16 : index
        %swap3A_1667 = tpu.vector_load %arg7[%swap3A_1665, %swap3A_1666] {strides = array<i32>} : memref<10x80xi32, #tpu.memory_space<vmem>>, vector<1x16xi32>,
        %swap3A_1668 = vector.shape_cast %swap3A_1667 : vector<1x16xi32> to vector<16xi32>
        %swap3A_1669 = vector.shape_cast %add3A_1663 : vector<16xi32> to vector<1x16xi32>
        tpu.vector_store %arg7[%swap3A_1665, %swap3A_1666], %swap3A_1669 {strides = array<i32>} : memref<10x80xi32, #tpu.memory_space<vmem>>, vector<1x16xi32>,
        %get3A_1670 = arith.constant 4 : i32
        %get3A_1671 = arith.index_cast %get3A_1670 : i32 to index
        %get3A_1672 = arith.constant 32 : index
        %get3A_1673 = tpu.vector_load %arg7[%get3A_1671, %get3A_1672] {strides = array<i32>} : memref<10x80xi32, #tpu.memory_space<vmem>>, vector<1x16xi32>,
        %get3A_1674 = vector.shape_cast %get3A_1673 : vector<1x16xi32> to vector<16xi32>
        %add3A_1675 = arith.addi %get3A_1674, %get3A_1674 : vector<16xi32>
        %add3A_1676 = vector.broadcast %arg0 : i32 to vector<16xi32>
        %add3A_1677 = arith.addi %add3A_1675, %add3A_1676 : vector<16xi32>
        %swap3A_1678 = arith.constant 4 : i32
        %swap3A_1679 = arith.index_cast %swap3A_1678 : i32 to index
        %swap3A_1680 = arith.constant 32 : index
        %swap3A_1681 = tpu.vector_load %arg7[%swap3A_1679, %swap3A_1680] {strides = array<i32>} : memref<10x80xi32, #tpu.memory_space<vmem>>, vector<1x16xi32>,
        %swap3A_1682 = vector.shape_cast %swap3A_1681 : vector<1x16xi32> to vector<16xi32>
        %swap3A_1683 = vector.shape_cast %add3A_1677 : vector<16xi32> to vector<1x16xi32>
        tpu.vector_store %arg7[%swap3A_1679, %swap3A_1680], %swap3A_1683 {strides = array<i32>} : memref<10x80xi32, #tpu.memory_space<vmem>>, vector<1x16xi32>,
        %get3A_1684 = arith.constant 4 : i32
        %get3A_1685 = arith.index_cast %get3A_1684 : i32 to index
        %get3A_1686 = arith.constant 48 : index
        %get3A_1687 = tpu.vector_load %arg7[%get3A_1685, %get3A_1686] {strides = array<i32>} : memref<10x80xi32, #tpu.memory_space<vmem>>, vector<1x16xi32>,
        %get3A_1688 = vector.shape_cast %get3A_1687 : vector<1x16xi32> to vector<16xi32>
        %add3A_1689 = arith.addi %get3A_1688, %get3A_1688 : vector<16xi32>
        %add3A_1690 = vector.broadcast %arg0 : i32 to vector<16xi32>
        %add3A_1691 = arith.addi %add3A_1689, %add3A_1690 : vector<16xi32>
        %swap3A_1692 = arith.constant 4 : i32
        %swap3A_1693 = arith.index_cast %swap3A_1692 : i32 to index
        %swap3A_1694 = arith.constant 48 : index
        %swap3A_1695 = tpu.vector_load %arg7[%swap3A_1693, %swap3A_1694] {strides = array<i32>} : memref<10x80xi32, #tpu.memory_space<vmem>>, vector<1x16xi32>,
        %swap3A_1696 = vector.shape_cast %swap3A_1695 : vector<1x16xi32> to vector<16xi32>
        %swap3A_1697 = vector.shape_cast %add3A_1691 : vector<16xi32> to vector<1x16xi32>
        tpu.vector_store %arg7[%swap3A_1693, %swap3A_1694], %swap3A_1697 {strides = array<i32>} : memref<10x80xi32, #tpu.memory_space<vmem>>, vector<1x16xi32>,
        %get3A_1698 = arith.constant 4 : i32
        %get3A_1699 = arith.index_cast %get3A_1698 : i32 to index
        %get3A_1700 = arith.constant 64 : index
        %get3A_1701 = tpu.vector_load %arg7[%get3A_1699, %get3A_1700] {strides = array<i32>} : memref<10x80xi32, #tpu.memory_space<vmem>>, vector<1x16xi32>,
        %get3A_1702 = vector.shape_cast %get3A_1701 : vector<1x16xi32> to vector<16xi32>
        %add3A_1703 = arith.addi %get3A_1702, %get3A_1702 : vector<16xi32>
        %add3A_1704 = vector.broadcast %arg0 : i32 to vector<16xi32>
        %add3A_1705 = arith.addi %add3A_1703, %add3A_1704 : vector<16xi32>
        %swap3A_1706 = arith.constant 4 : i32
        %swap3A_1707 = arith.index_cast %swap3A_1706 : i32 to index
        %swap3A_1708 = arith.constant 64 : index
        %swap3A_1709 = tpu.vector_load %arg7[%swap3A_1707, %swap3A_1708] {strides = array<i32>} : memref<10x80xi32, #tpu.memory_space<vmem>>, vector<1x16xi32>,
        %swap3A_1710 = vector.shape_cast %swap3A_1709 : vector<1x16xi32> to vector<16xi32>
        %swap3A_1711 = vector.shape_cast %add3A_1705 : vector<16xi32> to vector<1x16xi32>
        tpu.vector_store %arg7[%swap3A_1707, %swap3A_1708], %swap3A_1711 {strides = array<i32>} : memref<10x80xi32, #tpu.memory_space<vmem>>, vector<1x16xi32>,
        %dma_start3A_1712 = arith.constant 4 : i32
        %dma_start3A_1713 = arith.constant 0 : i32
        %dma_start3A_1714 = tpu.memref_slice %arg7[%dma_start3A_1712, %dma_start3A_1713] : memref<10x80xi32, #tpu.memory_space<vmem>> -> memref<1x80xi32, #tpu.memory_space<vmem>>
        %dma_start3A_1715 = tpu.memref_squeeze %dma_start3A_1714 : memref<1x80xi32, #tpu.memory_space<vmem>> -> memref<80xi32, #tpu.memory_space<vmem>>
        %dma_start3A_1716 = arith.constant 0 : i32
        %dma_start3A_1717 = arith.constant 0 : i32
        %dma_start3A_1718 = tpu.memref_slice %arg2[%dma_start3A_1716, %dma_start3A_1717] : memref<20000x64xf32, #tpu.memory_space<hbm>> -> memref<20000x64xf32, #tpu.memory_space<hbm>>
        tpu.enqueue_indirect_dma source(%dma_start3A_1718 : memref<20000x64xf32, #tpu.memory_space<hbm>>) target(%arg13 : memref<80x64xf32, #tpu.memory_space<vmem>>) offsets(%dma_start3A_1715 : memref<80xi32, #tpu.memory_space<vmem>>) semaphore(%arg23 : memref<!tpu.dma_semaphore, #tpu.memory_space<semaphore_mem>>)
      } else {
      }
      %mul3A_841 = arith.constant 10 : i32
      %mul3A_842 = arith.muli %scan3A_761, %mul3A_841 : i32
      %add3A_843 = arith.constant 1 : i32
      %add3A_844 = arith.addi %mul3A_842, %add3A_843 : i32
      %dma_wait3A_845 = arith.constant 1 : i32
      %dma_wait3A_846 = arith.constant 0 : i32
      %dma_wait3A_847 = tpu.memref_slice %arg7[%dma_wait3A_845, %dma_wait3A_846] : memref<10x80xi32, #tpu.memory_space<vmem>> -> memref<1x80xi32, #tpu.memory_space<vmem>>
      %dma_wait3A_848 = tpu.memref_squeeze %dma_wait3A_847 : memref<1x80xi32, #tpu.memory_space<vmem>> -> memref<80xi32, #tpu.memory_space<vmem>>
      %dma_wait3A_849 = arith.constant 0 : i32
      %dma_wait3A_850 = arith.constant 0 : i32
      %dma_wait3A_851 = tpu.memref_slice %arg2[%dma_wait3A_849, %dma_wait3A_850] : memref<20000x64xf32, #tpu.memory_space<hbm>> -> memref<20000x64xf32, #tpu.memory_space<hbm>>
      tpu.wait_indirect_dma semaphore(%arg20 : memref<!tpu.dma_semaphore, #tpu.memory_space<semaphore_mem>>) src(%dma_wait3A_851 : memref<20000x64xf32, #tpu.memory_space<hbm>>) dst(%arg10 : memref<80x64xf32, #tpu.memory_space<vmem>>)
      %dma_start3A_852 = arith.constant 1 : i32
      %dma_start3A_853 = arith.constant 0 : i32
      %dma_start3A_854 = tpu.memref_slice %arg8[%dma_start3A_852, %dma_start3A_853] : memref<10x80xi32, #tpu.memory_space<vmem>> -> memref<1x80xi32, #tpu.memory_space<vmem>>
      %dma_start3A_855 = tpu.memref_squeeze %dma_start3A_854 : memref<1x80xi32, #tpu.memory_space<vmem>> -> memref<80xi32, #tpu.memory_space<vmem>>
      %dma_start3A_856 = arith.constant 0 : i32
      %dma_start3A_857 = arith.constant 0 : i32
      %dma_start3A_858 = tpu.memref_slice %arg17[%dma_start3A_856, %dma_start3A_857] : memref<20000x64xf32, #tpu.memory_space<vmem_shared>> -> memref<20000x64xf32, #tpu.memory_space<vmem_shared>>
      tpu.enqueue_indirect_dma source(%arg10 : memref<80x64xf32, #tpu.memory_space<vmem>>) target(%dma_start3A_858 : memref<20000x64xf32, #tpu.memory_space<vmem_shared>>) offsets(%dma_start3A_855 : memref<80xi32, #tpu.memory_space<vmem>>) semaphore(%arg25 : memref<!tpu.dma_semaphore, #tpu.memory_space<semaphore_mem>>) {add = true}
      %jit3A_859 = arith.constant 2 : i32
      %eq3A_860 = arith.constant 0 : i32
      %eq3A_861 = arith.cmpi eq, %jit3A_859, %eq3A_860 : i32
      %jit3A_862 = arith.constant 1 : i32
      %select_n3A_863 = arith.select %eq3A_861, %jit3A_862, %jit3A_859 : i32
      %rem3A_864 = arith.remsi %add3A_844, %select_n3A_863 : i32
      %ne3A_865 = arith.constant 0 : i32
      %ne3A_866 = arith.cmpi ne, %rem3A_864, %ne3A_865 : i32
      %lt3A_867 = arith.constant 0 : i32
      %lt3A_868 = arith.cmpi slt, %rem3A_864, %lt3A_867 : i32
      %lt3A_869 = arith.constant 0 : i32
      %lt3A_870 = arith.cmpi slt, %select_n3A_863, %lt3A_869 : i32
      %ne3A_871 = arith.xori %lt3A_868, %lt3A_870 : i1
      %and3A_872 = arith.andi %ne3A_871, %ne3A_866 : i1
      %add3A_873 = arith.addi %rem3A_864, %select_n3A_863 : i32
      %select_n3A_874 = arith.select %and3A_872, %add3A_873, %rem3A_864 : i32
      %eq3A_875 = arith.cmpi eq, %select_n3A_874, %arg0 : i32
      %convert_element_type3A_876 = arith.extui %eq3A_875 : i1 to i32
      %cond3A_877 = arith.constant 0 : i32
      %cond3A_878 = arith.cmpi ne, %convert_element_type3A_876, %cond3A_877 : i32
      scf.if %cond3A_878 {
        %dma_start3A_1616 = arith.constant 1 : i32
        %dma_start3A_1617 = arith.constant 0 : i32
        %dma_start3A_1618 = tpu.memref_slice %arg8[%dma_start3A_1616, %dma_start3A_1617] : memref<10x80xi32, #tpu.memory_space<vmem>> -> memref<1x80xi32, #tpu.memory_space<vmem>>
        %dma_start3A_1619 = tpu.memref_squeeze %dma_start3A_1618 : memref<1x80xi32, #tpu.memory_space<vmem>> -> memref<80xi32, #tpu.memory_space<vmem>>
        %dma_start3A_1620 = arith.constant 0 : i32
        %dma_start3A_1621 = arith.constant 0 : i32
        %dma_start3A_1622 = tpu.memref_slice %arg18[%dma_start3A_1620, %dma_start3A_1621] : memref<20000x16xf32, #tpu.memory_space<vmem_shared>> -> memref<20000x16xf32, #tpu.memory_space<vmem_shared>>
        tpu.enqueue_indirect_dma source(%arg14 : memref<80x16xf32, #tpu.memory_space<vmem>>) target(%dma_start3A_1622 : memref<20000x16xf32, #tpu.memory_space<vmem_shared>>) offsets(%dma_start3A_1619 : memref<80xi32, #tpu.memory_space<vmem>>) semaphore(%arg30 : memref<!tpu.dma_semaphore, #tpu.memory_space<semaphore_mem>>) {add = true}
      } else {
      }
      %gt3A_879 = arith.constant 0 : i32
      %gt3A_880 = arith.cmpi sgt, %add3A_844, %gt3A_879 : i32
      %convert_element_type3A_881 = arith.extui %gt3A_880 : i1 to i32
      %cond3A_882 = arith.constant 0 : i32
      %cond3A_883 = arith.cmpi ne, %convert_element_type3A_881, %cond3A_882 : i32
      scf.if %cond3A_883 {
        %dma_wait3A_1616 = arith.constant 1 : i32
        %dma_wait3A_1617 = arith.constant 0 : i32
        %dma_wait3A_1618 = tpu.memref_slice %arg8[%dma_wait3A_1616, %dma_wait3A_1617] : memref<10x80xi32, #tpu.memory_space<vmem>> -> memref<1x80xi32, #tpu.memory_space<vmem>>
        %dma_wait3A_1619 = tpu.memref_squeeze %dma_wait3A_1618 : memref<1x80xi32, #tpu.memory_space<vmem>> -> memref<80xi32, #tpu.memory_space<vmem>>
        %dma_wait3A_1620 = arith.constant 0 : i32
        %dma_wait3A_1621 = arith.constant 0 : i32
        %dma_wait3A_1622 = tpu.memref_slice %arg17[%dma_wait3A_1620, %dma_wait3A_1621] : memref<20000x64xf32, #tpu.memory_space<vmem_shared>> -> memref<20000x64xf32, #tpu.memory_space<vmem_shared>>
        tpu.wait_indirect_dma semaphore(%arg24 : memref<!tpu.dma_semaphore, #tpu.memory_space<semaphore_mem>>) src(%arg9 : memref<80x64xf32, #tpu.memory_space<vmem>>) dst(%dma_wait3A_1622 : memref<20000x64xf32, #tpu.memory_space<vmem_shared>>)
      } else {
      }
      %gt3A_884 = arith.constant 0 : i32
      %gt3A_885 = arith.cmpi sgt, %add3A_844, %gt3A_884 : i32
      %sub3A_886 = arith.constant 1 : i32
      %sub3A_887 = arith.subi %add3A_844, %sub3A_886 : i32
      %jit3A_888 = arith.constant 2 : i32
      %eq3A_889 = arith.constant 0 : i32
      %eq3A_890 = arith.cmpi eq, %jit3A_888, %eq3A_889 : i32
      %jit3A_891 = arith.constant 1 : i32
      %select_n3A_892 = arith.select %eq3A_890, %jit3A_891, %jit3A_888 : i32
      %rem3A_893 = arith.remsi %sub3A_887, %select_n3A_892 : i32
      %ne3A_894 = arith.constant 0 : i32
      %ne3A_895 = arith.cmpi ne, %rem3A_893, %ne3A_894 : i32
      %lt3A_896 = arith.constant 0 : i32
      %lt3A_897 = arith.cmpi slt, %rem3A_893, %lt3A_896 : i32
      %lt3A_898 = arith.constant 0 : i32
      %lt3A_899 = arith.cmpi slt, %select_n3A_892, %lt3A_898 : i32
      %ne3A_900 = arith.xori %lt3A_897, %lt3A_899 : i1
      %and3A_901 = arith.andi %ne3A_900, %ne3A_895 : i1
      %add3A_902 = arith.addi %rem3A_893, %select_n3A_892 : i32
      %select_n3A_903 = arith.select %and3A_901, %add3A_902, %rem3A_893 : i32
      %eq3A_904 = arith.cmpi eq, %select_n3A_903, %arg0 : i32
      %and3A_905 = arith.andi %gt3A_885, %eq3A_904 : i1
      %convert_element_type3A_906 = arith.extui %and3A_905 : i1 to i32
      %cond3A_907 = arith.constant 0 : i32
      %cond3A_908 = arith.cmpi ne, %convert_element_type3A_906, %cond3A_907 : i32
      scf.if %cond3A_908 {
        %dma_wait3A_1616 = arith.constant 1 : i32
        %dma_wait3A_1617 = arith.constant 0 : i32
        %dma_wait3A_1618 = tpu.memref_slice %arg8[%dma_wait3A_1616, %dma_wait3A_1617] : memref<10x80xi32, #tpu.memory_space<vmem>> -> memref<1x80xi32, #tpu.memory_space<vmem>>
        %dma_wait3A_1619 = tpu.memref_squeeze %dma_wait3A_1618 : memref<1x80xi32, #tpu.memory_space<vmem>> -> memref<80xi32, #tpu.memory_space<vmem>>
        %dma_wait3A_1620 = arith.constant 0 : i32
        %dma_wait3A_1621 = arith.constant 0 : i32
        %dma_wait3A_1622 = tpu.memref_slice %arg18[%dma_wait3A_1620, %dma_wait3A_1621] : memref<20000x16xf32, #tpu.memory_space<vmem_shared>> -> memref<20000x16xf32, #tpu.memory_space<vmem_shared>>
        tpu.wait_indirect_dma semaphore(%arg29 : memref<!tpu.dma_semaphore, #tpu.memory_space<semaphore_mem>>) src(%arg14 : memref<80x16xf32, #tpu.memory_space<vmem>>) dst(%dma_wait3A_1622 : memref<20000x16xf32, #tpu.memory_space<vmem_shared>>)
      } else {
      }
      %add3A_909 = arith.constant 10 : i32
      %add3A_910 = arith.addi %add3A_844, %add3A_909 : i32
      %sub3A_911 = arith.constant 1 : i32
      %sub3A_912 = arith.subi %add3A_910, %sub3A_911 : i32
      %lt3A_913 = arith.constant 250 : i32
      %lt3A_914 = arith.cmpi slt, %sub3A_912, %lt3A_913 : i32
      %convert_element_type3A_915 = arith.extui %lt3A_914 : i1 to i32
      %cond3A_916 = arith.constant 0 : i32
      %cond3A_917 = arith.cmpi ne, %convert_element_type3A_915, %cond3A_916 : i32
      scf.if %cond3A_917 {
        %add3A_1616 = arith.addi %mul3A_0, %add3A_844 : i32
        %add3A_1617 = arith.constant 10 : i32
        %add3A_1618 = arith.addi %add3A_1616, %add3A_1617 : i32
        %sub3A_1619 = arith.constant 1 : i32
        %sub3A_1620 = arith.subi %add3A_1618, %sub3A_1619 : i32
        %dma_start3A_1621 = arith.constant 0 : i32
        %dma_start3A_1622 = arith.constant 0 : i32
        %dma_start3A_1623 = tpu.memref_slice %arg7[%dma_start3A_1621, %dma_start3A_1622] : memref<10x80xi32, #tpu.memory_space<vmem>> -> memref<1x80xi32, #tpu.memory_space<vmem>>
        %dma_start3A_1624 = tpu.memref_squeeze %dma_start3A_1623 : memref<1x80xi32, #tpu.memory_space<vmem>> -> memref<80xi32, #tpu.memory_space<vmem>>
        %dma_start3A_1625 = arith.constant 0 : i32
        %dma_start3A_1626 = tpu.memref_slice %arg3[%sub3A_1620, %dma_start3A_1625] : memref<4000x80xi32, #tpu.memory_space<hbm>> -> memref<1x80xi32, #tpu.memory_space<hbm>>
        %dma_start3A_1627 = tpu.memref_squeeze %dma_start3A_1626 : memref<1x80xi32, #tpu.memory_space<hbm>> -> memref<80xi32, #tpu.memory_space<hbm>>
        %dma_start3A_1628 = arith.constant 0 : i32
        %dma_start3A_1629 = tpu.memref_slice %arg7[%dma_start3A_1621, %dma_start3A_1628] : memref<10x80xi32, #tpu.memory_space<vmem>> -> memref<1x80xi32, #tpu.memory_space<vmem>>
        %dma_start3A_1630 = tpu.memref_squeeze %dma_start3A_1629 : memref<1x80xi32, #tpu.memory_space<vmem>> -> memref<80xi32, #tpu.memory_space<vmem>>
        %dma_start3A_1631 = arith.constant 0 : i32
        %dma_start3A_1632 = tpu.memref_slice %arg3[%sub3A_1620, %dma_start3A_1631] : memref<4000x80xi32, #tpu.memory_space<hbm>> -> memref<1x80xi32, #tpu.memory_space<hbm>>
        %dma_start3A_1633 = tpu.memref_squeeze %dma_start3A_1632 : memref<1x80xi32, #tpu.memory_space<hbm>> -> memref<80xi32, #tpu.memory_space<hbm>>
        tpu.enqueue_dma source(%dma_start3A_1633 : memref<80xi32, #tpu.memory_space<hbm>>) target(%dma_start3A_1630 : memref<80xi32, #tpu.memory_space<vmem>>) target_semaphore(%arg34 : memref<!tpu.dma_semaphore, #tpu.memory_space<semaphore_mem>>)
        %add3A_1634 = arith.addi %mul3A_2, %add3A_844 : i32
        %add3A_1635 = arith.constant 10 : i32
        %add3A_1636 = arith.addi %add3A_1634, %add3A_1635 : i32
        %sub3A_1637 = arith.constant 1 : i32
        %sub3A_1638 = arith.subi %add3A_1636, %sub3A_1637 : i32
        %dma_start3A_1639 = arith.constant 0 : i32
        %dma_start3A_1640 = arith.constant 0 : i32
        %dma_start3A_1641 = tpu.memref_slice %arg8[%dma_start3A_1639, %dma_start3A_1640] : memref<10x80xi32, #tpu.memory_space<vmem>> -> memref<1x80xi32, #tpu.memory_space<vmem>>
        %dma_start3A_1642 = tpu.memref_squeeze %dma_start3A_1641 : memref<1x80xi32, #tpu.memory_space<vmem>> -> memref<80xi32, #tpu.memory_space<vmem>>
        %dma_start3A_1643 = arith.constant 0 : i32
        %dma_start3A_1644 = tpu.memref_slice %arg4[%sub3A_1638, %dma_start3A_1643] : memref<4000x80xi32, #tpu.memory_space<hbm>> -> memref<1x80xi32, #tpu.memory_space<hbm>>
        %dma_start3A_1645 = tpu.memref_squeeze %dma_start3A_1644 : memref<1x80xi32, #tpu.memory_space<hbm>> -> memref<80xi32, #tpu.memory_space<hbm>>
        %dma_start3A_1646 = arith.constant 0 : i32
        %dma_start3A_1647 = tpu.memref_slice %arg8[%dma_start3A_1639, %dma_start3A_1646] : memref<10x80xi32, #tpu.memory_space<vmem>> -> memref<1x80xi32, #tpu.memory_space<vmem>>
        %dma_start3A_1648 = tpu.memref_squeeze %dma_start3A_1647 : memref<1x80xi32, #tpu.memory_space<vmem>> -> memref<80xi32, #tpu.memory_space<vmem>>
        %dma_start3A_1649 = arith.constant 0 : i32
        %dma_start3A_1650 = tpu.memref_slice %arg4[%sub3A_1638, %dma_start3A_1649] : memref<4000x80xi32, #tpu.memory_space<hbm>> -> memref<1x80xi32, #tpu.memory_space<hbm>>
        %dma_start3A_1651 = tpu.memref_squeeze %dma_start3A_1650 : memref<1x80xi32, #tpu.memory_space<hbm>> -> memref<80xi32, #tpu.memory_space<hbm>>
        tpu.enqueue_dma source(%dma_start3A_1651 : memref<80xi32, #tpu.memory_space<hbm>>) target(%dma_start3A_1648 : memref<80xi32, #tpu.memory_space<vmem>>) target_semaphore(%arg34 : memref<!tpu.dma_semaphore, #tpu.memory_space<semaphore_mem>>)
      } else {
      }
      %add3A_918 = arith.constant 5 : i32
      %add3A_919 = arith.addi %add3A_844, %add3A_918 : i32
      %sub3A_920 = arith.constant 1 : i32
      %sub3A_921 = arith.subi %add3A_919, %sub3A_920 : i32
      %lt3A_922 = arith.constant 250 : i32
      %lt3A_923 = arith.cmpi slt, %sub3A_921, %lt3A_922 : i32
      %convert_element_type3A_924 = arith.extui %lt3A_923 : i1 to i32
      %cond3A_925 = arith.constant 0 : i32
      %cond3A_926 = arith.cmpi ne, %convert_element_type3A_924, %cond3A_925 : i32
      scf.if %cond3A_926 {
        %dma_wait3A_1616 = arith.constant 5 : i32
        %dma_wait3A_1617 = arith.constant 0 : i32
        %dma_wait3A_1618 = tpu.memref_slice %arg7[%dma_wait3A_1616, %dma_wait3A_1617] : memref<10x80xi32, #tpu.memory_space<vmem>> -> memref<1x80xi32, #tpu.memory_space<vmem>>
        %dma_wait3A_1619 = tpu.memref_squeeze %dma_wait3A_1618 : memref<1x80xi32, #tpu.memory_space<vmem>> -> memref<80xi32, #tpu.memory_space<vmem>>
        %dma_wait3A_1620 = arith.constant 0 : i32
        %dma_wait3A_1621 = tpu.memref_slice %arg3[%mul3A_0, %dma_wait3A_1620] : memref<4000x80xi32, #tpu.memory_space<hbm>> -> memref<1x80xi32, #tpu.memory_space<hbm>>
        %dma_wait3A_1622 = tpu.memref_squeeze %dma_wait3A_1621 : memref<1x80xi32, #tpu.memory_space<hbm>> -> memref<80xi32, #tpu.memory_space<hbm>>
        %dma_wait3A_1623 = arith.constant 0 : i32
        %dma_wait3A_1624 = tpu.memref_slice %arg7[%dma_wait3A_1616, %dma_wait3A_1623] : memref<10x80xi32, #tpu.memory_space<vmem>> -> memref<1x80xi32, #tpu.memory_space<vmem>>
        %dma_wait3A_1625 = tpu.memref_squeeze %dma_wait3A_1624 : memref<1x80xi32, #tpu.memory_space<vmem>> -> memref<80xi32, #tpu.memory_space<vmem>>
        %dma_wait3A_1626 = arith.constant 0 : i32
        %dma_wait3A_1627 = tpu.memref_slice %arg3[%mul3A_0, %dma_wait3A_1626] : memref<4000x80xi32, #tpu.memory_space<hbm>> -> memref<1x80xi32, #tpu.memory_space<hbm>>
        %dma_wait3A_1628 = tpu.memref_squeeze %dma_wait3A_1627 : memref<1x80xi32, #tpu.memory_space<hbm>> -> memref<80xi32, #tpu.memory_space<hbm>>
        tpu.wait_dma2 semaphore(%arg39 : memref<!tpu.dma_semaphore, #tpu.memory_space<semaphore_mem>>) src(%dma_wait3A_1628 : memref<80xi32, #tpu.memory_space<hbm>>) dst(%dma_wait3A_1625 : memref<80xi32, #tpu.memory_space<vmem>>)
        %dma_wait3A_1629 = arith.constant 5 : i32
        %dma_wait3A_1630 = arith.constant 0 : i32
        %dma_wait3A_1631 = tpu.memref_slice %arg8[%dma_wait3A_1629, %dma_wait3A_1630] : memref<10x80xi32, #tpu.memory_space<vmem>> -> memref<1x80xi32, #tpu.memory_space<vmem>>
        %dma_wait3A_1632 = tpu.memref_squeeze %dma_wait3A_1631 : memref<1x80xi32, #tpu.memory_space<vmem>> -> memref<80xi32, #tpu.memory_space<vmem>>
        %dma_wait3A_1633 = arith.constant 0 : i32
        %dma_wait3A_1634 = tpu.memref_slice %arg4[%mul3A_2, %dma_wait3A_1633] : memref<4000x80xi32, #tpu.memory_space<hbm>> -> memref<1x80xi32, #tpu.memory_space<hbm>>
        %dma_wait3A_1635 = tpu.memref_squeeze %dma_wait3A_1634 : memref<1x80xi32, #tpu.memory_space<hbm>> -> memref<80xi32, #tpu.memory_space<hbm>>
        %dma_wait3A_1636 = arith.constant 0 : i32
        %dma_wait3A_1637 = tpu.memref_slice %arg8[%dma_wait3A_1629, %dma_wait3A_1636] : memref<10x80xi32, #tpu.memory_space<vmem>> -> memref<1x80xi32, #tpu.memory_space<vmem>>
        %dma_wait3A_1638 = tpu.memref_squeeze %dma_wait3A_1637 : memref<1x80xi32, #tpu.memory_space<vmem>> -> memref<80xi32, #tpu.memory_space<vmem>>
        %dma_wait3A_1639 = arith.constant 0 : i32
        %dma_wait3A_1640 = tpu.memref_slice %arg4[%mul3A_2, %dma_wait3A_1639] : memref<4000x80xi32, #tpu.memory_space<hbm>> -> memref<1x80xi32, #tpu.memory_space<hbm>>
        %dma_wait3A_1641 = tpu.memref_squeeze %dma_wait3A_1640 : memref<1x80xi32, #tpu.memory_space<hbm>> -> memref<80xi32, #tpu.memory_space<hbm>>
        tpu.wait_dma2 semaphore(%arg39 : memref<!tpu.dma_semaphore, #tpu.memory_space<semaphore_mem>>) src(%dma_wait3A_1641 : memref<80xi32, #tpu.memory_space<hbm>>) dst(%dma_wait3A_1638 : memref<80xi32, #tpu.memory_space<vmem>>)
        %get3A_1642 = arith.constant 5 : i32
        %get3A_1643 = arith.index_cast %get3A_1642 : i32 to index
        %get3A_1644 = arith.constant 0 : index
        %get3A_1645 = tpu.vector_load %arg7[%get3A_1643, %get3A_1644] {strides = array<i32>} : memref<10x80xi32, #tpu.memory_space<vmem>>, vector<1x16xi32>,
        %get3A_1646 = vector.shape_cast %get3A_1645 : vector<1x16xi32> to vector<16xi32>
        %add3A_1647 = arith.addi %get3A_1646, %get3A_1646 : vector<16xi32>
        %add3A_1648 = vector.broadcast %arg0 : i32 to vector<16xi32>
        %add3A_1649 = arith.addi %add3A_1647, %add3A_1648 : vector<16xi32>
        %swap3A_1650 = arith.constant 5 : i32
        %swap3A_1651 = arith.index_cast %swap3A_1650 : i32 to index
        %swap3A_1652 = arith.constant 0 : index
        %swap3A_1653 = tpu.vector_load %arg7[%swap3A_1651, %swap3A_1652] {strides = array<i32>} : memref<10x80xi32, #tpu.memory_space<vmem>>, vector<1x16xi32>,
        %swap3A_1654 = vector.shape_cast %swap3A_1653 : vector<1x16xi32> to vector<16xi32>
        %swap3A_1655 = vector.shape_cast %add3A_1649 : vector<16xi32> to vector<1x16xi32>
        tpu.vector_store %arg7[%swap3A_1651, %swap3A_1652], %swap3A_1655 {strides = array<i32>} : memref<10x80xi32, #tpu.memory_space<vmem>>, vector<1x16xi32>,
        %get3A_1656 = arith.constant 5 : i32
        %get3A_1657 = arith.index_cast %get3A_1656 : i32 to index
        %get3A_1658 = arith.constant 16 : index
        %get3A_1659 = tpu.vector_load %arg7[%get3A_1657, %get3A_1658] {strides = array<i32>} : memref<10x80xi32, #tpu.memory_space<vmem>>, vector<1x16xi32>,
        %get3A_1660 = vector.shape_cast %get3A_1659 : vector<1x16xi32> to vector<16xi32>
        %add3A_1661 = arith.addi %get3A_1660, %get3A_1660 : vector<16xi32>
        %add3A_1662 = vector.broadcast %arg0 : i32 to vector<16xi32>
        %add3A_1663 = arith.addi %add3A_1661, %add3A_1662 : vector<16xi32>
        %swap3A_1664 = arith.constant 5 : i32
        %swap3A_1665 = arith.index_cast %swap3A_1664 : i32 to index
        %swap3A_1666 = arith.constant 16 : index
        %swap3A_1667 = tpu.vector_load %arg7[%swap3A_1665, %swap3A_1666] {strides = array<i32>} : memref<10x80xi32, #tpu.memory_space<vmem>>, vector<1x16xi32>,
        %swap3A_1668 = vector.shape_cast %swap3A_1667 : vector<1x16xi32> to vector<16xi32>
        %swap3A_1669 = vector.shape_cast %add3A_1663 : vector<16xi32> to vector<1x16xi32>
        tpu.vector_store %arg7[%swap3A_1665, %swap3A_1666], %swap3A_1669 {strides = array<i32>} : memref<10x80xi32, #tpu.memory_space<vmem>>, vector<1x16xi32>,
        %get3A_1670 = arith.constant 5 : i32
        %get3A_1671 = arith.index_cast %get3A_1670 : i32 to index
        %get3A_1672 = arith.constant 32 : index
        %get3A_1673 = tpu.vector_load %arg7[%get3A_1671, %get3A_1672] {strides = array<i32>} : memref<10x80xi32, #tpu.memory_space<vmem>>, vector<1x16xi32>,
        %get3A_1674 = vector.shape_cast %get3A_1673 : vector<1x16xi32> to vector<16xi32>
        %add3A_1675 = arith.addi %get3A_1674, %get3A_1674 : vector<16xi32>
        %add3A_1676 = vector.broadcast %arg0 : i32 to vector<16xi32>
        %add3A_1677 = arith.addi %add3A_1675, %add3A_1676 : vector<16xi32>
        %swap3A_1678 = arith.constant 5 : i32
        %swap3A_1679 = arith.index_cast %swap3A_1678 : i32 to index
        %swap3A_1680 = arith.constant 32 : index
        %swap3A_1681 = tpu.vector_load %arg7[%swap3A_1679, %swap3A_1680] {strides = array<i32>} : memref<10x80xi32, #tpu.memory_space<vmem>>, vector<1x16xi32>,
        %swap3A_1682 = vector.shape_cast %swap3A_1681 : vector<1x16xi32> to vector<16xi32>
        %swap3A_1683 = vector.shape_cast %add3A_1677 : vector<16xi32> to vector<1x16xi32>
        tpu.vector_store %arg7[%swap3A_1679, %swap3A_1680], %swap3A_1683 {strides = array<i32>} : memref<10x80xi32, #tpu.memory_space<vmem>>, vector<1x16xi32>,
        %get3A_1684 = arith.constant 5 : i32
        %get3A_1685 = arith.index_cast %get3A_1684 : i32 to index
        %get3A_1686 = arith.constant 48 : index
        %get3A_1687 = tpu.vector_load %arg7[%get3A_1685, %get3A_1686] {strides = array<i32>} : memref<10x80xi32, #tpu.memory_space<vmem>>, vector<1x16xi32>,
        %get3A_1688 = vector.shape_cast %get3A_1687 : vector<1x16xi32> to vector<16xi32>
        %add3A_1689 = arith.addi %get3A_1688, %get3A_1688 : vector<16xi32>
        %add3A_1690 = vector.broadcast %arg0 : i32 to vector<16xi32>
        %add3A_1691 = arith.addi %add3A_1689, %add3A_1690 : vector<16xi32>
        %swap3A_1692 = arith.constant 5 : i32
        %swap3A_1693 = arith.index_cast %swap3A_1692 : i32 to index
        %swap3A_1694 = arith.constant 48 : index
        %swap3A_1695 = tpu.vector_load %arg7[%swap3A_1693, %swap3A_1694] {strides = array<i32>} : memref<10x80xi32, #tpu.memory_space<vmem>>, vector<1x16xi32>,
        %swap3A_1696 = vector.shape_cast %swap3A_1695 : vector<1x16xi32> to vector<16xi32>
        %swap3A_1697 = vector.shape_cast %add3A_1691 : vector<16xi32> to vector<1x16xi32>
        tpu.vector_store %arg7[%swap3A_1693, %swap3A_1694], %swap3A_1697 {strides = array<i32>} : memref<10x80xi32, #tpu.memory_space<vmem>>, vector<1x16xi32>,
        %get3A_1698 = arith.constant 5 : i32
        %get3A_1699 = arith.index_cast %get3A_1698 : i32 to index
        %get3A_1700 = arith.constant 64 : index
        %get3A_1701 = tpu.vector_load %arg7[%get3A_1699, %get3A_1700] {strides = array<i32>} : memref<10x80xi32, #tpu.memory_space<vmem>>, vector<1x16xi32>,
        %get3A_1702 = vector.shape_cast %get3A_1701 : vector<1x16xi32> to vector<16xi32>
        %add3A_1703 = arith.addi %get3A_1702, %get3A_1702 : vector<16xi32>
        %add3A_1704 = vector.broadcast %arg0 : i32 to vector<16xi32>
        %add3A_1705 = arith.addi %add3A_1703, %add3A_1704 : vector<16xi32>
        %swap3A_1706 = arith.constant 5 : i32
        %swap3A_1707 = arith.index_cast %swap3A_1706 : i32 to index
        %swap3A_1708 = arith.constant 64 : index
        %swap3A_1709 = tpu.vector_load %arg7[%swap3A_1707, %swap3A_1708] {strides = array<i32>} : memref<10x80xi32, #tpu.memory_space<vmem>>, vector<1x16xi32>,
        %swap3A_1710 = vector.shape_cast %swap3A_1709 : vector<1x16xi32> to vector<16xi32>
        %swap3A_1711 = vector.shape_cast %add3A_1705 : vector<16xi32> to vector<1x16xi32>
        tpu.vector_store %arg7[%swap3A_1707, %swap3A_1708], %swap3A_1711 {strides = array<i32>} : memref<10x80xi32, #tpu.memory_space<vmem>>, vector<1x16xi32>,
        %dma_start3A_1712 = arith.constant 5 : i32
        %dma_start3A_1713 = arith.constant 0 : i32
        %dma_start3A_1714 = tpu.memref_slice %arg7[%dma_start3A_1712, %dma_start3A_1713] : memref<10x80xi32, #tpu.memory_space<vmem>> -> memref<1x80xi32, #tpu.memory_space<vmem>>
        %dma_start3A_1715 = tpu.memref_squeeze %dma_start3A_1714 : memref<1x80xi32, #tpu.memory_space<vmem>> -> memref<80xi32, #tpu.memory_space<vmem>>
        %dma_start3A_1716 = arith.constant 0 : i32
        %dma_start3A_1717 = arith.constant 0 : i32
        %dma_start3A_1718 = tpu.memref_slice %arg2[%dma_start3A_1716, %dma_start3A_1717] : memref<20000x64xf32, #tpu.memory_space<hbm>> -> memref<20000x64xf32, #tpu.memory_space<hbm>>
        tpu.enqueue_indirect_dma source(%dma_start3A_1718 : memref<20000x64xf32, #tpu.memory_space<hbm>>) target(%arg9 : memref<80x64xf32, #tpu.memory_space<vmem>>) offsets(%dma_start3A_1715 : memref<80xi32, #tpu.memory_space<vmem>>) semaphore(%arg19 : memref<!tpu.dma_semaphore, #tpu.memory_space<semaphore_mem>>)
      } else {
      }
      %mul3A_927 = arith.constant 10 : i32
      %mul3A_928 = arith.muli %scan3A_761, %mul3A_927 : i32
      %add3A_929 = arith.constant 2 : i32
      %add3A_930 = arith.addi %mul3A_928, %add3A_929 : i32
      %dma_wait3A_931 = arith.constant 2 : i32
      %dma_wait3A_932 = arith.constant 0 : i32
      %dma_wait3A_933 = tpu.memref_slice %arg7[%dma_wait3A_931, %dma_wait3A_932] : memref<10x80xi32, #tpu.memory_space<vmem>> -> memref<1x80xi32, #tpu.memory_space<vmem>>
      %dma_wait3A_934 = tpu.memref_squeeze %dma_wait3A_933 : memref<1x80xi32, #tpu.memory_space<vmem>> -> memref<80xi32, #tpu.memory_space<vmem>>
      %dma_wait3A_935 = arith.constant 0 : i32
      %dma_wait3A_936 = arith.constant 0 : i32
      %dma_wait3A_937 = tpu.memref_slice %arg2[%dma_wait3A_935, %dma_wait3A_936] : memref<20000x64xf32, #tpu.memory_space<hbm>> -> memref<20000x64xf32, #tpu.memory_space<hbm>>
      tpu.wait_indirect_dma semaphore(%arg21 : memref<!tpu.dma_semaphore, #tpu.memory_space<semaphore_mem>>) src(%dma_wait3A_937 : memref<20000x64xf32, #tpu.memory_space<hbm>>) dst(%arg11 : memref<80x64xf32, #tpu.memory_space<vmem>>)
      %dma_start3A_938 = arith.constant 2 : i32
      %dma_start3A_939 = arith.constant 0 : i32
      %dma_start3A_940 = tpu.memref_slice %arg8[%dma_start3A_938, %dma_start3A_939] : memref<10x80xi32, #tpu.memory_space<vmem>> -> memref<1x80xi32, #tpu.memory_space<vmem>>
      %dma_start3A_941 = tpu.memref_squeeze %dma_start3A_940 : memref<1x80xi32, #tpu.memory_space<vmem>> -> memref<80xi32, #tpu.memory_space<vmem>>
      %dma_start3A_942 = arith.constant 0 : i32
      %dma_start3A_943 = arith.constant 0 : i32
      %dma_start3A_944 = tpu.memref_slice %arg17[%dma_start3A_942, %dma_start3A_943] : memref<20000x64xf32, #tpu.memory_space<vmem_shared>> -> memref<20000x64xf32, #tpu.memory_space<vmem_shared>>
      tpu.enqueue_indirect_dma source(%arg11 : memref<80x64xf32, #tpu.memory_space<vmem>>) target(%dma_start3A_944 : memref<20000x64xf32, #tpu.memory_space<vmem_shared>>) offsets(%dma_start3A_941 : memref<80xi32, #tpu.memory_space<vmem>>) semaphore(%arg26 : memref<!tpu.dma_semaphore, #tpu.memory_space<semaphore_mem>>) {add = true}
      %jit3A_945 = arith.constant 2 : i32
      %eq3A_946 = arith.constant 0 : i32
      %eq3A_947 = arith.cmpi eq, %jit3A_945, %eq3A_946 : i32
      %jit3A_948 = arith.constant 1 : i32
      %select_n3A_949 = arith.select %eq3A_947, %jit3A_948, %jit3A_945 : i32
      %rem3A_950 = arith.remsi %add3A_930, %select_n3A_949 : i32
      %ne3A_951 = arith.constant 0 : i32
      %ne3A_952 = arith.cmpi ne, %rem3A_950, %ne3A_951 : i32
      %lt3A_953 = arith.constant 0 : i32
      %lt3A_954 = arith.cmpi slt, %rem3A_950, %lt3A_953 : i32
      %lt3A_955 = arith.constant 0 : i32
      %lt3A_956 = arith.cmpi slt, %select_n3A_949, %lt3A_955 : i32
      %ne3A_957 = arith.xori %lt3A_954, %lt3A_956 : i1
      %and3A_958 = arith.andi %ne3A_957, %ne3A_952 : i1
      %add3A_959 = arith.addi %rem3A_950, %select_n3A_949 : i32
      %select_n3A_960 = arith.select %and3A_958, %add3A_959, %rem3A_950 : i32
      %eq3A_961 = arith.cmpi eq, %select_n3A_960, %arg0 : i32
      %convert_element_type3A_962 = arith.extui %eq3A_961 : i1 to i32
      %cond3A_963 = arith.constant 0 : i32
      %cond3A_964 = arith.cmpi ne, %convert_element_type3A_962, %cond3A_963 : i32
      scf.if %cond3A_964 {
        %dma_start3A_1616 = arith.constant 2 : i32
        %dma_start3A_1617 = arith.constant 0 : i32
        %dma_start3A_1618 = tpu.memref_slice %arg8[%dma_start3A_1616, %dma_start3A_1617] : memref<10x80xi32, #tpu.memory_space<vmem>> -> memref<1x80xi32, #tpu.memory_space<vmem>>
        %dma_start3A_1619 = tpu.memref_squeeze %dma_start3A_1618 : memref<1x80xi32, #tpu.memory_space<vmem>> -> memref<80xi32, #tpu.memory_space<vmem>>
        %dma_start3A_1620 = arith.constant 0 : i32
        %dma_start3A_1621 = arith.constant 0 : i32
        %dma_start3A_1622 = tpu.memref_slice %arg18[%dma_start3A_1620, %dma_start3A_1621] : memref<20000x16xf32, #tpu.memory_space<vmem_shared>> -> memref<20000x16xf32, #tpu.memory_space<vmem_shared>>
        tpu.enqueue_indirect_dma source(%arg14 : memref<80x16xf32, #tpu.memory_space<vmem>>) target(%dma_start3A_1622 : memref<20000x16xf32, #tpu.memory_space<vmem_shared>>) offsets(%dma_start3A_1619 : memref<80xi32, #tpu.memory_space<vmem>>) semaphore(%arg31 : memref<!tpu.dma_semaphore, #tpu.memory_space<semaphore_mem>>) {add = true}
      } else {
      }
      %gt3A_965 = arith.constant 0 : i32
      %gt3A_966 = arith.cmpi sgt, %add3A_930, %gt3A_965 : i32
      %convert_element_type3A_967 = arith.extui %gt3A_966 : i1 to i32
      %cond3A_968 = arith.constant 0 : i32
      %cond3A_969 = arith.cmpi ne, %convert_element_type3A_967, %cond3A_968 : i32
      scf.if %cond3A_969 {
        %dma_wait3A_1616 = arith.constant 2 : i32
        %dma_wait3A_1617 = arith.constant 0 : i32
        %dma_wait3A_1618 = tpu.memref_slice %arg8[%dma_wait3A_1616, %dma_wait3A_1617] : memref<10x80xi32, #tpu.memory_space<vmem>> -> memref<1x80xi32, #tpu.memory_space<vmem>>
        %dma_wait3A_1619 = tpu.memref_squeeze %dma_wait3A_1618 : memref<1x80xi32, #tpu.memory_space<vmem>> -> memref<80xi32, #tpu.memory_space<vmem>>
        %dma_wait3A_1620 = arith.constant 0 : i32
        %dma_wait3A_1621 = arith.constant 0 : i32
        %dma_wait3A_1622 = tpu.memref_slice %arg17[%dma_wait3A_1620, %dma_wait3A_1621] : memref<20000x64xf32, #tpu.memory_space<vmem_shared>> -> memref<20000x64xf32, #tpu.memory_space<vmem_shared>>
        tpu.wait_indirect_dma semaphore(%arg25 : memref<!tpu.dma_semaphore, #tpu.memory_space<semaphore_mem>>) src(%arg10 : memref<80x64xf32, #tpu.memory_space<vmem>>) dst(%dma_wait3A_1622 : memref<20000x64xf32, #tpu.memory_space<vmem_shared>>)
      } else {
      }
      %gt3A_970 = arith.constant 0 : i32
      %gt3A_971 = arith.cmpi sgt, %add3A_930, %gt3A_970 : i32
      %sub3A_972 = arith.constant 1 : i32
      %sub3A_973 = arith.subi %add3A_930, %sub3A_972 : i32
      %jit3A_974 = arith.constant 2 : i32
      %eq3A_975 = arith.constant 0 : i32
      %eq3A_976 = arith.cmpi eq, %jit3A_974, %eq3A_975 : i32
      %jit3A_977 = arith.constant 1 : i32
      %select_n3A_978 = arith.select %eq3A_976, %jit3A_977, %jit3A_974 : i32
      %rem3A_979 = arith.remsi %sub3A_973, %select_n3A_978 : i32
      %ne3A_980 = arith.constant 0 : i32
      %ne3A_981 = arith.cmpi ne, %rem3A_979, %ne3A_980 : i32
      %lt3A_982 = arith.constant 0 : i32
      %lt3A_983 = arith.cmpi slt, %rem3A_979, %lt3A_982 : i32
      %lt3A_984 = arith.constant 0 : i32
      %lt3A_985 = arith.cmpi slt, %select_n3A_978, %lt3A_984 : i32
      %ne3A_986 = arith.xori %lt3A_983, %lt3A_985 : i1
      %and3A_987 = arith.andi %ne3A_986, %ne3A_981 : i1
      %add3A_988 = arith.addi %rem3A_979, %select_n3A_978 : i32
      %select_n3A_989 = arith.select %and3A_987, %add3A_988, %rem3A_979 : i32
      %eq3A_990 = arith.cmpi eq, %select_n3A_989, %arg0 : i32
      %and3A_991 = arith.andi %gt3A_971, %eq3A_990 : i1
      %convert_element_type3A_992 = arith.extui %and3A_991 : i1 to i32
      %cond3A_993 = arith.constant 0 : i32
      %cond3A_994 = arith.cmpi ne, %convert_element_type3A_992, %cond3A_993 : i32
      scf.if %cond3A_994 {
        %dma_wait3A_1616 = arith.constant 2 : i32
        %dma_wait3A_1617 = arith.constant 0 : i32
        %dma_wait3A_1618 = tpu.memref_slice %arg8[%dma_wait3A_1616, %dma_wait3A_1617] : memref<10x80xi32, #tpu.memory_space<vmem>> -> memref<1x80xi32, #tpu.memory_space<vmem>>
        %dma_wait3A_1619 = tpu.memref_squeeze %dma_wait3A_1618 : memref<1x80xi32, #tpu.memory_space<vmem>> -> memref<80xi32, #tpu.memory_space<vmem>>
        %dma_wait3A_1620 = arith.constant 0 : i32
        %dma_wait3A_1621 = arith.constant 0 : i32
        %dma_wait3A_1622 = tpu.memref_slice %arg18[%dma_wait3A_1620, %dma_wait3A_1621] : memref<20000x16xf32, #tpu.memory_space<vmem_shared>> -> memref<20000x16xf32, #tpu.memory_space<vmem_shared>>
        tpu.wait_indirect_dma semaphore(%arg30 : memref<!tpu.dma_semaphore, #tpu.memory_space<semaphore_mem>>) src(%arg14 : memref<80x16xf32, #tpu.memory_space<vmem>>) dst(%dma_wait3A_1622 : memref<20000x16xf32, #tpu.memory_space<vmem_shared>>)
      } else {
      }
      %add3A_995 = arith.constant 10 : i32
      %add3A_996 = arith.addi %add3A_930, %add3A_995 : i32
      %sub3A_997 = arith.constant 1 : i32
      %sub3A_998 = arith.subi %add3A_996, %sub3A_997 : i32
      %lt3A_999 = arith.constant 250 : i32
      %lt3A_1000 = arith.cmpi slt, %sub3A_998, %lt3A_999 : i32
      %convert_element_type3A_1001 = arith.extui %lt3A_1000 : i1 to i32
      %cond3A_1002 = arith.constant 0 : i32
      %cond3A_1003 = arith.cmpi ne, %convert_element_type3A_1001, %cond3A_1002 : i32
      scf.if %cond3A_1003 {
        %add3A_1616 = arith.addi %mul3A_0, %add3A_930 : i32
        %add3A_1617 = arith.constant 10 : i32
        %add3A_1618 = arith.addi %add3A_1616, %add3A_1617 : i32
        %sub3A_1619 = arith.constant 1 : i32
        %sub3A_1620 = arith.subi %add3A_1618, %sub3A_1619 : i32
        %dma_start3A_1621 = arith.constant 1 : i32
        %dma_start3A_1622 = arith.constant 0 : i32
        %dma_start3A_1623 = tpu.memref_slice %arg7[%dma_start3A_1621, %dma_start3A_1622] : memref<10x80xi32, #tpu.memory_space<vmem>> -> memref<1x80xi32, #tpu.memory_space<vmem>>
        %dma_start3A_1624 = tpu.memref_squeeze %dma_start3A_1623 : memref<1x80xi32, #tpu.memory_space<vmem>> -> memref<80xi32, #tpu.memory_space<vmem>>
        %dma_start3A_1625 = arith.constant 0 : i32
        %dma_start3A_1626 = tpu.memref_slice %arg3[%sub3A_1620, %dma_start3A_1625] : memref<4000x80xi32, #tpu.memory_space<hbm>> -> memref<1x80xi32, #tpu.memory_space<hbm>>
        %dma_start3A_1627 = tpu.memref_squeeze %dma_start3A_1626 : memref<1x80xi32, #tpu.memory_space<hbm>> -> memref<80xi32, #tpu.memory_space<hbm>>
        %dma_start3A_1628 = arith.constant 0 : i32
        %dma_start3A_1629 = tpu.memref_slice %arg7[%dma_start3A_1621, %dma_start3A_1628] : memref<10x80xi32, #tpu.memory_space<vmem>> -> memref<1x80xi32, #tpu.memory_space<vmem>>
        %dma_start3A_1630 = tpu.memref_squeeze %dma_start3A_1629 : memref<1x80xi32, #tpu.memory_space<vmem>> -> memref<80xi32, #tpu.memory_space<vmem>>
        %dma_start3A_1631 = arith.constant 0 : i32
        %dma_start3A_1632 = tpu.memref_slice %arg3[%sub3A_1620, %dma_start3A_1631] : memref<4000x80xi32, #tpu.memory_space<hbm>> -> memref<1x80xi32, #tpu.memory_space<hbm>>
        %dma_start3A_1633 = tpu.memref_squeeze %dma_start3A_1632 : memref<1x80xi32, #tpu.memory_space<hbm>> -> memref<80xi32, #tpu.memory_space<hbm>>
        tpu.enqueue_dma source(%dma_start3A_1633 : memref<80xi32, #tpu.memory_space<hbm>>) target(%dma_start3A_1630 : memref<80xi32, #tpu.memory_space<vmem>>) target_semaphore(%arg35 : memref<!tpu.dma_semaphore, #tpu.memory_space<semaphore_mem>>)
        %add3A_1634 = arith.addi %mul3A_2, %add3A_930 : i32
        %add3A_1635 = arith.constant 10 : i32
        %add3A_1636 = arith.addi %add3A_1634, %add3A_1635 : i32
        %sub3A_1637 = arith.constant 1 : i32
        %sub3A_1638 = arith.subi %add3A_1636, %sub3A_1637 : i32
        %dma_start3A_1639 = arith.constant 1 : i32
        %dma_start3A_1640 = arith.constant 0 : i32
        %dma_start3A_1641 = tpu.memref_slice %arg8[%dma_start3A_1639, %dma_start3A_1640] : memref<10x80xi32, #tpu.memory_space<vmem>> -> memref<1x80xi32, #tpu.memory_space<vmem>>
        %dma_start3A_1642 = tpu.memref_squeeze %dma_start3A_1641 : memref<1x80xi32, #tpu.memory_space<vmem>> -> memref<80xi32, #tpu.memory_space<vmem>>
        %dma_start3A_1643 = arith.constant 0 : i32
        %dma_start3A_1644 = tpu.memref_slice %arg4[%sub3A_1638, %dma_start3A_1643] : memref<4000x80xi32, #tpu.memory_space<hbm>> -> memref<1x80xi32, #tpu.memory_space<hbm>>
        %dma_start3A_1645 = tpu.memref_squeeze %dma_start3A_1644 : memref<1x80xi32, #tpu.memory_space<hbm>> -> memref<80xi32, #tpu.memory_space<hbm>>
        %dma_start3A_1646 = arith.constant 0 : i32
        %dma_start3A_1647 = tpu.memref_slice %arg8[%dma_start3A_1639, %dma_start3A_1646] : memref<10x80xi32, #tpu.memory_space<vmem>> -> memref<1x80xi32, #tpu.memory_space<vmem>>
        %dma_start3A_1648 = tpu.memref_squeeze %dma_start3A_1647 : memref<1x80xi32, #tpu.memory_space<vmem>> -> memref<80xi32, #tpu.memory_space<vmem>>
        %dma_start3A_1649 = arith.constant 0 : i32
        %dma_start3A_1650 = tpu.memref_slice %arg4[%sub3A_1638, %dma_start3A_1649] : memref<4000x80xi32, #tpu.memory_space<hbm>> -> memref<1x80xi32, #tpu.memory_space<hbm>>
        %dma_start3A_1651 = tpu.memref_squeeze %dma_start3A_1650 : memref<1x80xi32, #tpu.memory_space<hbm>> -> memref<80xi32, #tpu.memory_space<hbm>>
        tpu.enqueue_dma source(%dma_start3A_1651 : memref<80xi32, #tpu.memory_space<hbm>>) target(%dma_start3A_1648 : memref<80xi32, #tpu.memory_space<vmem>>) target_semaphore(%arg35 : memref<!tpu.dma_semaphore, #tpu.memory_space<semaphore_mem>>)
      } else {
      }
      %add3A_1004 = arith.constant 5 : i32
      %add3A_1005 = arith.addi %add3A_930, %add3A_1004 : i32
      %sub3A_1006 = arith.constant 1 : i32
      %sub3A_1007 = arith.subi %add3A_1005, %sub3A_1006 : i32
      %lt3A_1008 = arith.constant 250 : i32
      %lt3A_1009 = arith.cmpi slt, %sub3A_1007, %lt3A_1008 : i32
      %convert_element_type3A_1010 = arith.extui %lt3A_1009 : i1 to i32
      %cond3A_1011 = arith.constant 0 : i32
      %cond3A_1012 = arith.cmpi ne, %convert_element_type3A_1010, %cond3A_1011 : i32
      scf.if %cond3A_1012 {
        %dma_wait3A_1616 = arith.constant 6 : i32
        %dma_wait3A_1617 = arith.constant 0 : i32
        %dma_wait3A_1618 = tpu.memref_slice %arg7[%dma_wait3A_1616, %dma_wait3A_1617] : memref<10x80xi32, #tpu.memory_space<vmem>> -> memref<1x80xi32, #tpu.memory_space<vmem>>
        %dma_wait3A_1619 = tpu.memref_squeeze %dma_wait3A_1618 : memref<1x80xi32, #tpu.memory_space<vmem>> -> memref<80xi32, #tpu.memory_space<vmem>>
        %dma_wait3A_1620 = arith.constant 0 : i32
        %dma_wait3A_1621 = tpu.memref_slice %arg3[%mul3A_0, %dma_wait3A_1620] : memref<4000x80xi32, #tpu.memory_space<hbm>> -> memref<1x80xi32, #tpu.memory_space<hbm>>
        %dma_wait3A_1622 = tpu.memref_squeeze %dma_wait3A_1621 : memref<1x80xi32, #tpu.memory_space<hbm>> -> memref<80xi32, #tpu.memory_space<hbm>>
        %dma_wait3A_1623 = arith.constant 0 : i32
        %dma_wait3A_1624 = tpu.memref_slice %arg7[%dma_wait3A_1616, %dma_wait3A_1623] : memref<10x80xi32, #tpu.memory_space<vmem>> -> memref<1x80xi32, #tpu.memory_space<vmem>>
        %dma_wait3A_1625 = tpu.memref_squeeze %dma_wait3A_1624 : memref<1x80xi32, #tpu.memory_space<vmem>> -> memref<80xi32, #tpu.memory_space<vmem>>
        %dma_wait3A_1626 = arith.constant 0 : i32
        %dma_wait3A_1627 = tpu.memref_slice %arg3[%mul3A_0, %dma_wait3A_1626] : memref<4000x80xi32, #tpu.memory_space<hbm>> -> memref<1x80xi32, #tpu.memory_space<hbm>>
        %dma_wait3A_1628 = tpu.memref_squeeze %dma_wait3A_1627 : memref<1x80xi32, #tpu.memory_space<hbm>> -> memref<80xi32, #tpu.memory_space<hbm>>
        tpu.wait_dma2 semaphore(%arg40 : memref<!tpu.dma_semaphore, #tpu.memory_space<semaphore_mem>>) src(%dma_wait3A_1628 : memref<80xi32, #tpu.memory_space<hbm>>) dst(%dma_wait3A_1625 : memref<80xi32, #tpu.memory_space<vmem>>)
        %dma_wait3A_1629 = arith.constant 6 : i32
        %dma_wait3A_1630 = arith.constant 0 : i32
        %dma_wait3A_1631 = tpu.memref_slice %arg8[%dma_wait3A_1629, %dma_wait3A_1630] : memref<10x80xi32, #tpu.memory_space<vmem>> -> memref<1x80xi32, #tpu.memory_space<vmem>>
        %dma_wait3A_1632 = tpu.memref_squeeze %dma_wait3A_1631 : memref<1x80xi32, #tpu.memory_space<vmem>> -> memref<80xi32, #tpu.memory_space<vmem>>
        %dma_wait3A_1633 = arith.constant 0 : i32
        %dma_wait3A_1634 = tpu.memref_slice %arg4[%mul3A_2, %dma_wait3A_1633] : memref<4000x80xi32, #tpu.memory_space<hbm>> -> memref<1x80xi32, #tpu.memory_space<hbm>>
        %dma_wait3A_1635 = tpu.memref_squeeze %dma_wait3A_1634 : memref<1x80xi32, #tpu.memory_space<hbm>> -> memref<80xi32, #tpu.memory_space<hbm>>
        %dma_wait3A_1636 = arith.constant 0 : i32
        %dma_wait3A_1637 = tpu.memref_slice %arg8[%dma_wait3A_1629, %dma_wait3A_1636] : memref<10x80xi32, #tpu.memory_space<vmem>> -> memref<1x80xi32, #tpu.memory_space<vmem>>
        %dma_wait3A_1638 = tpu.memref_squeeze %dma_wait3A_1637 : memref<1x80xi32, #tpu.memory_space<vmem>> -> memref<80xi32, #tpu.memory_space<vmem>>
        %dma_wait3A_1639 = arith.constant 0 : i32
        %dma_wait3A_1640 = tpu.memref_slice %arg4[%mul3A_2, %dma_wait3A_1639] : memref<4000x80xi32, #tpu.memory_space<hbm>> -> memref<1x80xi32, #tpu.memory_space<hbm>>
        %dma_wait3A_1641 = tpu.memref_squeeze %dma_wait3A_1640 : memref<1x80xi32, #tpu.memory_space<hbm>> -> memref<80xi32, #tpu.memory_space<hbm>>
        tpu.wait_dma2 semaphore(%arg40 : memref<!tpu.dma_semaphore, #tpu.memory_space<semaphore_mem>>) src(%dma_wait3A_1641 : memref<80xi32, #tpu.memory_space<hbm>>) dst(%dma_wait3A_1638 : memref<80xi32, #tpu.memory_space<vmem>>)
        %get3A_1642 = arith.constant 6 : i32
        %get3A_1643 = arith.index_cast %get3A_1642 : i32 to index
        %get3A_1644 = arith.constant 0 : index
        %get3A_1645 = tpu.vector_load %arg7[%get3A_1643, %get3A_1644] {strides = array<i32>} : memref<10x80xi32, #tpu.memory_space<vmem>>, vector<1x16xi32>,
        %get3A_1646 = vector.shape_cast %get3A_1645 : vector<1x16xi32> to vector<16xi32>
        %add3A_1647 = arith.addi %get3A_1646, %get3A_1646 : vector<16xi32>
        %add3A_1648 = vector.broadcast %arg0 : i32 to vector<16xi32>
        %add3A_1649 = arith.addi %add3A_1647, %add3A_1648 : vector<16xi32>
        %swap3A_1650 = arith.constant 6 : i32
        %swap3A_1651 = arith.index_cast %swap3A_1650 : i32 to index
        %swap3A_1652 = arith.constant 0 : index
        %swap3A_1653 = tpu.vector_load %arg7[%swap3A_1651, %swap3A_1652] {strides = array<i32>} : memref<10x80xi32, #tpu.memory_space<vmem>>, vector<1x16xi32>,
        %swap3A_1654 = vector.shape_cast %swap3A_1653 : vector<1x16xi32> to vector<16xi32>
        %swap3A_1655 = vector.shape_cast %add3A_1649 : vector<16xi32> to vector<1x16xi32>
        tpu.vector_store %arg7[%swap3A_1651, %swap3A_1652], %swap3A_1655 {strides = array<i32>} : memref<10x80xi32, #tpu.memory_space<vmem>>, vector<1x16xi32>,
        %get3A_1656 = arith.constant 6 : i32
        %get3A_1657 = arith.index_cast %get3A_1656 : i32 to index
        %get3A_1658 = arith.constant 16 : index
        %get3A_1659 = tpu.vector_load %arg7[%get3A_1657, %get3A_1658] {strides = array<i32>} : memref<10x80xi32, #tpu.memory_space<vmem>>, vector<1x16xi32>,
        %get3A_1660 = vector.shape_cast %get3A_1659 : vector<1x16xi32> to vector<16xi32>
        %add3A_1661 = arith.addi %get3A_1660, %get3A_1660 : vector<16xi32>
        %add3A_1662 = vector.broadcast %arg0 : i32 to vector<16xi32>
        %add3A_1663 = arith.addi %add3A_1661, %add3A_1662 : vector<16xi32>
        %swap3A_1664 = arith.constant 6 : i32
        %swap3A_1665 = arith.index_cast %swap3A_1664 : i32 to index
        %swap3A_1666 = arith.constant 16 : index
        %swap3A_1667 = tpu.vector_load %arg7[%swap3A_1665, %swap3A_1666] {strides = array<i32>} : memref<10x80xi32, #tpu.memory_space<vmem>>, vector<1x16xi32>,
        %swap3A_1668 = vector.shape_cast %swap3A_1667 : vector<1x16xi32> to vector<16xi32>
        %swap3A_1669 = vector.shape_cast %add3A_1663 : vector<16xi32> to vector<1x16xi32>
        tpu.vector_store %arg7[%swap3A_1665, %swap3A_1666], %swap3A_1669 {strides = array<i32>} : memref<10x80xi32, #tpu.memory_space<vmem>>, vector<1x16xi32>,
        %get3A_1670 = arith.constant 6 : i32
        %get3A_1671 = arith.index_cast %get3A_1670 : i32 to index
        %get3A_1672 = arith.constant 32 : index
        %get3A_1673 = tpu.vector_load %arg7[%get3A_1671, %get3A_1672] {strides = array<i32>} : memref<10x80xi32, #tpu.memory_space<vmem>>, vector<1x16xi32>,
        %get3A_1674 = vector.shape_cast %get3A_1673 : vector<1x16xi32> to vector<16xi32>
        %add3A_1675 = arith.addi %get3A_1674, %get3A_1674 : vector<16xi32>
        %add3A_1676 = vector.broadcast %arg0 : i32 to vector<16xi32>
        %add3A_1677 = arith.addi %add3A_1675, %add3A_1676 : vector<16xi32>
        %swap3A_1678 = arith.constant 6 : i32
        %swap3A_1679 = arith.index_cast %swap3A_1678 : i32 to index
        %swap3A_1680 = arith.constant 32 : index
        %swap3A_1681 = tpu.vector_load %arg7[%swap3A_1679, %swap3A_1680] {strides = array<i32>} : memref<10x80xi32, #tpu.memory_space<vmem>>, vector<1x16xi32>,
        %swap3A_1682 = vector.shape_cast %swap3A_1681 : vector<1x16xi32> to vector<16xi32>
        %swap3A_1683 = vector.shape_cast %add3A_1677 : vector<16xi32> to vector<1x16xi32>
        tpu.vector_store %arg7[%swap3A_1679, %swap3A_1680], %swap3A_1683 {strides = array<i32>} : memref<10x80xi32, #tpu.memory_space<vmem>>, vector<1x16xi32>,
        %get3A_1684 = arith.constant 6 : i32
        %get3A_1685 = arith.index_cast %get3A_1684 : i32 to index
        %get3A_1686 = arith.constant 48 : index
        %get3A_1687 = tpu.vector_load %arg7[%get3A_1685, %get3A_1686] {strides = array<i32>} : memref<10x80xi32, #tpu.memory_space<vmem>>, vector<1x16xi32>,
        %get3A_1688 = vector.shape_cast %get3A_1687 : vector<1x16xi32> to vector<16xi32>
        %add3A_1689 = arith.addi %get3A_1688, %get3A_1688 : vector<16xi32>
        %add3A_1690 = vector.broadcast %arg0 : i32 to vector<16xi32>
        %add3A_1691 = arith.addi %add3A_1689, %add3A_1690 : vector<16xi32>
        %swap3A_1692 = arith.constant 6 : i32
        %swap3A_1693 = arith.index_cast %swap3A_1692 : i32 to index
        %swap3A_1694 = arith.constant 48 : index
        %swap3A_1695 = tpu.vector_load %arg7[%swap3A_1693, %swap3A_1694] {strides = array<i32>} : memref<10x80xi32, #tpu.memory_space<vmem>>, vector<1x16xi32>,
        %swap3A_1696 = vector.shape_cast %swap3A_1695 : vector<1x16xi32> to vector<16xi32>
        %swap3A_1697 = vector.shape_cast %add3A_1691 : vector<16xi32> to vector<1x16xi32>
        tpu.vector_store %arg7[%swap3A_1693, %swap3A_1694], %swap3A_1697 {strides = array<i32>} : memref<10x80xi32, #tpu.memory_space<vmem>>, vector<1x16xi32>,
        %get3A_1698 = arith.constant 6 : i32
        %get3A_1699 = arith.index_cast %get3A_1698 : i32 to index
        %get3A_1700 = arith.constant 64 : index
        %get3A_1701 = tpu.vector_load %arg7[%get3A_1699, %get3A_1700] {strides = array<i32>} : memref<10x80xi32, #tpu.memory_space<vmem>>, vector<1x16xi32>,
        %get3A_1702 = vector.shape_cast %get3A_1701 : vector<1x16xi32> to vector<16xi32>
        %add3A_1703 = arith.addi %get3A_1702, %get3A_1702 : vector<16xi32>
        %add3A_1704 = vector.broadcast %arg0 : i32 to vector<16xi32>
        %add3A_1705 = arith.addi %add3A_1703, %add3A_1704 : vector<16xi32>
        %swap3A_1706 = arith.constant 6 : i32
        %swap3A_1707 = arith.index_cast %swap3A_1706 : i32 to index
        %swap3A_1708 = arith.constant 64 : index
        %swap3A_1709 = tpu.vector_load %arg7[%swap3A_1707, %swap3A_1708] {strides = array<i32>} : memref<10x80xi32, #tpu.memory_space<vmem>>, vector<1x16xi32>,
        %swap3A_1710 = vector.shape_cast %swap3A_1709 : vector<1x16xi32> to vector<16xi32>
        %swap3A_1711 = vector.shape_cast %add3A_1705 : vector<16xi32> to vector<1x16xi32>
        tpu.vector_store %arg7[%swap3A_1707, %swap3A_1708], %swap3A_1711 {strides = array<i32>} : memref<10x80xi32, #tpu.memory_space<vmem>>, vector<1x16xi32>,
        %dma_start3A_1712 = arith.constant 6 : i32
        %dma_start3A_1713 = arith.constant 0 : i32
        %dma_start3A_1714 = tpu.memref_slice %arg7[%dma_start3A_1712, %dma_start3A_1713] : memref<10x80xi32, #tpu.memory_space<vmem>> -> memref<1x80xi32, #tpu.memory_space<vmem>>
        %dma_start3A_1715 = tpu.memref_squeeze %dma_start3A_1714 : memref<1x80xi32, #tpu.memory_space<vmem>> -> memref<80xi32, #tpu.memory_space<vmem>>
        %dma_start3A_1716 = arith.constant 0 : i32
        %dma_start3A_1717 = arith.constant 0 : i32
        %dma_start3A_1718 = tpu.memref_slice %arg2[%dma_start3A_1716, %dma_start3A_1717] : memref<20000x64xf32, #tpu.memory_space<hbm>> -> memref<20000x64xf32, #tpu.memory_space<hbm>>
        tpu.enqueue_indirect_dma source(%dma_start3A_1718 : memref<20000x64xf32, #tpu.memory_space<hbm>>) target(%arg10 : memref<80x64xf32, #tpu.memory_space<vmem>>) offsets(%dma_start3A_1715 : memref<80xi32, #tpu.memory_space<vmem>>) semaphore(%arg20 : memref<!tpu.dma_semaphore, #tpu.memory_space<semaphore_mem>>)
      } else {
      }
      %mul3A_1013 = arith.constant 10 : i32
      %mul3A_1014 = arith.muli %scan3A_761, %mul3A_1013 : i32
      %add3A_1015 = arith.constant 3 : i32
      %add3A_1016 = arith.addi %mul3A_1014, %add3A_1015 : i32
      %dma_wait3A_1017 = arith.constant 3 : i32
      %dma_wait3A_1018 = arith.constant 0 : i32
      %dma_wait3A_1019 = tpu.memref_slice %arg7[%dma_wait3A_1017, %dma_wait3A_1018] : memref<10x80xi32, #tpu.memory_space<vmem>> -> memref<1x80xi32, #tpu.memory_space<vmem>>
      %dma_wait3A_1020 = tpu.memref_squeeze %dma_wait3A_1019 : memref<1x80xi32, #tpu.memory_space<vmem>> -> memref<80xi32, #tpu.memory_space<vmem>>
      %dma_wait3A_1021 = arith.constant 0 : i32
      %dma_wait3A_1022 = arith.constant 0 : i32
      %dma_wait3A_1023 = tpu.memref_slice %arg2[%dma_wait3A_1021, %dma_wait3A_1022] : memref<20000x64xf32, #tpu.memory_space<hbm>> -> memref<20000x64xf32, #tpu.memory_space<hbm>>
      tpu.wait_indirect_dma semaphore(%arg22 : memref<!tpu.dma_semaphore, #tpu.memory_space<semaphore_mem>>) src(%dma_wait3A_1023 : memref<20000x64xf32, #tpu.memory_space<hbm>>) dst(%arg12 : memref<80x64xf32, #tpu.memory_space<vmem>>)
      %dma_start3A_1024 = arith.constant 3 : i32
      %dma_start3A_1025 = arith.constant 0 : i32
      %dma_start3A_1026 = tpu.memref_slice %arg8[%dma_start3A_1024, %dma_start3A_1025] : memref<10x80xi32, #tpu.memory_space<vmem>> -> memref<1x80xi32, #tpu.memory_space<vmem>>
      %dma_start3A_1027 = tpu.memref_squeeze %dma_start3A_1026 : memref<1x80xi32, #tpu.memory_space<vmem>> -> memref<80xi32, #tpu.memory_space<vmem>>
      %dma_start3A_1028 = arith.constant 0 : i32
      %dma_start3A_1029 = arith.constant 0 : i32
      %dma_start3A_1030 = tpu.memref_slice %arg17[%dma_start3A_1028, %dma_start3A_1029] : memref<20000x64xf32, #tpu.memory_space<vmem_shared>> -> memref<20000x64xf32, #tpu.memory_space<vmem_shared>>
      tpu.enqueue_indirect_dma source(%arg12 : memref<80x64xf32, #tpu.memory_space<vmem>>) target(%dma_start3A_1030 : memref<20000x64xf32, #tpu.memory_space<vmem_shared>>) offsets(%dma_start3A_1027 : memref<80xi32, #tpu.memory_space<vmem>>) semaphore(%arg27 : memref<!tpu.dma_semaphore, #tpu.memory_space<semaphore_mem>>) {add = true}
      %jit3A_1031 = arith.constant 2 : i32
      %eq3A_1032 = arith.constant 0 : i32
      %eq3A_1033 = arith.cmpi eq, %jit3A_1031, %eq3A_1032 : i32
      %jit3A_1034 = arith.constant 1 : i32
      %select_n3A_1035 = arith.select %eq3A_1033, %jit3A_1034, %jit3A_1031 : i32
      %rem3A_1036 = arith.remsi %add3A_1016, %select_n3A_1035 : i32
      %ne3A_1037 = arith.constant 0 : i32
      %ne3A_1038 = arith.cmpi ne, %rem3A_1036, %ne3A_1037 : i32
      %lt3A_1039 = arith.constant 0 : i32
      %lt3A_1040 = arith.cmpi slt, %rem3A_1036, %lt3A_1039 : i32
      %lt3A_1041 = arith.constant 0 : i32
      %lt3A_1042 = arith.cmpi slt, %select_n3A_1035, %lt3A_1041 : i32
      %ne3A_1043 = arith.xori %lt3A_1040, %lt3A_1042 : i1
      %and3A_1044 = arith.andi %ne3A_1043, %ne3A_1038 : i1
      %add3A_1045 = arith.addi %rem3A_1036, %select_n3A_1035 : i32
      %select_n3A_1046 = arith.select %and3A_1044, %add3A_1045, %rem3A_1036 : i32
      %eq3A_1047 = arith.cmpi eq, %select_n3A_1046, %arg0 : i32
      %convert_element_type3A_1048 = arith.extui %eq3A_1047 : i1 to i32
      %cond3A_1049 = arith.constant 0 : i32
      %cond3A_1050 = arith.cmpi ne, %convert_element_type3A_1048, %cond3A_1049 : i32
      scf.if %cond3A_1050 {
        %dma_start3A_1616 = arith.constant 3 : i32
        %dma_start3A_1617 = arith.constant 0 : i32
        %dma_start3A_1618 = tpu.memref_slice %arg8[%dma_start3A_1616, %dma_start3A_1617] : memref<10x80xi32, #tpu.memory_space<vmem>> -> memref<1x80xi32, #tpu.memory_space<vmem>>
        %dma_start3A_1619 = tpu.memref_squeeze %dma_start3A_1618 : memref<1x80xi32, #tpu.memory_space<vmem>> -> memref<80xi32, #tpu.memory_space<vmem>>
        %dma_start3A_1620 = arith.constant 0 : i32
        %dma_start3A_1621 = arith.constant 0 : i32
        %dma_start3A_1622 = tpu.memref_slice %arg18[%dma_start3A_1620, %dma_start3A_1621] : memref<20000x16xf32, #tpu.memory_space<vmem_shared>> -> memref<20000x16xf32, #tpu.memory_space<vmem_shared>>
        tpu.enqueue_indirect_dma source(%arg14 : memref<80x16xf32, #tpu.memory_space<vmem>>) target(%dma_start3A_1622 : memref<20000x16xf32, #tpu.memory_space<vmem_shared>>) offsets(%dma_start3A_1619 : memref<80xi32, #tpu.memory_space<vmem>>) semaphore(%arg32 : memref<!tpu.dma_semaphore, #tpu.memory_space<semaphore_mem>>) {add = true}
      } else {
      }
      %gt3A_1051 = arith.constant 0 : i32
      %gt3A_1052 = arith.cmpi sgt, %add3A_1016, %gt3A_1051 : i32
      %convert_element_type3A_1053 = arith.extui %gt3A_1052 : i1 to i32
      %cond3A_1054 = arith.constant 0 : i32
      %cond3A_1055 = arith.cmpi ne, %convert_element_type3A_1053, %cond3A_1054 : i32
      scf.if %cond3A_1055 {
        %dma_wait3A_1616 = arith.constant 3 : i32
        %dma_wait3A_1617 = arith.constant 0 : i32
        %dma_wait3A_1618 = tpu.memref_slice %arg8[%dma_wait3A_1616, %dma_wait3A_1617] : memref<10x80xi32, #tpu.memory_space<vmem>> -> memref<1x80xi32, #tpu.memory_space<vmem>>
        %dma_wait3A_1619 = tpu.memref_squeeze %dma_wait3A_1618 : memref<1x80xi32, #tpu.memory_space<vmem>> -> memref<80xi32, #tpu.memory_space<vmem>>
        %dma_wait3A_1620 = arith.constant 0 : i32
        %dma_wait3A_1621 = arith.constant 0 : i32
        %dma_wait3A_1622 = tpu.memref_slice %arg17[%dma_wait3A_1620, %dma_wait3A_1621] : memref<20000x64xf32, #tpu.memory_space<vmem_shared>> -> memref<20000x64xf32, #tpu.memory_space<vmem_shared>>
        tpu.wait_indirect_dma semaphore(%arg26 : memref<!tpu.dma_semaphore, #tpu.memory_space<semaphore_mem>>) src(%arg11 : memref<80x64xf32, #tpu.memory_space<vmem>>) dst(%dma_wait3A_1622 : memref<20000x64xf32, #tpu.memory_space<vmem_shared>>)
      } else {
      }
      %gt3A_1056 = arith.constant 0 : i32
      %gt3A_1057 = arith.cmpi sgt, %add3A_1016, %gt3A_1056 : i32
      %sub3A_1058 = arith.constant 1 : i32
      %sub3A_1059 = arith.subi %add3A_1016, %sub3A_1058 : i32
      %jit3A_1060 = arith.constant 2 : i32
      %eq3A_1061 = arith.constant 0 : i32
      %eq3A_1062 = arith.cmpi eq, %jit3A_1060, %eq3A_1061 : i32
      %jit3A_1063 = arith.constant 1 : i32
      %select_n3A_1064 = arith.select %eq3A_1062, %jit3A_1063, %jit3A_1060 : i32
      %rem3A_1065 = arith.remsi %sub3A_1059, %select_n3A_1064 : i32
      %ne3A_1066 = arith.constant 0 : i32
      %ne3A_1067 = arith.cmpi ne, %rem3A_1065, %ne3A_1066 : i32
      %lt3A_1068 = arith.constant 0 : i32
      %lt3A_1069 = arith.cmpi slt, %rem3A_1065, %lt3A_1068 : i32
      %lt3A_1070 = arith.constant 0 : i32
      %lt3A_1071 = arith.cmpi slt, %select_n3A_1064, %lt3A_1070 : i32
      %ne3A_1072 = arith.xori %lt3A_1069, %lt3A_1071 : i1
      %and3A_1073 = arith.andi %ne3A_1072, %ne3A_1067 : i1
      %add3A_1074 = arith.addi %rem3A_1065, %select_n3A_1064 : i32
      %select_n3A_1075 = arith.select %and3A_1073, %add3A_1074, %rem3A_1065 : i32
      %eq3A_1076 = arith.cmpi eq, %select_n3A_1075, %arg0 : i32
      %and3A_1077 = arith.andi %gt3A_1057, %eq3A_1076 : i1
      %convert_element_type3A_1078 = arith.extui %and3A_1077 : i1 to i32
      %cond3A_1079 = arith.constant 0 : i32
      %cond3A_1080 = arith.cmpi ne, %convert_element_type3A_1078, %cond3A_1079 : i32
      scf.if %cond3A_1080 {
        %dma_wait3A_1616 = arith.constant 3 : i32
        %dma_wait3A_1617 = arith.constant 0 : i32
        %dma_wait3A_1618 = tpu.memref_slice %arg8[%dma_wait3A_1616, %dma_wait3A_1617] : memref<10x80xi32, #tpu.memory_space<vmem>> -> memref<1x80xi32, #tpu.memory_space<vmem>>
        %dma_wait3A_1619 = tpu.memref_squeeze %dma_wait3A_1618 : memref<1x80xi32, #tpu.memory_space<vmem>> -> memref<80xi32, #tpu.memory_space<vmem>>
        %dma_wait3A_1620 = arith.constant 0 : i32
        %dma_wait3A_1621 = arith.constant 0 : i32
        %dma_wait3A_1622 = tpu.memref_slice %arg18[%dma_wait3A_1620, %dma_wait3A_1621] : memref<20000x16xf32, #tpu.memory_space<vmem_shared>> -> memref<20000x16xf32, #tpu.memory_space<vmem_shared>>
        tpu.wait_indirect_dma semaphore(%arg31 : memref<!tpu.dma_semaphore, #tpu.memory_space<semaphore_mem>>) src(%arg14 : memref<80x16xf32, #tpu.memory_space<vmem>>) dst(%dma_wait3A_1622 : memref<20000x16xf32, #tpu.memory_space<vmem_shared>>)
      } else {
      }
      %add3A_1081 = arith.constant 10 : i32
      %add3A_1082 = arith.addi %add3A_1016, %add3A_1081 : i32
      %sub3A_1083 = arith.constant 1 : i32
      %sub3A_1084 = arith.subi %add3A_1082, %sub3A_1083 : i32
      %lt3A_1085 = arith.constant 250 : i32
      %lt3A_1086 = arith.cmpi slt, %sub3A_1084, %lt3A_1085 : i32
      %convert_element_type3A_1087 = arith.extui %lt3A_1086 : i1 to i32
      %cond3A_1088 = arith.constant 0 : i32
      %cond3A_1089 = arith.cmpi ne, %convert_element_type3A_1087, %cond3A_1088 : i32
      scf.if %cond3A_1089 {
        %add3A_1616 = arith.addi %mul3A_0, %add3A_1016 : i32
        %add3A_1617 = arith.constant 10 : i32
        %add3A_1618 = arith.addi %add3A_1616, %add3A_1617 : i32
        %sub3A_1619 = arith.constant 1 : i32
        %sub3A_1620 = arith.subi %add3A_1618, %sub3A_1619 : i32
        %dma_start3A_1621 = arith.constant 2 : i32
        %dma_start3A_1622 = arith.constant 0 : i32
        %dma_start3A_1623 = tpu.memref_slice %arg7[%dma_start3A_1621, %dma_start3A_1622] : memref<10x80xi32, #tpu.memory_space<vmem>> -> memref<1x80xi32, #tpu.memory_space<vmem>>
        %dma_start3A_1624 = tpu.memref_squeeze %dma_start3A_1623 : memref<1x80xi32, #tpu.memory_space<vmem>> -> memref<80xi32, #tpu.memory_space<vmem>>
        %dma_start3A_1625 = arith.constant 0 : i32
        %dma_start3A_1626 = tpu.memref_slice %arg3[%sub3A_1620, %dma_start3A_1625] : memref<4000x80xi32, #tpu.memory_space<hbm>> -> memref<1x80xi32, #tpu.memory_space<hbm>>
        %dma_start3A_1627 = tpu.memref_squeeze %dma_start3A_1626 : memref<1x80xi32, #tpu.memory_space<hbm>> -> memref<80xi32, #tpu.memory_space<hbm>>
        %dma_start3A_1628 = arith.constant 0 : i32
        %dma_start3A_1629 = tpu.memref_slice %arg7[%dma_start3A_1621, %dma_start3A_1628] : memref<10x80xi32, #tpu.memory_space<vmem>> -> memref<1x80xi32, #tpu.memory_space<vmem>>
        %dma_start3A_1630 = tpu.memref_squeeze %dma_start3A_1629 : memref<1x80xi32, #tpu.memory_space<vmem>> -> memref<80xi32, #tpu.memory_space<vmem>>
        %dma_start3A_1631 = arith.constant 0 : i32
        %dma_start3A_1632 = tpu.memref_slice %arg3[%sub3A_1620, %dma_start3A_1631] : memref<4000x80xi32, #tpu.memory_space<hbm>> -> memref<1x80xi32, #tpu.memory_space<hbm>>
        %dma_start3A_1633 = tpu.memref_squeeze %dma_start3A_1632 : memref<1x80xi32, #tpu.memory_space<hbm>> -> memref<80xi32, #tpu.memory_space<hbm>>
        tpu.enqueue_dma source(%dma_start3A_1633 : memref<80xi32, #tpu.memory_space<hbm>>) target(%dma_start3A_1630 : memref<80xi32, #tpu.memory_space<vmem>>) target_semaphore(%arg36 : memref<!tpu.dma_semaphore, #tpu.memory_space<semaphore_mem>>)
        %add3A_1634 = arith.addi %mul3A_2, %add3A_1016 : i32
        %add3A_1635 = arith.constant 10 : i32
        %add3A_1636 = arith.addi %add3A_1634, %add3A_1635 : i32
        %sub3A_1637 = arith.constant 1 : i32
        %sub3A_1638 = arith.subi %add3A_1636, %sub3A_1637 : i32
        %dma_start3A_1639 = arith.constant 2 : i32
        %dma_start3A_1640 = arith.constant 0 : i32
        %dma_start3A_1641 = tpu.memref_slice %arg8[%dma_start3A_1639, %dma_start3A_1640] : memref<10x80xi32, #tpu.memory_space<vmem>> -> memref<1x80xi32, #tpu.memory_space<vmem>>
        %dma_start3A_1642 = tpu.memref_squeeze %dma_start3A_1641 : memref<1x80xi32, #tpu.memory_space<vmem>> -> memref<80xi32, #tpu.memory_space<vmem>>
        %dma_start3A_1643 = arith.constant 0 : i32
        %dma_start3A_1644 = tpu.memref_slice %arg4[%sub3A_1638, %dma_start3A_1643] : memref<4000x80xi32, #tpu.memory_space<hbm>> -> memref<1x80xi32, #tpu.memory_space<hbm>>
        %dma_start3A_1645 = tpu.memref_squeeze %dma_start3A_1644 : memref<1x80xi32, #tpu.memory_space<hbm>> -> memref<80xi32, #tpu.memory_space<hbm>>
        %dma_start3A_1646 = arith.constant 0 : i32
        %dma_start3A_1647 = tpu.memref_slice %arg8[%dma_start3A_1639, %dma_start3A_1646] : memref<10x80xi32, #tpu.memory_space<vmem>> -> memref<1x80xi32, #tpu.memory_space<vmem>>
        %dma_start3A_1648 = tpu.memref_squeeze %dma_start3A_1647 : memref<1x80xi32, #tpu.memory_space<vmem>> -> memref<80xi32, #tpu.memory_space<vmem>>
        %dma_start3A_1649 = arith.constant 0 : i32
        %dma_start3A_1650 = tpu.memref_slice %arg4[%sub3A_1638, %dma_start3A_1649] : memref<4000x80xi32, #tpu.memory_space<hbm>> -> memref<1x80xi32, #tpu.memory_space<hbm>>
        %dma_start3A_1651 = tpu.memref_squeeze %dma_start3A_1650 : memref<1x80xi32, #tpu.memory_space<hbm>> -> memref<80xi32, #tpu.memory_space<hbm>>
        tpu.enqueue_dma source(%dma_start3A_1651 : memref<80xi32, #tpu.memory_space<hbm>>) target(%dma_start3A_1648 : memref<80xi32, #tpu.memory_space<vmem>>) target_semaphore(%arg36 : memref<!tpu.dma_semaphore, #tpu.memory_space<semaphore_mem>>)
      } else {
      }
      %add3A_1090 = arith.constant 5 : i32
      %add3A_1091 = arith.addi %add3A_1016, %add3A_1090 : i32
      %sub3A_1092 = arith.constant 1 : i32
      %sub3A_1093 = arith.subi %add3A_1091, %sub3A_1092 : i32
      %lt3A_1094 = arith.constant 250 : i32
      %lt3A_1095 = arith.cmpi slt, %sub3A_1093, %lt3A_1094 : i32
      %convert_element_type3A_1096 = arith.extui %lt3A_1095 : i1 to i32
      %cond3A_1097 = arith.constant 0 : i32
      %cond3A_1098 = arith.cmpi ne, %convert_element_type3A_1096, %cond3A_1097 : i32
      scf.if %cond3A_1098 {
        %dma_wait3A_1616 = arith.constant 7 : i32
        %dma_wait3A_1617 = arith.constant 0 : i32
        %dma_wait3A_1618 = tpu.memref_slice %arg7[%dma_wait3A_1616, %dma_wait3A_1617] : memref<10x80xi32, #tpu.memory_space<vmem>> -> memref<1x80xi32, #tpu.memory_space<vmem>>
        %dma_wait3A_1619 = tpu.memref_squeeze %dma_wait3A_1618 : memref<1x80xi32, #tpu.memory_space<vmem>> -> memref<80xi32, #tpu.memory_space<vmem>>
        %dma_wait3A_1620 = arith.constant 0 : i32
        %dma_wait3A_1621 = tpu.memref_slice %arg3[%mul3A_0, %dma_wait3A_1620] : memref<4000x80xi32, #tpu.memory_space<hbm>> -> memref<1x80xi32, #tpu.memory_space<hbm>>
        %dma_wait3A_1622 = tpu.memref_squeeze %dma_wait3A_1621 : memref<1x80xi32, #tpu.memory_space<hbm>> -> memref<80xi32, #tpu.memory_space<hbm>>
        %dma_wait3A_1623 = arith.constant 0 : i32
        %dma_wait3A_1624 = tpu.memref_slice %arg7[%dma_wait3A_1616, %dma_wait3A_1623] : memref<10x80xi32, #tpu.memory_space<vmem>> -> memref<1x80xi32, #tpu.memory_space<vmem>>
        %dma_wait3A_1625 = tpu.memref_squeeze %dma_wait3A_1624 : memref<1x80xi32, #tpu.memory_space<vmem>> -> memref<80xi32, #tpu.memory_space<vmem>>
        %dma_wait3A_1626 = arith.constant 0 : i32
        %dma_wait3A_1627 = tpu.memref_slice %arg3[%mul3A_0, %dma_wait3A_1626] : memref<4000x80xi32, #tpu.memory_space<hbm>> -> memref<1x80xi32, #tpu.memory_space<hbm>>
        %dma_wait3A_1628 = tpu.memref_squeeze %dma_wait3A_1627 : memref<1x80xi32, #tpu.memory_space<hbm>> -> memref<80xi32, #tpu.memory_space<hbm>>
        tpu.wait_dma2 semaphore(%arg41 : memref<!tpu.dma_semaphore, #tpu.memory_space<semaphore_mem>>) src(%dma_wait3A_1628 : memref<80xi32, #tpu.memory_space<hbm>>) dst(%dma_wait3A_1625 : memref<80xi32, #tpu.memory_space<vmem>>)
        %dma_wait3A_1629 = arith.constant 7 : i32
        %dma_wait3A_1630 = arith.constant 0 : i32
        %dma_wait3A_1631 = tpu.memref_slice %arg8[%dma_wait3A_1629, %dma_wait3A_1630] : memref<10x80xi32, #tpu.memory_space<vmem>> -> memref<1x80xi32, #tpu.memory_space<vmem>>
        %dma_wait3A_1632 = tpu.memref_squeeze %dma_wait3A_1631 : memref<1x80xi32, #tpu.memory_space<vmem>> -> memref<80xi32, #tpu.memory_space<vmem>>
        %dma_wait3A_1633 = arith.constant 0 : i32
        %dma_wait3A_1634 = tpu.memref_slice %arg4[%mul3A_2, %dma_wait3A_1633] : memref<4000x80xi32, #tpu.memory_space<hbm>> -> memref<1x80xi32, #tpu.memory_space<hbm>>
        %dma_wait3A_1635 = tpu.memref_squeeze %dma_wait3A_1634 : memref<1x80xi32, #tpu.memory_space<hbm>> -> memref<80xi32, #tpu.memory_space<hbm>>
        %dma_wait3A_1636 = arith.constant 0 : i32
        %dma_wait3A_1637 = tpu.memref_slice %arg8[%dma_wait3A_1629, %dma_wait3A_1636] : memref<10x80xi32, #tpu.memory_space<vmem>> -> memref<1x80xi32, #tpu.memory_space<vmem>>
        %dma_wait3A_1638 = tpu.memref_squeeze %dma_wait3A_1637 : memref<1x80xi32, #tpu.memory_space<vmem>> -> memref<80xi32, #tpu.memory_space<vmem>>
        %dma_wait3A_1639 = arith.constant 0 : i32
        %dma_wait3A_1640 = tpu.memref_slice %arg4[%mul3A_2, %dma_wait3A_1639] : memref<4000x80xi32, #tpu.memory_space<hbm>> -> memref<1x80xi32, #tpu.memory_space<hbm>>
        %dma_wait3A_1641 = tpu.memref_squeeze %dma_wait3A_1640 : memref<1x80xi32, #tpu.memory_space<hbm>> -> memref<80xi32, #tpu.memory_space<hbm>>
        tpu.wait_dma2 semaphore(%arg41 : memref<!tpu.dma_semaphore, #tpu.memory_space<semaphore_mem>>) src(%dma_wait3A_1641 : memref<80xi32, #tpu.memory_space<hbm>>) dst(%dma_wait3A_1638 : memref<80xi32, #tpu.memory_space<vmem>>)
        %get3A_1642 = arith.constant 7 : i32
        %get3A_1643 = arith.index_cast %get3A_1642 : i32 to index
        %get3A_1644 = arith.constant 0 : index
        %get3A_1645 = tpu.vector_load %arg7[%get3A_1643, %get3A_1644] {strides = array<i32>} : memref<10x80xi32, #tpu.memory_space<vmem>>, vector<1x16xi32>,
        %get3A_1646 = vector.shape_cast %get3A_1645 : vector<1x16xi32> to vector<16xi32>
        %add3A_1647 = arith.addi %get3A_1646, %get3A_1646 : vector<16xi32>
        %add3A_1648 = vector.broadcast %arg0 : i32 to vector<16xi32>
        %add3A_1649 = arith.addi %add3A_1647, %add3A_1648 : vector<16xi32>
        %swap3A_1650 = arith.constant 7 : i32
        %swap3A_1651 = arith.index_cast %swap3A_1650 : i32 to index
        %swap3A_1652 = arith.constant 0 : index
        %swap3A_1653 = tpu.vector_load %arg7[%swap3A_1651, %swap3A_1652] {strides = array<i32>} : memref<10x80xi32, #tpu.memory_space<vmem>>, vector<1x16xi32>,
        %swap3A_1654 = vector.shape_cast %swap3A_1653 : vector<1x16xi32> to vector<16xi32>
        %swap3A_1655 = vector.shape_cast %add3A_1649 : vector<16xi32> to vector<1x16xi32>
        tpu.vector_store %arg7[%swap3A_1651, %swap3A_1652], %swap3A_1655 {strides = array<i32>} : memref<10x80xi32, #tpu.memory_space<vmem>>, vector<1x16xi32>,
        %get3A_1656 = arith.constant 7 : i32
        %get3A_1657 = arith.index_cast %get3A_1656 : i32 to index
        %get3A_1658 = arith.constant 16 : index
        %get3A_1659 = tpu.vector_load %arg7[%get3A_1657, %get3A_1658] {strides = array<i32>} : memref<10x80xi32, #tpu.memory_space<vmem>>, vector<1x16xi32>,
        %get3A_1660 = vector.shape_cast %get3A_1659 : vector<1x16xi32> to vector<16xi32>
        %add3A_1661 = arith.addi %get3A_1660, %get3A_1660 : vector<16xi32>
        %add3A_1662 = vector.broadcast %arg0 : i32 to vector<16xi32>
        %add3A_1663 = arith.addi %add3A_1661, %add3A_1662 : vector<16xi32>
        %swap3A_1664 = arith.constant 7 : i32
        %swap3A_1665 = arith.index_cast %swap3A_1664 : i32 to index
        %swap3A_1666 = arith.constant 16 : index
        %swap3A_1667 = tpu.vector_load %arg7[%swap3A_1665, %swap3A_1666] {strides = array<i32>} : memref<10x80xi32, #tpu.memory_space<vmem>>, vector<1x16xi32>,
        %swap3A_1668 = vector.shape_cast %swap3A_1667 : vector<1x16xi32> to vector<16xi32>
        %swap3A_1669 = vector.shape_cast %add3A_1663 : vector<16xi32> to vector<1x16xi32>
        tpu.vector_store %arg7[%swap3A_1665, %swap3A_1666], %swap3A_1669 {strides = array<i32>} : memref<10x80xi32, #tpu.memory_space<vmem>>, vector<1x16xi32>,
        %get3A_1670 = arith.constant 7 : i32
        %get3A_1671 = arith.index_cast %get3A_1670 : i32 to index
        %get3A_1672 = arith.constant 32 : index
        %get3A_1673 = tpu.vector_load %arg7[%get3A_1671, %get3A_1672] {strides = array<i32>} : memref<10x80xi32, #tpu.memory_space<vmem>>, vector<1x16xi32>,
        %get3A_1674 = vector.shape_cast %get3A_1673 : vector<1x16xi32> to vector<16xi32>
        %add3A_1675 = arith.addi %get3A_1674, %get3A_1674 : vector<16xi32>
        %add3A_1676 = vector.broadcast %arg0 : i32 to vector<16xi32>
        %add3A_1677 = arith.addi %add3A_1675, %add3A_1676 : vector<16xi32>
        %swap3A_1678 = arith.constant 7 : i32
        %swap3A_1679 = arith.index_cast %swap3A_1678 : i32 to index
        %swap3A_1680 = arith.constant 32 : index
        %swap3A_1681 = tpu.vector_load %arg7[%swap3A_1679, %swap3A_1680] {strides = array<i32>} : memref<10x80xi32, #tpu.memory_space<vmem>>, vector<1x16xi32>,
        %swap3A_1682 = vector.shape_cast %swap3A_1681 : vector<1x16xi32> to vector<16xi32>
        %swap3A_1683 = vector.shape_cast %add3A_1677 : vector<16xi32> to vector<1x16xi32>
        tpu.vector_store %arg7[%swap3A_1679, %swap3A_1680], %swap3A_1683 {strides = array<i32>} : memref<10x80xi32, #tpu.memory_space<vmem>>, vector<1x16xi32>,
        %get3A_1684 = arith.constant 7 : i32
        %get3A_1685 = arith.index_cast %get3A_1684 : i32 to index
        %get3A_1686 = arith.constant 48 : index
        %get3A_1687 = tpu.vector_load %arg7[%get3A_1685, %get3A_1686] {strides = array<i32>} : memref<10x80xi32, #tpu.memory_space<vmem>>, vector<1x16xi32>,
        %get3A_1688 = vector.shape_cast %get3A_1687 : vector<1x16xi32> to vector<16xi32>
        %add3A_1689 = arith.addi %get3A_1688, %get3A_1688 : vector<16xi32>
        %add3A_1690 = vector.broadcast %arg0 : i32 to vector<16xi32>
        %add3A_1691 = arith.addi %add3A_1689, %add3A_1690 : vector<16xi32>
        %swap3A_1692 = arith.constant 7 : i32
        %swap3A_1693 = arith.index_cast %swap3A_1692 : i32 to index
        %swap3A_1694 = arith.constant 48 : index
        %swap3A_1695 = tpu.vector_load %arg7[%swap3A_1693, %swap3A_1694] {strides = array<i32>} : memref<10x80xi32, #tpu.memory_space<vmem>>, vector<1x16xi32>,
        %swap3A_1696 = vector.shape_cast %swap3A_1695 : vector<1x16xi32> to vector<16xi32>
        %swap3A_1697 = vector.shape_cast %add3A_1691 : vector<16xi32> to vector<1x16xi32>
        tpu.vector_store %arg7[%swap3A_1693, %swap3A_1694], %swap3A_1697 {strides = array<i32>} : memref<10x80xi32, #tpu.memory_space<vmem>>, vector<1x16xi32>,
        %get3A_1698 = arith.constant 7 : i32
        %get3A_1699 = arith.index_cast %get3A_1698 : i32 to index
        %get3A_1700 = arith.constant 64 : index
        %get3A_1701 = tpu.vector_load %arg7[%get3A_1699, %get3A_1700] {strides = array<i32>} : memref<10x80xi32, #tpu.memory_space<vmem>>, vector<1x16xi32>,
        %get3A_1702 = vector.shape_cast %get3A_1701 : vector<1x16xi32> to vector<16xi32>
        %add3A_1703 = arith.addi %get3A_1702, %get3A_1702 : vector<16xi32>
        %add3A_1704 = vector.broadcast %arg0 : i32 to vector<16xi32>
        %add3A_1705 = arith.addi %add3A_1703, %add3A_1704 : vector<16xi32>
        %swap3A_1706 = arith.constant 7 : i32
        %swap3A_1707 = arith.index_cast %swap3A_1706 : i32 to index
        %swap3A_1708 = arith.constant 64 : index
        %swap3A_1709 = tpu.vector_load %arg7[%swap3A_1707, %swap3A_1708] {strides = array<i32>} : memref<10x80xi32, #tpu.memory_space<vmem>>, vector<1x16xi32>,
        %swap3A_1710 = vector.shape_cast %swap3A_1709 : vector<1x16xi32> to vector<16xi32>
        %swap3A_1711 = vector.shape_cast %add3A_1705 : vector<16xi32> to vector<1x16xi32>
        tpu.vector_store %arg7[%swap3A_1707, %swap3A_1708], %swap3A_1711 {strides = array<i32>} : memref<10x80xi32, #tpu.memory_space<vmem>>, vector<1x16xi32>,
        %dma_start3A_1712 = arith.constant 7 : i32
        %dma_start3A_1713 = arith.constant 0 : i32
        %dma_start3A_1714 = tpu.memref_slice %arg7[%dma_start3A_1712, %dma_start3A_1713] : memref<10x80xi32, #tpu.memory_space<vmem>> -> memref<1x80xi32, #tpu.memory_space<vmem>>
        %dma_start3A_1715 = tpu.memref_squeeze %dma_start3A_1714 : memref<1x80xi32, #tpu.memory_space<vmem>> -> memref<80xi32, #tpu.memory_space<vmem>>
        %dma_start3A_1716 = arith.constant 0 : i32
        %dma_start3A_1717 = arith.constant 0 : i32
        %dma_start3A_1718 = tpu.memref_slice %arg2[%dma_start3A_1716, %dma_start3A_1717] : memref<20000x64xf32, #tpu.memory_space<hbm>> -> memref<20000x64xf32, #tpu.memory_space<hbm>>
        tpu.enqueue_indirect_dma source(%dma_start3A_1718 : memref<20000x64xf32, #tpu.memory_space<hbm>>) target(%arg11 : memref<80x64xf32, #tpu.memory_space<vmem>>) offsets(%dma_start3A_1715 : memref<80xi32, #tpu.memory_space<vmem>>) semaphore(%arg21 : memref<!tpu.dma_semaphore, #tpu.memory_space<semaphore_mem>>)
      } else {
      }
      %mul3A_1099 = arith.constant 10 : i32
      %mul3A_1100 = arith.muli %scan3A_761, %mul3A_1099 : i32
      %add3A_1101 = arith.constant 4 : i32
      %add3A_1102 = arith.addi %mul3A_1100, %add3A_1101 : i32
      %dma_wait3A_1103 = arith.constant 4 : i32
      %dma_wait3A_1104 = arith.constant 0 : i32
      %dma_wait3A_1105 = tpu.memref_slice %arg7[%dma_wait3A_1103, %dma_wait3A_1104] : memref<10x80xi32, #tpu.memory_space<vmem>> -> memref<1x80xi32, #tpu.memory_space<vmem>>
      %dma_wait3A_1106 = tpu.memref_squeeze %dma_wait3A_1105 : memref<1x80xi32, #tpu.memory_space<vmem>> -> memref<80xi32, #tpu.memory_space<vmem>>
      %dma_wait3A_1107 = arith.constant 0 : i32
      %dma_wait3A_1108 = arith.constant 0 : i32
      %dma_wait3A_1109 = tpu.memref_slice %arg2[%dma_wait3A_1107, %dma_wait3A_1108] : memref<20000x64xf32, #tpu.memory_space<hbm>> -> memref<20000x64xf32, #tpu.memory_space<hbm>>
      tpu.wait_indirect_dma semaphore(%arg23 : memref<!tpu.dma_semaphore, #tpu.memory_space<semaphore_mem>>) src(%dma_wait3A_1109 : memref<20000x64xf32, #tpu.memory_space<hbm>>) dst(%arg13 : memref<80x64xf32, #tpu.memory_space<vmem>>)
      %dma_start3A_1110 = arith.constant 4 : i32
      %dma_start3A_1111 = arith.constant 0 : i32
      %dma_start3A_1112 = tpu.memref_slice %arg8[%dma_start3A_1110, %dma_start3A_1111] : memref<10x80xi32, #tpu.memory_space<vmem>> -> memref<1x80xi32, #tpu.memory_space<vmem>>
      %dma_start3A_1113 = tpu.memref_squeeze %dma_start3A_1112 : memref<1x80xi32, #tpu.memory_space<vmem>> -> memref<80xi32, #tpu.memory_space<vmem>>
      %dma_start3A_1114 = arith.constant 0 : i32
      %dma_start3A_1115 = arith.constant 0 : i32
      %dma_start3A_1116 = tpu.memref_slice %arg17[%dma_start3A_1114, %dma_start3A_1115] : memref<20000x64xf32, #tpu.memory_space<vmem_shared>> -> memref<20000x64xf32, #tpu.memory_space<vmem_shared>>
      tpu.enqueue_indirect_dma source(%arg13 : memref<80x64xf32, #tpu.memory_space<vmem>>) target(%dma_start3A_1116 : memref<20000x64xf32, #tpu.memory_space<vmem_shared>>) offsets(%dma_start3A_1113 : memref<80xi32, #tpu.memory_space<vmem>>) semaphore(%arg28 : memref<!tpu.dma_semaphore, #tpu.memory_space<semaphore_mem>>) {add = true}
      %jit3A_1117 = arith.constant 2 : i32
      %eq3A_1118 = arith.constant 0 : i32
      %eq3A_1119 = arith.cmpi eq, %jit3A_1117, %eq3A_1118 : i32
      %jit3A_1120 = arith.constant 1 : i32
      %select_n3A_1121 = arith.select %eq3A_1119, %jit3A_1120, %jit3A_1117 : i32
      %rem3A_1122 = arith.remsi %add3A_1102, %select_n3A_1121 : i32
      %ne3A_1123 = arith.constant 0 : i32
      %ne3A_1124 = arith.cmpi ne, %rem3A_1122, %ne3A_1123 : i32
      %lt3A_1125 = arith.constant 0 : i32
      %lt3A_1126 = arith.cmpi slt, %rem3A_1122, %lt3A_1125 : i32
      %lt3A_1127 = arith.constant 0 : i32
      %lt3A_1128 = arith.cmpi slt, %select_n3A_1121, %lt3A_1127 : i32
      %ne3A_1129 = arith.xori %lt3A_1126, %lt3A_1128 : i1
      %and3A_1130 = arith.andi %ne3A_1129, %ne3A_1124 : i1
      %add3A_1131 = arith.addi %rem3A_1122, %select_n3A_1121 : i32
      %select_n3A_1132 = arith.select %and3A_1130, %add3A_1131, %rem3A_1122 : i32
      %eq3A_1133 = arith.cmpi eq, %select_n3A_1132, %arg0 : i32
      %convert_element_type3A_1134 = arith.extui %eq3A_1133 : i1 to i32
      %cond3A_1135 = arith.constant 0 : i32
      %cond3A_1136 = arith.cmpi ne, %convert_element_type3A_1134, %cond3A_1135 : i32
      scf.if %cond3A_1136 {
        %dma_start3A_1616 = arith.constant 4 : i32
        %dma_start3A_1617 = arith.constant 0 : i32
        %dma_start3A_1618 = tpu.memref_slice %arg8[%dma_start3A_1616, %dma_start3A_1617] : memref<10x80xi32, #tpu.memory_space<vmem>> -> memref<1x80xi32, #tpu.memory_space<vmem>>
        %dma_start3A_1619 = tpu.memref_squeeze %dma_start3A_1618 : memref<1x80xi32, #tpu.memory_space<vmem>> -> memref<80xi32, #tpu.memory_space<vmem>>
        %dma_start3A_1620 = arith.constant 0 : i32
        %dma_start3A_1621 = arith.constant 0 : i32
        %dma_start3A_1622 = tpu.memref_slice %arg18[%dma_start3A_1620, %dma_start3A_1621] : memref<20000x16xf32, #tpu.memory_space<vmem_shared>> -> memref<20000x16xf32, #tpu.memory_space<vmem_shared>>
        tpu.enqueue_indirect_dma source(%arg14 : memref<80x16xf32, #tpu.memory_space<vmem>>) target(%dma_start3A_1622 : memref<20000x16xf32, #tpu.memory_space<vmem_shared>>) offsets(%dma_start3A_1619 : memref<80xi32, #tpu.memory_space<vmem>>) semaphore(%arg33 : memref<!tpu.dma_semaphore, #tpu.memory_space<semaphore_mem>>) {add = true}
      } else {
      }
      %gt3A_1137 = arith.constant 0 : i32
      %gt3A_1138 = arith.cmpi sgt, %add3A_1102, %gt3A_1137 : i32
      %convert_element_type3A_1139 = arith.extui %gt3A_1138 : i1 to i32
      %cond3A_1140 = arith.constant 0 : i32
      %cond3A_1141 = arith.cmpi ne, %convert_element_type3A_1139, %cond3A_1140 : i32
      scf.if %cond3A_1141 {
        %dma_wait3A_1616 = arith.constant 4 : i32
        %dma_wait3A_1617 = arith.constant 0 : i32
        %dma_wait3A_1618 = tpu.memref_slice %arg8[%dma_wait3A_1616, %dma_wait3A_1617] : memref<10x80xi32, #tpu.memory_space<vmem>> -> memref<1x80xi32, #tpu.memory_space<vmem>>
        %dma_wait3A_1619 = tpu.memref_squeeze %dma_wait3A_1618 : memref<1x80xi32, #tpu.memory_space<vmem>> -> memref<80xi32, #tpu.memory_space<vmem>>
        %dma_wait3A_1620 = arith.constant 0 : i32
        %dma_wait3A_1621 = arith.constant 0 : i32
        %dma_wait3A_1622 = tpu.memref_slice %arg17[%dma_wait3A_1620, %dma_wait3A_1621] : memref<20000x64xf32, #tpu.memory_space<vmem_shared>> -> memref<20000x64xf32, #tpu.memory_space<vmem_shared>>
        tpu.wait_indirect_dma semaphore(%arg27 : memref<!tpu.dma_semaphore, #tpu.memory_space<semaphore_mem>>) src(%arg12 : memref<80x64xf32, #tpu.memory_space<vmem>>) dst(%dma_wait3A_1622 : memref<20000x64xf32, #tpu.memory_space<vmem_shared>>)
      } else {
      }
      %gt3A_1142 = arith.constant 0 : i32
      %gt3A_1143 = arith.cmpi sgt, %add3A_1102, %gt3A_1142 : i32
      %sub3A_1144 = arith.constant 1 : i32
      %sub3A_1145 = arith.subi %add3A_1102, %sub3A_1144 : i32
      %jit3A_1146 = arith.constant 2 : i32
      %eq3A_1147 = arith.constant 0 : i32
      %eq3A_1148 = arith.cmpi eq, %jit3A_1146, %eq3A_1147 : i32
      %jit3A_1149 = arith.constant 1 : i32
      %select_n3A_1150 = arith.select %eq3A_1148, %jit3A_1149, %jit3A_1146 : i32
      %rem3A_1151 = arith.remsi %sub3A_1145, %select_n3A_1150 : i32
      %ne3A_1152 = arith.constant 0 : i32
      %ne3A_1153 = arith.cmpi ne, %rem3A_1151, %ne3A_1152 : i32
      %lt3A_1154 = arith.constant 0 : i32
      %lt3A_1155 = arith.cmpi slt, %rem3A_1151, %lt3A_1154 : i32
      %lt3A_1156 = arith.constant 0 : i32
      %lt3A_1157 = arith.cmpi slt, %select_n3A_1150, %lt3A_1156 : i32
      %ne3A_1158 = arith.xori %lt3A_1155, %lt3A_1157 : i1
      %and3A_1159 = arith.andi %ne3A_1158, %ne3A_1153 : i1
      %add3A_1160 = arith.addi %rem3A_1151, %select_n3A_1150 : i32
      %select_n3A_1161 = arith.select %and3A_1159, %add3A_1160, %rem3A_1151 : i32
      %eq3A_1162 = arith.cmpi eq, %select_n3A_1161, %arg0 : i32
      %and3A_1163 = arith.andi %gt3A_1143, %eq3A_1162 : i1
      %convert_element_type3A_1164 = arith.extui %and3A_1163 : i1 to i32
      %cond3A_1165 = arith.constant 0 : i32
      %cond3A_1166 = arith.cmpi ne, %convert_element_type3A_1164, %cond3A_1165 : i32
      scf.if %cond3A_1166 {
        %dma_wait3A_1616 = arith.constant 4 : i32
        %dma_wait3A_1617 = arith.constant 0 : i32
        %dma_wait3A_1618 = tpu.memref_slice %arg8[%dma_wait3A_1616, %dma_wait3A_1617] : memref<10x80xi32, #tpu.memory_space<vmem>> -> memref<1x80xi32, #tpu.memory_space<vmem>>
        %dma_wait3A_1619 = tpu.memref_squeeze %dma_wait3A_1618 : memref<1x80xi32, #tpu.memory_space<vmem>> -> memref<80xi32, #tpu.memory_space<vmem>>
        %dma_wait3A_1620 = arith.constant 0 : i32
        %dma_wait3A_1621 = arith.constant 0 : i32
        %dma_wait3A_1622 = tpu.memref_slice %arg18[%dma_wait3A_1620, %dma_wait3A_1621] : memref<20000x16xf32, #tpu.memory_space<vmem_shared>> -> memref<20000x16xf32, #tpu.memory_space<vmem_shared>>
        tpu.wait_indirect_dma semaphore(%arg32 : memref<!tpu.dma_semaphore, #tpu.memory_space<semaphore_mem>>) src(%arg14 : memref<80x16xf32, #tpu.memory_space<vmem>>) dst(%dma_wait3A_1622 : memref<20000x16xf32, #tpu.memory_space<vmem_shared>>)
      } else {
      }
      %add3A_1167 = arith.constant 10 : i32
      %add3A_1168 = arith.addi %add3A_1102, %add3A_1167 : i32
      %sub3A_1169 = arith.constant 1 : i32
      %sub3A_1170 = arith.subi %add3A_1168, %sub3A_1169 : i32
      %lt3A_1171 = arith.constant 250 : i32
      %lt3A_1172 = arith.cmpi slt, %sub3A_1170, %lt3A_1171 : i32
      %convert_element_type3A_1173 = arith.extui %lt3A_1172 : i1 to i32
      %cond3A_1174 = arith.constant 0 : i32
      %cond3A_1175 = arith.cmpi ne, %convert_element_type3A_1173, %cond3A_1174 : i32
      scf.if %cond3A_1175 {
        %add3A_1616 = arith.addi %mul3A_0, %add3A_1102 : i32
        %add3A_1617 = arith.constant 10 : i32
        %add3A_1618 = arith.addi %add3A_1616, %add3A_1617 : i32
        %sub3A_1619 = arith.constant 1 : i32
        %sub3A_1620 = arith.subi %add3A_1618, %sub3A_1619 : i32
        %dma_start3A_1621 = arith.constant 3 : i32
        %dma_start3A_1622 = arith.constant 0 : i32
        %dma_start3A_1623 = tpu.memref_slice %arg7[%dma_start3A_1621, %dma_start3A_1622] : memref<10x80xi32, #tpu.memory_space<vmem>> -> memref<1x80xi32, #tpu.memory_space<vmem>>
        %dma_start3A_1624 = tpu.memref_squeeze %dma_start3A_1623 : memref<1x80xi32, #tpu.memory_space<vmem>> -> memref<80xi32, #tpu.memory_space<vmem>>
        %dma_start3A_1625 = arith.constant 0 : i32
        %dma_start3A_1626 = tpu.memref_slice %arg3[%sub3A_1620, %dma_start3A_1625] : memref<4000x80xi32, #tpu.memory_space<hbm>> -> memref<1x80xi32, #tpu.memory_space<hbm>>
        %dma_start3A_1627 = tpu.memref_squeeze %dma_start3A_1626 : memref<1x80xi32, #tpu.memory_space<hbm>> -> memref<80xi32, #tpu.memory_space<hbm>>
        %dma_start3A_1628 = arith.constant 0 : i32
        %dma_start3A_1629 = tpu.memref_slice %arg7[%dma_start3A_1621, %dma_start3A_1628] : memref<10x80xi32, #tpu.memory_space<vmem>> -> memref<1x80xi32, #tpu.memory_space<vmem>>
        %dma_start3A_1630 = tpu.memref_squeeze %dma_start3A_1629 : memref<1x80xi32, #tpu.memory_space<vmem>> -> memref<80xi32, #tpu.memory_space<vmem>>
        %dma_start3A_1631 = arith.constant 0 : i32
        %dma_start3A_1632 = tpu.memref_slice %arg3[%sub3A_1620, %dma_start3A_1631] : memref<4000x80xi32, #tpu.memory_space<hbm>> -> memref<1x80xi32, #tpu.memory_space<hbm>>
        %dma_start3A_1633 = tpu.memref_squeeze %dma_start3A_1632 : memref<1x80xi32, #tpu.memory_space<hbm>> -> memref<80xi32, #tpu.memory_space<hbm>>
        tpu.enqueue_dma source(%dma_start3A_1633 : memref<80xi32, #tpu.memory_space<hbm>>) target(%dma_start3A_1630 : memref<80xi32, #tpu.memory_space<vmem>>) target_semaphore(%arg37 : memref<!tpu.dma_semaphore, #tpu.memory_space<semaphore_mem>>)
        %add3A_1634 = arith.addi %mul3A_2, %add3A_1102 : i32
        %add3A_1635 = arith.constant 10 : i32
        %add3A_1636 = arith.addi %add3A_1634, %add3A_1635 : i32
        %sub3A_1637 = arith.constant 1 : i32
        %sub3A_1638 = arith.subi %add3A_1636, %sub3A_1637 : i32
        %dma_start3A_1639 = arith.constant 3 : i32
        %dma_start3A_1640 = arith.constant 0 : i32
        %dma_start3A_1641 = tpu.memref_slice %arg8[%dma_start3A_1639, %dma_start3A_1640] : memref<10x80xi32, #tpu.memory_space<vmem>> -> memref<1x80xi32, #tpu.memory_space<vmem>>
        %dma_start3A_1642 = tpu.memref_squeeze %dma_start3A_1641 : memref<1x80xi32, #tpu.memory_space<vmem>> -> memref<80xi32, #tpu.memory_space<vmem>>
        %dma_start3A_1643 = arith.constant 0 : i32
        %dma_start3A_1644 = tpu.memref_slice %arg4[%sub3A_1638, %dma_start3A_1643] : memref<4000x80xi32, #tpu.memory_space<hbm>> -> memref<1x80xi32, #tpu.memory_space<hbm>>
        %dma_start3A_1645 = tpu.memref_squeeze %dma_start3A_1644 : memref<1x80xi32, #tpu.memory_space<hbm>> -> memref<80xi32, #tpu.memory_space<hbm>>
        %dma_start3A_1646 = arith.constant 0 : i32
        %dma_start3A_1647 = tpu.memref_slice %arg8[%dma_start3A_1639, %dma_start3A_1646] : memref<10x80xi32, #tpu.memory_space<vmem>> -> memref<1x80xi32, #tpu.memory_space<vmem>>
        %dma_start3A_1648 = tpu.memref_squeeze %dma_start3A_1647 : memref<1x80xi32, #tpu.memory_space<vmem>> -> memref<80xi32, #tpu.memory_space<vmem>>
        %dma_start3A_1649 = arith.constant 0 : i32
        %dma_start3A_1650 = tpu.memref_slice %arg4[%sub3A_1638, %dma_start3A_1649] : memref<4000x80xi32, #tpu.memory_space<hbm>> -> memref<1x80xi32, #tpu.memory_space<hbm>>
        %dma_start3A_1651 = tpu.memref_squeeze %dma_start3A_1650 : memref<1x80xi32, #tpu.memory_space<hbm>> -> memref<80xi32, #tpu.memory_space<hbm>>
        tpu.enqueue_dma source(%dma_start3A_1651 : memref<80xi32, #tpu.memory_space<hbm>>) target(%dma_start3A_1648 : memref<80xi32, #tpu.memory_space<vmem>>) target_semaphore(%arg37 : memref<!tpu.dma_semaphore, #tpu.memory_space<semaphore_mem>>)
      } else {
      }
      %add3A_1176 = arith.constant 5 : i32
      %add3A_1177 = arith.addi %add3A_1102, %add3A_1176 : i32
      %sub3A_1178 = arith.constant 1 : i32
      %sub3A_1179 = arith.subi %add3A_1177, %sub3A_1178 : i32
      %lt3A_1180 = arith.constant 250 : i32
      %lt3A_1181 = arith.cmpi slt, %sub3A_1179, %lt3A_1180 : i32
      %convert_element_type3A_1182 = arith.extui %lt3A_1181 : i1 to i32
      %cond3A_1183 = arith.constant 0 : i32
      %cond3A_1184 = arith.cmpi ne, %convert_element_type3A_1182, %cond3A_1183 : i32
      scf.if %cond3A_1184 {
        %dma_wait3A_1616 = arith.constant 8 : i32
        %dma_wait3A_1617 = arith.constant 0 : i32
        %dma_wait3A_1618 = tpu.memref_slice %arg7[%dma_wait3A_1616, %dma_wait3A_1617] : memref<10x80xi32, #tpu.memory_space<vmem>> -> memref<1x80xi32, #tpu.memory_space<vmem>>
        %dma_wait3A_1619 = tpu.memref_squeeze %dma_wait3A_1618 : memref<1x80xi32, #tpu.memory_space<vmem>> -> memref<80xi32, #tpu.memory_space<vmem>>
        %dma_wait3A_1620 = arith.constant 0 : i32
        %dma_wait3A_1621 = tpu.memref_slice %arg3[%mul3A_0, %dma_wait3A_1620] : memref<4000x80xi32, #tpu.memory_space<hbm>> -> memref<1x80xi32, #tpu.memory_space<hbm>>
        %dma_wait3A_1622 = tpu.memref_squeeze %dma_wait3A_1621 : memref<1x80xi32, #tpu.memory_space<hbm>> -> memref<80xi32, #tpu.memory_space<hbm>>
        %dma_wait3A_1623 = arith.constant 0 : i32
        %dma_wait3A_1624 = tpu.memref_slice %arg7[%dma_wait3A_1616, %dma_wait3A_1623] : memref<10x80xi32, #tpu.memory_space<vmem>> -> memref<1x80xi32, #tpu.memory_space<vmem>>
        %dma_wait3A_1625 = tpu.memref_squeeze %dma_wait3A_1624 : memref<1x80xi32, #tpu.memory_space<vmem>> -> memref<80xi32, #tpu.memory_space<vmem>>
        %dma_wait3A_1626 = arith.constant 0 : i32
        %dma_wait3A_1627 = tpu.memref_slice %arg3[%mul3A_0, %dma_wait3A_1626] : memref<4000x80xi32, #tpu.memory_space<hbm>> -> memref<1x80xi32, #tpu.memory_space<hbm>>
        %dma_wait3A_1628 = tpu.memref_squeeze %dma_wait3A_1627 : memref<1x80xi32, #tpu.memory_space<hbm>> -> memref<80xi32, #tpu.memory_space<hbm>>
        tpu.wait_dma2 semaphore(%arg42 : memref<!tpu.dma_semaphore, #tpu.memory_space<semaphore_mem>>) src(%dma_wait3A_1628 : memref<80xi32, #tpu.memory_space<hbm>>) dst(%dma_wait3A_1625 : memref<80xi32, #tpu.memory_space<vmem>>)
        %dma_wait3A_1629 = arith.constant 8 : i32
        %dma_wait3A_1630 = arith.constant 0 : i32
        %dma_wait3A_1631 = tpu.memref_slice %arg8[%dma_wait3A_1629, %dma_wait3A_1630] : memref<10x80xi32, #tpu.memory_space<vmem>> -> memref<1x80xi32, #tpu.memory_space<vmem>>
        %dma_wait3A_1632 = tpu.memref_squeeze %dma_wait3A_1631 : memref<1x80xi32, #tpu.memory_space<vmem>> -> memref<80xi32, #tpu.memory_space<vmem>>
        %dma_wait3A_1633 = arith.constant 0 : i32
        %dma_wait3A_1634 = tpu.memref_slice %arg4[%mul3A_2, %dma_wait3A_1633] : memref<4000x80xi32, #tpu.memory_space<hbm>> -> memref<1x80xi32, #tpu.memory_space<hbm>>
        %dma_wait3A_1635 = tpu.memref_squeeze %dma_wait3A_1634 : memref<1x80xi32, #tpu.memory_space<hbm>> -> memref<80xi32, #tpu.memory_space<hbm>>
        %dma_wait3A_1636 = arith.constant 0 : i32
        %dma_wait3A_1637 = tpu.memref_slice %arg8[%dma_wait3A_1629, %dma_wait3A_1636] : memref<10x80xi32, #tpu.memory_space<vmem>> -> memref<1x80xi32, #tpu.memory_space<vmem>>
        %dma_wait3A_1638 = tpu.memref_squeeze %dma_wait3A_1637 : memref<1x80xi32, #tpu.memory_space<vmem>> -> memref<80xi32, #tpu.memory_space<vmem>>
        %dma_wait3A_1639 = arith.constant 0 : i32
        %dma_wait3A_1640 = tpu.memref_slice %arg4[%mul3A_2, %dma_wait3A_1639] : memref<4000x80xi32, #tpu.memory_space<hbm>> -> memref<1x80xi32, #tpu.memory_space<hbm>>
        %dma_wait3A_1641 = tpu.memref_squeeze %dma_wait3A_1640 : memref<1x80xi32, #tpu.memory_space<hbm>> -> memref<80xi32, #tpu.memory_space<hbm>>
        tpu.wait_dma2 semaphore(%arg42 : memref<!tpu.dma_semaphore, #tpu.memory_space<semaphore_mem>>) src(%dma_wait3A_1641 : memref<80xi32, #tpu.memory_space<hbm>>) dst(%dma_wait3A_1638 : memref<80xi32, #tpu.memory_space<vmem>>)
        %get3A_1642 = arith.constant 8 : i32
        %get3A_1643 = arith.index_cast %get3A_1642 : i32 to index
        %get3A_1644 = arith.constant 0 : index
        %get3A_1645 = tpu.vector_load %arg7[%get3A_1643, %get3A_1644] {strides = array<i32>} : memref<10x80xi32, #tpu.memory_space<vmem>>, vector<1x16xi32>,
        %get3A_1646 = vector.shape_cast %get3A_1645 : vector<1x16xi32> to vector<16xi32>
        %add3A_1647 = arith.addi %get3A_1646, %get3A_1646 : vector<16xi32>
        %add3A_1648 = vector.broadcast %arg0 : i32 to vector<16xi32>
        %add3A_1649 = arith.addi %add3A_1647, %add3A_1648 : vector<16xi32>
        %swap3A_1650 = arith.constant 8 : i32
        %swap3A_1651 = arith.index_cast %swap3A_1650 : i32 to index
        %swap3A_1652 = arith.constant 0 : index
        %swap3A_1653 = tpu.vector_load %arg7[%swap3A_1651, %swap3A_1652] {strides = array<i32>} : memref<10x80xi32, #tpu.memory_space<vmem>>, vector<1x16xi32>,
        %swap3A_1654 = vector.shape_cast %swap3A_1653 : vector<1x16xi32> to vector<16xi32>
        %swap3A_1655 = vector.shape_cast %add3A_1649 : vector<16xi32> to vector<1x16xi32>
        tpu.vector_store %arg7[%swap3A_1651, %swap3A_1652], %swap3A_1655 {strides = array<i32>} : memref<10x80xi32, #tpu.memory_space<vmem>>, vector<1x16xi32>,
        %get3A_1656 = arith.constant 8 : i32
        %get3A_1657 = arith.index_cast %get3A_1656 : i32 to index
        %get3A_1658 = arith.constant 16 : index
        %get3A_1659 = tpu.vector_load %arg7[%get3A_1657, %get3A_1658] {strides = array<i32>} : memref<10x80xi32, #tpu.memory_space<vmem>>, vector<1x16xi32>,
        %get3A_1660 = vector.shape_cast %get3A_1659 : vector<1x16xi32> to vector<16xi32>
        %add3A_1661 = arith.addi %get3A_1660, %get3A_1660 : vector<16xi32>
        %add3A_1662 = vector.broadcast %arg0 : i32 to vector<16xi32>
        %add3A_1663 = arith.addi %add3A_1661, %add3A_1662 : vector<16xi32>
        %swap3A_1664 = arith.constant 8 : i32
        %swap3A_1665 = arith.index_cast %swap3A_1664 : i32 to index
        %swap3A_1666 = arith.constant 16 : index
        %swap3A_1667 = tpu.vector_load %arg7[%swap3A_1665, %swap3A_1666] {strides = array<i32>} : memref<10x80xi32, #tpu.memory_space<vmem>>, vector<1x16xi32>,
        %swap3A_1668 = vector.shape_cast %swap3A_1667 : vector<1x16xi32> to vector<16xi32>
        %swap3A_1669 = vector.shape_cast %add3A_1663 : vector<16xi32> to vector<1x16xi32>
        tpu.vector_store %arg7[%swap3A_1665, %swap3A_1666], %swap3A_1669 {strides = array<i32>} : memref<10x80xi32, #tpu.memory_space<vmem>>, vector<1x16xi32>,
        %get3A_1670 = arith.constant 8 : i32
        %get3A_1671 = arith.index_cast %get3A_1670 : i32 to index
        %get3A_1672 = arith.constant 32 : index
        %get3A_1673 = tpu.vector_load %arg7[%get3A_1671, %get3A_1672] {strides = array<i32>} : memref<10x80xi32, #tpu.memory_space<vmem>>, vector<1x16xi32>,
        %get3A_1674 = vector.shape_cast %get3A_1673 : vector<1x16xi32> to vector<16xi32>
        %add3A_1675 = arith.addi %get3A_1674, %get3A_1674 : vector<16xi32>
        %add3A_1676 = vector.broadcast %arg0 : i32 to vector<16xi32>
        %add3A_1677 = arith.addi %add3A_1675, %add3A_1676 : vector<16xi32>
        %swap3A_1678 = arith.constant 8 : i32
        %swap3A_1679 = arith.index_cast %swap3A_1678 : i32 to index
        %swap3A_1680 = arith.constant 32 : index
        %swap3A_1681 = tpu.vector_load %arg7[%swap3A_1679, %swap3A_1680] {strides = array<i32>} : memref<10x80xi32, #tpu.memory_space<vmem>>, vector<1x16xi32>,
        %swap3A_1682 = vector.shape_cast %swap3A_1681 : vector<1x16xi32> to vector<16xi32>
        %swap3A_1683 = vector.shape_cast %add3A_1677 : vector<16xi32> to vector<1x16xi32>
        tpu.vector_store %arg7[%swap3A_1679, %swap3A_1680], %swap3A_1683 {strides = array<i32>} : memref<10x80xi32, #tpu.memory_space<vmem>>, vector<1x16xi32>,
        %get3A_1684 = arith.constant 8 : i32
        %get3A_1685 = arith.index_cast %get3A_1684 : i32 to index
        %get3A_1686 = arith.constant 48 : index
        %get3A_1687 = tpu.vector_load %arg7[%get3A_1685, %get3A_1686] {strides = array<i32>} : memref<10x80xi32, #tpu.memory_space<vmem>>, vector<1x16xi32>,
        %get3A_1688 = vector.shape_cast %get3A_1687 : vector<1x16xi32> to vector<16xi32>
        %add3A_1689 = arith.addi %get3A_1688, %get3A_1688 : vector<16xi32>
        %add3A_1690 = vector.broadcast %arg0 : i32 to vector<16xi32>
        %add3A_1691 = arith.addi %add3A_1689, %add3A_1690 : vector<16xi32>
        %swap3A_1692 = arith.constant 8 : i32
        %swap3A_1693 = arith.index_cast %swap3A_1692 : i32 to index
        %swap3A_1694 = arith.constant 48 : index
        %swap3A_1695 = tpu.vector_load %arg7[%swap3A_1693, %swap3A_1694] {strides = array<i32>} : memref<10x80xi32, #tpu.memory_space<vmem>>, vector<1x16xi32>,
        %swap3A_1696 = vector.shape_cast %swap3A_1695 : vector<1x16xi32> to vector<16xi32>
        %swap3A_1697 = vector.shape_cast %add3A_1691 : vector<16xi32> to vector<1x16xi32>
        tpu.vector_store %arg7[%swap3A_1693, %swap3A_1694], %swap3A_1697 {strides = array<i32>} : memref<10x80xi32, #tpu.memory_space<vmem>>, vector<1x16xi32>,
        %get3A_1698 = arith.constant 8 : i32
        %get3A_1699 = arith.index_cast %get3A_1698 : i32 to index
        %get3A_1700 = arith.constant 64 : index
        %get3A_1701 = tpu.vector_load %arg7[%get3A_1699, %get3A_1700] {strides = array<i32>} : memref<10x80xi32, #tpu.memory_space<vmem>>, vector<1x16xi32>,
        %get3A_1702 = vector.shape_cast %get3A_1701 : vector<1x16xi32> to vector<16xi32>
        %add3A_1703 = arith.addi %get3A_1702, %get3A_1702 : vector<16xi32>
        %add3A_1704 = vector.broadcast %arg0 : i32 to vector<16xi32>
        %add3A_1705 = arith.addi %add3A_1703, %add3A_1704 : vector<16xi32>
        %swap3A_1706 = arith.constant 8 : i32
        %swap3A_1707 = arith.index_cast %swap3A_1706 : i32 to index
        %swap3A_1708 = arith.constant 64 : index
        %swap3A_1709 = tpu.vector_load %arg7[%swap3A_1707, %swap3A_1708] {strides = array<i32>} : memref<10x80xi32, #tpu.memory_space<vmem>>, vector<1x16xi32>,
        %swap3A_1710 = vector.shape_cast %swap3A_1709 : vector<1x16xi32> to vector<16xi32>
        %swap3A_1711 = vector.shape_cast %add3A_1705 : vector<16xi32> to vector<1x16xi32>
        tpu.vector_store %arg7[%swap3A_1707, %swap3A_1708], %swap3A_1711 {strides = array<i32>} : memref<10x80xi32, #tpu.memory_space<vmem>>, vector<1x16xi32>,
        %dma_start3A_1712 = arith.constant 8 : i32
        %dma_start3A_1713 = arith.constant 0 : i32
        %dma_start3A_1714 = tpu.memref_slice %arg7[%dma_start3A_1712, %dma_start3A_1713] : memref<10x80xi32, #tpu.memory_space<vmem>> -> memref<1x80xi32, #tpu.memory_space<vmem>>
        %dma_start3A_1715 = tpu.memref_squeeze %dma_start3A_1714 : memref<1x80xi32, #tpu.memory_space<vmem>> -> memref<80xi32, #tpu.memory_space<vmem>>
        %dma_start3A_1716 = arith.constant 0 : i32
        %dma_start3A_1717 = arith.constant 0 : i32
        %dma_start3A_1718 = tpu.memref_slice %arg2[%dma_start3A_1716, %dma_start3A_1717] : memref<20000x64xf32, #tpu.memory_space<hbm>> -> memref<20000x64xf32, #tpu.memory_space<hbm>>
        tpu.enqueue_indirect_dma source(%dma_start3A_1718 : memref<20000x64xf32, #tpu.memory_space<hbm>>) target(%arg12 : memref<80x64xf32, #tpu.memory_space<vmem>>) offsets(%dma_start3A_1715 : memref<80xi32, #tpu.memory_space<vmem>>) semaphore(%arg22 : memref<!tpu.dma_semaphore, #tpu.memory_space<semaphore_mem>>)
      } else {
      }
      %mul3A_1185 = arith.constant 10 : i32
      %mul3A_1186 = arith.muli %scan3A_761, %mul3A_1185 : i32
      %add3A_1187 = arith.constant 5 : i32
      %add3A_1188 = arith.addi %mul3A_1186, %add3A_1187 : i32
      %dma_wait3A_1189 = arith.constant 5 : i32
      %dma_wait3A_1190 = arith.constant 0 : i32
      %dma_wait3A_1191 = tpu.memref_slice %arg7[%dma_wait3A_1189, %dma_wait3A_1190] : memref<10x80xi32, #tpu.memory_space<vmem>> -> memref<1x80xi32, #tpu.memory_space<vmem>>
      %dma_wait3A_1192 = tpu.memref_squeeze %dma_wait3A_1191 : memref<1x80xi32, #tpu.memory_space<vmem>> -> memref<80xi32, #tpu.memory_space<vmem>>
      %dma_wait3A_1193 = arith.constant 0 : i32
      %dma_wait3A_1194 = arith.constant 0 : i32
      %dma_wait3A_1195 = tpu.memref_slice %arg2[%dma_wait3A_1193, %dma_wait3A_1194] : memref<20000x64xf32, #tpu.memory_space<hbm>> -> memref<20000x64xf32, #tpu.memory_space<hbm>>
      tpu.wait_indirect_dma semaphore(%arg19 : memref<!tpu.dma_semaphore, #tpu.memory_space<semaphore_mem>>) src(%dma_wait3A_1195 : memref<20000x64xf32, #tpu.memory_space<hbm>>) dst(%arg9 : memref<80x64xf32, #tpu.memory_space<vmem>>)
      %dma_start3A_1196 = arith.constant 5 : i32
      %dma_start3A_1197 = arith.constant 0 : i32
      %dma_start3A_1198 = tpu.memref_slice %arg8[%dma_start3A_1196, %dma_start3A_1197] : memref<10x80xi32, #tpu.memory_space<vmem>> -> memref<1x80xi32, #tpu.memory_space<vmem>>
      %dma_start3A_1199 = tpu.memref_squeeze %dma_start3A_1198 : memref<1x80xi32, #tpu.memory_space<vmem>> -> memref<80xi32, #tpu.memory_space<vmem>>
      %dma_start3A_1200 = arith.constant 0 : i32
      %dma_start3A_1201 = arith.constant 0 : i32
      %dma_start3A_1202 = tpu.memref_slice %arg17[%dma_start3A_1200, %dma_start3A_1201] : memref<20000x64xf32, #tpu.memory_space<vmem_shared>> -> memref<20000x64xf32, #tpu.memory_space<vmem_shared>>
      tpu.enqueue_indirect_dma source(%arg9 : memref<80x64xf32, #tpu.memory_space<vmem>>) target(%dma_start3A_1202 : memref<20000x64xf32, #tpu.memory_space<vmem_shared>>) offsets(%dma_start3A_1199 : memref<80xi32, #tpu.memory_space<vmem>>) semaphore(%arg24 : memref<!tpu.dma_semaphore, #tpu.memory_space<semaphore_mem>>) {add = true}
      %jit3A_1203 = arith.constant 2 : i32
      %eq3A_1204 = arith.constant 0 : i32
      %eq3A_1205 = arith.cmpi eq, %jit3A_1203, %eq3A_1204 : i32
      %jit3A_1206 = arith.constant 1 : i32
      %select_n3A_1207 = arith.select %eq3A_1205, %jit3A_1206, %jit3A_1203 : i32
      %rem3A_1208 = arith.remsi %add3A_1188, %select_n3A_1207 : i32
      %ne3A_1209 = arith.constant 0 : i32
      %ne3A_1210 = arith.cmpi ne, %rem3A_1208, %ne3A_1209 : i32
      %lt3A_1211 = arith.constant 0 : i32
      %lt3A_1212 = arith.cmpi slt, %rem3A_1208, %lt3A_1211 : i32
      %lt3A_1213 = arith.constant 0 : i32
      %lt3A_1214 = arith.cmpi slt, %select_n3A_1207, %lt3A_1213 : i32
      %ne3A_1215 = arith.xori %lt3A_1212, %lt3A_1214 : i1
      %and3A_1216 = arith.andi %ne3A_1215, %ne3A_1210 : i1
      %add3A_1217 = arith.addi %rem3A_1208, %select_n3A_1207 : i32
      %select_n3A_1218 = arith.select %and3A_1216, %add3A_1217, %rem3A_1208 : i32
      %eq3A_1219 = arith.cmpi eq, %select_n3A_1218, %arg0 : i32
      %convert_element_type3A_1220 = arith.extui %eq3A_1219 : i1 to i32
      %cond3A_1221 = arith.constant 0 : i32
      %cond3A_1222 = arith.cmpi ne, %convert_element_type3A_1220, %cond3A_1221 : i32
      scf.if %cond3A_1222 {
        %dma_start3A_1616 = arith.constant 5 : i32
        %dma_start3A_1617 = arith.constant 0 : i32
        %dma_start3A_1618 = tpu.memref_slice %arg8[%dma_start3A_1616, %dma_start3A_1617] : memref<10x80xi32, #tpu.memory_space<vmem>> -> memref<1x80xi32, #tpu.memory_space<vmem>>
        %dma_start3A_1619 = tpu.memref_squeeze %dma_start3A_1618 : memref<1x80xi32, #tpu.memory_space<vmem>> -> memref<80xi32, #tpu.memory_space<vmem>>
        %dma_start3A_1620 = arith.constant 0 : i32
        %dma_start3A_1621 = arith.constant 0 : i32
        %dma_start3A_1622 = tpu.memref_slice %arg18[%dma_start3A_1620, %dma_start3A_1621] : memref<20000x16xf32, #tpu.memory_space<vmem_shared>> -> memref<20000x16xf32, #tpu.memory_space<vmem_shared>>
        tpu.enqueue_indirect_dma source(%arg14 : memref<80x16xf32, #tpu.memory_space<vmem>>) target(%dma_start3A_1622 : memref<20000x16xf32, #tpu.memory_space<vmem_shared>>) offsets(%dma_start3A_1619 : memref<80xi32, #tpu.memory_space<vmem>>) semaphore(%arg29 : memref<!tpu.dma_semaphore, #tpu.memory_space<semaphore_mem>>) {add = true}
      } else {
      }
      %gt3A_1223 = arith.constant 0 : i32
      %gt3A_1224 = arith.cmpi sgt, %add3A_1188, %gt3A_1223 : i32
      %convert_element_type3A_1225 = arith.extui %gt3A_1224 : i1 to i32
      %cond3A_1226 = arith.constant 0 : i32
      %cond3A_1227 = arith.cmpi ne, %convert_element_type3A_1225, %cond3A_1226 : i32
      scf.if %cond3A_1227 {
        %dma_wait3A_1616 = arith.constant 5 : i32
        %dma_wait3A_1617 = arith.constant 0 : i32
        %dma_wait3A_1618 = tpu.memref_slice %arg8[%dma_wait3A_1616, %dma_wait3A_1617] : memref<10x80xi32, #tpu.memory_space<vmem>> -> memref<1x80xi32, #tpu.memory_space<vmem>>
        %dma_wait3A_1619 = tpu.memref_squeeze %dma_wait3A_1618 : memref<1x80xi32, #tpu.memory_space<vmem>> -> memref<80xi32, #tpu.memory_space<vmem>>
        %dma_wait3A_1620 = arith.constant 0 : i32
        %dma_wait3A_1621 = arith.constant 0 : i32
        %dma_wait3A_1622 = tpu.memref_slice %arg17[%dma_wait3A_1620, %dma_wait3A_1621] : memref<20000x64xf32, #tpu.memory_space<vmem_shared>> -> memref<20000x64xf32, #tpu.memory_space<vmem_shared>>
        tpu.wait_indirect_dma semaphore(%arg28 : memref<!tpu.dma_semaphore, #tpu.memory_space<semaphore_mem>>) src(%arg13 : memref<80x64xf32, #tpu.memory_space<vmem>>) dst(%dma_wait3A_1622 : memref<20000x64xf32, #tpu.memory_space<vmem_shared>>)
      } else {
      }
      %gt3A_1228 = arith.constant 0 : i32
      %gt3A_1229 = arith.cmpi sgt, %add3A_1188, %gt3A_1228 : i32
      %sub3A_1230 = arith.constant 1 : i32
      %sub3A_1231 = arith.subi %add3A_1188, %sub3A_1230 : i32
      %jit3A_1232 = arith.constant 2 : i32
      %eq3A_1233 = arith.constant 0 : i32
      %eq3A_1234 = arith.cmpi eq, %jit3A_1232, %eq3A_1233 : i32
      %jit3A_1235 = arith.constant 1 : i32
      %select_n3A_1236 = arith.select %eq3A_1234, %jit3A_1235, %jit3A_1232 : i32
      %rem3A_1237 = arith.remsi %sub3A_1231, %select_n3A_1236 : i32
      %ne3A_1238 = arith.constant 0 : i32
      %ne3A_1239 = arith.cmpi ne, %rem3A_1237, %ne3A_1238 : i32
      %lt3A_1240 = arith.constant 0 : i32
      %lt3A_1241 = arith.cmpi slt, %rem3A_1237, %lt3A_1240 : i32
      %lt3A_1242 = arith.constant 0 : i32
      %lt3A_1243 = arith.cmpi slt, %select_n3A_1236, %lt3A_1242 : i32
      %ne3A_1244 = arith.xori %lt3A_1241, %lt3A_1243 : i1
      %and3A_1245 = arith.andi %ne3A_1244, %ne3A_1239 : i1
      %add3A_1246 = arith.addi %rem3A_1237, %select_n3A_1236 : i32
      %select_n3A_1247 = arith.select %and3A_1245, %add3A_1246, %rem3A_1237 : i32
      %eq3A_1248 = arith.cmpi eq, %select_n3A_1247, %arg0 : i32
      %and3A_1249 = arith.andi %gt3A_1229, %eq3A_1248 : i1
      %convert_element_type3A_1250 = arith.extui %and3A_1249 : i1 to i32
      %cond3A_1251 = arith.constant 0 : i32
      %cond3A_1252 = arith.cmpi ne, %convert_element_type3A_1250, %cond3A_1251 : i32
      scf.if %cond3A_1252 {
        %dma_wait3A_1616 = arith.constant 5 : i32
        %dma_wait3A_1617 = arith.constant 0 : i32
        %dma_wait3A_1618 = tpu.memref_slice %arg8[%dma_wait3A_1616, %dma_wait3A_1617] : memref<10x80xi32, #tpu.memory_space<vmem>> -> memref<1x80xi32, #tpu.memory_space<vmem>>
        %dma_wait3A_1619 = tpu.memref_squeeze %dma_wait3A_1618 : memref<1x80xi32, #tpu.memory_space<vmem>> -> memref<80xi32, #tpu.memory_space<vmem>>
        %dma_wait3A_1620 = arith.constant 0 : i32
        %dma_wait3A_1621 = arith.constant 0 : i32
        %dma_wait3A_1622 = tpu.memref_slice %arg18[%dma_wait3A_1620, %dma_wait3A_1621] : memref<20000x16xf32, #tpu.memory_space<vmem_shared>> -> memref<20000x16xf32, #tpu.memory_space<vmem_shared>>
        tpu.wait_indirect_dma semaphore(%arg33 : memref<!tpu.dma_semaphore, #tpu.memory_space<semaphore_mem>>) src(%arg14 : memref<80x16xf32, #tpu.memory_space<vmem>>) dst(%dma_wait3A_1622 : memref<20000x16xf32, #tpu.memory_space<vmem_shared>>)
      } else {
      }
      %add3A_1253 = arith.constant 10 : i32
      %add3A_1254 = arith.addi %add3A_1188, %add3A_1253 : i32
      %sub3A_1255 = arith.constant 1 : i32
      %sub3A_1256 = arith.subi %add3A_1254, %sub3A_1255 : i32
      %lt3A_1257 = arith.constant 250 : i32
      %lt3A_1258 = arith.cmpi slt, %sub3A_1256, %lt3A_1257 : i32
      %convert_element_type3A_1259 = arith.extui %lt3A_1258 : i1 to i32
      %cond3A_1260 = arith.constant 0 : i32
      %cond3A_1261 = arith.cmpi ne, %convert_element_type3A_1259, %cond3A_1260 : i32
      scf.if %cond3A_1261 {
        %add3A_1616 = arith.addi %mul3A_0, %add3A_1188 : i32
        %add3A_1617 = arith.constant 10 : i32
        %add3A_1618 = arith.addi %add3A_1616, %add3A_1617 : i32
        %sub3A_1619 = arith.constant 1 : i32
        %sub3A_1620 = arith.subi %add3A_1618, %sub3A_1619 : i32
        %dma_start3A_1621 = arith.constant 4 : i32
        %dma_start3A_1622 = arith.constant 0 : i32
        %dma_start3A_1623 = tpu.memref_slice %arg7[%dma_start3A_1621, %dma_start3A_1622] : memref<10x80xi32, #tpu.memory_space<vmem>> -> memref<1x80xi32, #tpu.memory_space<vmem>>
        %dma_start3A_1624 = tpu.memref_squeeze %dma_start3A_1623 : memref<1x80xi32, #tpu.memory_space<vmem>> -> memref<80xi32, #tpu.memory_space<vmem>>
        %dma_start3A_1625 = arith.constant 0 : i32
        %dma_start3A_1626 = tpu.memref_slice %arg3[%sub3A_1620, %dma_start3A_1625] : memref<4000x80xi32, #tpu.memory_space<hbm>> -> memref<1x80xi32, #tpu.memory_space<hbm>>
        %dma_start3A_1627 = tpu.memref_squeeze %dma_start3A_1626 : memref<1x80xi32, #tpu.memory_space<hbm>> -> memref<80xi32, #tpu.memory_space<hbm>>
        %dma_start3A_1628 = arith.constant 0 : i32
        %dma_start3A_1629 = tpu.memref_slice %arg7[%dma_start3A_1621, %dma_start3A_1628] : memref<10x80xi32, #tpu.memory_space<vmem>> -> memref<1x80xi32, #tpu.memory_space<vmem>>
        %dma_start3A_1630 = tpu.memref_squeeze %dma_start3A_1629 : memref<1x80xi32, #tpu.memory_space<vmem>> -> memref<80xi32, #tpu.memory_space<vmem>>
        %dma_start3A_1631 = arith.constant 0 : i32
        %dma_start3A_1632 = tpu.memref_slice %arg3[%sub3A_1620, %dma_start3A_1631] : memref<4000x80xi32, #tpu.memory_space<hbm>> -> memref<1x80xi32, #tpu.memory_space<hbm>>
        %dma_start3A_1633 = tpu.memref_squeeze %dma_start3A_1632 : memref<1x80xi32, #tpu.memory_space<hbm>> -> memref<80xi32, #tpu.memory_space<hbm>>
        tpu.enqueue_dma source(%dma_start3A_1633 : memref<80xi32, #tpu.memory_space<hbm>>) target(%dma_start3A_1630 : memref<80xi32, #tpu.memory_space<vmem>>) target_semaphore(%arg38 : memref<!tpu.dma_semaphore, #tpu.memory_space<semaphore_mem>>)
        %add3A_1634 = arith.addi %mul3A_2, %add3A_1188 : i32
        %add3A_1635 = arith.constant 10 : i32
        %add3A_1636 = arith.addi %add3A_1634, %add3A_1635 : i32
        %sub3A_1637 = arith.constant 1 : i32
        %sub3A_1638 = arith.subi %add3A_1636, %sub3A_1637 : i32
        %dma_start3A_1639 = arith.constant 4 : i32
        %dma_start3A_1640 = arith.constant 0 : i32
        %dma_start3A_1641 = tpu.memref_slice %arg8[%dma_start3A_1639, %dma_start3A_1640] : memref<10x80xi32, #tpu.memory_space<vmem>> -> memref<1x80xi32, #tpu.memory_space<vmem>>
        %dma_start3A_1642 = tpu.memref_squeeze %dma_start3A_1641 : memref<1x80xi32, #tpu.memory_space<vmem>> -> memref<80xi32, #tpu.memory_space<vmem>>
        %dma_start3A_1643 = arith.constant 0 : i32
        %dma_start3A_1644 = tpu.memref_slice %arg4[%sub3A_1638, %dma_start3A_1643] : memref<4000x80xi32, #tpu.memory_space<hbm>> -> memref<1x80xi32, #tpu.memory_space<hbm>>
        %dma_start3A_1645 = tpu.memref_squeeze %dma_start3A_1644 : memref<1x80xi32, #tpu.memory_space<hbm>> -> memref<80xi32, #tpu.memory_space<hbm>>
        %dma_start3A_1646 = arith.constant 0 : i32
        %dma_start3A_1647 = tpu.memref_slice %arg8[%dma_start3A_1639, %dma_start3A_1646] : memref<10x80xi32, #tpu.memory_space<vmem>> -> memref<1x80xi32, #tpu.memory_space<vmem>>
        %dma_start3A_1648 = tpu.memref_squeeze %dma_start3A_1647 : memref<1x80xi32, #tpu.memory_space<vmem>> -> memref<80xi32, #tpu.memory_space<vmem>>
        %dma_start3A_1649 = arith.constant 0 : i32
        %dma_start3A_1650 = tpu.memref_slice %arg4[%sub3A_1638, %dma_start3A_1649] : memref<4000x80xi32, #tpu.memory_space<hbm>> -> memref<1x80xi32, #tpu.memory_space<hbm>>
        %dma_start3A_1651 = tpu.memref_squeeze %dma_start3A_1650 : memref<1x80xi32, #tpu.memory_space<hbm>> -> memref<80xi32, #tpu.memory_space<hbm>>
        tpu.enqueue_dma source(%dma_start3A_1651 : memref<80xi32, #tpu.memory_space<hbm>>) target(%dma_start3A_1648 : memref<80xi32, #tpu.memory_space<vmem>>) target_semaphore(%arg38 : memref<!tpu.dma_semaphore, #tpu.memory_space<semaphore_mem>>)
      } else {
      }
      %add3A_1262 = arith.constant 5 : i32
      %add3A_1263 = arith.addi %add3A_1188, %add3A_1262 : i32
      %sub3A_1264 = arith.constant 1 : i32
      %sub3A_1265 = arith.subi %add3A_1263, %sub3A_1264 : i32
      %lt3A_1266 = arith.constant 250 : i32
      %lt3A_1267 = arith.cmpi slt, %sub3A_1265, %lt3A_1266 : i32
      %convert_element_type3A_1268 = arith.extui %lt3A_1267 : i1 to i32
      %cond3A_1269 = arith.constant 0 : i32
      %cond3A_1270 = arith.cmpi ne, %convert_element_type3A_1268, %cond3A_1269 : i32
      scf.if %cond3A_1270 {
        %dma_wait3A_1616 = arith.constant 9 : i32
        %dma_wait3A_1617 = arith.constant 0 : i32
        %dma_wait3A_1618 = tpu.memref_slice %arg7[%dma_wait3A_1616, %dma_wait3A_1617] : memref<10x80xi32, #tpu.memory_space<vmem>> -> memref<1x80xi32, #tpu.memory_space<vmem>>
        %dma_wait3A_1619 = tpu.memref_squeeze %dma_wait3A_1618 : memref<1x80xi32, #tpu.memory_space<vmem>> -> memref<80xi32, #tpu.memory_space<vmem>>
        %dma_wait3A_1620 = arith.constant 0 : i32
        %dma_wait3A_1621 = tpu.memref_slice %arg3[%mul3A_0, %dma_wait3A_1620] : memref<4000x80xi32, #tpu.memory_space<hbm>> -> memref<1x80xi32, #tpu.memory_space<hbm>>
        %dma_wait3A_1622 = tpu.memref_squeeze %dma_wait3A_1621 : memref<1x80xi32, #tpu.memory_space<hbm>> -> memref<80xi32, #tpu.memory_space<hbm>>
        %dma_wait3A_1623 = arith.constant 0 : i32
        %dma_wait3A_1624 = tpu.memref_slice %arg7[%dma_wait3A_1616, %dma_wait3A_1623] : memref<10x80xi32, #tpu.memory_space<vmem>> -> memref<1x80xi32, #tpu.memory_space<vmem>>
        %dma_wait3A_1625 = tpu.memref_squeeze %dma_wait3A_1624 : memref<1x80xi32, #tpu.memory_space<vmem>> -> memref<80xi32, #tpu.memory_space<vmem>>
        %dma_wait3A_1626 = arith.constant 0 : i32
        %dma_wait3A_1627 = tpu.memref_slice %arg3[%mul3A_0, %dma_wait3A_1626] : memref<4000x80xi32, #tpu.memory_space<hbm>> -> memref<1x80xi32, #tpu.memory_space<hbm>>
        %dma_wait3A_1628 = tpu.memref_squeeze %dma_wait3A_1627 : memref<1x80xi32, #tpu.memory_space<hbm>> -> memref<80xi32, #tpu.memory_space<hbm>>
        tpu.wait_dma2 semaphore(%arg43 : memref<!tpu.dma_semaphore, #tpu.memory_space<semaphore_mem>>) src(%dma_wait3A_1628 : memref<80xi32, #tpu.memory_space<hbm>>) dst(%dma_wait3A_1625 : memref<80xi32, #tpu.memory_space<vmem>>)
        %dma_wait3A_1629 = arith.constant 9 : i32
        %dma_wait3A_1630 = arith.constant 0 : i32
        %dma_wait3A_1631 = tpu.memref_slice %arg8[%dma_wait3A_1629, %dma_wait3A_1630] : memref<10x80xi32, #tpu.memory_space<vmem>> -> memref<1x80xi32, #tpu.memory_space<vmem>>
        %dma_wait3A_1632 = tpu.memref_squeeze %dma_wait3A_1631 : memref<1x80xi32, #tpu.memory_space<vmem>> -> memref<80xi32, #tpu.memory_space<vmem>>
        %dma_wait3A_1633 = arith.constant 0 : i32
        %dma_wait3A_1634 = tpu.memref_slice %arg4[%mul3A_2, %dma_wait3A_1633] : memref<4000x80xi32, #tpu.memory_space<hbm>> -> memref<1x80xi32, #tpu.memory_space<hbm>>
        %dma_wait3A_1635 = tpu.memref_squeeze %dma_wait3A_1634 : memref<1x80xi32, #tpu.memory_space<hbm>> -> memref<80xi32, #tpu.memory_space<hbm>>
        %dma_wait3A_1636 = arith.constant 0 : i32
        %dma_wait3A_1637 = tpu.memref_slice %arg8[%dma_wait3A_1629, %dma_wait3A_1636] : memref<10x80xi32, #tpu.memory_space<vmem>> -> memref<1x80xi32, #tpu.memory_space<vmem>>
        %dma_wait3A_1638 = tpu.memref_squeeze %dma_wait3A_1637 : memref<1x80xi32, #tpu.memory_space<vmem>> -> memref<80xi32, #tpu.memory_space<vmem>>
        %dma_wait3A_1639 = arith.constant 0 : i32
        %dma_wait3A_1640 = tpu.memref_slice %arg4[%mul3A_2, %dma_wait3A_1639] : memref<4000x80xi32, #tpu.memory_space<hbm>> -> memref<1x80xi32, #tpu.memory_space<hbm>>
        %dma_wait3A_1641 = tpu.memref_squeeze %dma_wait3A_1640 : memref<1x80xi32, #tpu.memory_space<hbm>> -> memref<80xi32, #tpu.memory_space<hbm>>
        tpu.wait_dma2 semaphore(%arg43 : memref<!tpu.dma_semaphore, #tpu.memory_space<semaphore_mem>>) src(%dma_wait3A_1641 : memref<80xi32, #tpu.memory_space<hbm>>) dst(%dma_wait3A_1638 : memref<80xi32, #tpu.memory_space<vmem>>)
        %get3A_1642 = arith.constant 9 : i32
        %get3A_1643 = arith.index_cast %get3A_1642 : i32 to index
        %get3A_1644 = arith.constant 0 : index
        %get3A_1645 = tpu.vector_load %arg7[%get3A_1643, %get3A_1644] {strides = array<i32>} : memref<10x80xi32, #tpu.memory_space<vmem>>, vector<1x16xi32>,
        %get3A_1646 = vector.shape_cast %get3A_1645 : vector<1x16xi32> to vector<16xi32>
        %add3A_1647 = arith.addi %get3A_1646, %get3A_1646 : vector<16xi32>
        %add3A_1648 = vector.broadcast %arg0 : i32 to vector<16xi32>
        %add3A_1649 = arith.addi %add3A_1647, %add3A_1648 : vector<16xi32>
        %swap3A_1650 = arith.constant 9 : i32
        %swap3A_1651 = arith.index_cast %swap3A_1650 : i32 to index
        %swap3A_1652 = arith.constant 0 : index
        %swap3A_1653 = tpu.vector_load %arg7[%swap3A_1651, %swap3A_1652] {strides = array<i32>} : memref<10x80xi32, #tpu.memory_space<vmem>>, vector<1x16xi32>,
        %swap3A_1654 = vector.shape_cast %swap3A_1653 : vector<1x16xi32> to vector<16xi32>
        %swap3A_1655 = vector.shape_cast %add3A_1649 : vector<16xi32> to vector<1x16xi32>
        tpu.vector_store %arg7[%swap3A_1651, %swap3A_1652], %swap3A_1655 {strides = array<i32>} : memref<10x80xi32, #tpu.memory_space<vmem>>, vector<1x16xi32>,
        %get3A_1656 = arith.constant 9 : i32
        %get3A_1657 = arith.index_cast %get3A_1656 : i32 to index
        %get3A_1658 = arith.constant 16 : index
        %get3A_1659 = tpu.vector_load %arg7[%get3A_1657, %get3A_1658] {strides = array<i32>} : memref<10x80xi32, #tpu.memory_space<vmem>>, vector<1x16xi32>,
        %get3A_1660 = vector.shape_cast %get3A_1659 : vector<1x16xi32> to vector<16xi32>
        %add3A_1661 = arith.addi %get3A_1660, %get3A_1660 : vector<16xi32>
        %add3A_1662 = vector.broadcast %arg0 : i32 to vector<16xi32>
        %add3A_1663 = arith.addi %add3A_1661, %add3A_1662 : vector<16xi32>
        %swap3A_1664 = arith.constant 9 : i32
        %swap3A_1665 = arith.index_cast %swap3A_1664 : i32 to index
        %swap3A_1666 = arith.constant 16 : index
        %swap3A_1667 = tpu.vector_load %arg7[%swap3A_1665, %swap3A_1666] {strides = array<i32>} : memref<10x80xi32, #tpu.memory_space<vmem>>, vector<1x16xi32>,
        %swap3A_1668 = vector.shape_cast %swap3A_1667 : vector<1x16xi32> to vector<16xi32>
        %swap3A_1669 = vector.shape_cast %add3A_1663 : vector<16xi32> to vector<1x16xi32>
        tpu.vector_store %arg7[%swap3A_1665, %swap3A_1666], %swap3A_1669 {strides = array<i32>} : memref<10x80xi32, #tpu.memory_space<vmem>>, vector<1x16xi32>,
        %get3A_1670 = arith.constant 9 : i32
        %get3A_1671 = arith.index_cast %get3A_1670 : i32 to index
        %get3A_1672 = arith.constant 32 : index
        %get3A_1673 = tpu.vector_load %arg7[%get3A_1671, %get3A_1672] {strides = array<i32>} : memref<10x80xi32, #tpu.memory_space<vmem>>, vector<1x16xi32>,
        %get3A_1674 = vector.shape_cast %get3A_1673 : vector<1x16xi32> to vector<16xi32>
        %add3A_1675 = arith.addi %get3A_1674, %get3A_1674 : vector<16xi32>
        %add3A_1676 = vector.broadcast %arg0 : i32 to vector<16xi32>
        %add3A_1677 = arith.addi %add3A_1675, %add3A_1676 : vector<16xi32>
        %swap3A_1678 = arith.constant 9 : i32
        %swap3A_1679 = arith.index_cast %swap3A_1678 : i32 to index
        %swap3A_1680 = arith.constant 32 : index
        %swap3A_1681 = tpu.vector_load %arg7[%swap3A_1679, %swap3A_1680] {strides = array<i32>} : memref<10x80xi32, #tpu.memory_space<vmem>>, vector<1x16xi32>,
        %swap3A_1682 = vector.shape_cast %swap3A_1681 : vector<1x16xi32> to vector<16xi32>
        %swap3A_1683 = vector.shape_cast %add3A_1677 : vector<16xi32> to vector<1x16xi32>
        tpu.vector_store %arg7[%swap3A_1679, %swap3A_1680], %swap3A_1683 {strides = array<i32>} : memref<10x80xi32, #tpu.memory_space<vmem>>, vector<1x16xi32>,
        %get3A_1684 = arith.constant 9 : i32
        %get3A_1685 = arith.index_cast %get3A_1684 : i32 to index
        %get3A_1686 = arith.constant 48 : index
        %get3A_1687 = tpu.vector_load %arg7[%get3A_1685, %get3A_1686] {strides = array<i32>} : memref<10x80xi32, #tpu.memory_space<vmem>>, vector<1x16xi32>,
        %get3A_1688 = vector.shape_cast %get3A_1687 : vector<1x16xi32> to vector<16xi32>
        %add3A_1689 = arith.addi %get3A_1688, %get3A_1688 : vector<16xi32>
        %add3A_1690 = vector.broadcast %arg0 : i32 to vector<16xi32>
        %add3A_1691 = arith.addi %add3A_1689, %add3A_1690 : vector<16xi32>
        %swap3A_1692 = arith.constant 9 : i32
        %swap3A_1693 = arith.index_cast %swap3A_1692 : i32 to index
        %swap3A_1694 = arith.constant 48 : index
        %swap3A_1695 = tpu.vector_load %arg7[%swap3A_1693, %swap3A_1694] {strides = array<i32>} : memref<10x80xi32, #tpu.memory_space<vmem>>, vector<1x16xi32>,
        %swap3A_1696 = vector.shape_cast %swap3A_1695 : vector<1x16xi32> to vector<16xi32>
        %swap3A_1697 = vector.shape_cast %add3A_1691 : vector<16xi32> to vector<1x16xi32>
        tpu.vector_store %arg7[%swap3A_1693, %swap3A_1694], %swap3A_1697 {strides = array<i32>} : memref<10x80xi32, #tpu.memory_space<vmem>>, vector<1x16xi32>,
        %get3A_1698 = arith.constant 9 : i32
        %get3A_1699 = arith.index_cast %get3A_1698 : i32 to index
        %get3A_1700 = arith.constant 64 : index
        %get3A_1701 = tpu.vector_load %arg7[%get3A_1699, %get3A_1700] {strides = array<i32>} : memref<10x80xi32, #tpu.memory_space<vmem>>, vector<1x16xi32>,
        %get3A_1702 = vector.shape_cast %get3A_1701 : vector<1x16xi32> to vector<16xi32>
        %add3A_1703 = arith.addi %get3A_1702, %get3A_1702 : vector<16xi32>
        %add3A_1704 = vector.broadcast %arg0 : i32 to vector<16xi32>
        %add3A_1705 = arith.addi %add3A_1703, %add3A_1704 : vector<16xi32>
        %swap3A_1706 = arith.constant 9 : i32
        %swap3A_1707 = arith.index_cast %swap3A_1706 : i32 to index
        %swap3A_1708 = arith.constant 64 : index
        %swap3A_1709 = tpu.vector_load %arg7[%swap3A_1707, %swap3A_1708] {strides = array<i32>} : memref<10x80xi32, #tpu.memory_space<vmem>>, vector<1x16xi32>,
        %swap3A_1710 = vector.shape_cast %swap3A_1709 : vector<1x16xi32> to vector<16xi32>
        %swap3A_1711 = vector.shape_cast %add3A_1705 : vector<16xi32> to vector<1x16xi32>
        tpu.vector_store %arg7[%swap3A_1707, %swap3A_1708], %swap3A_1711 {strides = array<i32>} : memref<10x80xi32, #tpu.memory_space<vmem>>, vector<1x16xi32>,
        %dma_start3A_1712 = arith.constant 9 : i32
        %dma_start3A_1713 = arith.constant 0 : i32
        %dma_start3A_1714 = tpu.memref_slice %arg7[%dma_start3A_1712, %dma_start3A_1713] : memref<10x80xi32, #tpu.memory_space<vmem>> -> memref<1x80xi32, #tpu.memory_space<vmem>>
        %dma_start3A_1715 = tpu.memref_squeeze %dma_start3A_1714 : memref<1x80xi32, #tpu.memory_space<vmem>> -> memref<80xi32, #tpu.memory_space<vmem>>
        %dma_start3A_1716 = arith.constant 0 : i32
        %dma_start3A_1717 = arith.constant 0 : i32
        %dma_start3A_1718 = tpu.memref_slice %arg2[%dma_start3A_1716, %dma_start3A_1717] : memref<20000x64xf32, #tpu.memory_space<hbm>> -> memref<20000x64xf32, #tpu.memory_space<hbm>>
        tpu.enqueue_indirect_dma source(%dma_start3A_1718 : memref<20000x64xf32, #tpu.memory_space<hbm>>) target(%arg13 : memref<80x64xf32, #tpu.memory_space<vmem>>) offsets(%dma_start3A_1715 : memref<80xi32, #tpu.memory_space<vmem>>) semaphore(%arg23 : memref<!tpu.dma_semaphore, #tpu.memory_space<semaphore_mem>>)
      } else {
      }
      %mul3A_1271 = arith.constant 10 : i32
      %mul3A_1272 = arith.muli %scan3A_761, %mul3A_1271 : i32
      %add3A_1273 = arith.constant 6 : i32
      %add3A_1274 = arith.addi %mul3A_1272, %add3A_1273 : i32
      %dma_wait3A_1275 = arith.constant 6 : i32
      %dma_wait3A_1276 = arith.constant 0 : i32
      %dma_wait3A_1277 = tpu.memref_slice %arg7[%dma_wait3A_1275, %dma_wait3A_1276] : memref<10x80xi32, #tpu.memory_space<vmem>> -> memref<1x80xi32, #tpu.memory_space<vmem>>
      %dma_wait3A_1278 = tpu.memref_squeeze %dma_wait3A_1277 : memref<1x80xi32, #tpu.memory_space<vmem>> -> memref<80xi32, #tpu.memory_space<vmem>>
      %dma_wait3A_1279 = arith.constant 0 : i32
      %dma_wait3A_1280 = arith.constant 0 : i32
      %dma_wait3A_1281 = tpu.memref_slice %arg2[%dma_wait3A_1279, %dma_wait3A_1280] : memref<20000x64xf32, #tpu.memory_space<hbm>> -> memref<20000x64xf32, #tpu.memory_space<hbm>>
      tpu.wait_indirect_dma semaphore(%arg20 : memref<!tpu.dma_semaphore, #tpu.memory_space<semaphore_mem>>) src(%dma_wait3A_1281 : memref<20000x64xf32, #tpu.memory_space<hbm>>) dst(%arg10 : memref<80x64xf32, #tpu.memory_space<vmem>>)
      %dma_start3A_1282 = arith.constant 6 : i32
      %dma_start3A_1283 = arith.constant 0 : i32
      %dma_start3A_1284 = tpu.memref_slice %arg8[%dma_start3A_1282, %dma_start3A_1283] : memref<10x80xi32, #tpu.memory_space<vmem>> -> memref<1x80xi32, #tpu.memory_space<vmem>>
      %dma_start3A_1285 = tpu.memref_squeeze %dma_start3A_1284 : memref<1x80xi32, #tpu.memory_space<vmem>> -> memref<80xi32, #tpu.memory_space<vmem>>
      %dma_start3A_1286 = arith.constant 0 : i32
      %dma_start3A_1287 = arith.constant 0 : i32
      %dma_start3A_1288 = tpu.memref_slice %arg17[%dma_start3A_1286, %dma_start3A_1287] : memref<20000x64xf32, #tpu.memory_space<vmem_shared>> -> memref<20000x64xf32, #tpu.memory_space<vmem_shared>>
      tpu.enqueue_indirect_dma source(%arg10 : memref<80x64xf32, #tpu.memory_space<vmem>>) target(%dma_start3A_1288 : memref<20000x64xf32, #tpu.memory_space<vmem_shared>>) offsets(%dma_start3A_1285 : memref<80xi32, #tpu.memory_space<vmem>>) semaphore(%arg25 : memref<!tpu.dma_semaphore, #tpu.memory_space<semaphore_mem>>) {add = true}
      %jit3A_1289 = arith.constant 2 : i32
      %eq3A_1290 = arith.constant 0 : i32
      %eq3A_1291 = arith.cmpi eq, %jit3A_1289, %eq3A_1290 : i32
      %jit3A_1292 = arith.constant 1 : i32
      %select_n3A_1293 = arith.select %eq3A_1291, %jit3A_1292, %jit3A_1289 : i32
      %rem3A_1294 = arith.remsi %add3A_1274, %select_n3A_1293 : i32
      %ne3A_1295 = arith.constant 0 : i32
      %ne3A_1296 = arith.cmpi ne, %rem3A_1294, %ne3A_1295 : i32
      %lt3A_1297 = arith.constant 0 : i32
      %lt3A_1298 = arith.cmpi slt, %rem3A_1294, %lt3A_1297 : i32
      %lt3A_1299 = arith.constant 0 : i32
      %lt3A_1300 = arith.cmpi slt, %select_n3A_1293, %lt3A_1299 : i32
      %ne3A_1301 = arith.xori %lt3A_1298, %lt3A_1300 : i1
      %and3A_1302 = arith.andi %ne3A_1301, %ne3A_1296 : i1
      %add3A_1303 = arith.addi %rem3A_1294, %select_n3A_1293 : i32
      %select_n3A_1304 = arith.select %and3A_1302, %add3A_1303, %rem3A_1294 : i32
      %eq3A_1305 = arith.cmpi eq, %select_n3A_1304, %arg0 : i32
      %convert_element_type3A_1306 = arith.extui %eq3A_1305 : i1 to i32
      %cond3A_1307 = arith.constant 0 : i32
      %cond3A_1308 = arith.cmpi ne, %convert_element_type3A_1306, %cond3A_1307 : i32
      scf.if %cond3A_1308 {
        %dma_start3A_1616 = arith.constant 6 : i32
        %dma_start3A_1617 = arith.constant 0 : i32
        %dma_start3A_1618 = tpu.memref_slice %arg8[%dma_start3A_1616, %dma_start3A_1617] : memref<10x80xi32, #tpu.memory_space<vmem>> -> memref<1x80xi32, #tpu.memory_space<vmem>>
        %dma_start3A_1619 = tpu.memref_squeeze %dma_start3A_1618 : memref<1x80xi32, #tpu.memory_space<vmem>> -> memref<80xi32, #tpu.memory_space<vmem>>
        %dma_start3A_1620 = arith.constant 0 : i32
        %dma_start3A_1621 = arith.constant 0 : i32
        %dma_start3A_1622 = tpu.memref_slice %arg18[%dma_start3A_1620, %dma_start3A_1621] : memref<20000x16xf32, #tpu.memory_space<vmem_shared>> -> memref<20000x16xf32, #tpu.memory_space<vmem_shared>>
        tpu.enqueue_indirect_dma source(%arg14 : memref<80x16xf32, #tpu.memory_space<vmem>>) target(%dma_start3A_1622 : memref<20000x16xf32, #tpu.memory_space<vmem_shared>>) offsets(%dma_start3A_1619 : memref<80xi32, #tpu.memory_space<vmem>>) semaphore(%arg30 : memref<!tpu.dma_semaphore, #tpu.memory_space<semaphore_mem>>) {add = true}
      } else {
      }
      %gt3A_1309 = arith.constant 0 : i32
      %gt3A_1310 = arith.cmpi sgt, %add3A_1274, %gt3A_1309 : i32
      %convert_element_type3A_1311 = arith.extui %gt3A_1310 : i1 to i32
      %cond3A_1312 = arith.constant 0 : i32
      %cond3A_1313 = arith.cmpi ne, %convert_element_type3A_1311, %cond3A_1312 : i32
      scf.if %cond3A_1313 {
        %dma_wait3A_1616 = arith.constant 6 : i32
        %dma_wait3A_1617 = arith.constant 0 : i32
        %dma_wait3A_1618 = tpu.memref_slice %arg8[%dma_wait3A_1616, %dma_wait3A_1617] : memref<10x80xi32, #tpu.memory_space<vmem>> -> memref<1x80xi32, #tpu.memory_space<vmem>>
        %dma_wait3A_1619 = tpu.memref_squeeze %dma_wait3A_1618 : memref<1x80xi32, #tpu.memory_space<vmem>> -> memref<80xi32, #tpu.memory_space<vmem>>
        %dma_wait3A_1620 = arith.constant 0 : i32
        %dma_wait3A_1621 = arith.constant 0 : i32
        %dma_wait3A_1622 = tpu.memref_slice %arg17[%dma_wait3A_1620, %dma_wait3A_1621] : memref<20000x64xf32, #tpu.memory_space<vmem_shared>> -> memref<20000x64xf32, #tpu.memory_space<vmem_shared>>
        tpu.wait_indirect_dma semaphore(%arg24 : memref<!tpu.dma_semaphore, #tpu.memory_space<semaphore_mem>>) src(%arg9 : memref<80x64xf32, #tpu.memory_space<vmem>>) dst(%dma_wait3A_1622 : memref<20000x64xf32, #tpu.memory_space<vmem_shared>>)
      } else {
      }
      %gt3A_1314 = arith.constant 0 : i32
      %gt3A_1315 = arith.cmpi sgt, %add3A_1274, %gt3A_1314 : i32
      %sub3A_1316 = arith.constant 1 : i32
      %sub3A_1317 = arith.subi %add3A_1274, %sub3A_1316 : i32
      %jit3A_1318 = arith.constant 2 : i32
      %eq3A_1319 = arith.constant 0 : i32
      %eq3A_1320 = arith.cmpi eq, %jit3A_1318, %eq3A_1319 : i32
      %jit3A_1321 = arith.constant 1 : i32
      %select_n3A_1322 = arith.select %eq3A_1320, %jit3A_1321, %jit3A_1318 : i32
      %rem3A_1323 = arith.remsi %sub3A_1317, %select_n3A_1322 : i32
      %ne3A_1324 = arith.constant 0 : i32
      %ne3A_1325 = arith.cmpi ne, %rem3A_1323, %ne3A_1324 : i32
      %lt3A_1326 = arith.constant 0 : i32
      %lt3A_1327 = arith.cmpi slt, %rem3A_1323, %lt3A_1326 : i32
      %lt3A_1328 = arith.constant 0 : i32
      %lt3A_1329 = arith.cmpi slt, %select_n3A_1322, %lt3A_1328 : i32
      %ne3A_1330 = arith.xori %lt3A_1327, %lt3A_1329 : i1
      %and3A_1331 = arith.andi %ne3A_1330, %ne3A_1325 : i1
      %add3A_1332 = arith.addi %rem3A_1323, %select_n3A_1322 : i32
      %select_n3A_1333 = arith.select %and3A_1331, %add3A_1332, %rem3A_1323 : i32
      %eq3A_1334 = arith.cmpi eq, %select_n3A_1333, %arg0 : i32
      %and3A_1335 = arith.andi %gt3A_1315, %eq3A_1334 : i1
      %convert_element_type3A_1336 = arith.extui %and3A_1335 : i1 to i32
      %cond3A_1337 = arith.constant 0 : i32
      %cond3A_1338 = arith.cmpi ne, %convert_element_type3A_1336, %cond3A_1337 : i32
      scf.if %cond3A_1338 {
        %dma_wait3A_1616 = arith.constant 6 : i32
        %dma_wait3A_1617 = arith.constant 0 : i32
        %dma_wait3A_1618 = tpu.memref_slice %arg8[%dma_wait3A_1616, %dma_wait3A_1617] : memref<10x80xi32, #tpu.memory_space<vmem>> -> memref<1x80xi32, #tpu.memory_space<vmem>>
        %dma_wait3A_1619 = tpu.memref_squeeze %dma_wait3A_1618 : memref<1x80xi32, #tpu.memory_space<vmem>> -> memref<80xi32, #tpu.memory_space<vmem>>
        %dma_wait3A_1620 = arith.constant 0 : i32
        %dma_wait3A_1621 = arith.constant 0 : i32
        %dma_wait3A_1622 = tpu.memref_slice %arg18[%dma_wait3A_1620, %dma_wait3A_1621] : memref<20000x16xf32, #tpu.memory_space<vmem_shared>> -> memref<20000x16xf32, #tpu.memory_space<vmem_shared>>
        tpu.wait_indirect_dma semaphore(%arg29 : memref<!tpu.dma_semaphore, #tpu.memory_space<semaphore_mem>>) src(%arg14 : memref<80x16xf32, #tpu.memory_space<vmem>>) dst(%dma_wait3A_1622 : memref<20000x16xf32, #tpu.memory_space<vmem_shared>>)
      } else {
      }
      %add3A_1339 = arith.constant 10 : i32
      %add3A_1340 = arith.addi %add3A_1274, %add3A_1339 : i32
      %sub3A_1341 = arith.constant 1 : i32
      %sub3A_1342 = arith.subi %add3A_1340, %sub3A_1341 : i32
      %lt3A_1343 = arith.constant 250 : i32
      %lt3A_1344 = arith.cmpi slt, %sub3A_1342, %lt3A_1343 : i32
      %convert_element_type3A_1345 = arith.extui %lt3A_1344 : i1 to i32
      %cond3A_1346 = arith.constant 0 : i32
      %cond3A_1347 = arith.cmpi ne, %convert_element_type3A_1345, %cond3A_1346 : i32
      scf.if %cond3A_1347 {
        %add3A_1616 = arith.addi %mul3A_0, %add3A_1274 : i32
        %add3A_1617 = arith.constant 10 : i32
        %add3A_1618 = arith.addi %add3A_1616, %add3A_1617 : i32
        %sub3A_1619 = arith.constant 1 : i32
        %sub3A_1620 = arith.subi %add3A_1618, %sub3A_1619 : i32
        %dma_start3A_1621 = arith.constant 5 : i32
        %dma_start3A_1622 = arith.constant 0 : i32
        %dma_start3A_1623 = tpu.memref_slice %arg7[%dma_start3A_1621, %dma_start3A_1622] : memref<10x80xi32, #tpu.memory_space<vmem>> -> memref<1x80xi32, #tpu.memory_space<vmem>>
        %dma_start3A_1624 = tpu.memref_squeeze %dma_start3A_1623 : memref<1x80xi32, #tpu.memory_space<vmem>> -> memref<80xi32, #tpu.memory_space<vmem>>
        %dma_start3A_1625 = arith.constant 0 : i32
        %dma_start3A_1626 = tpu.memref_slice %arg3[%sub3A_1620, %dma_start3A_1625] : memref<4000x80xi32, #tpu.memory_space<hbm>> -> memref<1x80xi32, #tpu.memory_space<hbm>>
        %dma_start3A_1627 = tpu.memref_squeeze %dma_start3A_1626 : memref<1x80xi32, #tpu.memory_space<hbm>> -> memref<80xi32, #tpu.memory_space<hbm>>
        %dma_start3A_1628 = arith.constant 0 : i32
        %dma_start3A_1629 = tpu.memref_slice %arg7[%dma_start3A_1621, %dma_start3A_1628] : memref<10x80xi32, #tpu.memory_space<vmem>> -> memref<1x80xi32, #tpu.memory_space<vmem>>
        %dma_start3A_1630 = tpu.memref_squeeze %dma_start3A_1629 : memref<1x80xi32, #tpu.memory_space<vmem>> -> memref<80xi32, #tpu.memory_space<vmem>>
        %dma_start3A_1631 = arith.constant 0 : i32
        %dma_start3A_1632 = tpu.memref_slice %arg3[%sub3A_1620, %dma_start3A_1631] : memref<4000x80xi32, #tpu.memory_space<hbm>> -> memref<1x80xi32, #tpu.memory_space<hbm>>
        %dma_start3A_1633 = tpu.memref_squeeze %dma_start3A_1632 : memref<1x80xi32, #tpu.memory_space<hbm>> -> memref<80xi32, #tpu.memory_space<hbm>>
        tpu.enqueue_dma source(%dma_start3A_1633 : memref<80xi32, #tpu.memory_space<hbm>>) target(%dma_start3A_1630 : memref<80xi32, #tpu.memory_space<vmem>>) target_semaphore(%arg39 : memref<!tpu.dma_semaphore, #tpu.memory_space<semaphore_mem>>)
        %add3A_1634 = arith.addi %mul3A_2, %add3A_1274 : i32
        %add3A_1635 = arith.constant 10 : i32
        %add3A_1636 = arith.addi %add3A_1634, %add3A_1635 : i32
        %sub3A_1637 = arith.constant 1 : i32
        %sub3A_1638 = arith.subi %add3A_1636, %sub3A_1637 : i32
        %dma_start3A_1639 = arith.constant 5 : i32
        %dma_start3A_1640 = arith.constant 0 : i32
        %dma_start3A_1641 = tpu.memref_slice %arg8[%dma_start3A_1639, %dma_start3A_1640] : memref<10x80xi32, #tpu.memory_space<vmem>> -> memref<1x80xi32, #tpu.memory_space<vmem>>
        %dma_start3A_1642 = tpu.memref_squeeze %dma_start3A_1641 : memref<1x80xi32, #tpu.memory_space<vmem>> -> memref<80xi32, #tpu.memory_space<vmem>>
        %dma_start3A_1643 = arith.constant 0 : i32
        %dma_start3A_1644 = tpu.memref_slice %arg4[%sub3A_1638, %dma_start3A_1643] : memref<4000x80xi32, #tpu.memory_space<hbm>> -> memref<1x80xi32, #tpu.memory_space<hbm>>
        %dma_start3A_1645 = tpu.memref_squeeze %dma_start3A_1644 : memref<1x80xi32, #tpu.memory_space<hbm>> -> memref<80xi32, #tpu.memory_space<hbm>>
        %dma_start3A_1646 = arith.constant 0 : i32
        %dma_start3A_1647 = tpu.memref_slice %arg8[%dma_start3A_1639, %dma_start3A_1646] : memref<10x80xi32, #tpu.memory_space<vmem>> -> memref<1x80xi32, #tpu.memory_space<vmem>>
        %dma_start3A_1648 = tpu.memref_squeeze %dma_start3A_1647 : memref<1x80xi32, #tpu.memory_space<vmem>> -> memref<80xi32, #tpu.memory_space<vmem>>
        %dma_start3A_1649 = arith.constant 0 : i32
        %dma_start3A_1650 = tpu.memref_slice %arg4[%sub3A_1638, %dma_start3A_1649] : memref<4000x80xi32, #tpu.memory_space<hbm>> -> memref<1x80xi32, #tpu.memory_space<hbm>>
        %dma_start3A_1651 = tpu.memref_squeeze %dma_start3A_1650 : memref<1x80xi32, #tpu.memory_space<hbm>> -> memref<80xi32, #tpu.memory_space<hbm>>
        tpu.enqueue_dma source(%dma_start3A_1651 : memref<80xi32, #tpu.memory_space<hbm>>) target(%dma_start3A_1648 : memref<80xi32, #tpu.memory_space<vmem>>) target_semaphore(%arg39 : memref<!tpu.dma_semaphore, #tpu.memory_space<semaphore_mem>>)
      } else {
      }
      %add3A_1348 = arith.constant 5 : i32
      %add3A_1349 = arith.addi %add3A_1274, %add3A_1348 : i32
      %sub3A_1350 = arith.constant 1 : i32
      %sub3A_1351 = arith.subi %add3A_1349, %sub3A_1350 : i32
      %lt3A_1352 = arith.constant 250 : i32
      %lt3A_1353 = arith.cmpi slt, %sub3A_1351, %lt3A_1352 : i32
      %convert_element_type3A_1354 = arith.extui %lt3A_1353 : i1 to i32
      %cond3A_1355 = arith.constant 0 : i32
      %cond3A_1356 = arith.cmpi ne, %convert_element_type3A_1354, %cond3A_1355 : i32
      scf.if %cond3A_1356 {
        %dma_wait3A_1616 = arith.constant 0 : i32
        %dma_wait3A_1617 = arith.constant 0 : i32
        %dma_wait3A_1618 = tpu.memref_slice %arg7[%dma_wait3A_1616, %dma_wait3A_1617] : memref<10x80xi32, #tpu.memory_space<vmem>> -> memref<1x80xi32, #tpu.memory_space<vmem>>
        %dma_wait3A_1619 = tpu.memref_squeeze %dma_wait3A_1618 : memref<1x80xi32, #tpu.memory_space<vmem>> -> memref<80xi32, #tpu.memory_space<vmem>>
        %dma_wait3A_1620 = arith.constant 0 : i32
        %dma_wait3A_1621 = tpu.memref_slice %arg3[%mul3A_0, %dma_wait3A_1620] : memref<4000x80xi32, #tpu.memory_space<hbm>> -> memref<1x80xi32, #tpu.memory_space<hbm>>
        %dma_wait3A_1622 = tpu.memref_squeeze %dma_wait3A_1621 : memref<1x80xi32, #tpu.memory_space<hbm>> -> memref<80xi32, #tpu.memory_space<hbm>>
        %dma_wait3A_1623 = arith.constant 0 : i32
        %dma_wait3A_1624 = tpu.memref_slice %arg7[%dma_wait3A_1616, %dma_wait3A_1623] : memref<10x80xi32, #tpu.memory_space<vmem>> -> memref<1x80xi32, #tpu.memory_space<vmem>>
        %dma_wait3A_1625 = tpu.memref_squeeze %dma_wait3A_1624 : memref<1x80xi32, #tpu.memory_space<vmem>> -> memref<80xi32, #tpu.memory_space<vmem>>
        %dma_wait3A_1626 = arith.constant 0 : i32
        %dma_wait3A_1627 = tpu.memref_slice %arg3[%mul3A_0, %dma_wait3A_1626] : memref<4000x80xi32, #tpu.memory_space<hbm>> -> memref<1x80xi32, #tpu.memory_space<hbm>>
        %dma_wait3A_1628 = tpu.memref_squeeze %dma_wait3A_1627 : memref<1x80xi32, #tpu.memory_space<hbm>> -> memref<80xi32, #tpu.memory_space<hbm>>
        tpu.wait_dma2 semaphore(%arg34 : memref<!tpu.dma_semaphore, #tpu.memory_space<semaphore_mem>>) src(%dma_wait3A_1628 : memref<80xi32, #tpu.memory_space<hbm>>) dst(%dma_wait3A_1625 : memref<80xi32, #tpu.memory_space<vmem>>)
        %dma_wait3A_1629 = arith.constant 0 : i32
        %dma_wait3A_1630 = arith.constant 0 : i32
        %dma_wait3A_1631 = tpu.memref_slice %arg8[%dma_wait3A_1629, %dma_wait3A_1630] : memref<10x80xi32, #tpu.memory_space<vmem>> -> memref<1x80xi32, #tpu.memory_space<vmem>>
        %dma_wait3A_1632 = tpu.memref_squeeze %dma_wait3A_1631 : memref<1x80xi32, #tpu.memory_space<vmem>> -> memref<80xi32, #tpu.memory_space<vmem>>
        %dma_wait3A_1633 = arith.constant 0 : i32
        %dma_wait3A_1634 = tpu.memref_slice %arg4[%mul3A_2, %dma_wait3A_1633] : memref<4000x80xi32, #tpu.memory_space<hbm>> -> memref<1x80xi32, #tpu.memory_space<hbm>>
        %dma_wait3A_1635 = tpu.memref_squeeze %dma_wait3A_1634 : memref<1x80xi32, #tpu.memory_space<hbm>> -> memref<80xi32, #tpu.memory_space<hbm>>
        %dma_wait3A_1636 = arith.constant 0 : i32
        %dma_wait3A_1637 = tpu.memref_slice %arg8[%dma_wait3A_1629, %dma_wait3A_1636] : memref<10x80xi32, #tpu.memory_space<vmem>> -> memref<1x80xi32, #tpu.memory_space<vmem>>
        %dma_wait3A_1638 = tpu.memref_squeeze %dma_wait3A_1637 : memref<1x80xi32, #tpu.memory_space<vmem>> -> memref<80xi32, #tpu.memory_space<vmem>>
        %dma_wait3A_1639 = arith.constant 0 : i32
        %dma_wait3A_1640 = tpu.memref_slice %arg4[%mul3A_2, %dma_wait3A_1639] : memref<4000x80xi32, #tpu.memory_space<hbm>> -> memref<1x80xi32, #tpu.memory_space<hbm>>
        %dma_wait3A_1641 = tpu.memref_squeeze %dma_wait3A_1640 : memref<1x80xi32, #tpu.memory_space<hbm>> -> memref<80xi32, #tpu.memory_space<hbm>>
        tpu.wait_dma2 semaphore(%arg34 : memref<!tpu.dma_semaphore, #tpu.memory_space<semaphore_mem>>) src(%dma_wait3A_1641 : memref<80xi32, #tpu.memory_space<hbm>>) dst(%dma_wait3A_1638 : memref<80xi32, #tpu.memory_space<vmem>>)
        %get3A_1642 = arith.constant 0 : i32
        %get3A_1643 = arith.index_cast %get3A_1642 : i32 to index
        %get3A_1644 = arith.constant 0 : index
        %get3A_1645 = tpu.vector_load %arg7[%get3A_1643, %get3A_1644] {strides = array<i32>} : memref<10x80xi32, #tpu.memory_space<vmem>>, vector<1x16xi32>,
        %get3A_1646 = vector.shape_cast %get3A_1645 : vector<1x16xi32> to vector<16xi32>
        %add3A_1647 = arith.addi %get3A_1646, %get3A_1646 : vector<16xi32>
        %add3A_1648 = vector.broadcast %arg0 : i32 to vector<16xi32>
        %add3A_1649 = arith.addi %add3A_1647, %add3A_1648 : vector<16xi32>
        %swap3A_1650 = arith.constant 0 : i32
        %swap3A_1651 = arith.index_cast %swap3A_1650 : i32 to index
        %swap3A_1652 = arith.constant 0 : index
        %swap3A_1653 = tpu.vector_load %arg7[%swap3A_1651, %swap3A_1652] {strides = array<i32>} : memref<10x80xi32, #tpu.memory_space<vmem>>, vector<1x16xi32>,
        %swap3A_1654 = vector.shape_cast %swap3A_1653 : vector<1x16xi32> to vector<16xi32>
        %swap3A_1655 = vector.shape_cast %add3A_1649 : vector<16xi32> to vector<1x16xi32>
        tpu.vector_store %arg7[%swap3A_1651, %swap3A_1652], %swap3A_1655 {strides = array<i32>} : memref<10x80xi32, #tpu.memory_space<vmem>>, vector<1x16xi32>,
        %get3A_1656 = arith.constant 0 : i32
        %get3A_1657 = arith.index_cast %get3A_1656 : i32 to index
        %get3A_1658 = arith.constant 16 : index
        %get3A_1659 = tpu.vector_load %arg7[%get3A_1657, %get3A_1658] {strides = array<i32>} : memref<10x80xi32, #tpu.memory_space<vmem>>, vector<1x16xi32>,
        %get3A_1660 = vector.shape_cast %get3A_1659 : vector<1x16xi32> to vector<16xi32>
        %add3A_1661 = arith.addi %get3A_1660, %get3A_1660 : vector<16xi32>
        %add3A_1662 = vector.broadcast %arg0 : i32 to vector<16xi32>
        %add3A_1663 = arith.addi %add3A_1661, %add3A_1662 : vector<16xi32>
        %swap3A_1664 = arith.constant 0 : i32
        %swap3A_1665 = arith.index_cast %swap3A_1664 : i32 to index
        %swap3A_1666 = arith.constant 16 : index
        %swap3A_1667 = tpu.vector_load %arg7[%swap3A_1665, %swap3A_1666] {strides = array<i32>} : memref<10x80xi32, #tpu.memory_space<vmem>>, vector<1x16xi32>,
        %swap3A_1668 = vector.shape_cast %swap3A_1667 : vector<1x16xi32> to vector<16xi32>
        %swap3A_1669 = vector.shape_cast %add3A_1663 : vector<16xi32> to vector<1x16xi32>
        tpu.vector_store %arg7[%swap3A_1665, %swap3A_1666], %swap3A_1669 {strides = array<i32>} : memref<10x80xi32, #tpu.memory_space<vmem>>, vector<1x16xi32>,
        %get3A_1670 = arith.constant 0 : i32
        %get3A_1671 = arith.index_cast %get3A_1670 : i32 to index
        %get3A_1672 = arith.constant 32 : index
        %get3A_1673 = tpu.vector_load %arg7[%get3A_1671, %get3A_1672] {strides = array<i32>} : memref<10x80xi32, #tpu.memory_space<vmem>>, vector<1x16xi32>,
        %get3A_1674 = vector.shape_cast %get3A_1673 : vector<1x16xi32> to vector<16xi32>
        %add3A_1675 = arith.addi %get3A_1674, %get3A_1674 : vector<16xi32>
        %add3A_1676 = vector.broadcast %arg0 : i32 to vector<16xi32>
        %add3A_1677 = arith.addi %add3A_1675, %add3A_1676 : vector<16xi32>
        %swap3A_1678 = arith.constant 0 : i32
        %swap3A_1679 = arith.index_cast %swap3A_1678 : i32 to index
        %swap3A_1680 = arith.constant 32 : index
        %swap3A_1681 = tpu.vector_load %arg7[%swap3A_1679, %swap3A_1680] {strides = array<i32>} : memref<10x80xi32, #tpu.memory_space<vmem>>, vector<1x16xi32>,
        %swap3A_1682 = vector.shape_cast %swap3A_1681 : vector<1x16xi32> to vector<16xi32>
        %swap3A_1683 = vector.shape_cast %add3A_1677 : vector<16xi32> to vector<1x16xi32>
        tpu.vector_store %arg7[%swap3A_1679, %swap3A_1680], %swap3A_1683 {strides = array<i32>} : memref<10x80xi32, #tpu.memory_space<vmem>>, vector<1x16xi32>,
        %get3A_1684 = arith.constant 0 : i32
        %get3A_1685 = arith.index_cast %get3A_1684 : i32 to index
        %get3A_1686 = arith.constant 48 : index
        %get3A_1687 = tpu.vector_load %arg7[%get3A_1685, %get3A_1686] {strides = array<i32>} : memref<10x80xi32, #tpu.memory_space<vmem>>, vector<1x16xi32>,
        %get3A_1688 = vector.shape_cast %get3A_1687 : vector<1x16xi32> to vector<16xi32>
        %add3A_1689 = arith.addi %get3A_1688, %get3A_1688 : vector<16xi32>
        %add3A_1690 = vector.broadcast %arg0 : i32 to vector<16xi32>
        %add3A_1691 = arith.addi %add3A_1689, %add3A_1690 : vector<16xi32>
        %swap3A_1692 = arith.constant 0 : i32
        %swap3A_1693 = arith.index_cast %swap3A_1692 : i32 to index
        %swap3A_1694 = arith.constant 48 : index
        %swap3A_1695 = tpu.vector_load %arg7[%swap3A_1693, %swap3A_1694] {strides = array<i32>} : memref<10x80xi32, #tpu.memory_space<vmem>>, vector<1x16xi32>,
        %swap3A_1696 = vector.shape_cast %swap3A_1695 : vector<1x16xi32> to vector<16xi32>
        %swap3A_1697 = vector.shape_cast %add3A_1691 : vector<16xi32> to vector<1x16xi32>
        tpu.vector_store %arg7[%swap3A_1693, %swap3A_1694], %swap3A_1697 {strides = array<i32>} : memref<10x80xi32, #tpu.memory_space<vmem>>, vector<1x16xi32>,
        %get3A_1698 = arith.constant 0 : i32
        %get3A_1699 = arith.index_cast %get3A_1698 : i32 to index
        %get3A_1700 = arith.constant 64 : index
        %get3A_1701 = tpu.vector_load %arg7[%get3A_1699, %get3A_1700] {strides = array<i32>} : memref<10x80xi32, #tpu.memory_space<vmem>>, vector<1x16xi32>,
        %get3A_1702 = vector.shape_cast %get3A_1701 : vector<1x16xi32> to vector<16xi32>
        %add3A_1703 = arith.addi %get3A_1702, %get3A_1702 : vector<16xi32>
        %add3A_1704 = vector.broadcast %arg0 : i32 to vector<16xi32>
        %add3A_1705 = arith.addi %add3A_1703, %add3A_1704 : vector<16xi32>
        %swap3A_1706 = arith.constant 0 : i32
        %swap3A_1707 = arith.index_cast %swap3A_1706 : i32 to index
        %swap3A_1708 = arith.constant 64 : index
        %swap3A_1709 = tpu.vector_load %arg7[%swap3A_1707, %swap3A_1708] {strides = array<i32>} : memref<10x80xi32, #tpu.memory_space<vmem>>, vector<1x16xi32>,
        %swap3A_1710 = vector.shape_cast %swap3A_1709 : vector<1x16xi32> to vector<16xi32>
        %swap3A_1711 = vector.shape_cast %add3A_1705 : vector<16xi32> to vector<1x16xi32>
        tpu.vector_store %arg7[%swap3A_1707, %swap3A_1708], %swap3A_1711 {strides = array<i32>} : memref<10x80xi32, #tpu.memory_space<vmem>>, vector<1x16xi32>,
        %dma_start3A_1712 = arith.constant 0 : i32
        %dma_start3A_1713 = arith.constant 0 : i32
        %dma_start3A_1714 = tpu.memref_slice %arg7[%dma_start3A_1712, %dma_start3A_1713] : memref<10x80xi32, #tpu.memory_space<vmem>> -> memref<1x80xi32, #tpu.memory_space<vmem>>
        %dma_start3A_1715 = tpu.memref_squeeze %dma_start3A_1714 : memref<1x80xi32, #tpu.memory_space<vmem>> -> memref<80xi32, #tpu.memory_space<vmem>>
        %dma_start3A_1716 = arith.constant 0 : i32
        %dma_start3A_1717 = arith.constant 0 : i32
        %dma_start3A_1718 = tpu.memref_slice %arg2[%dma_start3A_1716, %dma_start3A_1717] : memref<20000x64xf32, #tpu.memory_space<hbm>> -> memref<20000x64xf32, #tpu.memory_space<hbm>>
        tpu.enqueue_indirect_dma source(%dma_start3A_1718 : memref<20000x64xf32, #tpu.memory_space<hbm>>) target(%arg9 : memref<80x64xf32, #tpu.memory_space<vmem>>) offsets(%dma_start3A_1715 : memref<80xi32, #tpu.memory_space<vmem>>) semaphore(%arg19 : memref<!tpu.dma_semaphore, #tpu.memory_space<semaphore_mem>>)
      } else {
      }
      %mul3A_1357 = arith.constant 10 : i32
      %mul3A_1358 = arith.muli %scan3A_761, %mul3A_1357 : i32
      %add3A_1359 = arith.constant 7 : i32
      %add3A_1360 = arith.addi %mul3A_1358, %add3A_1359 : i32
      %dma_wait3A_1361 = arith.constant 7 : i32
      %dma_wait3A_1362 = arith.constant 0 : i32
      %dma_wait3A_1363 = tpu.memref_slice %arg7[%dma_wait3A_1361, %dma_wait3A_1362] : memref<10x80xi32, #tpu.memory_space<vmem>> -> memref<1x80xi32, #tpu.memory_space<vmem>>
      %dma_wait3A_1364 = tpu.memref_squeeze %dma_wait3A_1363 : memref<1x80xi32, #tpu.memory_space<vmem>> -> memref<80xi32, #tpu.memory_space<vmem>>
      %dma_wait3A_1365 = arith.constant 0 : i32
      %dma_wait3A_1366 = arith.constant 0 : i32
      %dma_wait3A_1367 = tpu.memref_slice %arg2[%dma_wait3A_1365, %dma_wait3A_1366] : memref<20000x64xf32, #tpu.memory_space<hbm>> -> memref<20000x64xf32, #tpu.memory_space<hbm>>
      tpu.wait_indirect_dma semaphore(%arg21 : memref<!tpu.dma_semaphore, #tpu.memory_space<semaphore_mem>>) src(%dma_wait3A_1367 : memref<20000x64xf32, #tpu.memory_space<hbm>>) dst(%arg11 : memref<80x64xf32, #tpu.memory_space<vmem>>)
      %dma_start3A_1368 = arith.constant 7 : i32
      %dma_start3A_1369 = arith.constant 0 : i32
      %dma_start3A_1370 = tpu.memref_slice %arg8[%dma_start3A_1368, %dma_start3A_1369] : memref<10x80xi32, #tpu.memory_space<vmem>> -> memref<1x80xi32, #tpu.memory_space<vmem>>
      %dma_start3A_1371 = tpu.memref_squeeze %dma_start3A_1370 : memref<1x80xi32, #tpu.memory_space<vmem>> -> memref<80xi32, #tpu.memory_space<vmem>>
      %dma_start3A_1372 = arith.constant 0 : i32
      %dma_start3A_1373 = arith.constant 0 : i32
      %dma_start3A_1374 = tpu.memref_slice %arg17[%dma_start3A_1372, %dma_start3A_1373] : memref<20000x64xf32, #tpu.memory_space<vmem_shared>> -> memref<20000x64xf32, #tpu.memory_space<vmem_shared>>
      tpu.enqueue_indirect_dma source(%arg11 : memref<80x64xf32, #tpu.memory_space<vmem>>) target(%dma_start3A_1374 : memref<20000x64xf32, #tpu.memory_space<vmem_shared>>) offsets(%dma_start3A_1371 : memref<80xi32, #tpu.memory_space<vmem>>) semaphore(%arg26 : memref<!tpu.dma_semaphore, #tpu.memory_space<semaphore_mem>>) {add = true}
      %jit3A_1375 = arith.constant 2 : i32
      %eq3A_1376 = arith.constant 0 : i32
      %eq3A_1377 = arith.cmpi eq, %jit3A_1375, %eq3A_1376 : i32
      %jit3A_1378 = arith.constant 1 : i32
      %select_n3A_1379 = arith.select %eq3A_1377, %jit3A_1378, %jit3A_1375 : i32
      %rem3A_1380 = arith.remsi %add3A_1360, %select_n3A_1379 : i32
      %ne3A_1381 = arith.constant 0 : i32
      %ne3A_1382 = arith.cmpi ne, %rem3A_1380, %ne3A_1381 : i32
      %lt3A_1383 = arith.constant 0 : i32
      %lt3A_1384 = arith.cmpi slt, %rem3A_1380, %lt3A_1383 : i32
      %lt3A_1385 = arith.constant 0 : i32
      %lt3A_1386 = arith.cmpi slt, %select_n3A_1379, %lt3A_1385 : i32
      %ne3A_1387 = arith.xori %lt3A_1384, %lt3A_1386 : i1
      %and3A_1388 = arith.andi %ne3A_1387, %ne3A_1382 : i1
      %add3A_1389 = arith.addi %rem3A_1380, %select_n3A_1379 : i32
      %select_n3A_1390 = arith.select %and3A_1388, %add3A_1389, %rem3A_1380 : i32
      %eq3A_1391 = arith.cmpi eq, %select_n3A_1390, %arg0 : i32
      %convert_element_type3A_1392 = arith.extui %eq3A_1391 : i1 to i32
      %cond3A_1393 = arith.constant 0 : i32
      %cond3A_1394 = arith.cmpi ne, %convert_element_type3A_1392, %cond3A_1393 : i32
      scf.if %cond3A_1394 {
        %dma_start3A_1616 = arith.constant 7 : i32
        %dma_start3A_1617 = arith.constant 0 : i32
        %dma_start3A_1618 = tpu.memref_slice %arg8[%dma_start3A_1616, %dma_start3A_1617] : memref<10x80xi32, #tpu.memory_space<vmem>> -> memref<1x80xi32, #tpu.memory_space<vmem>>
        %dma_start3A_1619 = tpu.memref_squeeze %dma_start3A_1618 : memref<1x80xi32, #tpu.memory_space<vmem>> -> memref<80xi32, #tpu.memory_space<vmem>>
        %dma_start3A_1620 = arith.constant 0 : i32
        %dma_start3A_1621 = arith.constant 0 : i32
        %dma_start3A_1622 = tpu.memref_slice %arg18[%dma_start3A_1620, %dma_start3A_1621] : memref<20000x16xf32, #tpu.memory_space<vmem_shared>> -> memref<20000x16xf32, #tpu.memory_space<vmem_shared>>
        tpu.enqueue_indirect_dma source(%arg14 : memref<80x16xf32, #tpu.memory_space<vmem>>) target(%dma_start3A_1622 : memref<20000x16xf32, #tpu.memory_space<vmem_shared>>) offsets(%dma_start3A_1619 : memref<80xi32, #tpu.memory_space<vmem>>) semaphore(%arg31 : memref<!tpu.dma_semaphore, #tpu.memory_space<semaphore_mem>>) {add = true}
      } else {
      }
      %gt3A_1395 = arith.constant 0 : i32
      %gt3A_1396 = arith.cmpi sgt, %add3A_1360, %gt3A_1395 : i32
      %convert_element_type3A_1397 = arith.extui %gt3A_1396 : i1 to i32
      %cond3A_1398 = arith.constant 0 : i32
      %cond3A_1399 = arith.cmpi ne, %convert_element_type3A_1397, %cond3A_1398 : i32
      scf.if %cond3A_1399 {
        %dma_wait3A_1616 = arith.constant 7 : i32
        %dma_wait3A_1617 = arith.constant 0 : i32
        %dma_wait3A_1618 = tpu.memref_slice %arg8[%dma_wait3A_1616, %dma_wait3A_1617] : memref<10x80xi32, #tpu.memory_space<vmem>> -> memref<1x80xi32, #tpu.memory_space<vmem>>
        %dma_wait3A_1619 = tpu.memref_squeeze %dma_wait3A_1618 : memref<1x80xi32, #tpu.memory_space<vmem>> -> memref<80xi32, #tpu.memory_space<vmem>>
        %dma_wait3A_1620 = arith.constant 0 : i32
        %dma_wait3A_1621 = arith.constant 0 : i32
        %dma_wait3A_1622 = tpu.memref_slice %arg17[%dma_wait3A_1620, %dma_wait3A_1621] : memref<20000x64xf32, #tpu.memory_space<vmem_shared>> -> memref<20000x64xf32, #tpu.memory_space<vmem_shared>>
        tpu.wait_indirect_dma semaphore(%arg25 : memref<!tpu.dma_semaphore, #tpu.memory_space<semaphore_mem>>) src(%arg10 : memref<80x64xf32, #tpu.memory_space<vmem>>) dst(%dma_wait3A_1622 : memref<20000x64xf32, #tpu.memory_space<vmem_shared>>)
      } else {
      }
      %gt3A_1400 = arith.constant 0 : i32
      %gt3A_1401 = arith.cmpi sgt, %add3A_1360, %gt3A_1400 : i32
      %sub3A_1402 = arith.constant 1 : i32
      %sub3A_1403 = arith.subi %add3A_1360, %sub3A_1402 : i32
      %jit3A_1404 = arith.constant 2 : i32
      %eq3A_1405 = arith.constant 0 : i32
      %eq3A_1406 = arith.cmpi eq, %jit3A_1404, %eq3A_1405 : i32
      %jit3A_1407 = arith.constant 1 : i32
      %select_n3A_1408 = arith.select %eq3A_1406, %jit3A_1407, %jit3A_1404 : i32
      %rem3A_1409 = arith.remsi %sub3A_1403, %select_n3A_1408 : i32
      %ne3A_1410 = arith.constant 0 : i32
      %ne3A_1411 = arith.cmpi ne, %rem3A_1409, %ne3A_1410 : i32
      %lt3A_1412 = arith.constant 0 : i32
      %lt3A_1413 = arith.cmpi slt, %rem3A_1409, %lt3A_1412 : i32
      %lt3A_1414 = arith.constant 0 : i32
      %lt3A_1415 = arith.cmpi slt, %select_n3A_1408, %lt3A_1414 : i32
      %ne3A_1416 = arith.xori %lt3A_1413, %lt3A_1415 : i1
      %and3A_1417 = arith.andi %ne3A_1416, %ne3A_1411 : i1
      %add3A_1418 = arith.addi %rem3A_1409, %select_n3A_1408 : i32
      %select_n3A_1419 = arith.select %and3A_1417, %add3A_1418, %rem3A_1409 : i32
      %eq3A_1420 = arith.cmpi eq, %select_n3A_1419, %arg0 : i32
      %and3A_1421 = arith.andi %gt3A_1401, %eq3A_1420 : i1
      %convert_element_type3A_1422 = arith.extui %and3A_1421 : i1 to i32
      %cond3A_1423 = arith.constant 0 : i32
      %cond3A_1424 = arith.cmpi ne, %convert_element_type3A_1422, %cond3A_1423 : i32
      scf.if %cond3A_1424 {
        %dma_wait3A_1616 = arith.constant 7 : i32
        %dma_wait3A_1617 = arith.constant 0 : i32
        %dma_wait3A_1618 = tpu.memref_slice %arg8[%dma_wait3A_1616, %dma_wait3A_1617] : memref<10x80xi32, #tpu.memory_space<vmem>> -> memref<1x80xi32, #tpu.memory_space<vmem>>
        %dma_wait3A_1619 = tpu.memref_squeeze %dma_wait3A_1618 : memref<1x80xi32, #tpu.memory_space<vmem>> -> memref<80xi32, #tpu.memory_space<vmem>>
        %dma_wait3A_1620 = arith.constant 0 : i32
        %dma_wait3A_1621 = arith.constant 0 : i32
        %dma_wait3A_1622 = tpu.memref_slice %arg18[%dma_wait3A_1620, %dma_wait3A_1621] : memref<20000x16xf32, #tpu.memory_space<vmem_shared>> -> memref<20000x16xf32, #tpu.memory_space<vmem_shared>>
        tpu.wait_indirect_dma semaphore(%arg30 : memref<!tpu.dma_semaphore, #tpu.memory_space<semaphore_mem>>) src(%arg14 : memref<80x16xf32, #tpu.memory_space<vmem>>) dst(%dma_wait3A_1622 : memref<20000x16xf32, #tpu.memory_space<vmem_shared>>)
      } else {
      }
      %add3A_1425 = arith.constant 10 : i32
      %add3A_1426 = arith.addi %add3A_1360, %add3A_1425 : i32
      %sub3A_1427 = arith.constant 1 : i32
      %sub3A_1428 = arith.subi %add3A_1426, %sub3A_1427 : i32
      %lt3A_1429 = arith.constant 250 : i32
      %lt3A_1430 = arith.cmpi slt, %sub3A_1428, %lt3A_1429 : i32
      %convert_element_type3A_1431 = arith.extui %lt3A_1430 : i1 to i32
      %cond3A_1432 = arith.constant 0 : i32
      %cond3A_1433 = arith.cmpi ne, %convert_element_type3A_1431, %cond3A_1432 : i32
      scf.if %cond3A_1433 {
        %add3A_1616 = arith.addi %mul3A_0, %add3A_1360 : i32
        %add3A_1617 = arith.constant 10 : i32
        %add3A_1618 = arith.addi %add3A_1616, %add3A_1617 : i32
        %sub3A_1619 = arith.constant 1 : i32
        %sub3A_1620 = arith.subi %add3A_1618, %sub3A_1619 : i32
        %dma_start3A_1621 = arith.constant 6 : i32
        %dma_start3A_1622 = arith.constant 0 : i32
        %dma_start3A_1623 = tpu.memref_slice %arg7[%dma_start3A_1621, %dma_start3A_1622] : memref<10x80xi32, #tpu.memory_space<vmem>> -> memref<1x80xi32, #tpu.memory_space<vmem>>
        %dma_start3A_1624 = tpu.memref_squeeze %dma_start3A_1623 : memref<1x80xi32, #tpu.memory_space<vmem>> -> memref<80xi32, #tpu.memory_space<vmem>>
        %dma_start3A_1625 = arith.constant 0 : i32
        %dma_start3A_1626 = tpu.memref_slice %arg3[%sub3A_1620, %dma_start3A_1625] : memref<4000x80xi32, #tpu.memory_space<hbm>> -> memref<1x80xi32, #tpu.memory_space<hbm>>
        %dma_start3A_1627 = tpu.memref_squeeze %dma_start3A_1626 : memref<1x80xi32, #tpu.memory_space<hbm>> -> memref<80xi32, #tpu.memory_space<hbm>>
        %dma_start3A_1628 = arith.constant 0 : i32
        %dma_start3A_1629 = tpu.memref_slice %arg7[%dma_start3A_1621, %dma_start3A_1628] : memref<10x80xi32, #tpu.memory_space<vmem>> -> memref<1x80xi32, #tpu.memory_space<vmem>>
        %dma_start3A_1630 = tpu.memref_squeeze %dma_start3A_1629 : memref<1x80xi32, #tpu.memory_space<vmem>> -> memref<80xi32, #tpu.memory_space<vmem>>
        %dma_start3A_1631 = arith.constant 0 : i32
        %dma_start3A_1632 = tpu.memref_slice %arg3[%sub3A_1620, %dma_start3A_1631] : memref<4000x80xi32, #tpu.memory_space<hbm>> -> memref<1x80xi32, #tpu.memory_space<hbm>>
        %dma_start3A_1633 = tpu.memref_squeeze %dma_start3A_1632 : memref<1x80xi32, #tpu.memory_space<hbm>> -> memref<80xi32, #tpu.memory_space<hbm>>
        tpu.enqueue_dma source(%dma_start3A_1633 : memref<80xi32, #tpu.memory_space<hbm>>) target(%dma_start3A_1630 : memref<80xi32, #tpu.memory_space<vmem>>) target_semaphore(%arg40 : memref<!tpu.dma_semaphore, #tpu.memory_space<semaphore_mem>>)
        %add3A_1634 = arith.addi %mul3A_2, %add3A_1360 : i32
        %add3A_1635 = arith.constant 10 : i32
        %add3A_1636 = arith.addi %add3A_1634, %add3A_1635 : i32
        %sub3A_1637 = arith.constant 1 : i32
        %sub3A_1638 = arith.subi %add3A_1636, %sub3A_1637 : i32
        %dma_start3A_1639 = arith.constant 6 : i32
        %dma_start3A_1640 = arith.constant 0 : i32
        %dma_start3A_1641 = tpu.memref_slice %arg8[%dma_start3A_1639, %dma_start3A_1640] : memref<10x80xi32, #tpu.memory_space<vmem>> -> memref<1x80xi32, #tpu.memory_space<vmem>>
        %dma_start3A_1642 = tpu.memref_squeeze %dma_start3A_1641 : memref<1x80xi32, #tpu.memory_space<vmem>> -> memref<80xi32, #tpu.memory_space<vmem>>
        %dma_start3A_1643 = arith.constant 0 : i32
        %dma_start3A_1644 = tpu.memref_slice %arg4[%sub3A_1638, %dma_start3A_1643] : memref<4000x80xi32, #tpu.memory_space<hbm>> -> memref<1x80xi32, #tpu.memory_space<hbm>>
        %dma_start3A_1645 = tpu.memref_squeeze %dma_start3A_1644 : memref<1x80xi32, #tpu.memory_space<hbm>> -> memref<80xi32, #tpu.memory_space<hbm>>
        %dma_start3A_1646 = arith.constant 0 : i32
        %dma_start3A_1647 = tpu.memref_slice %arg8[%dma_start3A_1639, %dma_start3A_1646] : memref<10x80xi32, #tpu.memory_space<vmem>> -> memref<1x80xi32, #tpu.memory_space<vmem>>
        %dma_start3A_1648 = tpu.memref_squeeze %dma_start3A_1647 : memref<1x80xi32, #tpu.memory_space<vmem>> -> memref<80xi32, #tpu.memory_space<vmem>>
        %dma_start3A_1649 = arith.constant 0 : i32
        %dma_start3A_1650 = tpu.memref_slice %arg4[%sub3A_1638, %dma_start3A_1649] : memref<4000x80xi32, #tpu.memory_space<hbm>> -> memref<1x80xi32, #tpu.memory_space<hbm>>
        %dma_start3A_1651 = tpu.memref_squeeze %dma_start3A_1650 : memref<1x80xi32, #tpu.memory_space<hbm>> -> memref<80xi32, #tpu.memory_space<hbm>>
        tpu.enqueue_dma source(%dma_start3A_1651 : memref<80xi32, #tpu.memory_space<hbm>>) target(%dma_start3A_1648 : memref<80xi32, #tpu.memory_space<vmem>>) target_semaphore(%arg40 : memref<!tpu.dma_semaphore, #tpu.memory_space<semaphore_mem>>)
      } else {
      }
      %add3A_1434 = arith.constant 5 : i32
      %add3A_1435 = arith.addi %add3A_1360, %add3A_1434 : i32
      %sub3A_1436 = arith.constant 1 : i32
      %sub3A_1437 = arith.subi %add3A_1435, %sub3A_1436 : i32
      %lt3A_1438 = arith.constant 250 : i32
      %lt3A_1439 = arith.cmpi slt, %sub3A_1437, %lt3A_1438 : i32
      %convert_element_type3A_1440 = arith.extui %lt3A_1439 : i1 to i32
      %cond3A_1441 = arith.constant 0 : i32
      %cond3A_1442 = arith.cmpi ne, %convert_element_type3A_1440, %cond3A_1441 : i32
      scf.if %cond3A_1442 {
        %dma_wait3A_1616 = arith.constant 1 : i32
        %dma_wait3A_1617 = arith.constant 0 : i32
        %dma_wait3A_1618 = tpu.memref_slice %arg7[%dma_wait3A_1616, %dma_wait3A_1617] : memref<10x80xi32, #tpu.memory_space<vmem>> -> memref<1x80xi32, #tpu.memory_space<vmem>>
        %dma_wait3A_1619 = tpu.memref_squeeze %dma_wait3A_1618 : memref<1x80xi32, #tpu.memory_space<vmem>> -> memref<80xi32, #tpu.memory_space<vmem>>
        %dma_wait3A_1620 = arith.constant 0 : i32
        %dma_wait3A_1621 = tpu.memref_slice %arg3[%mul3A_0, %dma_wait3A_1620] : memref<4000x80xi32, #tpu.memory_space<hbm>> -> memref<1x80xi32, #tpu.memory_space<hbm>>
        %dma_wait3A_1622 = tpu.memref_squeeze %dma_wait3A_1621 : memref<1x80xi32, #tpu.memory_space<hbm>> -> memref<80xi32, #tpu.memory_space<hbm>>
        %dma_wait3A_1623 = arith.constant 0 : i32
        %dma_wait3A_1624 = tpu.memref_slice %arg7[%dma_wait3A_1616, %dma_wait3A_1623] : memref<10x80xi32, #tpu.memory_space<vmem>> -> memref<1x80xi32, #tpu.memory_space<vmem>>
        %dma_wait3A_1625 = tpu.memref_squeeze %dma_wait3A_1624 : memref<1x80xi32, #tpu.memory_space<vmem>> -> memref<80xi32, #tpu.memory_space<vmem>>
        %dma_wait3A_1626 = arith.constant 0 : i32
        %dma_wait3A_1627 = tpu.memref_slice %arg3[%mul3A_0, %dma_wait3A_1626] : memref<4000x80xi32, #tpu.memory_space<hbm>> -> memref<1x80xi32, #tpu.memory_space<hbm>>
        %dma_wait3A_1628 = tpu.memref_squeeze %dma_wait3A_1627 : memref<1x80xi32, #tpu.memory_space<hbm>> -> memref<80xi32, #tpu.memory_space<hbm>>
        tpu.wait_dma2 semaphore(%arg35 : memref<!tpu.dma_semaphore, #tpu.memory_space<semaphore_mem>>) src(%dma_wait3A_1628 : memref<80xi32, #tpu.memory_space<hbm>>) dst(%dma_wait3A_1625 : memref<80xi32, #tpu.memory_space<vmem>>)
        %dma_wait3A_1629 = arith.constant 1 : i32
        %dma_wait3A_1630 = arith.constant 0 : i32
        %dma_wait3A_1631 = tpu.memref_slice %arg8[%dma_wait3A_1629, %dma_wait3A_1630] : memref<10x80xi32, #tpu.memory_space<vmem>> -> memref<1x80xi32, #tpu.memory_space<vmem>>
        %dma_wait3A_1632 = tpu.memref_squeeze %dma_wait3A_1631 : memref<1x80xi32, #tpu.memory_space<vmem>> -> memref<80xi32, #tpu.memory_space<vmem>>
        %dma_wait3A_1633 = arith.constant 0 : i32
        %dma_wait3A_1634 = tpu.memref_slice %arg4[%mul3A_2, %dma_wait3A_1633] : memref<4000x80xi32, #tpu.memory_space<hbm>> -> memref<1x80xi32, #tpu.memory_space<hbm>>
        %dma_wait3A_1635 = tpu.memref_squeeze %dma_wait3A_1634 : memref<1x80xi32, #tpu.memory_space<hbm>> -> memref<80xi32, #tpu.memory_space<hbm>>
        %dma_wait3A_1636 = arith.constant 0 : i32
        %dma_wait3A_1637 = tpu.memref_slice %arg8[%dma_wait3A_1629, %dma_wait3A_1636] : memref<10x80xi32, #tpu.memory_space<vmem>> -> memref<1x80xi32, #tpu.memory_space<vmem>>
        %dma_wait3A_1638 = tpu.memref_squeeze %dma_wait3A_1637 : memref<1x80xi32, #tpu.memory_space<vmem>> -> memref<80xi32, #tpu.memory_space<vmem>>
        %dma_wait3A_1639 = arith.constant 0 : i32
        %dma_wait3A_1640 = tpu.memref_slice %arg4[%mul3A_2, %dma_wait3A_1639] : memref<4000x80xi32, #tpu.memory_space<hbm>> -> memref<1x80xi32, #tpu.memory_space<hbm>>
        %dma_wait3A_1641 = tpu.memref_squeeze %dma_wait3A_1640 : memref<1x80xi32, #tpu.memory_space<hbm>> -> memref<80xi32, #tpu.memory_space<hbm>>
        tpu.wait_dma2 semaphore(%arg35 : memref<!tpu.dma_semaphore, #tpu.memory_space<semaphore_mem>>) src(%dma_wait3A_1641 : memref<80xi32, #tpu.memory_space<hbm>>) dst(%dma_wait3A_1638 : memref<80xi32, #tpu.memory_space<vmem>>)
        %get3A_1642 = arith.constant 1 : i32
        %get3A_1643 = arith.index_cast %get3A_1642 : i32 to index
        %get3A_1644 = arith.constant 0 : index
        %get3A_1645 = tpu.vector_load %arg7[%get3A_1643, %get3A_1644] {strides = array<i32>} : memref<10x80xi32, #tpu.memory_space<vmem>>, vector<1x16xi32>,
        %get3A_1646 = vector.shape_cast %get3A_1645 : vector<1x16xi32> to vector<16xi32>
        %add3A_1647 = arith.addi %get3A_1646, %get3A_1646 : vector<16xi32>
        %add3A_1648 = vector.broadcast %arg0 : i32 to vector<16xi32>
        %add3A_1649 = arith.addi %add3A_1647, %add3A_1648 : vector<16xi32>
        %swap3A_1650 = arith.constant 1 : i32
        %swap3A_1651 = arith.index_cast %swap3A_1650 : i32 to index
        %swap3A_1652 = arith.constant 0 : index
        %swap3A_1653 = tpu.vector_load %arg7[%swap3A_1651, %swap3A_1652] {strides = array<i32>} : memref<10x80xi32, #tpu.memory_space<vmem>>, vector<1x16xi32>,
        %swap3A_1654 = vector.shape_cast %swap3A_1653 : vector<1x16xi32> to vector<16xi32>
        %swap3A_1655 = vector.shape_cast %add3A_1649 : vector<16xi32> to vector<1x16xi32>
        tpu.vector_store %arg7[%swap3A_1651, %swap3A_1652], %swap3A_1655 {strides = array<i32>} : memref<10x80xi32, #tpu.memory_space<vmem>>, vector<1x16xi32>,
        %get3A_1656 = arith.constant 1 : i32
        %get3A_1657 = arith.index_cast %get3A_1656 : i32 to index
        %get3A_1658 = arith.constant 16 : index
        %get3A_1659 = tpu.vector_load %arg7[%get3A_1657, %get3A_1658] {strides = array<i32>} : memref<10x80xi32, #tpu.memory_space<vmem>>, vector<1x16xi32>,
        %get3A_1660 = vector.shape_cast %get3A_1659 : vector<1x16xi32> to vector<16xi32>
        %add3A_1661 = arith.addi %get3A_1660, %get3A_1660 : vector<16xi32>
        %add3A_1662 = vector.broadcast %arg0 : i32 to vector<16xi32>
        %add3A_1663 = arith.addi %add3A_1661, %add3A_1662 : vector<16xi32>
        %swap3A_1664 = arith.constant 1 : i32
        %swap3A_1665 = arith.index_cast %swap3A_1664 : i32 to index
        %swap3A_1666 = arith.constant 16 : index
        %swap3A_1667 = tpu.vector_load %arg7[%swap3A_1665, %swap3A_1666] {strides = array<i32>} : memref<10x80xi32, #tpu.memory_space<vmem>>, vector<1x16xi32>,
        %swap3A_1668 = vector.shape_cast %swap3A_1667 : vector<1x16xi32> to vector<16xi32>
        %swap3A_1669 = vector.shape_cast %add3A_1663 : vector<16xi32> to vector<1x16xi32>
        tpu.vector_store %arg7[%swap3A_1665, %swap3A_1666], %swap3A_1669 {strides = array<i32>} : memref<10x80xi32, #tpu.memory_space<vmem>>, vector<1x16xi32>,
        %get3A_1670 = arith.constant 1 : i32
        %get3A_1671 = arith.index_cast %get3A_1670 : i32 to index
        %get3A_1672 = arith.constant 32 : index
        %get3A_1673 = tpu.vector_load %arg7[%get3A_1671, %get3A_1672] {strides = array<i32>} : memref<10x80xi32, #tpu.memory_space<vmem>>, vector<1x16xi32>,
        %get3A_1674 = vector.shape_cast %get3A_1673 : vector<1x16xi32> to vector<16xi32>
        %add3A_1675 = arith.addi %get3A_1674, %get3A_1674 : vector<16xi32>
        %add3A_1676 = vector.broadcast %arg0 : i32 to vector<16xi32>
        %add3A_1677 = arith.addi %add3A_1675, %add3A_1676 : vector<16xi32>
        %swap3A_1678 = arith.constant 1 : i32
        %swap3A_1679 = arith.index_cast %swap3A_1678 : i32 to index
        %swap3A_1680 = arith.constant 32 : index
        %swap3A_1681 = tpu.vector_load %arg7[%swap3A_1679, %swap3A_1680] {strides = array<i32>} : memref<10x80xi32, #tpu.memory_space<vmem>>, vector<1x16xi32>,
        %swap3A_1682 = vector.shape_cast %swap3A_1681 : vector<1x16xi32> to vector<16xi32>
        %swap3A_1683 = vector.shape_cast %add3A_1677 : vector<16xi32> to vector<1x16xi32>
        tpu.vector_store %arg7[%swap3A_1679, %swap3A_1680], %swap3A_1683 {strides = array<i32>} : memref<10x80xi32, #tpu.memory_space<vmem>>, vector<1x16xi32>,
        %get3A_1684 = arith.constant 1 : i32
        %get3A_1685 = arith.index_cast %get3A_1684 : i32 to index
        %get3A_1686 = arith.constant 48 : index
        %get3A_1687 = tpu.vector_load %arg7[%get3A_1685, %get3A_1686] {strides = array<i32>} : memref<10x80xi32, #tpu.memory_space<vmem>>, vector<1x16xi32>,
        %get3A_1688 = vector.shape_cast %get3A_1687 : vector<1x16xi32> to vector<16xi32>
        %add3A_1689 = arith.addi %get3A_1688, %get3A_1688 : vector<16xi32>
        %add3A_1690 = vector.broadcast %arg0 : i32 to vector<16xi32>
        %add3A_1691 = arith.addi %add3A_1689, %add3A_1690 : vector<16xi32>
        %swap3A_1692 = arith.constant 1 : i32
        %swap3A_1693 = arith.index_cast %swap3A_1692 : i32 to index
        %swap3A_1694 = arith.constant 48 : index
        %swap3A_1695 = tpu.vector_load %arg7[%swap3A_1693, %swap3A_1694] {strides = array<i32>} : memref<10x80xi32, #tpu.memory_space<vmem>>, vector<1x16xi32>,
        %swap3A_1696 = vector.shape_cast %swap3A_1695 : vector<1x16xi32> to vector<16xi32>
        %swap3A_1697 = vector.shape_cast %add3A_1691 : vector<16xi32> to vector<1x16xi32>
        tpu.vector_store %arg7[%swap3A_1693, %swap3A_1694], %swap3A_1697 {strides = array<i32>} : memref<10x80xi32, #tpu.memory_space<vmem>>, vector<1x16xi32>,
        %get3A_1698 = arith.constant 1 : i32
        %get3A_1699 = arith.index_cast %get3A_1698 : i32 to index
        %get3A_1700 = arith.constant 64 : index
        %get3A_1701 = tpu.vector_load %arg7[%get3A_1699, %get3A_1700] {strides = array<i32>} : memref<10x80xi32, #tpu.memory_space<vmem>>, vector<1x16xi32>,
        %get3A_1702 = vector.shape_cast %get3A_1701 : vector<1x16xi32> to vector<16xi32>
        %add3A_1703 = arith.addi %get3A_1702, %get3A_1702 : vector<16xi32>
        %add3A_1704 = vector.broadcast %arg0 : i32 to vector<16xi32>
        %add3A_1705 = arith.addi %add3A_1703, %add3A_1704 : vector<16xi32>
        %swap3A_1706 = arith.constant 1 : i32
        %swap3A_1707 = arith.index_cast %swap3A_1706 : i32 to index
        %swap3A_1708 = arith.constant 64 : index
        %swap3A_1709 = tpu.vector_load %arg7[%swap3A_1707, %swap3A_1708] {strides = array<i32>} : memref<10x80xi32, #tpu.memory_space<vmem>>, vector<1x16xi32>,
        %swap3A_1710 = vector.shape_cast %swap3A_1709 : vector<1x16xi32> to vector<16xi32>
        %swap3A_1711 = vector.shape_cast %add3A_1705 : vector<16xi32> to vector<1x16xi32>
        tpu.vector_store %arg7[%swap3A_1707, %swap3A_1708], %swap3A_1711 {strides = array<i32>} : memref<10x80xi32, #tpu.memory_space<vmem>>, vector<1x16xi32>,
        %dma_start3A_1712 = arith.constant 1 : i32
        %dma_start3A_1713 = arith.constant 0 : i32
        %dma_start3A_1714 = tpu.memref_slice %arg7[%dma_start3A_1712, %dma_start3A_1713] : memref<10x80xi32, #tpu.memory_space<vmem>> -> memref<1x80xi32, #tpu.memory_space<vmem>>
        %dma_start3A_1715 = tpu.memref_squeeze %dma_start3A_1714 : memref<1x80xi32, #tpu.memory_space<vmem>> -> memref<80xi32, #tpu.memory_space<vmem>>
        %dma_start3A_1716 = arith.constant 0 : i32
        %dma_start3A_1717 = arith.constant 0 : i32
        %dma_start3A_1718 = tpu.memref_slice %arg2[%dma_start3A_1716, %dma_start3A_1717] : memref<20000x64xf32, #tpu.memory_space<hbm>> -> memref<20000x64xf32, #tpu.memory_space<hbm>>
        tpu.enqueue_indirect_dma source(%dma_start3A_1718 : memref<20000x64xf32, #tpu.memory_space<hbm>>) target(%arg10 : memref<80x64xf32, #tpu.memory_space<vmem>>) offsets(%dma_start3A_1715 : memref<80xi32, #tpu.memory_space<vmem>>) semaphore(%arg20 : memref<!tpu.dma_semaphore, #tpu.memory_space<semaphore_mem>>)
      } else {
      }
      %mul3A_1443 = arith.constant 10 : i32
      %mul3A_1444 = arith.muli %scan3A_761, %mul3A_1443 : i32
      %add3A_1445 = arith.constant 8 : i32
      %add3A_1446 = arith.addi %mul3A_1444, %add3A_1445 : i32
      %dma_wait3A_1447 = arith.constant 8 : i32
      %dma_wait3A_1448 = arith.constant 0 : i32
      %dma_wait3A_1449 = tpu.memref_slice %arg7[%dma_wait3A_1447, %dma_wait3A_1448] : memref<10x80xi32, #tpu.memory_space<vmem>> -> memref<1x80xi32, #tpu.memory_space<vmem>>
      %dma_wait3A_1450 = tpu.memref_squeeze %dma_wait3A_1449 : memref<1x80xi32, #tpu.memory_space<vmem>> -> memref<80xi32, #tpu.memory_space<vmem>>
      %dma_wait3A_1451 = arith.constant 0 : i32
      %dma_wait3A_1452 = arith.constant 0 : i32
      %dma_wait3A_1453 = tpu.memref_slice %arg2[%dma_wait3A_1451, %dma_wait3A_1452] : memref<20000x64xf32, #tpu.memory_space<hbm>> -> memref<20000x64xf32, #tpu.memory_space<hbm>>
      tpu.wait_indirect_dma semaphore(%arg22 : memref<!tpu.dma_semaphore, #tpu.memory_space<semaphore_mem>>) src(%dma_wait3A_1453 : memref<20000x64xf32, #tpu.memory_space<hbm>>) dst(%arg12 : memref<80x64xf32, #tpu.memory_space<vmem>>)
      %dma_start3A_1454 = arith.constant 8 : i32
      %dma_start3A_1455 = arith.constant 0 : i32
      %dma_start3A_1456 = tpu.memref_slice %arg8[%dma_start3A_1454, %dma_start3A_1455] : memref<10x80xi32, #tpu.memory_space<vmem>> -> memref<1x80xi32, #tpu.memory_space<vmem>>
      %dma_start3A_1457 = tpu.memref_squeeze %dma_start3A_1456 : memref<1x80xi32, #tpu.memory_space<vmem>> -> memref<80xi32, #tpu.memory_space<vmem>>
      %dma_start3A_1458 = arith.constant 0 : i32
      %dma_start3A_1459 = arith.constant 0 : i32
      %dma_start3A_1460 = tpu.memref_slice %arg17[%dma_start3A_1458, %dma_start3A_1459] : memref<20000x64xf32, #tpu.memory_space<vmem_shared>> -> memref<20000x64xf32, #tpu.memory_space<vmem_shared>>
      tpu.enqueue_indirect_dma source(%arg12 : memref<80x64xf32, #tpu.memory_space<vmem>>) target(%dma_start3A_1460 : memref<20000x64xf32, #tpu.memory_space<vmem_shared>>) offsets(%dma_start3A_1457 : memref<80xi32, #tpu.memory_space<vmem>>) semaphore(%arg27 : memref<!tpu.dma_semaphore, #tpu.memory_space<semaphore_mem>>) {add = true}
      %jit3A_1461 = arith.constant 2 : i32
      %eq3A_1462 = arith.constant 0 : i32
      %eq3A_1463 = arith.cmpi eq, %jit3A_1461, %eq3A_1462 : i32
      %jit3A_1464 = arith.constant 1 : i32
      %select_n3A_1465 = arith.select %eq3A_1463, %jit3A_1464, %jit3A_1461 : i32
      %rem3A_1466 = arith.remsi %add3A_1446, %select_n3A_1465 : i32
      %ne3A_1467 = arith.constant 0 : i32
      %ne3A_1468 = arith.cmpi ne, %rem3A_1466, %ne3A_1467 : i32
      %lt3A_1469 = arith.constant 0 : i32
      %lt3A_1470 = arith.cmpi slt, %rem3A_1466, %lt3A_1469 : i32
      %lt3A_1471 = arith.constant 0 : i32
      %lt3A_1472 = arith.cmpi slt, %select_n3A_1465, %lt3A_1471 : i32
      %ne3A_1473 = arith.xori %lt3A_1470, %lt3A_1472 : i1
      %and3A_1474 = arith.andi %ne3A_1473, %ne3A_1468 : i1
      %add3A_1475 = arith.addi %rem3A_1466, %select_n3A_1465 : i32
      %select_n3A_1476 = arith.select %and3A_1474, %add3A_1475, %rem3A_1466 : i32
      %eq3A_1477 = arith.cmpi eq, %select_n3A_1476, %arg0 : i32
      %convert_element_type3A_1478 = arith.extui %eq3A_1477 : i1 to i32
      %cond3A_1479 = arith.constant 0 : i32
      %cond3A_1480 = arith.cmpi ne, %convert_element_type3A_1478, %cond3A_1479 : i32
      scf.if %cond3A_1480 {
        %dma_start3A_1616 = arith.constant 8 : i32
        %dma_start3A_1617 = arith.constant 0 : i32
        %dma_start3A_1618 = tpu.memref_slice %arg8[%dma_start3A_1616, %dma_start3A_1617] : memref<10x80xi32, #tpu.memory_space<vmem>> -> memref<1x80xi32, #tpu.memory_space<vmem>>
        %dma_start3A_1619 = tpu.memref_squeeze %dma_start3A_1618 : memref<1x80xi32, #tpu.memory_space<vmem>> -> memref<80xi32, #tpu.memory_space<vmem>>
        %dma_start3A_1620 = arith.constant 0 : i32
        %dma_start3A_1621 = arith.constant 0 : i32
        %dma_start3A_1622 = tpu.memref_slice %arg18[%dma_start3A_1620, %dma_start3A_1621] : memref<20000x16xf32, #tpu.memory_space<vmem_shared>> -> memref<20000x16xf32, #tpu.memory_space<vmem_shared>>
        tpu.enqueue_indirect_dma source(%arg14 : memref<80x16xf32, #tpu.memory_space<vmem>>) target(%dma_start3A_1622 : memref<20000x16xf32, #tpu.memory_space<vmem_shared>>) offsets(%dma_start3A_1619 : memref<80xi32, #tpu.memory_space<vmem>>) semaphore(%arg32 : memref<!tpu.dma_semaphore, #tpu.memory_space<semaphore_mem>>) {add = true}
      } else {
      }
      %gt3A_1481 = arith.constant 0 : i32
      %gt3A_1482 = arith.cmpi sgt, %add3A_1446, %gt3A_1481 : i32
      %convert_element_type3A_1483 = arith.extui %gt3A_1482 : i1 to i32
      %cond3A_1484 = arith.constant 0 : i32
      %cond3A_1485 = arith.cmpi ne, %convert_element_type3A_1483, %cond3A_1484 : i32
      scf.if %cond3A_1485 {
        %dma_wait3A_1616 = arith.constant 8 : i32
        %dma_wait3A_1617 = arith.constant 0 : i32
        %dma_wait3A_1618 = tpu.memref_slice %arg8[%dma_wait3A_1616, %dma_wait3A_1617] : memref<10x80xi32, #tpu.memory_space<vmem>> -> memref<1x80xi32, #tpu.memory_space<vmem>>
        %dma_wait3A_1619 = tpu.memref_squeeze %dma_wait3A_1618 : memref<1x80xi32, #tpu.memory_space<vmem>> -> memref<80xi32, #tpu.memory_space<vmem>>
        %dma_wait3A_1620 = arith.constant 0 : i32
        %dma_wait3A_1621 = arith.constant 0 : i32
        %dma_wait3A_1622 = tpu.memref_slice %arg17[%dma_wait3A_1620, %dma_wait3A_1621] : memref<20000x64xf32, #tpu.memory_space<vmem_shared>> -> memref<20000x64xf32, #tpu.memory_space<vmem_shared>>
        tpu.wait_indirect_dma semaphore(%arg26 : memref<!tpu.dma_semaphore, #tpu.memory_space<semaphore_mem>>) src(%arg11 : memref<80x64xf32, #tpu.memory_space<vmem>>) dst(%dma_wait3A_1622 : memref<20000x64xf32, #tpu.memory_space<vmem_shared>>)
      } else {
      }
      %gt3A_1486 = arith.constant 0 : i32
      %gt3A_1487 = arith.cmpi sgt, %add3A_1446, %gt3A_1486 : i32
      %sub3A_1488 = arith.constant 1 : i32
      %sub3A_1489 = arith.subi %add3A_1446, %sub3A_1488 : i32
      %jit3A_1490 = arith.constant 2 : i32
      %eq3A_1491 = arith.constant 0 : i32
      %eq3A_1492 = arith.cmpi eq, %jit3A_1490, %eq3A_1491 : i32
      %jit3A_1493 = arith.constant 1 : i32
      %select_n3A_1494 = arith.select %eq3A_1492, %jit3A_1493, %jit3A_1490 : i32
      %rem3A_1495 = arith.remsi %sub3A_1489, %select_n3A_1494 : i32
      %ne3A_1496 = arith.constant 0 : i32
      %ne3A_1497 = arith.cmpi ne, %rem3A_1495, %ne3A_1496 : i32
      %lt3A_1498 = arith.constant 0 : i32
      %lt3A_1499 = arith.cmpi slt, %rem3A_1495, %lt3A_1498 : i32
      %lt3A_1500 = arith.constant 0 : i32
      %lt3A_1501 = arith.cmpi slt, %select_n3A_1494, %lt3A_1500 : i32
      %ne3A_1502 = arith.xori %lt3A_1499, %lt3A_1501 : i1
      %and3A_1503 = arith.andi %ne3A_1502, %ne3A_1497 : i1
      %add3A_1504 = arith.addi %rem3A_1495, %select_n3A_1494 : i32
      %select_n3A_1505 = arith.select %and3A_1503, %add3A_1504, %rem3A_1495 : i32
      %eq3A_1506 = arith.cmpi eq, %select_n3A_1505, %arg0 : i32
      %and3A_1507 = arith.andi %gt3A_1487, %eq3A_1506 : i1
      %convert_element_type3A_1508 = arith.extui %and3A_1507 : i1 to i32
      %cond3A_1509 = arith.constant 0 : i32
      %cond3A_1510 = arith.cmpi ne, %convert_element_type3A_1508, %cond3A_1509 : i32
      scf.if %cond3A_1510 {
        %dma_wait3A_1616 = arith.constant 8 : i32
        %dma_wait3A_1617 = arith.constant 0 : i32
        %dma_wait3A_1618 = tpu.memref_slice %arg8[%dma_wait3A_1616, %dma_wait3A_1617] : memref<10x80xi32, #tpu.memory_space<vmem>> -> memref<1x80xi32, #tpu.memory_space<vmem>>
        %dma_wait3A_1619 = tpu.memref_squeeze %dma_wait3A_1618 : memref<1x80xi32, #tpu.memory_space<vmem>> -> memref<80xi32, #tpu.memory_space<vmem>>
        %dma_wait3A_1620 = arith.constant 0 : i32
        %dma_wait3A_1621 = arith.constant 0 : i32
        %dma_wait3A_1622 = tpu.memref_slice %arg18[%dma_wait3A_1620, %dma_wait3A_1621] : memref<20000x16xf32, #tpu.memory_space<vmem_shared>> -> memref<20000x16xf32, #tpu.memory_space<vmem_shared>>
        tpu.wait_indirect_dma semaphore(%arg31 : memref<!tpu.dma_semaphore, #tpu.memory_space<semaphore_mem>>) src(%arg14 : memref<80x16xf32, #tpu.memory_space<vmem>>) dst(%dma_wait3A_1622 : memref<20000x16xf32, #tpu.memory_space<vmem_shared>>)
      } else {
      }
      %add3A_1511 = arith.constant 10 : i32
      %add3A_1512 = arith.addi %add3A_1446, %add3A_1511 : i32
      %sub3A_1513 = arith.constant 1 : i32
      %sub3A_1514 = arith.subi %add3A_1512, %sub3A_1513 : i32
      %lt3A_1515 = arith.constant 250 : i32
      %lt3A_1516 = arith.cmpi slt, %sub3A_1514, %lt3A_1515 : i32
      %convert_element_type3A_1517 = arith.extui %lt3A_1516 : i1 to i32
      %cond3A_1518 = arith.constant 0 : i32
      %cond3A_1519 = arith.cmpi ne, %convert_element_type3A_1517, %cond3A_1518 : i32
      scf.if %cond3A_1519 {
        %add3A_1616 = arith.addi %mul3A_0, %add3A_1446 : i32
        %add3A_1617 = arith.constant 10 : i32
        %add3A_1618 = arith.addi %add3A_1616, %add3A_1617 : i32
        %sub3A_1619 = arith.constant 1 : i32
        %sub3A_1620 = arith.subi %add3A_1618, %sub3A_1619 : i32
        %dma_start3A_1621 = arith.constant 7 : i32
        %dma_start3A_1622 = arith.constant 0 : i32
        %dma_start3A_1623 = tpu.memref_slice %arg7[%dma_start3A_1621, %dma_start3A_1622] : memref<10x80xi32, #tpu.memory_space<vmem>> -> memref<1x80xi32, #tpu.memory_space<vmem>>
        %dma_start3A_1624 = tpu.memref_squeeze %dma_start3A_1623 : memref<1x80xi32, #tpu.memory_space<vmem>> -> memref<80xi32, #tpu.memory_space<vmem>>
        %dma_start3A_1625 = arith.constant 0 : i32
        %dma_start3A_1626 = tpu.memref_slice %arg3[%sub3A_1620, %dma_start3A_1625] : memref<4000x80xi32, #tpu.memory_space<hbm>> -> memref<1x80xi32, #tpu.memory_space<hbm>>
        %dma_start3A_1627 = tpu.memref_squeeze %dma_start3A_1626 : memref<1x80xi32, #tpu.memory_space<hbm>> -> memref<80xi32, #tpu.memory_space<hbm>>
        %dma_start3A_1628 = arith.constant 0 : i32
        %dma_start3A_1629 = tpu.memref_slice %arg7[%dma_start3A_1621, %dma_start3A_1628] : memref<10x80xi32, #tpu.memory_space<vmem>> -> memref<1x80xi32, #tpu.memory_space<vmem>>
        %dma_start3A_1630 = tpu.memref_squeeze %dma_start3A_1629 : memref<1x80xi32, #tpu.memory_space<vmem>> -> memref<80xi32, #tpu.memory_space<vmem>>
        %dma_start3A_1631 = arith.constant 0 : i32
        %dma_start3A_1632 = tpu.memref_slice %arg3[%sub3A_1620, %dma_start3A_1631] : memref<4000x80xi32, #tpu.memory_space<hbm>> -> memref<1x80xi32, #tpu.memory_space<hbm>>
        %dma_start3A_1633 = tpu.memref_squeeze %dma_start3A_1632 : memref<1x80xi32, #tpu.memory_space<hbm>> -> memref<80xi32, #tpu.memory_space<hbm>>
        tpu.enqueue_dma source(%dma_start3A_1633 : memref<80xi32, #tpu.memory_space<hbm>>) target(%dma_start3A_1630 : memref<80xi32, #tpu.memory_space<vmem>>) target_semaphore(%arg41 : memref<!tpu.dma_semaphore, #tpu.memory_space<semaphore_mem>>)
        %add3A_1634 = arith.addi %mul3A_2, %add3A_1446 : i32
        %add3A_1635 = arith.constant 10 : i32
        %add3A_1636 = arith.addi %add3A_1634, %add3A_1635 : i32
        %sub3A_1637 = arith.constant 1 : i32
        %sub3A_1638 = arith.subi %add3A_1636, %sub3A_1637 : i32
        %dma_start3A_1639 = arith.constant 7 : i32
        %dma_start3A_1640 = arith.constant 0 : i32
        %dma_start3A_1641 = tpu.memref_slice %arg8[%dma_start3A_1639, %dma_start3A_1640] : memref<10x80xi32, #tpu.memory_space<vmem>> -> memref<1x80xi32, #tpu.memory_space<vmem>>
        %dma_start3A_1642 = tpu.memref_squeeze %dma_start3A_1641 : memref<1x80xi32, #tpu.memory_space<vmem>> -> memref<80xi32, #tpu.memory_space<vmem>>
        %dma_start3A_1643 = arith.constant 0 : i32
        %dma_start3A_1644 = tpu.memref_slice %arg4[%sub3A_1638, %dma_start3A_1643] : memref<4000x80xi32, #tpu.memory_space<hbm>> -> memref<1x80xi32, #tpu.memory_space<hbm>>
        %dma_start3A_1645 = tpu.memref_squeeze %dma_start3A_1644 : memref<1x80xi32, #tpu.memory_space<hbm>> -> memref<80xi32, #tpu.memory_space<hbm>>
        %dma_start3A_1646 = arith.constant 0 : i32
        %dma_start3A_1647 = tpu.memref_slice %arg8[%dma_start3A_1639, %dma_start3A_1646] : memref<10x80xi32, #tpu.memory_space<vmem>> -> memref<1x80xi32, #tpu.memory_space<vmem>>
        %dma_start3A_1648 = tpu.memref_squeeze %dma_start3A_1647 : memref<1x80xi32, #tpu.memory_space<vmem>> -> memref<80xi32, #tpu.memory_space<vmem>>
        %dma_start3A_1649 = arith.constant 0 : i32
        %dma_start3A_1650 = tpu.memref_slice %arg4[%sub3A_1638, %dma_start3A_1649] : memref<4000x80xi32, #tpu.memory_space<hbm>> -> memref<1x80xi32, #tpu.memory_space<hbm>>
        %dma_start3A_1651 = tpu.memref_squeeze %dma_start3A_1650 : memref<1x80xi32, #tpu.memory_space<hbm>> -> memref<80xi32, #tpu.memory_space<hbm>>
        tpu.enqueue_dma source(%dma_start3A_1651 : memref<80xi32, #tpu.memory_space<hbm>>) target(%dma_start3A_1648 : memref<80xi32, #tpu.memory_space<vmem>>) target_semaphore(%arg41 : memref<!tpu.dma_semaphore, #tpu.memory_space<semaphore_mem>>)
      } else {
      }
      %add3A_1520 = arith.constant 5 : i32
      %add3A_1521 = arith.addi %add3A_1446, %add3A_1520 : i32
      %sub3A_1522 = arith.constant 1 : i32
      %sub3A_1523 = arith.subi %add3A_1521, %sub3A_1522 : i32
      %lt3A_1524 = arith.constant 250 : i32
      %lt3A_1525 = arith.cmpi slt, %sub3A_1523, %lt3A_1524 : i32
      %convert_element_type3A_1526 = arith.extui %lt3A_1525 : i1 to i32
      %cond3A_1527 = arith.constant 0 : i32
      %cond3A_1528 = arith.cmpi ne, %convert_element_type3A_1526, %cond3A_1527 : i32
      scf.if %cond3A_1528 {
        %dma_wait3A_1616 = arith.constant 2 : i32
        %dma_wait3A_1617 = arith.constant 0 : i32
        %dma_wait3A_1618 = tpu.memref_slice %arg7[%dma_wait3A_1616, %dma_wait3A_1617] : memref<10x80xi32, #tpu.memory_space<vmem>> -> memref<1x80xi32, #tpu.memory_space<vmem>>
        %dma_wait3A_1619 = tpu.memref_squeeze %dma_wait3A_1618 : memref<1x80xi32, #tpu.memory_space<vmem>> -> memref<80xi32, #tpu.memory_space<vmem>>
        %dma_wait3A_1620 = arith.constant 0 : i32
        %dma_wait3A_1621 = tpu.memref_slice %arg3[%mul3A_0, %dma_wait3A_1620] : memref<4000x80xi32, #tpu.memory_space<hbm>> -> memref<1x80xi32, #tpu.memory_space<hbm>>
        %dma_wait3A_1622 = tpu.memref_squeeze %dma_wait3A_1621 : memref<1x80xi32, #tpu.memory_space<hbm>> -> memref<80xi32, #tpu.memory_space<hbm>>
        %dma_wait3A_1623 = arith.constant 0 : i32
        %dma_wait3A_1624 = tpu.memref_slice %arg7[%dma_wait3A_1616, %dma_wait3A_1623] : memref<10x80xi32, #tpu.memory_space<vmem>> -> memref<1x80xi32, #tpu.memory_space<vmem>>
        %dma_wait3A_1625 = tpu.memref_squeeze %dma_wait3A_1624 : memref<1x80xi32, #tpu.memory_space<vmem>> -> memref<80xi32, #tpu.memory_space<vmem>>
        %dma_wait3A_1626 = arith.constant 0 : i32
        %dma_wait3A_1627 = tpu.memref_slice %arg3[%mul3A_0, %dma_wait3A_1626] : memref<4000x80xi32, #tpu.memory_space<hbm>> -> memref<1x80xi32, #tpu.memory_space<hbm>>
        %dma_wait3A_1628 = tpu.memref_squeeze %dma_wait3A_1627 : memref<1x80xi32, #tpu.memory_space<hbm>> -> memref<80xi32, #tpu.memory_space<hbm>>
        tpu.wait_dma2 semaphore(%arg36 : memref<!tpu.dma_semaphore, #tpu.memory_space<semaphore_mem>>) src(%dma_wait3A_1628 : memref<80xi32, #tpu.memory_space<hbm>>) dst(%dma_wait3A_1625 : memref<80xi32, #tpu.memory_space<vmem>>)
        %dma_wait3A_1629 = arith.constant 2 : i32
        %dma_wait3A_1630 = arith.constant 0 : i32
        %dma_wait3A_1631 = tpu.memref_slice %arg8[%dma_wait3A_1629, %dma_wait3A_1630] : memref<10x80xi32, #tpu.memory_space<vmem>> -> memref<1x80xi32, #tpu.memory_space<vmem>>
        %dma_wait3A_1632 = tpu.memref_squeeze %dma_wait3A_1631 : memref<1x80xi32, #tpu.memory_space<vmem>> -> memref<80xi32, #tpu.memory_space<vmem>>
        %dma_wait3A_1633 = arith.constant 0 : i32
        %dma_wait3A_1634 = tpu.memref_slice %arg4[%mul3A_2, %dma_wait3A_1633] : memref<4000x80xi32, #tpu.memory_space<hbm>> -> memref<1x80xi32, #tpu.memory_space<hbm>>
        %dma_wait3A_1635 = tpu.memref_squeeze %dma_wait3A_1634 : memref<1x80xi32, #tpu.memory_space<hbm>> -> memref<80xi32, #tpu.memory_space<hbm>>
        %dma_wait3A_1636 = arith.constant 0 : i32
        %dma_wait3A_1637 = tpu.memref_slice %arg8[%dma_wait3A_1629, %dma_wait3A_1636] : memref<10x80xi32, #tpu.memory_space<vmem>> -> memref<1x80xi32, #tpu.memory_space<vmem>>
        %dma_wait3A_1638 = tpu.memref_squeeze %dma_wait3A_1637 : memref<1x80xi32, #tpu.memory_space<vmem>> -> memref<80xi32, #tpu.memory_space<vmem>>
        %dma_wait3A_1639 = arith.constant 0 : i32
        %dma_wait3A_1640 = tpu.memref_slice %arg4[%mul3A_2, %dma_wait3A_1639] : memref<4000x80xi32, #tpu.memory_space<hbm>> -> memref<1x80xi32, #tpu.memory_space<hbm>>
        %dma_wait3A_1641 = tpu.memref_squeeze %dma_wait3A_1640 : memref<1x80xi32, #tpu.memory_space<hbm>> -> memref<80xi32, #tpu.memory_space<hbm>>
        tpu.wait_dma2 semaphore(%arg36 : memref<!tpu.dma_semaphore, #tpu.memory_space<semaphore_mem>>) src(%dma_wait3A_1641 : memref<80xi32, #tpu.memory_space<hbm>>) dst(%dma_wait3A_1638 : memref<80xi32, #tpu.memory_space<vmem>>)
        %get3A_1642 = arith.constant 2 : i32
        %get3A_1643 = arith.index_cast %get3A_1642 : i32 to index
        %get3A_1644 = arith.constant 0 : index
        %get3A_1645 = tpu.vector_load %arg7[%get3A_1643, %get3A_1644] {strides = array<i32>} : memref<10x80xi32, #tpu.memory_space<vmem>>, vector<1x16xi32>,
        %get3A_1646 = vector.shape_cast %get3A_1645 : vector<1x16xi32> to vector<16xi32>
        %add3A_1647 = arith.addi %get3A_1646, %get3A_1646 : vector<16xi32>
        %add3A_1648 = vector.broadcast %arg0 : i32 to vector<16xi32>
        %add3A_1649 = arith.addi %add3A_1647, %add3A_1648 : vector<16xi32>
        %swap3A_1650 = arith.constant 2 : i32
        %swap3A_1651 = arith.index_cast %swap3A_1650 : i32 to index
        %swap3A_1652 = arith.constant 0 : index
        %swap3A_1653 = tpu.vector_load %arg7[%swap3A_1651, %swap3A_1652] {strides = array<i32>} : memref<10x80xi32, #tpu.memory_space<vmem>>, vector<1x16xi32>,
        %swap3A_1654 = vector.shape_cast %swap3A_1653 : vector<1x16xi32> to vector<16xi32>
        %swap3A_1655 = vector.shape_cast %add3A_1649 : vector<16xi32> to vector<1x16xi32>
        tpu.vector_store %arg7[%swap3A_1651, %swap3A_1652], %swap3A_1655 {strides = array<i32>} : memref<10x80xi32, #tpu.memory_space<vmem>>, vector<1x16xi32>,
        %get3A_1656 = arith.constant 2 : i32
        %get3A_1657 = arith.index_cast %get3A_1656 : i32 to index
        %get3A_1658 = arith.constant 16 : index
        %get3A_1659 = tpu.vector_load %arg7[%get3A_1657, %get3A_1658] {strides = array<i32>} : memref<10x80xi32, #tpu.memory_space<vmem>>, vector<1x16xi32>,
        %get3A_1660 = vector.shape_cast %get3A_1659 : vector<1x16xi32> to vector<16xi32>
        %add3A_1661 = arith.addi %get3A_1660, %get3A_1660 : vector<16xi32>
        %add3A_1662 = vector.broadcast %arg0 : i32 to vector<16xi32>
        %add3A_1663 = arith.addi %add3A_1661, %add3A_1662 : vector<16xi32>
        %swap3A_1664 = arith.constant 2 : i32
        %swap3A_1665 = arith.index_cast %swap3A_1664 : i32 to index
        %swap3A_1666 = arith.constant 16 : index
        %swap3A_1667 = tpu.vector_load %arg7[%swap3A_1665, %swap3A_1666] {strides = array<i32>} : memref<10x80xi32, #tpu.memory_space<vmem>>, vector<1x16xi32>,
        %swap3A_1668 = vector.shape_cast %swap3A_1667 : vector<1x16xi32> to vector<16xi32>
        %swap3A_1669 = vector.shape_cast %add3A_1663 : vector<16xi32> to vector<1x16xi32>
        tpu.vector_store %arg7[%swap3A_1665, %swap3A_1666], %swap3A_1669 {strides = array<i32>} : memref<10x80xi32, #tpu.memory_space<vmem>>, vector<1x16xi32>,
        %get3A_1670 = arith.constant 2 : i32
        %get3A_1671 = arith.index_cast %get3A_1670 : i32 to index
        %get3A_1672 = arith.constant 32 : index
        %get3A_1673 = tpu.vector_load %arg7[%get3A_1671, %get3A_1672] {strides = array<i32>} : memref<10x80xi32, #tpu.memory_space<vmem>>, vector<1x16xi32>,
        %get3A_1674 = vector.shape_cast %get3A_1673 : vector<1x16xi32> to vector<16xi32>
        %add3A_1675 = arith.addi %get3A_1674, %get3A_1674 : vector<16xi32>
        %add3A_1676 = vector.broadcast %arg0 : i32 to vector<16xi32>
        %add3A_1677 = arith.addi %add3A_1675, %add3A_1676 : vector<16xi32>
        %swap3A_1678 = arith.constant 2 : i32
        %swap3A_1679 = arith.index_cast %swap3A_1678 : i32 to index
        %swap3A_1680 = arith.constant 32 : index
        %swap3A_1681 = tpu.vector_load %arg7[%swap3A_1679, %swap3A_1680] {strides = array<i32>} : memref<10x80xi32, #tpu.memory_space<vmem>>, vector<1x16xi32>,
        %swap3A_1682 = vector.shape_cast %swap3A_1681 : vector<1x16xi32> to vector<16xi32>
        %swap3A_1683 = vector.shape_cast %add3A_1677 : vector<16xi32> to vector<1x16xi32>
        tpu.vector_store %arg7[%swap3A_1679, %swap3A_1680], %swap3A_1683 {strides = array<i32>} : memref<10x80xi32, #tpu.memory_space<vmem>>, vector<1x16xi32>,
        %get3A_1684 = arith.constant 2 : i32
        %get3A_1685 = arith.index_cast %get3A_1684 : i32 to index
        %get3A_1686 = arith.constant 48 : index
        %get3A_1687 = tpu.vector_load %arg7[%get3A_1685, %get3A_1686] {strides = array<i32>} : memref<10x80xi32, #tpu.memory_space<vmem>>, vector<1x16xi32>,
        %get3A_1688 = vector.shape_cast %get3A_1687 : vector<1x16xi32> to vector<16xi32>
        %add3A_1689 = arith.addi %get3A_1688, %get3A_1688 : vector<16xi32>
        %add3A_1690 = vector.broadcast %arg0 : i32 to vector<16xi32>
        %add3A_1691 = arith.addi %add3A_1689, %add3A_1690 : vector<16xi32>
        %swap3A_1692 = arith.constant 2 : i32
        %swap3A_1693 = arith.index_cast %swap3A_1692 : i32 to index
        %swap3A_1694 = arith.constant 48 : index
        %swap3A_1695 = tpu.vector_load %arg7[%swap3A_1693, %swap3A_1694] {strides = array<i32>} : memref<10x80xi32, #tpu.memory_space<vmem>>, vector<1x16xi32>,
        %swap3A_1696 = vector.shape_cast %swap3A_1695 : vector<1x16xi32> to vector<16xi32>
        %swap3A_1697 = vector.shape_cast %add3A_1691 : vector<16xi32> to vector<1x16xi32>
        tpu.vector_store %arg7[%swap3A_1693, %swap3A_1694], %swap3A_1697 {strides = array<i32>} : memref<10x80xi32, #tpu.memory_space<vmem>>, vector<1x16xi32>,
        %get3A_1698 = arith.constant 2 : i32
        %get3A_1699 = arith.index_cast %get3A_1698 : i32 to index
        %get3A_1700 = arith.constant 64 : index
        %get3A_1701 = tpu.vector_load %arg7[%get3A_1699, %get3A_1700] {strides = array<i32>} : memref<10x80xi32, #tpu.memory_space<vmem>>, vector<1x16xi32>,
        %get3A_1702 = vector.shape_cast %get3A_1701 : vector<1x16xi32> to vector<16xi32>
        %add3A_1703 = arith.addi %get3A_1702, %get3A_1702 : vector<16xi32>
        %add3A_1704 = vector.broadcast %arg0 : i32 to vector<16xi32>
        %add3A_1705 = arith.addi %add3A_1703, %add3A_1704 : vector<16xi32>
        %swap3A_1706 = arith.constant 2 : i32
        %swap3A_1707 = arith.index_cast %swap3A_1706 : i32 to index
        %swap3A_1708 = arith.constant 64 : index
        %swap3A_1709 = tpu.vector_load %arg7[%swap3A_1707, %swap3A_1708] {strides = array<i32>} : memref<10x80xi32, #tpu.memory_space<vmem>>, vector<1x16xi32>,
        %swap3A_1710 = vector.shape_cast %swap3A_1709 : vector<1x16xi32> to vector<16xi32>
        %swap3A_1711 = vector.shape_cast %add3A_1705 : vector<16xi32> to vector<1x16xi32>
        tpu.vector_store %arg7[%swap3A_1707, %swap3A_1708], %swap3A_1711 {strides = array<i32>} : memref<10x80xi32, #tpu.memory_space<vmem>>, vector<1x16xi32>,
        %dma_start3A_1712 = arith.constant 2 : i32
        %dma_start3A_1713 = arith.constant 0 : i32
        %dma_start3A_1714 = tpu.memref_slice %arg7[%dma_start3A_1712, %dma_start3A_1713] : memref<10x80xi32, #tpu.memory_space<vmem>> -> memref<1x80xi32, #tpu.memory_space<vmem>>
        %dma_start3A_1715 = tpu.memref_squeeze %dma_start3A_1714 : memref<1x80xi32, #tpu.memory_space<vmem>> -> memref<80xi32, #tpu.memory_space<vmem>>
        %dma_start3A_1716 = arith.constant 0 : i32
        %dma_start3A_1717 = arith.constant 0 : i32
        %dma_start3A_1718 = tpu.memref_slice %arg2[%dma_start3A_1716, %dma_start3A_1717] : memref<20000x64xf32, #tpu.memory_space<hbm>> -> memref<20000x64xf32, #tpu.memory_space<hbm>>
        tpu.enqueue_indirect_dma source(%dma_start3A_1718 : memref<20000x64xf32, #tpu.memory_space<hbm>>) target(%arg11 : memref<80x64xf32, #tpu.memory_space<vmem>>) offsets(%dma_start3A_1715 : memref<80xi32, #tpu.memory_space<vmem>>) semaphore(%arg21 : memref<!tpu.dma_semaphore, #tpu.memory_space<semaphore_mem>>)
      } else {
      }
      %mul3A_1529 = arith.constant 10 : i32
      %mul3A_1530 = arith.muli %scan3A_761, %mul3A_1529 : i32
      %add3A_1531 = arith.constant 9 : i32
      %add3A_1532 = arith.addi %mul3A_1530, %add3A_1531 : i32
      %dma_wait3A_1533 = arith.constant 9 : i32
      %dma_wait3A_1534 = arith.constant 0 : i32
      %dma_wait3A_1535 = tpu.memref_slice %arg7[%dma_wait3A_1533, %dma_wait3A_1534] : memref<10x80xi32, #tpu.memory_space<vmem>> -> memref<1x80xi32, #tpu.memory_space<vmem>>
      %dma_wait3A_1536 = tpu.memref_squeeze %dma_wait3A_1535 : memref<1x80xi32, #tpu.memory_space<vmem>> -> memref<80xi32, #tpu.memory_space<vmem>>
      %dma_wait3A_1537 = arith.constant 0 : i32
      %dma_wait3A_1538 = arith.constant 0 : i32
      %dma_wait3A_1539 = tpu.memref_slice %arg2[%dma_wait3A_1537, %dma_wait3A_1538] : memref<20000x64xf32, #tpu.memory_space<hbm>> -> memref<20000x64xf32, #tpu.memory_space<hbm>>
      tpu.wait_indirect_dma semaphore(%arg23 : memref<!tpu.dma_semaphore, #tpu.memory_space<semaphore_mem>>) src(%dma_wait3A_1539 : memref<20000x64xf32, #tpu.memory_space<hbm>>) dst(%arg13 : memref<80x64xf32, #tpu.memory_space<vmem>>)
      %dma_start3A_1540 = arith.constant 9 : i32
      %dma_start3A_1541 = arith.constant 0 : i32
      %dma_start3A_1542 = tpu.memref_slice %arg8[%dma_start3A_1540, %dma_start3A_1541] : memref<10x80xi32, #tpu.memory_space<vmem>> -> memref<1x80xi32, #tpu.memory_space<vmem>>
      %dma_start3A_1543 = tpu.memref_squeeze %dma_start3A_1542 : memref<1x80xi32, #tpu.memory_space<vmem>> -> memref<80xi32, #tpu.memory_space<vmem>>
      %dma_start3A_1544 = arith.constant 0 : i32
      %dma_start3A_1545 = arith.constant 0 : i32
      %dma_start3A_1546 = tpu.memref_slice %arg17[%dma_start3A_1544, %dma_start3A_1545] : memref<20000x64xf32, #tpu.memory_space<vmem_shared>> -> memref<20000x64xf32, #tpu.memory_space<vmem_shared>>
      tpu.enqueue_indirect_dma source(%arg13 : memref<80x64xf32, #tpu.memory_space<vmem>>) target(%dma_start3A_1546 : memref<20000x64xf32, #tpu.memory_space<vmem_shared>>) offsets(%dma_start3A_1543 : memref<80xi32, #tpu.memory_space<vmem>>) semaphore(%arg28 : memref<!tpu.dma_semaphore, #tpu.memory_space<semaphore_mem>>) {add = true}
      %jit3A_1547 = arith.constant 2 : i32
      %eq3A_1548 = arith.constant 0 : i32
      %eq3A_1549 = arith.cmpi eq, %jit3A_1547, %eq3A_1548 : i32
      %jit3A_1550 = arith.constant 1 : i32
      %select_n3A_1551 = arith.select %eq3A_1549, %jit3A_1550, %jit3A_1547 : i32
      %rem3A_1552 = arith.remsi %add3A_1532, %select_n3A_1551 : i32
      %ne3A_1553 = arith.constant 0 : i32
      %ne3A_1554 = arith.cmpi ne, %rem3A_1552, %ne3A_1553 : i32
      %lt3A_1555 = arith.constant 0 : i32
      %lt3A_1556 = arith.cmpi slt, %rem3A_1552, %lt3A_1555 : i32
      %lt3A_1557 = arith.constant 0 : i32
      %lt3A_1558 = arith.cmpi slt, %select_n3A_1551, %lt3A_1557 : i32
      %ne3A_1559 = arith.xori %lt3A_1556, %lt3A_1558 : i1
      %and3A_1560 = arith.andi %ne3A_1559, %ne3A_1554 : i1
      %add3A_1561 = arith.addi %rem3A_1552, %select_n3A_1551 : i32
      %select_n3A_1562 = arith.select %and3A_1560, %add3A_1561, %rem3A_1552 : i32
      %eq3A_1563 = arith.cmpi eq, %select_n3A_1562, %arg0 : i32
      %convert_element_type3A_1564 = arith.extui %eq3A_1563 : i1 to i32
      %cond3A_1565 = arith.constant 0 : i32
      %cond3A_1566 = arith.cmpi ne, %convert_element_type3A_1564, %cond3A_1565 : i32
      scf.if %cond3A_1566 {
        %dma_start3A_1616 = arith.constant 9 : i32
        %dma_start3A_1617 = arith.constant 0 : i32
        %dma_start3A_1618 = tpu.memref_slice %arg8[%dma_start3A_1616, %dma_start3A_1617] : memref<10x80xi32, #tpu.memory_space<vmem>> -> memref<1x80xi32, #tpu.memory_space<vmem>>
        %dma_start3A_1619 = tpu.memref_squeeze %dma_start3A_1618 : memref<1x80xi32, #tpu.memory_space<vmem>> -> memref<80xi32, #tpu.memory_space<vmem>>
        %dma_start3A_1620 = arith.constant 0 : i32
        %dma_start3A_1621 = arith.constant 0 : i32
        %dma_start3A_1622 = tpu.memref_slice %arg18[%dma_start3A_1620, %dma_start3A_1621] : memref<20000x16xf32, #tpu.memory_space<vmem_shared>> -> memref<20000x16xf32, #tpu.memory_space<vmem_shared>>
        tpu.enqueue_indirect_dma source(%arg14 : memref<80x16xf32, #tpu.memory_space<vmem>>) target(%dma_start3A_1622 : memref<20000x16xf32, #tpu.memory_space<vmem_shared>>) offsets(%dma_start3A_1619 : memref<80xi32, #tpu.memory_space<vmem>>) semaphore(%arg33 : memref<!tpu.dma_semaphore, #tpu.memory_space<semaphore_mem>>) {add = true}
      } else {
      }
      %gt3A_1567 = arith.constant 0 : i32
      %gt3A_1568 = arith.cmpi sgt, %add3A_1532, %gt3A_1567 : i32
      %convert_element_type3A_1569 = arith.extui %gt3A_1568 : i1 to i32
      %cond3A_1570 = arith.constant 0 : i32
      %cond3A_1571 = arith.cmpi ne, %convert_element_type3A_1569, %cond3A_1570 : i32
      scf.if %cond3A_1571 {
        %dma_wait3A_1616 = arith.constant 9 : i32
        %dma_wait3A_1617 = arith.constant 0 : i32
        %dma_wait3A_1618 = tpu.memref_slice %arg8[%dma_wait3A_1616, %dma_wait3A_1617] : memref<10x80xi32, #tpu.memory_space<vmem>> -> memref<1x80xi32, #tpu.memory_space<vmem>>
        %dma_wait3A_1619 = tpu.memref_squeeze %dma_wait3A_1618 : memref<1x80xi32, #tpu.memory_space<vmem>> -> memref<80xi32, #tpu.memory_space<vmem>>
        %dma_wait3A_1620 = arith.constant 0 : i32
        %dma_wait3A_1621 = arith.constant 0 : i32
        %dma_wait3A_1622 = tpu.memref_slice %arg17[%dma_wait3A_1620, %dma_wait3A_1621] : memref<20000x64xf32, #tpu.memory_space<vmem_shared>> -> memref<20000x64xf32, #tpu.memory_space<vmem_shared>>
        tpu.wait_indirect_dma semaphore(%arg27 : memref<!tpu.dma_semaphore, #tpu.memory_space<semaphore_mem>>) src(%arg12 : memref<80x64xf32, #tpu.memory_space<vmem>>) dst(%dma_wait3A_1622 : memref<20000x64xf32, #tpu.memory_space<vmem_shared>>)
      } else {
      }
      %gt3A_1572 = arith.constant 0 : i32
      %gt3A_1573 = arith.cmpi sgt, %add3A_1532, %gt3A_1572 : i32
      %sub3A_1574 = arith.constant 1 : i32
      %sub3A_1575 = arith.subi %add3A_1532, %sub3A_1574 : i32
      %jit3A_1576 = arith.constant 2 : i32
      %eq3A_1577 = arith.constant 0 : i32
      %eq3A_1578 = arith.cmpi eq, %jit3A_1576, %eq3A_1577 : i32
      %jit3A_1579 = arith.constant 1 : i32
      %select_n3A_1580 = arith.select %eq3A_1578, %jit3A_1579, %jit3A_1576 : i32
      %rem3A_1581 = arith.remsi %sub3A_1575, %select_n3A_1580 : i32
      %ne3A_1582 = arith.constant 0 : i32
      %ne3A_1583 = arith.cmpi ne, %rem3A_1581, %ne3A_1582 : i32
      %lt3A_1584 = arith.constant 0 : i32
      %lt3A_1585 = arith.cmpi slt, %rem3A_1581, %lt3A_1584 : i32
      %lt3A_1586 = arith.constant 0 : i32
      %lt3A_1587 = arith.cmpi slt, %select_n3A_1580, %lt3A_1586 : i32
      %ne3A_1588 = arith.xori %lt3A_1585, %lt3A_1587 : i1
      %and3A_1589 = arith.andi %ne3A_1588, %ne3A_1583 : i1
      %add3A_1590 = arith.addi %rem3A_1581, %select_n3A_1580 : i32
      %select_n3A_1591 = arith.select %and3A_1589, %add3A_1590, %rem3A_1581 : i32
      %eq3A_1592 = arith.cmpi eq, %select_n3A_1591, %arg0 : i32
      %and3A_1593 = arith.andi %gt3A_1573, %eq3A_1592 : i1
      %convert_element_type3A_1594 = arith.extui %and3A_1593 : i1 to i32
      %cond3A_1595 = arith.constant 0 : i32
      %cond3A_1596 = arith.cmpi ne, %convert_element_type3A_1594, %cond3A_1595 : i32
      scf.if %cond3A_1596 {
        %dma_wait3A_1616 = arith.constant 9 : i32
        %dma_wait3A_1617 = arith.constant 0 : i32
        %dma_wait3A_1618 = tpu.memref_slice %arg8[%dma_wait3A_1616, %dma_wait3A_1617] : memref<10x80xi32, #tpu.memory_space<vmem>> -> memref<1x80xi32, #tpu.memory_space<vmem>>
        %dma_wait3A_1619 = tpu.memref_squeeze %dma_wait3A_1618 : memref<1x80xi32, #tpu.memory_space<vmem>> -> memref<80xi32, #tpu.memory_space<vmem>>
        %dma_wait3A_1620 = arith.constant 0 : i32
        %dma_wait3A_1621 = arith.constant 0 : i32
        %dma_wait3A_1622 = tpu.memref_slice %arg18[%dma_wait3A_1620, %dma_wait3A_1621] : memref<20000x16xf32, #tpu.memory_space<vmem_shared>> -> memref<20000x16xf32, #tpu.memory_space<vmem_shared>>
        tpu.wait_indirect_dma semaphore(%arg32 : memref<!tpu.dma_semaphore, #tpu.memory_space<semaphore_mem>>) src(%arg14 : memref<80x16xf32, #tpu.memory_space<vmem>>) dst(%dma_wait3A_1622 : memref<20000x16xf32, #tpu.memory_space<vmem_shared>>)
      } else {
      }
      %add3A_1597 = arith.constant 10 : i32
      %add3A_1598 = arith.addi %add3A_1532, %add3A_1597 : i32
      %sub3A_1599 = arith.constant 1 : i32
      %sub3A_1600 = arith.subi %add3A_1598, %sub3A_1599 : i32
      %lt3A_1601 = arith.constant 250 : i32
      %lt3A_1602 = arith.cmpi slt, %sub3A_1600, %lt3A_1601 : i32
      %convert_element_type3A_1603 = arith.extui %lt3A_1602 : i1 to i32
      %cond3A_1604 = arith.constant 0 : i32
      %cond3A_1605 = arith.cmpi ne, %convert_element_type3A_1603, %cond3A_1604 : i32
      scf.if %cond3A_1605 {
        %add3A_1616 = arith.addi %mul3A_0, %add3A_1532 : i32
        %add3A_1617 = arith.constant 10 : i32
        %add3A_1618 = arith.addi %add3A_1616, %add3A_1617 : i32
        %sub3A_1619 = arith.constant 1 : i32
        %sub3A_1620 = arith.subi %add3A_1618, %sub3A_1619 : i32
        %dma_start3A_1621 = arith.constant 8 : i32
        %dma_start3A_1622 = arith.constant 0 : i32
        %dma_start3A_1623 = tpu.memref_slice %arg7[%dma_start3A_1621, %dma_start3A_1622] : memref<10x80xi32, #tpu.memory_space<vmem>> -> memref<1x80xi32, #tpu.memory_space<vmem>>
        %dma_start3A_1624 = tpu.memref_squeeze %dma_start3A_1623 : memref<1x80xi32, #tpu.memory_space<vmem>> -> memref<80xi32, #tpu.memory_space<vmem>>
        %dma_start3A_1625 = arith.constant 0 : i32
        %dma_start3A_1626 = tpu.memref_slice %arg3[%sub3A_1620, %dma_start3A_1625] : memref<4000x80xi32, #tpu.memory_space<hbm>> -> memref<1x80xi32, #tpu.memory_space<hbm>>
        %dma_start3A_1627 = tpu.memref_squeeze %dma_start3A_1626 : memref<1x80xi32, #tpu.memory_space<hbm>> -> memref<80xi32, #tpu.memory_space<hbm>>
        %dma_start3A_1628 = arith.constant 0 : i32
        %dma_start3A_1629 = tpu.memref_slice %arg7[%dma_start3A_1621, %dma_start3A_1628] : memref<10x80xi32, #tpu.memory_space<vmem>> -> memref<1x80xi32, #tpu.memory_space<vmem>>
        %dma_start3A_1630 = tpu.memref_squeeze %dma_start3A_1629 : memref<1x80xi32, #tpu.memory_space<vmem>> -> memref<80xi32, #tpu.memory_space<vmem>>
        %dma_start3A_1631 = arith.constant 0 : i32
        %dma_start3A_1632 = tpu.memref_slice %arg3[%sub3A_1620, %dma_start3A_1631] : memref<4000x80xi32, #tpu.memory_space<hbm>> -> memref<1x80xi32, #tpu.memory_space<hbm>>
        %dma_start3A_1633 = tpu.memref_squeeze %dma_start3A_1632 : memref<1x80xi32, #tpu.memory_space<hbm>> -> memref<80xi32, #tpu.memory_space<hbm>>
        tpu.enqueue_dma source(%dma_start3A_1633 : memref<80xi32, #tpu.memory_space<hbm>>) target(%dma_start3A_1630 : memref<80xi32, #tpu.memory_space<vmem>>) target_semaphore(%arg42 : memref<!tpu.dma_semaphore, #tpu.memory_space<semaphore_mem>>)
        %add3A_1634 = arith.addi %mul3A_2, %add3A_1532 : i32
        %add3A_1635 = arith.constant 10 : i32
        %add3A_1636 = arith.addi %add3A_1634, %add3A_1635 : i32
        %sub3A_1637 = arith.constant 1 : i32
        %sub3A_1638 = arith.subi %add3A_1636, %sub3A_1637 : i32
        %dma_start3A_1639 = arith.constant 8 : i32
        %dma_start3A_1640 = arith.constant 0 : i32
        %dma_start3A_1641 = tpu.memref_slice %arg8[%dma_start3A_1639, %dma_start3A_1640] : memref<10x80xi32, #tpu.memory_space<vmem>> -> memref<1x80xi32, #tpu.memory_space<vmem>>
        %dma_start3A_1642 = tpu.memref_squeeze %dma_start3A_1641 : memref<1x80xi32, #tpu.memory_space<vmem>> -> memref<80xi32, #tpu.memory_space<vmem>>
        %dma_start3A_1643 = arith.constant 0 : i32
        %dma_start3A_1644 = tpu.memref_slice %arg4[%sub3A_1638, %dma_start3A_1643] : memref<4000x80xi32, #tpu.memory_space<hbm>> -> memref<1x80xi32, #tpu.memory_space<hbm>>
        %dma_start3A_1645 = tpu.memref_squeeze %dma_start3A_1644 : memref<1x80xi32, #tpu.memory_space<hbm>> -> memref<80xi32, #tpu.memory_space<hbm>>
        %dma_start3A_1646 = arith.constant 0 : i32
        %dma_start3A_1647 = tpu.memref_slice %arg8[%dma_start3A_1639, %dma_start3A_1646] : memref<10x80xi32, #tpu.memory_space<vmem>> -> memref<1x80xi32, #tpu.memory_space<vmem>>
        %dma_start3A_1648 = tpu.memref_squeeze %dma_start3A_1647 : memref<1x80xi32, #tpu.memory_space<vmem>> -> memref<80xi32, #tpu.memory_space<vmem>>
        %dma_start3A_1649 = arith.constant 0 : i32
        %dma_start3A_1650 = tpu.memref_slice %arg4[%sub3A_1638, %dma_start3A_1649] : memref<4000x80xi32, #tpu.memory_space<hbm>> -> memref<1x80xi32, #tpu.memory_space<hbm>>
        %dma_start3A_1651 = tpu.memref_squeeze %dma_start3A_1650 : memref<1x80xi32, #tpu.memory_space<hbm>> -> memref<80xi32, #tpu.memory_space<hbm>>
        tpu.enqueue_dma source(%dma_start3A_1651 : memref<80xi32, #tpu.memory_space<hbm>>) target(%dma_start3A_1648 : memref<80xi32, #tpu.memory_space<vmem>>) target_semaphore(%arg42 : memref<!tpu.dma_semaphore, #tpu.memory_space<semaphore_mem>>)
      } else {
      }
      %add3A_1606 = arith.constant 5 : i32
      %add3A_1607 = arith.addi %add3A_1532, %add3A_1606 : i32
      %sub3A_1608 = arith.constant 1 : i32
      %sub3A_1609 = arith.subi %add3A_1607, %sub3A_1608 : i32
      %lt3A_1610 = arith.constant 250 : i32
      %lt3A_1611 = arith.cmpi slt, %sub3A_1609, %lt3A_1610 : i32
      %convert_element_type3A_1612 = arith.extui %lt3A_1611 : i1 to i32
      %cond3A_1613 = arith.constant 0 : i32
      %cond3A_1614 = arith.cmpi ne, %convert_element_type3A_1612, %cond3A_1613 : i32
      scf.if %cond3A_1614 {
        %dma_wait3A_1616 = arith.constant 3 : i32
        %dma_wait3A_1617 = arith.constant 0 : i32
        %dma_wait3A_1618 = tpu.memref_slice %arg7[%dma_wait3A_1616, %dma_wait3A_1617] : memref<10x80xi32, #tpu.memory_space<vmem>> -> memref<1x80xi32, #tpu.memory_space<vmem>>
        %dma_wait3A_1619 = tpu.memref_squeeze %dma_wait3A_1618 : memref<1x80xi32, #tpu.memory_space<vmem>> -> memref<80xi32, #tpu.memory_space<vmem>>
        %dma_wait3A_1620 = arith.constant 0 : i32
        %dma_wait3A_1621 = tpu.memref_slice %arg3[%mul3A_0, %dma_wait3A_1620] : memref<4000x80xi32, #tpu.memory_space<hbm>> -> memref<1x80xi32, #tpu.memory_space<hbm>>
        %dma_wait3A_1622 = tpu.memref_squeeze %dma_wait3A_1621 : memref<1x80xi32, #tpu.memory_space<hbm>> -> memref<80xi32, #tpu.memory_space<hbm>>
        %dma_wait3A_1623 = arith.constant 0 : i32
        %dma_wait3A_1624 = tpu.memref_slice %arg7[%dma_wait3A_1616, %dma_wait3A_1623] : memref<10x80xi32, #tpu.memory_space<vmem>> -> memref<1x80xi32, #tpu.memory_space<vmem>>
        %dma_wait3A_1625 = tpu.memref_squeeze %dma_wait3A_1624 : memref<1x80xi32, #tpu.memory_space<vmem>> -> memref<80xi32, #tpu.memory_space<vmem>>
        %dma_wait3A_1626 = arith.constant 0 : i32
        %dma_wait3A_1627 = tpu.memref_slice %arg3[%mul3A_0, %dma_wait3A_1626] : memref<4000x80xi32, #tpu.memory_space<hbm>> -> memref<1x80xi32, #tpu.memory_space<hbm>>
        %dma_wait3A_1628 = tpu.memref_squeeze %dma_wait3A_1627 : memref<1x80xi32, #tpu.memory_space<hbm>> -> memref<80xi32, #tpu.memory_space<hbm>>
        tpu.wait_dma2 semaphore(%arg37 : memref<!tpu.dma_semaphore, #tpu.memory_space<semaphore_mem>>) src(%dma_wait3A_1628 : memref<80xi32, #tpu.memory_space<hbm>>) dst(%dma_wait3A_1625 : memref<80xi32, #tpu.memory_space<vmem>>)
        %dma_wait3A_1629 = arith.constant 3 : i32
        %dma_wait3A_1630 = arith.constant 0 : i32
        %dma_wait3A_1631 = tpu.memref_slice %arg8[%dma_wait3A_1629, %dma_wait3A_1630] : memref<10x80xi32, #tpu.memory_space<vmem>> -> memref<1x80xi32, #tpu.memory_space<vmem>>
        %dma_wait3A_1632 = tpu.memref_squeeze %dma_wait3A_1631 : memref<1x80xi32, #tpu.memory_space<vmem>> -> memref<80xi32, #tpu.memory_space<vmem>>
        %dma_wait3A_1633 = arith.constant 0 : i32
        %dma_wait3A_1634 = tpu.memref_slice %arg4[%mul3A_2, %dma_wait3A_1633] : memref<4000x80xi32, #tpu.memory_space<hbm>> -> memref<1x80xi32, #tpu.memory_space<hbm>>
        %dma_wait3A_1635 = tpu.memref_squeeze %dma_wait3A_1634 : memref<1x80xi32, #tpu.memory_space<hbm>> -> memref<80xi32, #tpu.memory_space<hbm>>
        %dma_wait3A_1636 = arith.constant 0 : i32
        %dma_wait3A_1637 = tpu.memref_slice %arg8[%dma_wait3A_1629, %dma_wait3A_1636] : memref<10x80xi32, #tpu.memory_space<vmem>> -> memref<1x80xi32, #tpu.memory_space<vmem>>
        %dma_wait3A_1638 = tpu.memref_squeeze %dma_wait3A_1637 : memref<1x80xi32, #tpu.memory_space<vmem>> -> memref<80xi32, #tpu.memory_space<vmem>>
        %dma_wait3A_1639 = arith.constant 0 : i32
        %dma_wait3A_1640 = tpu.memref_slice %arg4[%mul3A_2, %dma_wait3A_1639] : memref<4000x80xi32, #tpu.memory_space<hbm>> -> memref<1x80xi32, #tpu.memory_space<hbm>>
        %dma_wait3A_1641 = tpu.memref_squeeze %dma_wait3A_1640 : memref<1x80xi32, #tpu.memory_space<hbm>> -> memref<80xi32, #tpu.memory_space<hbm>>
        tpu.wait_dma2 semaphore(%arg37 : memref<!tpu.dma_semaphore, #tpu.memory_space<semaphore_mem>>) src(%dma_wait3A_1641 : memref<80xi32, #tpu.memory_space<hbm>>) dst(%dma_wait3A_1638 : memref<80xi32, #tpu.memory_space<vmem>>)
        %get3A_1642 = arith.constant 3 : i32
        %get3A_1643 = arith.index_cast %get3A_1642 : i32 to index
        %get3A_1644 = arith.constant 0 : index
        %get3A_1645 = tpu.vector_load %arg7[%get3A_1643, %get3A_1644] {strides = array<i32>} : memref<10x80xi32, #tpu.memory_space<vmem>>, vector<1x16xi32>,
        %get3A_1646 = vector.shape_cast %get3A_1645 : vector<1x16xi32> to vector<16xi32>
        %add3A_1647 = arith.addi %get3A_1646, %get3A_1646 : vector<16xi32>
        %add3A_1648 = vector.broadcast %arg0 : i32 to vector<16xi32>
        %add3A_1649 = arith.addi %add3A_1647, %add3A_1648 : vector<16xi32>
        %swap3A_1650 = arith.constant 3 : i32
        %swap3A_1651 = arith.index_cast %swap3A_1650 : i32 to index
        %swap3A_1652 = arith.constant 0 : index
        %swap3A_1653 = tpu.vector_load %arg7[%swap3A_1651, %swap3A_1652] {strides = array<i32>} : memref<10x80xi32, #tpu.memory_space<vmem>>, vector<1x16xi32>,
        %swap3A_1654 = vector.shape_cast %swap3A_1653 : vector<1x16xi32> to vector<16xi32>
        %swap3A_1655 = vector.shape_cast %add3A_1649 : vector<16xi32> to vector<1x16xi32>
        tpu.vector_store %arg7[%swap3A_1651, %swap3A_1652], %swap3A_1655 {strides = array<i32>} : memref<10x80xi32, #tpu.memory_space<vmem>>, vector<1x16xi32>,
        %get3A_1656 = arith.constant 3 : i32
        %get3A_1657 = arith.index_cast %get3A_1656 : i32 to index
        %get3A_1658 = arith.constant 16 : index
        %get3A_1659 = tpu.vector_load %arg7[%get3A_1657, %get3A_1658] {strides = array<i32>} : memref<10x80xi32, #tpu.memory_space<vmem>>, vector<1x16xi32>,
        %get3A_1660 = vector.shape_cast %get3A_1659 : vector<1x16xi32> to vector<16xi32>
        %add3A_1661 = arith.addi %get3A_1660, %get3A_1660 : vector<16xi32>
        %add3A_1662 = vector.broadcast %arg0 : i32 to vector<16xi32>
        %add3A_1663 = arith.addi %add3A_1661, %add3A_1662 : vector<16xi32>
        %swap3A_1664 = arith.constant 3 : i32
        %swap3A_1665 = arith.index_cast %swap3A_1664 : i32 to index
        %swap3A_1666 = arith.constant 16 : index
        %swap3A_1667 = tpu.vector_load %arg7[%swap3A_1665, %swap3A_1666] {strides = array<i32>} : memref<10x80xi32, #tpu.memory_space<vmem>>, vector<1x16xi32>,
        %swap3A_1668 = vector.shape_cast %swap3A_1667 : vector<1x16xi32> to vector<16xi32>
        %swap3A_1669 = vector.shape_cast %add3A_1663 : vector<16xi32> to vector<1x16xi32>
        tpu.vector_store %arg7[%swap3A_1665, %swap3A_1666], %swap3A_1669 {strides = array<i32>} : memref<10x80xi32, #tpu.memory_space<vmem>>, vector<1x16xi32>,
        %get3A_1670 = arith.constant 3 : i32
        %get3A_1671 = arith.index_cast %get3A_1670 : i32 to index
        %get3A_1672 = arith.constant 32 : index
        %get3A_1673 = tpu.vector_load %arg7[%get3A_1671, %get3A_1672] {strides = array<i32>} : memref<10x80xi32, #tpu.memory_space<vmem>>, vector<1x16xi32>,
        %get3A_1674 = vector.shape_cast %get3A_1673 : vector<1x16xi32> to vector<16xi32>
        %add3A_1675 = arith.addi %get3A_1674, %get3A_1674 : vector<16xi32>
        %add3A_1676 = vector.broadcast %arg0 : i32 to vector<16xi32>
        %add3A_1677 = arith.addi %add3A_1675, %add3A_1676 : vector<16xi32>
        %swap3A_1678 = arith.constant 3 : i32
        %swap3A_1679 = arith.index_cast %swap3A_1678 : i32 to index
        %swap3A_1680 = arith.constant 32 : index
        %swap3A_1681 = tpu.vector_load %arg7[%swap3A_1679, %swap3A_1680] {strides = array<i32>} : memref<10x80xi32, #tpu.memory_space<vmem>>, vector<1x16xi32>,
        %swap3A_1682 = vector.shape_cast %swap3A_1681 : vector<1x16xi32> to vector<16xi32>
        %swap3A_1683 = vector.shape_cast %add3A_1677 : vector<16xi32> to vector<1x16xi32>
        tpu.vector_store %arg7[%swap3A_1679, %swap3A_1680], %swap3A_1683 {strides = array<i32>} : memref<10x80xi32, #tpu.memory_space<vmem>>, vector<1x16xi32>,
        %get3A_1684 = arith.constant 3 : i32
        %get3A_1685 = arith.index_cast %get3A_1684 : i32 to index
        %get3A_1686 = arith.constant 48 : index
        %get3A_1687 = tpu.vector_load %arg7[%get3A_1685, %get3A_1686] {strides = array<i32>} : memref<10x80xi32, #tpu.memory_space<vmem>>, vector<1x16xi32>,
        %get3A_1688 = vector.shape_cast %get3A_1687 : vector<1x16xi32> to vector<16xi32>
        %add3A_1689 = arith.addi %get3A_1688, %get3A_1688 : vector<16xi32>
        %add3A_1690 = vector.broadcast %arg0 : i32 to vector<16xi32>
        %add3A_1691 = arith.addi %add3A_1689, %add3A_1690 : vector<16xi32>
        %swap3A_1692 = arith.constant 3 : i32
        %swap3A_1693 = arith.index_cast %swap3A_1692 : i32 to index
        %swap3A_1694 = arith.constant 48 : index
        %swap3A_1695 = tpu.vector_load %arg7[%swap3A_1693, %swap3A_1694] {strides = array<i32>} : memref<10x80xi32, #tpu.memory_space<vmem>>, vector<1x16xi32>,
        %swap3A_1696 = vector.shape_cast %swap3A_1695 : vector<1x16xi32> to vector<16xi32>
        %swap3A_1697 = vector.shape_cast %add3A_1691 : vector<16xi32> to vector<1x16xi32>
        tpu.vector_store %arg7[%swap3A_1693, %swap3A_1694], %swap3A_1697 {strides = array<i32>} : memref<10x80xi32, #tpu.memory_space<vmem>>, vector<1x16xi32>,
        %get3A_1698 = arith.constant 3 : i32
        %get3A_1699 = arith.index_cast %get3A_1698 : i32 to index
        %get3A_1700 = arith.constant 64 : index
        %get3A_1701 = tpu.vector_load %arg7[%get3A_1699, %get3A_1700] {strides = array<i32>} : memref<10x80xi32, #tpu.memory_space<vmem>>, vector<1x16xi32>,
        %get3A_1702 = vector.shape_cast %get3A_1701 : vector<1x16xi32> to vector<16xi32>
        %add3A_1703 = arith.addi %get3A_1702, %get3A_1702 : vector<16xi32>
        %add3A_1704 = vector.broadcast %arg0 : i32 to vector<16xi32>
        %add3A_1705 = arith.addi %add3A_1703, %add3A_1704 : vector<16xi32>
        %swap3A_1706 = arith.constant 3 : i32
        %swap3A_1707 = arith.index_cast %swap3A_1706 : i32 to index
        %swap3A_1708 = arith.constant 64 : index
        %swap3A_1709 = tpu.vector_load %arg7[%swap3A_1707, %swap3A_1708] {strides = array<i32>} : memref<10x80xi32, #tpu.memory_space<vmem>>, vector<1x16xi32>,
        %swap3A_1710 = vector.shape_cast %swap3A_1709 : vector<1x16xi32> to vector<16xi32>
        %swap3A_1711 = vector.shape_cast %add3A_1705 : vector<16xi32> to vector<1x16xi32>
        tpu.vector_store %arg7[%swap3A_1707, %swap3A_1708], %swap3A_1711 {strides = array<i32>} : memref<10x80xi32, #tpu.memory_space<vmem>>, vector<1x16xi32>,
        %dma_start3A_1712 = arith.constant 3 : i32
        %dma_start3A_1713 = arith.constant 0 : i32
        %dma_start3A_1714 = tpu.memref_slice %arg7[%dma_start3A_1712, %dma_start3A_1713] : memref<10x80xi32, #tpu.memory_space<vmem>> -> memref<1x80xi32, #tpu.memory_space<vmem>>
        %dma_start3A_1715 = tpu.memref_squeeze %dma_start3A_1714 : memref<1x80xi32, #tpu.memory_space<vmem>> -> memref<80xi32, #tpu.memory_space<vmem>>
        %dma_start3A_1716 = arith.constant 0 : i32
        %dma_start3A_1717 = arith.constant 0 : i32
        %dma_start3A_1718 = tpu.memref_slice %arg2[%dma_start3A_1716, %dma_start3A_1717] : memref<20000x64xf32, #tpu.memory_space<hbm>> -> memref<20000x64xf32, #tpu.memory_space<hbm>>
        tpu.enqueue_indirect_dma source(%dma_start3A_1718 : memref<20000x64xf32, #tpu.memory_space<hbm>>) target(%arg12 : memref<80x64xf32, #tpu.memory_space<vmem>>) offsets(%dma_start3A_1715 : memref<80xi32, #tpu.memory_space<vmem>>) semaphore(%arg22 : memref<!tpu.dma_semaphore, #tpu.memory_space<semaphore_mem>>)
      } else {
      }
      %scan3A_1615 = arith.constant 0 : i32
      scf.yield %scan3A_1615 : i32
    }
    %scan3A_715 = arith.constant 25 : i32
    %dma_wait3A_716 = arith.constant 0 : i32
    %dma_wait3A_717 = arith.constant 0 : i32
    %dma_wait3A_718 = tpu.memref_slice %arg8[%dma_wait3A_716, %dma_wait3A_717] : memref<10x80xi32, #tpu.memory_space<vmem>> -> memref<1x80xi32, #tpu.memory_space<vmem>>
    %dma_wait3A_719 = tpu.memref_squeeze %dma_wait3A_718 : memref<1x80xi32, #tpu.memory_space<vmem>> -> memref<80xi32, #tpu.memory_space<vmem>>
    %dma_wait3A_720 = arith.constant 0 : i32
    %dma_wait3A_721 = arith.constant 0 : i32
    %dma_wait3A_722 = tpu.memref_slice %arg17[%dma_wait3A_720, %dma_wait3A_721] : memref<20000x64xf32, #tpu.memory_space<vmem_shared>> -> memref<20000x64xf32, #tpu.memory_space<vmem_shared>>
    tpu.wait_indirect_dma semaphore(%arg28 : memref<!tpu.dma_semaphore, #tpu.memory_space<semaphore_mem>>) src(%arg13 : memref<80x64xf32, #tpu.memory_space<vmem>>) dst(%dma_wait3A_722 : memref<20000x64xf32, #tpu.memory_space<vmem_shared>>)
    %eq3A = arith.constant 1 : i32
    %eq3A_723 = arith.cmpi eq, %arg0, %eq3A : i32
    %convert_element_type3A = arith.extui %eq3A_723 : i1 to i32
    %cond3A = arith.constant 0 : i32
    %cond3A_724 = arith.cmpi ne, %convert_element_type3A, %cond3A : i32
    scf.if %cond3A_724 {
      %dma_wait3A_761 = arith.constant 0 : i32
      %dma_wait3A_762 = arith.constant 0 : i32
      %dma_wait3A_763 = tpu.memref_slice %arg8[%dma_wait3A_761, %dma_wait3A_762] : memref<10x80xi32, #tpu.memory_space<vmem>> -> memref<1x80xi32, #tpu.memory_space<vmem>>
      %dma_wait3A_764 = tpu.memref_squeeze %dma_wait3A_763 : memref<1x80xi32, #tpu.memory_space<vmem>> -> memref<80xi32, #tpu.memory_space<vmem>>
      %dma_wait3A_765 = arith.constant 0 : i32
      %dma_wait3A_766 = arith.constant 0 : i32
      %dma_wait3A_767 = tpu.memref_slice %arg18[%dma_wait3A_765, %dma_wait3A_766] : memref<20000x16xf32, #tpu.memory_space<vmem_shared>> -> memref<20000x16xf32, #tpu.memory_space<vmem_shared>>
      tpu.wait_indirect_dma semaphore(%arg33 : memref<!tpu.dma_semaphore, #tpu.memory_space<semaphore_mem>>) src(%arg14 : memref<80x16xf32, #tpu.memory_space<vmem>>) dst(%dma_wait3A_767 : memref<20000x16xf32, #tpu.memory_space<vmem_shared>>)
    } else {
    }
    %barrier3A_725 = arith.constant 0 : index
    tpu.barrier barrier_id(%barrier3A_725)
    %mul3A_726 = arith.constant 16 : i32
    %mul3A_727 = arith.muli %arg0, %mul3A_726 : i32
    %add3A_728 = arith.addi %mul3A_727, %arg1 : i32
    %mul3A_729 = arith.constant 1250 : i32
    %mul3A_730 = arith.muli %arg1, %mul3A_729 : i32
    %dma_start3A_731 = arith.constant 0 : i32
    %dma_start3A_732 = arith.constant 0 : i32
    %dma_start3A_733 = tpu.memref_slice %arg5[%add3A_728, %dma_start3A_731, %dma_start3A_732] : memref<32x1250x64xf32, #tpu.memory_space<hbm>> -> memref<1x1250x64xf32, #tpu.memory_space<hbm>>
    %dma_start3A_734 = tpu.memref_squeeze %dma_start3A_733 : memref<1x1250x64xf32, #tpu.memory_space<hbm>> -> memref<1250x64xf32, #tpu.memory_space<hbm>>
    %dma_start3A_735 = arith.constant 0 : i32
    %dma_start3A_736 = tpu.memref_slice %arg17[%mul3A_730, %dma_start3A_735] : memref<20000x64xf32, #tpu.memory_space<vmem_shared>> -> memref<1250x64xf32, #tpu.memory_space<vmem_shared>>
    tpu.enqueue_dma source(%dma_start3A_736 : memref<1250x64xf32, #tpu.memory_space<vmem_shared>>) target(%dma_start3A_734 : memref<1250x64xf32, #tpu.memory_space<hbm>>) target_semaphore(%arg44 : memref<!tpu.dma_semaphore, #tpu.memory_space<semaphore_mem>>)
    %mul3A_737 = arith.constant 1250 : i32
    %mul3A_738 = arith.muli %arg1, %mul3A_737 : i32
    %dma_start3A_739 = arith.constant 0 : i32
    %dma_start3A_740 = arith.constant 0 : i32
    %dma_start3A_741 = tpu.memref_slice %arg6[%add3A_728, %dma_start3A_739, %dma_start3A_740] : memref<32x1250x16xf32, #tpu.memory_space<hbm>> -> memref<1x1250x16xf32, #tpu.memory_space<hbm>>
    %dma_start3A_742 = tpu.memref_squeeze %dma_start3A_741 : memref<1x1250x16xf32, #tpu.memory_space<hbm>> -> memref<1250x16xf32, #tpu.memory_space<hbm>>
    %dma_start3A_743 = arith.constant 0 : i32
    %dma_start3A_744 = tpu.memref_slice %arg18[%mul3A_738, %dma_start3A_743] : memref<20000x16xf32, #tpu.memory_space<vmem_shared>> -> memref<1250x16xf32, #tpu.memory_space<vmem_shared>>
    tpu.enqueue_dma source(%dma_start3A_744 : memref<1250x16xf32, #tpu.memory_space<vmem_shared>>) target(%dma_start3A_742 : memref<1250x16xf32, #tpu.memory_space<hbm>>) target_semaphore(%arg44 : memref<!tpu.dma_semaphore, #tpu.memory_space<semaphore_mem>>)
    %mul3A_745 = arith.constant 1250 : i32
    %mul3A_746 = arith.muli %arg1, %mul3A_745 : i32
    %dma_wait3A_747 = arith.constant 0 : i32
    %dma_wait3A_748 = arith.constant 0 : i32
    %dma_wait3A_749 = tpu.memref_slice %arg5[%add3A_728, %dma_wait3A_747, %dma_wait3A_748] : memref<32x1250x64xf32, #tpu.memory_space<hbm>> -> memref<1x1250x64xf32, #tpu.memory_space<hbm>>
    %dma_wait3A_750 = tpu.memref_squeeze %dma_wait3A_749 : memref<1x1250x64xf32, #tpu.memory_space<hbm>> -> memref<1250x64xf32, #tpu.memory_space<hbm>>
    %dma_wait3A_751 = arith.constant 0 : i32
    %dma_wait3A_752 = tpu.memref_slice %arg17[%mul3A_746, %dma_wait3A_751] : memref<20000x64xf32, #tpu.memory_space<vmem_shared>> -> memref<1250x64xf32, #tpu.memory_space<vmem_shared>>
    tpu.wait_dma2 semaphore(%arg44 : memref<!tpu.dma_semaphore, #tpu.memory_space<semaphore_mem>>) src(%dma_wait3A_752 : memref<1250x64xf32, #tpu.memory_space<vmem_shared>>) dst(%dma_wait3A_750 : memref<1250x64xf32, #tpu.memory_space<hbm>>)
    %mul3A_753 = arith.constant 1250 : i32
    %mul3A_754 = arith.muli %arg1, %mul3A_753 : i32
    %dma_wait3A_755 = arith.constant 0 : i32
    %dma_wait3A_756 = arith.constant 0 : i32
    %dma_wait3A_757 = tpu.memref_slice %arg6[%add3A_728, %dma_wait3A_755, %dma_wait3A_756] : memref<32x1250x16xf32, #tpu.memory_space<hbm>> -> memref<1x1250x16xf32, #tpu.memory_space<hbm>>
    %dma_wait3A_758 = tpu.memref_squeeze %dma_wait3A_757 : memref<1x1250x16xf32, #tpu.memory_space<hbm>> -> memref<1250x16xf32, #tpu.memory_space<hbm>>
    %dma_wait3A_759 = arith.constant 0 : i32
    %dma_wait3A_760 = tpu.memref_slice %arg18[%mul3A_754, %dma_wait3A_759] : memref<20000x16xf32, #tpu.memory_space<vmem_shared>> -> memref<1250x16xf32, #tpu.memory_space<vmem_shared>>
    tpu.wait_dma2 semaphore(%arg44 : memref<!tpu.dma_semaphore, #tpu.memory_space<semaphore_mem>>) src(%dma_wait3A_760 : memref<1250x16xf32, #tpu.memory_space<vmem_shared>>) dst(%dma_wait3A_758 : memref<1250x16xf32, #tpu.memory_space<hbm>>)
    return
  }
}

</mosaic_0001>

<sc_bundles>
// kernel: _sc_segment_sums.3.cloned.1.call-start
scs
__scs_entry_jumppad:
0x0: {  	(pc) =	sbr.rel $0x88, $3  }
0x1: {  	(tag) =	ssettag $0x0;
	lr =	simm.s32 $0x1  }
0x2: {  	[smem:$0x3F9E] =	sst lr;
	_ =	strace $0xD0000000  }
0x3: {  	_ = 	snop  }
0x4: {  	_ = 	snop  }
0x5: {  	_ = 	snop  }
0x6: {  	_ = 	snop  }
0x7: {  	_ = 	snop  }
__scs_overlays_trampoline_lowered:
0x8: {  	[smem:$0x3FAD] =	sst s0  }
0x9: {  	[smem:$0x3FAE] =	sst s1  }
0xa: {  	[smem:$0x3FAF] =	sst s2  }
0xb: {  	[smem:$0x3FB0] =	sst s3  }
0xc: {  	[smem:$0x3FB1] =	sst s4  }
0xd: {  	[smem:$0x3FB2] =	sst s5  }
0xe: {  	[smem:$0x3FB3] =	sst s6  }
0xf: {  	[smem:$0x3FB4] =	sst s7  }
0x10: {  	[smem:$0x3FB5] =	sst s8  }
0x11: {  	[smem:$0x3FB6] =	sst s9;
	s0 =	simm.s32 @!p0 $0x0  }
0x12: {  	s1 =	sld [smem:$0x3F9C];
	s0 =	simm.s32 @p0 $0x1  }
0x13: {  	[smem:$0x3FB7] =	sst s0;
	s0 =	simm.s32 @!p1 $0x0  }
0x14: {  	s2 =	sld [smem:$0x3F9B];
	s0 =	simm.s32 @p1 $0x1  }
0x15: {  	[smem:$0x3FB8] =	sst s0;
	s0 =	simm.s32 @!p2 $0x0  }
0x16: {  	s3 =	sld [smem:$0x3FDB];
	s0 =	simm.s32 @p2 $0x1  }
0x17: {  	s4 =	simm.s32 $0x1BF5;
	[smem:$0x3FBA] =	sst s0  }
0x18: {  	s0 =	sld [smem:$0x3F9D];
	_ =	swait.ge [sflag:s4], $0x0  }
0x19: {  	s7 =	sld [smem:$0x3F9E]  }
0x1a: {  	s8 =	sadd.s32 $0xFFFFE003, lr  }
0x1b: {  	s9 =	sadd.s32 $0xFFFFFEF7, lr;
	s5 =	simm.s32 $0xFFFFFFFF;
	p2 =	slt.u32 s8, $0xFFFFF086  }
0x1c: {  	p1 =	slt.u32 s9, $0xF7A;
	s5 =	simm.s32 @!p2 $0x0  }
0x1d: {  	s5 =	simm.s32 @p1 $0x1;
	p0 =	seq.s32 s7, s2  }
0x1e: {  	s7 =	smul.u32 @!p0 $0xF7A, s2;
	p2 =	seq.s32 @!p0 s5, $0x0  }
0x1f: {  	s9 =	smul.u32 $0xF7A, s1;
	s8 =	simm.s32 @!p0 $0x1BF5;
	p2 =	por !p2, p0  }
0x20: {  	[sflag:s8] =	ssyncset.s32 @!p0 $0xFFFFF086;
	s6 =	sadd.s32 @!p0 s3, s7;
	s7 =	simm.s32 @!p0 $0x108  }
0x21: {  	s3 =	sadd.s32 s3, s9;
	s6 =	sadd.s32 @!p0 $0x88, s6;
	s7 =	simm.s32 @p2 $0x1082  }
0x22: {  	[simem:s7], [sflag:s8] =	dma.local @!p0 [hbm:s6], $0xF7A  }
0x23: {  	s9 =	sor.u32 $0xD0000000, s2;
	s6 =	simm.s32 $0x108;
	_ =	swait.ge @!p0 [sflag:s8], $0x0  }
0x24: {  	s3 =	sadd.s32 $0x88, s3;
	s6 =	simm.s32 @!p1 $0x1082;
	[sflag:s4] =	ssyncset.s32 $0xFFFFF086  }
0x25: {  	[simem:s6], [sflag:s4] =	dma.local [hbm:s3], $0xF7A  }
0x26: {  	[smem:$0x3F9E] =	sst s1;
	(tag) =	ssettag s2;
	_ =	strace s9  }
0x27: {  	s1 =	sld [smem:$0x3FAE]  }
0x28: {  	s2 =	sld [smem:$0x3FAF]  }
0x29: {  	s4 =	sld [smem:$0x3FB1]  }
0x2a: {  	p0 =	seq.s32 s5, $0x0;
	s5 =	sld [smem:$0x3FB2]  }
0x2b: {  	s6 =	sld [smem:$0x3FB3]  }
0x2c: {  	s7 =	sld [smem:$0x3FB4]  }
0x2d: {  	s3 =	simm.s32 $0x108;
	s8 =	sld [smem:$0x3FB5]  }
0x2e: {  	s3 =	simm.s32 @!p0 $0x1082;
	s9 =	sld [smem:$0x3FB6]  }
0x2f: {  	lr =	sadd.s32 s0, s3;
	s0 =	sld [smem:$0x3FAD]  }
0x30: {  	s3 =	sld [smem:$0x3FB0]  }
0x31: {  	[smem:$0x3FB9] =	sst s10  }
0x32: {  	s10 =	sld [smem:$0x3FB7];
	_ =	sdelay $0x3  }
0x33: {  	p0 =	seq.s32 s10, $0x1;
	s10 =	sld [smem:$0x3FB9];
	_ =	sdelay $0x3  }
0x34: {  	[smem:$0x3FB9] =	sst s10  }
0x35: {  	s10 =	sld [smem:$0x3FB8];
	_ =	sdelay $0x3  }
0x36: {  	p1 =	seq.s32 s10, $0x1;
	s10 =	sld [smem:$0x3FB9];
	_ =	sdelay $0x3  }
0x37: {  	[smem:$0x3FB9] =	sst s10  }
0x38: {  	s10 =	sld [smem:$0x3FBA]  }
0x39: {  	_ = 	snop;
	(pc) =	sbr.ind lr, $3  }
0x3a: {  	_ = 	snop  }
0x3b: {  	_ = 	snop  }
0x3c: {  	p2 =	seq.s32 s10, $0x1;
	s10 =	sld [smem:$0x3FB9]  }
0x3d: {  	_ =	shalt  }
0x3e: {  	_ =	shalt  }
0x3f: {  	_ =	shalt  }
0x40: {  	_ =	shalt  }
0x41: {  	_ =	shalt  }
0x42: {  	_ =	shalt  }
0x43: {  	_ =	shalt  }
0x44: {  	_ =	shalt  }
0x45: {  	_ =	shalt  }
0x46: {  	_ =	shalt  }
0x47: {  	_ =	shalt  }
0x48: {  	_ =	shalt  }
0x49: {  	_ =	shalt  }
0x4a: {  	_ =	shalt  }
0x4b: {  	_ =	shalt  }
0x4c: {  	_ =	shalt  }
0x4d: {  	_ =	shalt  }
0x4e: {  	_ =	shalt  }
0x4f: {  	_ =	shalt  }
0x50: {  	_ =	shalt  }
0x51: {  	_ =	shalt  }
0x52: {  	_ =	shalt  }
0x53: {  	_ =	shalt  }
0x54: {  	_ =	shalt  }
0x55: {  	_ =	shalt  }
0x56: {  	_ =	shalt  }
0x57: {  	_ =	shalt  }
0x58: {  	_ =	shalt  }
0x59: {  	_ =	shalt  }
0x5a: {  	_ =	shalt  }
0x5b: {  	_ =	shalt  }
0x5c: {  	_ =	shalt  }
0x5d: {  	_ =	shalt  }
0x5e: {  	_ =	shalt  }
0x5f: {  	_ =	shalt  }
0x60: {  	_ =	shalt  }
0x61: {  	_ =	shalt  }
0x62: {  	_ =	shalt  }
0x63: {  	_ =	shalt  }
0x64: {  	_ =	shalt  }
0x65: {  	_ =	shalt  }
0x66: {  	_ =	shalt  }
0x67: {  	_ =	shalt  }
0x68: {  	_ =	shalt  }
0x69: {  	_ =	shalt  }
0x6a: {  	_ =	shalt  }
0x6b: {  	_ =	shalt  }
0x6c: {  	_ =	shalt  }
0x6d: {  	_ =	shalt  }
0x6e: {  	_ =	shalt  }
0x6f: {  	_ =	shalt  }
0x70: {  	_ =	shalt  }
0x71: {  	_ =	shalt  }
0x72: {  	_ =	shalt  }
0x73: {  	_ =	shalt  }
0x74: {  	_ =	shalt  }
0x75: {  	_ =	shalt  }
0x76: {  	_ =	shalt  }
0x77: {  	_ =	shalt  }
0x78: {  	_ =	shalt  }
0x79: {  	_ =	shalt  }
0x7a: {  	_ =	shalt  }
0x7b: {  	_ =	shalt  }
0x7c: {  	_ =	shalt  }
0x7d: {  	_ =	shalt  }
0x7e: {  	_ =	shalt  }
0x7f: {  	_ =	shalt  }
0x80: {  	_ =	shalt  }
0x81: {  	_ =	shalt  }
0x82: {  	_ =	shalt  }
0x83: {  	_ =	shalt  }
0x84: {  	_ =	shalt  }
0x85: {  	_ =	shalt  }
0x86: {  	_ =	shalt  }
0x87: {  	_ =	shalt  }
.Lfunc_end0:
.L_simem_size_0:
called_computation_lowered:
.L_overlay_start_0:
0x88: {  	s2 =	sld [smem:$0x3FD9]  }
0x89: {  	s3 =	sld [smem:$0x3FFE];
	_ =	sdelay $0x1  }
0x8a: {  	s1 =	srdreg.scid  }
0x8b: {  	s0 =	sand.u32 $0x1, s1  }
0x8c: {  	s14 =	sshll.u32 s0, $0xA;
	s2 =	sadd.s32 s3, s2  }
0x8d: {  	s2 =	sadd.s32 s2, s14  }
0x8e: {  	[smem:$0x3FC5] =	sst s2  }
0x8f: {  	_ = 	snop  }
0x90: {  	s2 =	sld [smem:$0x3FD0];
	_ =	sdelay $0x2  }
0x91: {  	s15 =	simm.s32 $0xA;
	s4 =	simm.s32 $0x10  }
0x92: {  	[smem:s4], [sflag:s15] =	dma.local [hbm:s2], $0x1  }
0x93: {  	_ =	swait.eq [sflag:s15], $0x1  }
0x94: {  	[sflag:s15] =	ssyncset.done $0x0  }
0x95: {  	s16 =	sld [smem:$0x10];
	[sflag:s15] =	ssyncadd.s32 $0xFFFFFFFF  }
0x96: {  	s17 =	sld [smem:$0x11];
	(tm) =	ssettm $0x1  }
0x97: {  	s18 =	sld [smem:$0x3FFB];
	_ =	sdelay $0x3  }
0x98: {  	_ =	strace s18  }
0x99: {  	s4 =	sld [smem:$0x3FFC];
	_ =	sdelay $0x3  }
0x9a: {  	_ =	strace s4  }
0x9b: {  	s4 =	sld [smem:$0x3FFD];
	_ =	sdelay $0x3  }
0x9c: {  	_ =	strace s4  }
0x9d: {  	_ =	strace $0x8FFFFFFF  }
0x9e: {  	s19 =	sld [smem:$0x3FDB];
	_ =	sdelay $0x1  }
0x9f: {  	s5 =	simm.s32 $_scs_section_size  }
0xa0: {  	s6 =	simm.s32 $_size__tile_overlayer_lowered;
	s7 =	simm.s32 $_tile_overlayer_lowered  }
0xa1: {  	s22 =	simm.s32 $0x1BFF;
	s21 =	sshll.u32 s7, $0x1;
	s4 =	sadd.s32 s5, s19  }
0xa2: {  	s8 =	simm.s32 $0x0;
	s20 =	sshll.u32 s6, $0x1;
	s6 =	sadd.s32 s21, s4  }
0xa3: {  	[timem:s8], [sflag:s22] =	dma.local [hbm:s6], s20  }
0xa4: {  	_ =	swait.ge [sflag:s22], s20  }
0xa5: {  	s5 =	ssub.s32 $0x0, s20;
	[sflag:s22] =	ssyncset.done $0x0  }
0xa6: {  	[sflag:s22] =	ssyncadd.s32 s5;
	_ =	sdelay $0x1  }
0xa7: {  	s23 =	simm.s32 $0x1B8B  }
0xa8: {  	_ =	swait.ge [sflag:s23], $0x1  }
0xa9: {  	[sflag:s23] =	ssyncset.done $0x0  }
0xaa: {  	s25 =	simm.s32 $0x1B8E;
	s24 =	sld [smem:$0x3FFE];
	[sflag:s23] =	ssyncadd.s32 $0xFFFFFFFF  }
0xab: {  	s26 =	simm.s32 $execute0_lowered;
	[smem:$0x3FD2] =	sst s25  }
0xac: {  	s6 =	sshll.u32 s26, $0x1;
	_ =	strace $0x80000046;
	[dreg:$0x1] =	wrdreg $0xFFFFFFFF  }
0xad: {  	s28 =	simm.s32 $_size_execute0_lowered;
	s4 =	sadd.s32 s4, s6;
	[dreg:$0x0] =	wrdreg $0x0  }
0xae: {  	s6 =	sshll.u32 s28, $0x1;
	[dreg:$0x2] =	wrdreg s4  }
0xaf: {  	[dreg:$0x3] =	wrdreg s6  }
0xb0: {  	[dreg:$0x4] =	wrdreg $0xC0  }
0xb1: {  	_ =	task [dreg:s8], $0x5FFFF  }
0xb2: {  	[dreg:$0x1] =	wrdreg $0xFFFFFFFF  }
0xb3: {  	[dreg:$0x0] =	wrdreg $0x60  }
0xb4: {  	[dreg:$0x2] =	wrdreg s24  }
0xb5: {  	[dreg:$0x3] =	wrdreg s16  }
0xb6: {  	[dreg:$0x4] =	wrdreg s17  }
0xb7: {  	[dreg:$0x5] =	wrdreg $0x77100  }
0xb8: {  	[dreg:$0x6] =	wrdreg $0x1AF900  }
0xb9: {  	[dreg:$0x7] =	wrdreg $0x9  }
0xba: {  	_ =	task.clear_ibuf [dreg:s8], $0x8FFFF;
	_ =	strace $0x90000046  }
0xbb: {  	s29 =	simm.s32 $0x9;
	_ =	strace $0x80000048  }
0xbc: {  	_ =	swait.ge [sflag:s29], $0x1  }
0xbd: {  	[sflag:s29] =	ssyncadd.s32 $0xFFFFFFFF  }
0xbe: {  	_ =	strace $0x90000048  }
0xbf: {  	_ =	sfence  }
0xc0: {  	s30 =	sld [smem:$0x0];
	_ =	sdelay $0x2  }
0xc1: {  	s31 =	sshll.u32 s1, $0xD;
	s1 =	sshrl.u32 s1, $0x2  }
0xc2: {  	s3 =	sand.u32 $0x4000, s31;
	s1 =	sadd.s32 s1, s30  }
0xc3: {  	s0 =	sor.u32 s3, s0;
	s1 =	sshll.u32 s1, $0x11  }
0xc4: {  	s0 =	sor.u32 s1, s0  }
0xc5: {  	s0 =	sadd.s32 $0x8F2B, s0  }
0xc6: {  	[sflag:s0] =	ssyncadd.remote.s32 $0x1  }
0xc7: {  	_ =	sfence.sel $0xFFFF  }
0xc8: {  	[dreg:$0x0] =	wrdreg $0xFFFFFFFF;
	(pc) =	sbr.abs _section_cstart, $3  }
0xc9: {  	[dreg:$0x1] =	wrdreg $0xFFFFFFFF  }
0xca: {  	_ =	task.clear_ibuf [dreg:s8], $0x2FFFF;
	_ =	strace $0x9FFFFFFF  }
0xcb: {  	(tm) =	ssettm $0x7FFFFFFF  }
tec
execute0_lowered:
.L_overlay_start_1:
0x0: {  	(tag) =	ssettag $0x1  }
0x1: {  	s0 =	rddreg [dreg:$0x0]  }
0x2: {  	s4 =	rddreg [dreg:$0x1]  }
0x3: {  	s8 =	rddreg [dreg:$0x2]  }
0x4: {  	s1 =	rddreg [dreg:$0x3]  }
0x5: {  	s2 =	rddreg [dreg:$0x4];
	s16 =	simm.s32 $0x0  }
0x6: {  	s3 =	srdreg.scid;
	s15 =	stileid.u32;
	s31 =	simm.s32 $0x7  }
0x7: {  	s28 =	simm.s32 $0x4;
	[smem:$0x7FF] =	sst s16;
	s3 =	sand.u32 $0x1, s3  }
0x8: {  	s5 =	sadd.s32 $0x14A00, s0;
	s10 =	smul.u32 $0x4E20, s15;
	s6 =	sadd.s32 $0xE00, s0  }
0x9: {  	s12 =	smul.u32 $0x9C4, s15;
	s7 =	sadd.s32 $0xAC00, s0;
	_ =	strace $0x80000047  }
0xa: {  	s9 =	ssub.s32 $0x2, s3;
	s13 =	sshll.u32 s3, $0x4;
	p0 =	seq.s32 s3, $0x1  }
0xb: {  	p1 =	sne.s32 s3, $0x0;
	s11 =	sshrl.u32 s9, $0x1;
	s17 =	sadd.s32 s6, s12  }
0xc: {  	s18 =	sadd.s32 s7, s12;
	s23 =	sor.u32 s15, s13;
	[dreg:$0x6] =	wrdreg s17  }
0xd: {  	s0 =	ssub.s32 s9, s11;
	s9 =	sshrl.u32 s10, $0x3;
	[dreg:$0x7] =	wrdreg s18  }
0xe: {  	s13 =	smul.u32 $0x2710, s23;
	s19 =	sadd.s32 $0xA, s9;
	s0 =	smax.u32 s0, $0x1  }
0xf: {  	s21 =	sadd.s32 $0x14, s9;
	s20 =	sadd.s32 s6, s19;
	[dreg:$0x1b] =	wrdreg s0  }
0x10: {  	s24 =	sadd.s32 $0x1E, s9;
	s11 =	sadd.s32 s7, s19;
	[dreg:$0x8] =	wrdreg s20  }
0x11: {  	s25 =	sadd.s32 $0x28, s9;
	s22 =	sadd.s32 s6, s21;
	[dreg:$0x9] =	wrdreg s11  }
0x12: {  	s18 =	sadd.s32 $0x3C, s9;
	s12 =	sadd.s32 s7, s21;
	[dreg:$0xa] =	wrdreg s22  }
0x13: {  	s14 =	sadd.s32 s6, s24;
	s26 =	sadd.s32 s6, s25;
	[dreg:$0xb] =	wrdreg s12  }
0x14: {  	s29 =	sadd.s32 s7, s25;
	s4 =	sadd.s32 s4, s13;
	[dreg:$0xc] =	wrdreg s14  }
0x15: {  	s19 =	sadd.s32 s6, s18;
	s21 =	sadd.s32 $0x46, s9;
	[dreg:$0xe] =	wrdreg s26  }
0x16: {  	s13 =	simm.s32 $0xA0;
	s0 =	simm.s32 $0x1A;
	[dreg:$0xf] =	wrdreg s29  }
0x17: {  	s11 =	smul.u32 $0x9C4, s23;
	s12 =	sadd.s32 s7, s24;
	[dreg:$0x10] =	wrdreg s4  }
0x18: {  	s14 =	sadd.s32 $0x32, s9;
	[dreg:$0x14] =	wrdreg s19;
	s20 =	smul.u32 $0x4E200, s15  }
0x19: {  	s9 =	sadd.s32 $0x50, s9;
	s23 =	sadd.s32 s6, s21;
	[dreg:$0xd] =	wrdreg s12  }
0x1a: {  	s22 =	smul.u32 $0x13880, s15;
	s29 =	sadd.s32 $0x5A0, s10;
	[dreg:$0x16] =	wrdreg s23  }
0x1b: {  	s10 =	simm.s32 $0x280;
	s17 =	sadd.s32 s6, s14;
	[dreg:$0x1c] =	wrdreg s29  }
0x1c: {  	s15 =	simm.s32 $0x4240;
	s4 =	sadd.s32 s7, s14;
	[dreg:$0x12] =	wrdreg s17  }
0x1d: {  	s19 =	simm.s32 $0x5F0;
	s24 =	sadd.s32 s6, s9;
	[dreg:$0x13] =	wrdreg s4  }
0x1e: {  	s25 =	sadd.s32 s7, s9;
	s14 =	simm.s32 $0x5A0;
	[dreg:$0x18] =	wrdreg s24  }
0x1f: {  	s8 =	sadd.s32 s8, s11;
	s4 =	sadd.s32 s7, s18;
	[dreg:$0x19] =	wrdreg s25  }
.Ltmp0:
0x20: {  	s26 =	sshrl.u32 s22, $0x2;
	s24 =	simm.s32 $0x6F40;
	(pc) =	sbr.rel .LBB2_1-.Ltmp0, $4  }
0x21: {  	s25 =	simm.s32 $0x7580;
	s17 =	simm.s32 $0x2E40;
	[dreg:$0x11] =	wrdreg s8  }
0x22: {  	[dreg:$0x15] =	wrdreg s4;
	s8 =	sadd.s32 s7, s21;
	s4 =	sshrl.u32 s20, $0x2  }
0x23: {  	s30 =	sadd.s32 s26, s2;
	[dreg:$0x17] =	wrdreg s8;
	s12 =	sadd.s32 s4, s1  }
0x24: {  	v1 =	vimm.f32 $0.0e+00;
	v2 =	vimm.f32 $1.000000000e+00;
	v0 =	vmov s3;
	s8 =	simm.s32 $0x50;
	s1 =	simm.s32 $0x0;
	[dreg:$0x1a] =	wrdreg s12  }
.LBB2_15:
0x25: {  	s1 =	simm.s32 $0xA  }
0x26: {  	_ =	swait.ge [sflag:s1], $0x1400  }
0x27: {  	[sflag:s1] =	ssyncset.done $0x0  }
0x28: {  	s29 =	simm.s32 $0xF;
	[sflag:s1] =	ssyncadd.s32 $0xFFFFEC00  }
0x29: {  	_ =	swait.ge [sflag:s29], $0x500  }
0x2a: {  	[sflag:s29] =	ssyncset.done $0x0  }
0x2b: {  	s16 =	simm.s32 $0x0;
	s1 =	rddreg [dreg:$0x1d];
	[sflag:s29] =	ssyncadd.s32 $0xFFFFFB00  }
.LBB2_16:
0x2c: {  	s3 =	stileid.u32;
	[bflag:$0x0] =	sbarrier.arrive $0xFFFF  }
0x2d: {  	s3 =	sshll.u32 s3, $0x6;
	s12 =	rddreg [dreg:$0x1a]  }
0x2e: {  	s10 =	rddreg [dreg:$0x10];
	s3 =	sor.u32 $0x1C1A, s3;
	s4 =	sshrl.u32 s12, $0x3  }
0x2f: {  	[hbm:s10], [sflag:s3] =	dma.local [spmem:s4], $0x2710  }
0x30: {  	s26 =	sshrl.u32 s30, $0x3;
	s10 =	rddreg [dreg:$0x11]  }
0x31: {  	[hbm:s10], [sflag:s3] =	dma.local [spmem:s26], $0x9C4  }
0x32: {  	_ =	swait.ge [sflag:s0], $0x2710  }
0x33: {  	[sflag:s0] =	ssyncset.done $0x0  }
0x34: {  	[sflag:s0] =	ssyncadd.s32 $0xFFFFD8F0  }
0x35: {  	_ =	swait.ge [sflag:s0], $0x9C4  }
0x36: {  	s1 =	sadd.s32 $0x1, s1;
	s29 =	rddreg [dreg:$0x1b]  }
0x37: {  	p2 =	sne.s32 s1, s29  }
.Ltmp1:
0x38: {  	_ = 	snop;
	(pc) =	sbr.rel @!p2 .LBB2_17-.Ltmp1, $3  }
0x39: {  	_ =	sdelay $0x1  }
0x3a: {  	[sflag:s0] =	ssyncset.done $0x0  }
0x3b: {  	s13 =	simm.s32 $0xA0;
	s10 =	simm.s32 $0x280;
	[sflag:s0] =	ssyncadd.s32 $0xFFFFF63C  }
.LBB2_1:
0x3c: {  	s3 =	rddreg [dreg:$0x6]  }
0x3d: {  	[tilespmem:s16], [sflag:$0x10] =	stream.linear.gather [hbm4b:s3+s16], $0x50, $0x38;
	[tilespmem:$0x1FDB0] =	vst v63  }
0x3e: {  	s9 =	rddreg [dreg:$0x7];
	s4 =	simm.s32 $0x320  }
0x3f: {  	[tilespmem:s4], [sflag:$0x10] =	stream.linear.gather [hbm4b:s9+s16], $0x50, $0x38;
	[tilespmem:$0x1FDB0] =	vst v63  }
0x40: {  	s11 =	rddreg [dreg:$0x8]  }
0x41: {  	[tilespmem:s8], [sflag:$0x11] =	stream.linear.gather [hbm4b:s11+s16], $0x50, $0x38;
	[tilespmem:$0x1FDB0] =	vst v63  }
0x42: {  	s18 =	rddreg [dreg:$0x9];
	s20 =	simm.s32 $0x370  }
0x43: {  	[tilespmem:s20], [sflag:$0x11] =	stream.linear.gather [hbm4b:s18+s16], $0x50, $0x38;
	[tilespmem:$0x1FDB0] =	vst v63  }
0x44: {  	s21 =	rddreg [dreg:$0xa]  }
0x45: {  	[tilespmem:s13], [sflag:$0x12] =	stream.linear.gather [hbm4b:s21+s16], $0x50, $0x38;
	[tilespmem:$0x1FDB0] =	vst v63  }
0x46: {  	s22 =	rddreg [dreg:$0xb];
	s23 =	simm.s32 $0x3C0  }
0x47: {  	[tilespmem:s23], [sflag:$0x12] =	stream.linear.gather [hbm4b:s22+s16], $0x50, $0x38;
	[tilespmem:$0x1FDB0] =	vst v63  }
0x48: {  	s26 =	rddreg [dreg:$0xc];
	s29 =	simm.s32 $0xF0  }
0x49: {  	[tilespmem:s29], [sflag:$0x13] =	stream.linear.gather [hbm4b:s26+s16], $0x50, $0x38;
	[tilespmem:$0x1FDB0] =	vst v63  }
0x4a: {  	s4 =	rddreg [dreg:$0xd];
	s9 =	simm.s32 $0x410  }
0x4b: {  	[tilespmem:s9], [sflag:$0x13] =	stream.linear.gather [hbm4b:s4+s16], $0x50, $0x38;
	[tilespmem:$0x1FDB0] =	vst v63  }
0x4c: {  	s11 =	rddreg [dreg:$0xe];
	s18 =	simm.s32 $0x140  }
0x4d: {  	[tilespmem:s18], [sflag:$0x14] =	stream.linear.gather [hbm4b:s11+s16], $0x50, $0x38;
	[tilespmem:$0x1FDB0] =	vst v63  }
0x4e: {  	s20 =	rddreg [dreg:$0xf];
	s21 =	simm.s32 $0x460  }
0x4f: {  	[tilespmem:s21], [sflag:$0x14] =	stream.linear.gather [hbm4b:s20+s16], $0x50, $0x38;
	[tilespmem:$0x1FDB0] =	vst v63  }
0x50: {  	s22 =	rddreg [dreg:$0x12];
	s23 =	simm.s32 $0x190  }
0x51: {  	[tilespmem:s23], [sflag:$0x15] =	stream.linear.gather [hbm4b:s22+s16], $0x50, $0x38;
	[tilespmem:$0x1FDB0] =	vst v63  }
0x52: {  	s26 =	rddreg [dreg:$0x13];
	s29 =	simm.s32 $0x4B0  }
0x53: {  	[tilespmem:s29], [sflag:$0x15] =	stream.linear.gather [hbm4b:s26+s16], $0x50, $0x38;
	[tilespmem:$0x1FDB0] =	vst v63  }
0x54: {  	s4 =	rddreg [dreg:$0x14];
	s9 =	simm.s32 $0x1E0  }
0x55: {  	[tilespmem:s9], [sflag:$0x16] =	stream.linear.gather [hbm4b:s4+s16], $0x50, $0x38;
	[tilespmem:$0x1FDB0] =	vst v63  }
0x56: {  	s11 =	rddreg [dreg:$0x15];
	s18 =	simm.s32 $0x500  }
0x57: {  	[tilespmem:s18], [sflag:$0x16] =	stream.linear.gather [hbm4b:s11+s16], $0x50, $0x38;
	[tilespmem:$0x1FDB0] =	vst v63  }
0x58: {  	s20 =	rddreg [dreg:$0x16];
	s21 =	simm.s32 $0x230  }
0x59: {  	[tilespmem:s21], [sflag:$0x17] =	stream.linear.gather [hbm4b:s20+s16], $0x50, $0x38;
	[tilespmem:$0x1FDB0] =	vst v63  }
0x5a: {  	s22 =	rddreg [dreg:$0x17];
	s23 =	simm.s32 $0x550  }
0x5b: {  	[tilespmem:s23], [sflag:$0x17] =	stream.linear.gather [hbm4b:s22+s16], $0x50, $0x38;
	[tilespmem:$0x1FDB0] =	vst v63  }
0x5c: {  	s26 =	rddreg [dreg:$0x18]  }
0x5d: {  	[tilespmem:s10], [sflag:$0x18] =	stream.linear.gather [hbm4b:s26+s16], $0x50, $0x38;
	[tilespmem:$0x1FDB0] =	vst v63  }
0x5e: {  	s3 =	simm.s32 $0x6F60;
	s29 =	rddreg [dreg:$0x19]  }
0x5f: {  	[tilespmem:s14], [sflag:$0x18] =	stream.linear.gather [hbm4b:s29+s16], $0x50, $0x38;
	[tilespmem:$0x1FDB0] =	vst v63  }
0x60: {  	[tilespmem:s3+$0x0] =	vst v1  }
0x61: {  	[tilespmem:s3+$0xFFFFFFE0] =	vst v1  }
0x62: {  	[tilespmem:s3+$0x10] =	vst v1  }
0x63: {  	s4 =	simm.s32 $0x40;
	s10 =	simm.s32 $0x0;
	[tilespmem:s3+$0xFFFFFFF0] =	vst v1  }
.LBB2_2:
0x64: {  	p2 =	sne.s32 s4, $0x600  }
0x65: {  	[tilespmem:s10+$0x7580] =	vst v1;
	s3 =	sadd.s32 $0x40, s3;
	s10 =	smov.u32 s4;
	s4 =	sadd.s32 $0x40, s4  }
.Ltmp2:
0x66: {  	[tilespmem:s3+$0x0] =	vst v1;
	(pc) =	sbr.rel @p2 .LBB2_2-.Ltmp2, $4  }
0x67: {  	_ = 	snop  }
0x68: {  	[tilespmem:s3+$0xFFFFFFE0] =	vst v1  }
0x69: {  	[tilespmem:s3+$0x10] =	vst v1  }
0x6a: {  	s10 =	sshra.s32 s10, $0x2;
	[tilespmem:s3+$0xFFFFFFF0] =	vst v1  }
0x6b: {  	[tilespmem:s10+$0x7580] =	vst v1;
	s3 =	simm.s32 $0x40;
	s4 =	simm.s32 $0x0  }
.LBB2_4:
0x6c: {  	p2 =	sne.s32 s3, $0x13C0;
	[tilespmem:s4+$0x6A40] =	vst v2;
	s4 =	smov.u32 s3;
	s3 =	sadd.s32 $0x40, s3  }
.Ltmp3:
0x6d: {  	(pc) =	sbr.rel @p2 .LBB2_4-.Ltmp3, $2  }
0x6e: {  	_ =	sdelay $0x2  }
0x6f: {  	s4 =	sshra.s32 s4, $0x2  }
0x70: {  	[tilespmem:s4+$0x6A40] =	vst v2;
	s3 =	simm.s32 $0x640;
	s10 =	sadd.s32 $0x0, s30;
	s4 =	sadd.s32 $0x640, s12  }
0x71: {  	[spmem:s12] =	stream.linear.scatter [tilespmem:s24], [sflag:$0x1A], $0x640, $0x38;
	[tilespmem:$0x1FDB0] =	vst v63  }
.LBB2_6:
0x72: {  	[spmem:s10] =	stream.linear.scatter [tilespmem:s25], [sflag:$0x1A], $0x190, $0x38;
	[tilespmem:$0x1FDB0] =	vst v63  }
0x73: {  	s10 =	smov.u32 s3;
	p2 =	sne.s32 s3, $0x13240  }
.Ltmp4:
0x74: {  	s3 =	sadd.s32 $0x640, s3;
	(pc) =	sbr.rel @p2 .LBB2_6-.Ltmp4, $4  }
0x75: {  	[spmem:s4] =	stream.linear.scatter [tilespmem:s24], [sflag:$0x1A], $0x640, $0x38;
	[tilespmem:$0x1FDB0] =	vst v63  }
0x76: {  	_ = 	snop  }
0x77: {  	s10 =	sshra.s32 s10, $0x2  }
0x78: {  	s10 =	sadd.s32 s10, s30;
	s4 =	sadd.s32 $0x640, s4  }
0x79: {  	[spmem:s10] =	stream.linear.scatter [tilespmem:s25], [sflag:$0x1A], $0x190, $0x38;
	[tilespmem:$0x1FDB0] =	vst v63  }
0x7a: {  	[dreg:$0x1d] =	wrdreg s1;
	s3 =	simm.s32 $0x10  }
0x7b: {  	_ =	swait.ge [sflag:s3], $0x50  }
0x7c: {  	[sflag:s3] =	ssyncset.done $0x0  }
0x7d: {  	[sflag:s3] =	ssyncadd.s32 $0xFFFFFFB0  }
0x7e: {  	_ =	swait.ge [sflag:s3], $0x50  }
0x7f: {  	[sflag:s3] =	ssyncset.done $0x0  }
0x80: {  	[sflag:s3] =	ssyncadd.s32 $0xFFFFFFB0  }
0x81: {  	v3 =	vld [tilespmem:$0x0]  }
0x82: {  	v4 =	vld [tilespmem:$0x10]  }
0x83: {  	v5 =	vld [tilespmem:$0x20]  }
0x84: {  	v6 =	vld [tilespmem:$0x30]  }
0x85: {  	v7 =	vld [tilespmem:$0x40]  }
0x86: {  	v3 =	vshll.u32 v3, $0x1  }
0x87: {  	v4 =	vshll.u32 v4, $0x1;
	v3 =	vor.u32 v0, v3  }
0x88: {  	v40 =	vshll.u32 v5, $0x1;
	[tilespmem:$0x0] =	vst v3;
	v3 =	vor.u32 v0, v4  }
0x89: {  	v41 =	vshll.u32 v6, $0x1;
	[tilespmem:$0x10] =	vst v3;
	v3 =	vor.u32 v0, v40  }
0x8a: {  	v42 =	vshll.u32 v7, $0x1;
	[tilespmem:$0x20] =	vst v3;
	v3 =	vor.u32 v0, v41  }
0x8b: {  	[tilespmem:$0x30] =	vst v3;
	v3 =	vor.u32 v0, v42  }
0x8c: {  	s20 =	simm.s32 $0x640;
	s21 =	simm.s32 $0x11;
	[tilespmem:$0x40] =	vst v3  }
0x8d: {  	[tilespmem:s20], [sflag:$0x1] =	stream.indirect.gather [hbm4b:s5+s8], $0x40, s16, s8, $0xb8;
	[tilespmem:$0x1FDB0] =	vst v63  }
0x8e: {  	_ =	swait.ge [sflag:s21], $0x50  }
0x8f: {  	[sflag:s21] =	ssyncset.done $0x0  }
0x90: {  	[sflag:s21] =	ssyncadd.s32 $0xFFFFFFB0  }
0x91: {  	_ =	swait.ge [sflag:s21], $0x50  }
0x92: {  	[sflag:s21] =	ssyncset.done $0x0  }
0x93: {  	[sflag:s21] =	ssyncadd.s32 $0xFFFFFFB0  }
0x94: {  	v3 =	vld [tilespmem:$0x50]  }
0x95: {  	v43 =	vld [tilespmem:$0x60]  }
0x96: {  	v44 =	vld [tilespmem:$0x70]  }
0x97: {  	v45 =	vld [tilespmem:$0x80]  }
0x98: {  	v46 =	vld [tilespmem:$0x90]  }
0x99: {  	v3 =	vshll.u32 v3, $0x1  }
0x9a: {  	v4 =	vshll.u32 v43, $0x1;
	v3 =	vor.u32 v0, v3  }
0x9b: {  	v47 =	vshll.u32 v44, $0x1;
	[tilespmem:$0x50] =	vst v3;
	v3 =	vor.u32 v0, v4  }
0x9c: {  	v48 =	vshll.u32 v45, $0x1;
	[tilespmem:$0x60] =	vst v3;
	v3 =	vor.u32 v0, v47  }
0x9d: {  	v49 =	vshll.u32 v46, $0x1;
	[tilespmem:$0x70] =	vst v3;
	v3 =	vor.u32 v0, v48  }
0x9e: {  	[tilespmem:$0x80] =	vst v3;
	v3 =	vor.u32 v0, v49  }
0x9f: {  	s22 =	simm.s32 $0x1A40;
	s23 =	simm.s32 $0x12;
	[tilespmem:$0x90] =	vst v3  }
0xa0: {  	[tilespmem:s22], [sflag:$0x2] =	stream.indirect.gather [hbm4b:s5+s8], $0x40, s8, s8, $0xb8;
	[tilespmem:$0x1FDB0] =	vst v63  }
0xa1: {  	_ =	swait.ge [sflag:s23], $0x50  }
0xa2: {  	[sflag:s23] =	ssyncset.done $0x0  }
0xa3: {  	[sflag:s23] =	ssyncadd.s32 $0xFFFFFFB0  }
0xa4: {  	_ =	swait.ge [sflag:s23], $0x50  }
0xa5: {  	[sflag:s23] =	ssyncset.done $0x0  }
0xa6: {  	[sflag:s23] =	ssyncadd.s32 $0xFFFFFFB0  }
0xa7: {  	v3 =	vld [tilespmem:$0xA0]  }
0xa8: {  	v50 =	vld [tilespmem:$0xB0]  }
0xa9: {  	v51 =	vld [tilespmem:$0xC0]  }
0xaa: {  	v52 =	vld [tilespmem:$0xD0]  }
0xab: {  	v53 =	vld [tilespmem:$0xE0]  }
0xac: {  	v3 =	vshll.u32 v3, $0x1  }
0xad: {  	v4 =	vshll.u32 v50, $0x1;
	v3 =	vor.u32 v0, v3  }
0xae: {  	v54 =	vshll.u32 v51, $0x1;
	[tilespmem:$0xA0] =	vst v3;
	v3 =	vor.u32 v0, v4  }
0xaf: {  	v55 =	vshll.u32 v52, $0x1;
	[tilespmem:$0xB0] =	vst v3;
	v3 =	vor.u32 v0, v54  }
0xb0: {  	v56 =	vshll.u32 v53, $0x1;
	[tilespmem:$0xC0] =	vst v3;
	v3 =	vor.u32 v0, v55  }
0xb1: {  	[tilespmem:$0xD0] =	vst v3;
	v3 =	vor.u32 v0, v56  }
0xb2: {  	s26 =	simm.s32 $0x13;
	[tilespmem:$0xE0] =	vst v3  }
0xb3: {  	[tilespmem:s17], [sflag:$0x3] =	stream.indirect.gather [hbm4b:s5+s8], $0x40, s13, s8, $0xb8;
	[tilespmem:$0x1FDB0] =	vst v63  }
0xb4: {  	_ =	swait.ge [sflag:s26], $0x50  }
0xb5: {  	[sflag:s26] =	ssyncset.done $0x0  }
0xb6: {  	[sflag:s26] =	ssyncadd.s32 $0xFFFFFFB0  }
0xb7: {  	_ =	swait.ge [sflag:s26], $0x50  }
0xb8: {  	[sflag:s26] =	ssyncset.done $0x0  }
0xb9: {  	[sflag:s26] =	ssyncadd.s32 $0xFFFFFFB0  }
0xba: {  	v3 =	vld [tilespmem:$0xF0]  }
0xbb: {  	v57 =	vld [tilespmem:$0x100]  }
0xbc: {  	v58 =	vld [tilespmem:$0x110]  }
0xbd: {  	v59 =	vld [tilespmem:$0x120]  }
0xbe: {  	v60 =	vld [tilespmem:$0x130]  }
0xbf: {  	v3 =	vshll.u32 v3, $0x1  }
0xc0: {  	v4 =	vshll.u32 v57, $0x1;
	v3 =	vor.u32 v0, v3  }
0xc1: {  	v61 =	vshll.u32 v58, $0x1;
	[tilespmem:$0xF0] =	vst v3;
	v3 =	vor.u32 v0, v4  }
0xc2: {  	v62 =	vshll.u32 v59, $0x1;
	[tilespmem:$0x100] =	vst v3;
	v3 =	vor.u32 v0, v61  }
0xc3: {  	v63 =	vshll.u32 v60, $0x1;
	[tilespmem:$0x110] =	vst v3;
	v3 =	vor.u32 v0, v62  }
0xc4: {  	[tilespmem:$0x120] =	vst v3;
	v3 =	vor.u32 v0, v63  }
0xc5: {  	s29 =	simm.s32 $0xF0;
	[tilespmem:$0x130] =	vst v3  }
0xc6: {  	[tilespmem:s15], [sflag:$0x4] =	stream.indirect.gather [hbm4b:s5+s8], $0x40, s29, s8, $0xb8;
	[tilespmem:$0x1FDB0] =	vst v63  }
0xc7: {  	_ =	swait.ge [sflag:s0], $0x640  }
0xc8: {  	[sflag:s0] =	ssyncset.done $0x0  }
0xc9: {  	[sflag:s0] =	ssyncadd.s32 $0xFFFFF9C0  }
0xca: {  	_ =	swait.ge [sflag:s0], $0x190  }
0xcb: {  	s3 =	simm.s32 $0x31;
	[sflag:s0] =	ssyncset.done $0x0  }
.LBB2_8:
0xcc: {  	p2 =	sne.s32 s3, $0x1;
	s3 =	sadd.s32 $0xFFFFFFFF, s3;
	[sflag:s0] =	ssyncadd.s32 $0xFFFFFE70  }
.Ltmp5:
0xcd: {  	_ =	swait.ge [sflag:s0], $0x640;
	(pc) =	sbr.rel @p2 .LBB2_8-.Ltmp5, $4  }
0xce: {  	[sflag:s0] =	ssyncset.done $0x0  }
0xcf: {  	[sflag:s0] =	ssyncadd.s32 $0xFFFFF9C0  }
0xd0: {  	_ =	swait.ge [sflag:s0], $0x190  }
0xd1: {  	[sflag:s0] =	ssyncset.done $0x0  }
.Ltmp6:
0xd2: {  	(pc) =	sbr.rel .LBB2_10-.Ltmp6, $4  }
0xd3: {  	_ = 	snop  }
0xd4: {  	[sflag:s0] =	ssyncadd.s32 $0xFFFFFE70  }
0xd5: {  	s11 =	simm.s32 $0x0;
	[bflag:$0x0] =	sbarrier.arrive $0xFFFF  }
0xd6: {  	s18 =	simm.s32 $0x280;
	s13 =	simm.s32 $0x4240;
	s10 =	rddreg [dreg:$0x1c]  }
.LBB2_13:
.Ltmp7:
0xd7: {  	s1 =	simm.s32 $0x6A40;
	(pc) =	sbr.rel @p2 .LBB2_15-.Ltmp7, $4  }
0xd8: {  	[spmem:s2] =	stream.indirect.scatter.add.f32 [tilespmem:s1], [sflag:$0xF], $0x10, s19, s8, $0xb8;
	[tilespmem:$0x1FDB0] =	vst v63  }
0xd9: {  	_ =	swait.ge [sflag:s26], $0x1400  }
0xda: {  	[sflag:s26] =	ssyncset.done $0x0  }
0xdb: {  	[sflag:s26] =	ssyncadd.s32 $0xFFFFEC00  }
.LBB2_14:
0xdc: {  	s3 =	sshrl.u32 s10, $0x3  }
0xdd: {  	s16 =	simm.s32 $0x0;
	s18 =	simm.s32 $0x280;
	s4 =	sadd.s32 s6, s3  }
0xde: {  	[tilespmem:s18], [sflag:$0x18] =	stream.linear.gather [hbm4b:s4+s16], $0x50, $0x38;
	[tilespmem:$0x1FDB0] =	vst v63  }
0xdf: {  	s26 =	simm.s32 $0x13;
	s3 =	sadd.s32 s7, s3  }
0xe0: {  	[tilespmem:s14], [sflag:$0x18] =	stream.linear.gather [hbm4b:s3+s16], $0x50, $0x38;
	[tilespmem:$0x1FDB0] =	vst v63  }
0xe1: {  	_ =	swait.ge [sflag:s26], $0x50  }
0xe2: {  	[sflag:s26] =	ssyncset.done $0x0  }
0xe3: {  	[sflag:s26] =	ssyncadd.s32 $0xFFFFFFB0  }
0xe4: {  	_ =	swait.ge [sflag:s26], $0x50  }
0xe5: {  	[sflag:s26] =	ssyncset.done $0x0  }
0xe6: {  	[sflag:s26] =	ssyncadd.s32 $0xFFFFFFB0  }
0xe7: {  	v3 =	vld [tilespmem:$0xF0]  }
0xe8: {  	v4 =	vld [tilespmem:$0x100]  }
0xe9: {  	v5 =	vld [tilespmem:$0x110]  }
0xea: {  	v6 =	vld [tilespmem:$0x120]  }
0xeb: {  	v7 =	vld [tilespmem:$0x130]  }
0xec: {  	v3 =	vshll.u32 v3, $0x1  }
0xed: {  	v4 =	vshll.u32 v4, $0x1;
	v3 =	vor.u32 v0, v3  }
0xee: {  	v61 =	vshll.u32 v5, $0x1;
	[tilespmem:$0xF0] =	vst v3;
	v3 =	vor.u32 v0, v4  }
0xef: {  	v62 =	vshll.u32 v6, $0x1;
	[tilespmem:$0x100] =	vst v3;
	v3 =	vor.u32 v0, v61  }
0xf0: {  	v63 =	vshll.u32 v7, $0x1;
	[tilespmem:$0x110] =	vst v3;
	v3 =	vor.u32 v0, v62  }
0xf1: {  	s29 =	simm.s32 $0xF0;
	s11 =	rddreg [dreg:$0x1e];
	[tilespmem:$0x120] =	vst v3;
	v3 =	vor.u32 v0, v63  }
0xf2: {  	s10 =	sadd.s32 $0x320, s10;
	s13 =	simm.s32 $0x4240;
	s11 =	sadd.s32 $0xFFFFFFFF, s11;
	[tilespmem:$0x130] =	vst v3  }
0xf3: {  	[tilespmem:s15], [sflag:$0x4] =	stream.indirect.gather [hbm4b:s5+s8], $0x40, s29, s8, $0xb8;
	[tilespmem:$0x1FDB0] =	vst v63  }
.LBB2_10:
0xf4: {  	s9 =	simm.s32 $0x1  }
0xf5: {  	_ =	swait.ge [sflag:s9], $0x1400  }
0xf6: {  	[sflag:s9] =	ssyncset.done $0x0  }
0xf7: {  	s3 =	simm.s32 $0x320;
	[sflag:s9] =	ssyncadd.s32 $0xFFFFEC00  }
0xf8: {  	s1 =	simm.s32 $0x640;
	s4 =	simm.s32 @!p1 $0x6A40;
	s29 =	rddreg [dreg:$0x3]  }
0xf9: {  	[spmem:s29] =	stream.indirect.scatter.add.f32 [tilespmem:s1], [sflag:$0x6], $0x40, s3, s8, $0xb8;
	[tilespmem:$0x1FDB0] =	vst v63  }
0xfa: {  	p2 =	seq.s32 s11, $0x0;
	s1 =	simm.s32 @!p1 $0x50;
	s3 =	simm.s32 @!p1 $0x320  }
0xfb: {  	[spmem:s2] =	stream.indirect.scatter.add.f32 @!p1 [tilespmem:s4], [sflag:$0xB], $0x10, s3, s1, $0xb8;
	[tilespmem:$0x1FDB0] =	vst v63  }
0xfc: {  	s3 =	simm.s32 @!p2 $0xA  }
0xfd: {  	_ =	swait.ge @!p2 [sflag:s3], $0x1400  }
0xfe: {  	p3 =	por !p0, p2;
	[sflag:s3] =	ssyncset.done @!p2 $0x0  }
0xff: {  	[sflag:s3] =	ssyncadd.s32 @!p2 $0xFFFFEC00;
	s3 =	simm.s32 @!p3 $0xF  }
0x100: {  	s1 =	sadd.s32 $0xFFFFFD30, s10;
	_ =	swait.ge @!p3 [sflag:s3], $0x500  }
0x101: {  	s4 =	sshrl.u32 s1, $0x3;
	[sflag:s3] =	ssyncset.done @!p3 $0x0  }
0x102: {  	s14 =	simm.s32 $0x2D0;
	s12 =	sadd.s32 s6, s4;
	[sflag:s3] =	ssyncadd.s32 @!p3 $0xFFFFFB00  }
0x103: {  	[tilespmem:s14], [sflag:$0x19] =	stream.linear.gather [hbm4b:s12+s16], $0x50, $0x38;
	[tilespmem:$0x1FDB0] =	vst v63  }
0x104: {  	s22 =	simm.s32 $0x14;
	s21 =	sadd.s32 s7, s4  }
0x105: {  	[tilespmem:s19], [sflag:$0x19] =	stream.linear.gather [hbm4b:s21+s16], $0x50, $0x38;
	[tilespmem:$0x1FDB0] =	vst v63  }
0x106: {  	_ =	swait.ge [sflag:s22], $0x50  }
0x107: {  	[sflag:s22] =	ssyncset.done $0x0  }
0x108: {  	[sflag:s22] =	ssyncadd.s32 $0xFFFFFFB0  }
0x109: {  	_ =	swait.ge [sflag:s22], $0x50  }
0x10a: {  	[sflag:s22] =	ssyncset.done $0x0  }
0x10b: {  	[sflag:s22] =	ssyncadd.s32 $0xFFFFFFB0  }
0x10c: {  	v3 =	vld [tilespmem:$0x140]  }
0x10d: {  	v4 =	vld [tilespmem:$0x150]  }
0x10e: {  	v5 =	vld [tilespmem:$0x160]  }
0x10f: {  	v6 =	vld [tilespmem:$0x170]  }
0x110: {  	v7 =	vld [tilespmem:$0x180]  }
0x111: {  	v3 =	vshll.u32 v3, $0x1  }
0x112: {  	v4 =	vshll.u32 v4, $0x1;
	v3 =	vor.u32 v0, v3  }
0x113: {  	v26 =	vshll.u32 v5, $0x1;
	[tilespmem:$0x140] =	vst v3;
	v3 =	vor.u32 v0, v4  }
0x114: {  	v27 =	vshll.u32 v6, $0x1;
	[tilespmem:$0x150] =	vst v3;
	v3 =	vor.u32 v0, v26  }
0x115: {  	v28 =	vshll.u32 v7, $0x1;
	[tilespmem:$0x160] =	vst v3;
	v3 =	vor.u32 v0, v27  }
0x116: {  	[tilespmem:$0x170] =	vst v3;
	v3 =	vor.u32 v0, v28  }
0x117: {  	s23 =	simm.s32 $0x140;
	s26 =	simm.s32 $0x5640;
	s19 =	simm.s32 $0x2;
	[tilespmem:$0x180] =	vst v3  }
0x118: {  	[tilespmem:s26], [sflag:$0x5] =	stream.indirect.gather [hbm4b:s5+s8], $0x40, s23, s8, $0xb8;
	[tilespmem:$0x1FDB0] =	vst v63  }
0x119: {  	_ =	swait.ge [sflag:s19], $0x1400  }
0x11a: {  	[sflag:s19] =	ssyncset.done $0x0  }
0x11b: {  	s1 =	simm.s32 $0x370;
	s4 =	simm.s32 $0x1A40;
	[sflag:s19] =	ssyncadd.s32 $0xFFFFEC00  }
0x11c: {  	[spmem:s29] =	stream.indirect.scatter.add.f32 [tilespmem:s4], [sflag:$0x7], $0x40, s1, s8, $0xb8;
	[tilespmem:$0x1FDB0] =	vst v63  }
0x11d: {  	s12 =	simm.s32 @p0 $0x6A40;
	s1 =	simm.s32 @p0 $0x50;
	s4 =	simm.s32 @p0 $0x370  }
0x11e: {  	[spmem:s2] =	stream.indirect.scatter.add.f32 @p0 [tilespmem:s12], [sflag:$0xC], $0x10, s4, s1, $0xb8;
	[tilespmem:$0x1FDB0] =	vst v63  }
0x11f: {  	s1 =	simm.s32 $0x6  }
0x120: {  	_ =	swait.ge [sflag:s1], $0x1400  }
0x121: {  	p2 =	seq.s32 s11, $0xFFFFFFE8;
	[sflag:s1] =	ssyncset.done $0x0  }
0x122: {  	s4 =	simm.s32 @!p1 $0xB;
	[dreg:$0x1e] =	wrdreg s11;
	[sflag:s1] =	ssyncadd.s32 $0xFFFFEC00  }
0x123: {  	s14 =	sadd.s32 @!p2 $0xFFFFFD80, s10;
	_ =	swait.ge @!p1 [sflag:s4], $0x500  }
0x124: {  	s14 =	sshrl.u32 @!p2 s14, $0x3;
	[sflag:s4] =	ssyncset.done @!p1 $0x0  }
0x125: {  	s26 =	sadd.s32 @!p2 s6, s14;
	[sflag:s4] =	ssyncadd.s32 @!p1 $0xFFFFFB00;
	s4 =	simm.s32 @!p2 $0x0  }
0x126: {  	[tilespmem:s4], [sflag:$0x10] =	stream.linear.gather @!p2 [hbm4b:s26+s4], $0x50, $0x38;
	[tilespmem:$0x1FDB0] =	vst v63  }
0x127: {  	s14 =	sadd.s32 @!p2 s7, s14;
	s11 =	simm.s32 $0x15;
	s26 =	simm.s32 @!p2 $0x320  }
0x128: {  	[tilespmem:s26], [sflag:$0x10] =	stream.linear.gather @!p2 [hbm4b:s14+s4], $0x50, $0x38;
	[tilespmem:$0x1FDB0] =	vst v63  }
0x129: {  	_ =	swait.ge [sflag:s11], $0x50  }
0x12a: {  	[sflag:s11] =	ssyncset.done $0x0  }
0x12b: {  	[sflag:s11] =	ssyncadd.s32 $0xFFFFFFB0  }
0x12c: {  	_ =	swait.ge [sflag:s11], $0x50  }
0x12d: {  	[sflag:s11] =	ssyncset.done $0x0  }
0x12e: {  	[sflag:s11] =	ssyncadd.s32 $0xFFFFFFB0  }
0x12f: {  	v3 =	vld [tilespmem:$0x190]  }
0x130: {  	v29 =	vld [tilespmem:$0x1A0]  }
0x131: {  	v30 =	vld [tilespmem:$0x1B0]  }
0x132: {  	v31 =	vld [tilespmem:$0x1C0]  }
0x133: {  	v32 =	vld [tilespmem:$0x1D0]  }
0x134: {  	v3 =	vshll.u32 v3, $0x1  }
0x135: {  	v4 =	vshll.u32 v29, $0x1;
	v3 =	vor.u32 v0, v3  }
0x136: {  	v33 =	vshll.u32 v30, $0x1;
	[tilespmem:$0x190] =	vst v3;
	v3 =	vor.u32 v0, v4  }
0x137: {  	v34 =	vshll.u32 v31, $0x1;
	[tilespmem:$0x1A0] =	vst v3;
	v3 =	vor.u32 v0, v33  }
0x138: {  	v35 =	vshll.u32 v32, $0x1;
	[tilespmem:$0x1B0] =	vst v3;
	v3 =	vor.u32 v0, v34  }
0x139: {  	[tilespmem:$0x1C0] =	vst v3;
	v3 =	vor.u32 v0, v35  }
0x13a: {  	s20 =	simm.s32 $0x640;
	s22 =	simm.s32 $0x190;
	s11 =	simm.s32 $0x3;
	[tilespmem:$0x1D0] =	vst v3  }
0x13b: {  	[tilespmem:s20], [sflag:$0x1] =	stream.indirect.gather [hbm4b:s5+s8], $0x40, s22, s8, $0xb8;
	[tilespmem:$0x1FDB0] =	vst v63  }
0x13c: {  	_ =	swait.ge [sflag:s11], $0x1400  }
0x13d: {  	[sflag:s11] =	ssyncset.done $0x0  }
0x13e: {  	s23 =	simm.s32 $0x3C0;
	s26 =	simm.s32 $0x2E40;
	[sflag:s11] =	ssyncadd.s32 $0xFFFFEC00  }
0x13f: {  	[spmem:s29] =	stream.indirect.scatter.add.f32 [tilespmem:s26], [sflag:$0x8], $0x40, s23, s8, $0xb8;
	[tilespmem:$0x1FDB0] =	vst v63  }
0x140: {  	s15 =	simm.s32 @!p1 $0x6A40;
	s17 =	simm.s32 @!p1 $0x50;
	s14 =	simm.s32 @!p1 $0x3C0  }
0x141: {  	[spmem:s2] =	stream.indirect.scatter.add.f32 @!p1 [tilespmem:s15], [sflag:$0xD], $0x10, s14, s17, $0xb8;
	[tilespmem:$0x1FDB0] =	vst v63  }
0x142: {  	_ =	swait.ge [sflag:s31], $0x1400  }
0x143: {  	[sflag:s31] =	ssyncset.done $0x0  }
0x144: {  	s14 =	simm.s32 @p0 $0xC;
	[sflag:s31] =	ssyncadd.s32 $0xFFFFEC00  }
0x145: {  	s26 =	sadd.s32 @!p2 $0xFFFFFDD0, s10;
	_ =	swait.ge @p0 [sflag:s14], $0x500  }
0x146: {  	s15 =	sshrl.u32 @!p2 s26, $0x3;
	[sflag:s14] =	ssyncset.done @p0 $0x0  }
0x147: {  	s3 =	simm.s32 @!p2 $0x50;
	[sflag:s14] =	ssyncadd.s32 @p0 $0xFFFFFB00;
	s14 =	sadd.s32 @!p2 s6, s15  }
0x148: {  	[tilespmem:s3], [sflag:$0x11] =	stream.linear.gather @!p2 [hbm4b:s14+s4], $0x50, $0x38;
	[tilespmem:$0x1FDB0] =	vst v63  }
0x149: {  	s20 =	simm.s32 $0x16;
	s14 =	sadd.s32 @!p2 s7, s15;
	s15 =	simm.s32 @!p2 $0x370  }
0x14a: {  	[tilespmem:s15], [sflag:$0x11] =	stream.linear.gather @!p2 [hbm4b:s14+s4], $0x50, $0x38;
	[tilespmem:$0x1FDB0] =	vst v63  }
0x14b: {  	_ =	swait.ge [sflag:s20], $0x50  }
0x14c: {  	[sflag:s20] =	ssyncset.done $0x0  }
0x14d: {  	[sflag:s20] =	ssyncadd.s32 $0xFFFFFFB0  }
0x14e: {  	_ =	swait.ge [sflag:s20], $0x50  }
0x14f: {  	[sflag:s20] =	ssyncset.done $0x0  }
0x150: {  	[sflag:s20] =	ssyncadd.s32 $0xFFFFFFB0  }
0x151: {  	v3 =	vld [tilespmem:$0x1E0]  }
0x152: {  	v36 =	vld [tilespmem:$0x1F0]  }
0x153: {  	v37 =	vld [tilespmem:$0x200]  }
0x154: {  	v38 =	vld [tilespmem:$0x210]  }
0x155: {  	v39 =	vld [tilespmem:$0x220]  }
0x156: {  	v3 =	vshll.u32 v3, $0x1  }
0x157: {  	v4 =	vshll.u32 v36, $0x1;
	v3 =	vor.u32 v0, v3  }
0x158: {  	v40 =	vshll.u32 v37, $0x1;
	[tilespmem:$0x1E0] =	vst v3;
	v3 =	vor.u32 v0, v4  }
0x159: {  	v41 =	vshll.u32 v38, $0x1;
	[tilespmem:$0x1F0] =	vst v3;
	v3 =	vor.u32 v0, v40  }
0x15a: {  	v42 =	vshll.u32 v39, $0x1;
	[tilespmem:$0x200] =	vst v3;
	v3 =	vor.u32 v0, v41  }
0x15b: {  	[tilespmem:$0x210] =	vst v3;
	v3 =	vor.u32 v0, v42  }
0x15c: {  	s21 =	simm.s32 $0x1A40;
	s23 =	simm.s32 $0x1E0;
	[tilespmem:$0x220] =	vst v3  }
0x15d: {  	[tilespmem:s21], [sflag:$0x2] =	stream.indirect.gather [hbm4b:s5+s8], $0x40, s23, s8, $0xb8;
	[tilespmem:$0x1FDB0] =	vst v63  }
0x15e: {  	_ =	swait.ge [sflag:s28], $0x1400  }
0x15f: {  	[sflag:s28] =	ssyncset.done $0x0  }
0x160: {  	s26 =	simm.s32 $0x410;
	[sflag:s28] =	ssyncadd.s32 $0xFFFFEC00  }
0x161: {  	[spmem:s29] =	stream.indirect.scatter.add.f32 [tilespmem:s13], [sflag:$0x9], $0x40, s26, s8, $0xb8;
	[tilespmem:$0x1FDB0] =	vst v63  }
0x162: {  	s16 =	simm.s32 @p0 $0x50;
	s14 =	simm.s32 @p0 $0x410;
	s20 =	simm.s32 $0x8  }
0x163: {  	[spmem:s2] =	stream.indirect.scatter.add.f32 @p0 [tilespmem:s12], [sflag:$0xE], $0x10, s14, s16, $0xb8;
	[tilespmem:$0x1FDB0] =	vst v63  }
0x164: {  	_ =	swait.ge [sflag:s20], $0x1400  }
0x165: {  	[sflag:s20] =	ssyncset.done $0x0  }
0x166: {  	s14 =	simm.s32 @!p1 $0xD;
	[sflag:s20] =	ssyncadd.s32 $0xFFFFEC00  }
0x167: {  	s15 =	sadd.s32 @!p2 $0xFFFFFE20, s10;
	_ =	swait.ge @!p1 [sflag:s14], $0x500  }
0x168: {  	s15 =	sshrl.u32 @!p2 s15, $0x3;
	[sflag:s14] =	ssyncset.done @!p1 $0x0  }
0x169: {  	s3 =	simm.s32 @!p2 $0xA0;
	s16 =	sadd.s32 @!p2 s6, s15;
	[sflag:s14] =	ssyncadd.s32 @!p1 $0xFFFFFB00  }
0x16a: {  	[tilespmem:s3], [sflag:$0x12] =	stream.linear.gather @!p2 [hbm4b:s16+s4], $0x50, $0x38;
	[tilespmem:$0x1FDB0] =	vst v63  }
0x16b: {  	s15 =	sadd.s32 @!p2 s7, s15;
	s16 =	simm.s32 @!p2 $0x3C0;
	s3 =	simm.s32 $0x17  }
0x16c: {  	[tilespmem:s16], [sflag:$0x12] =	stream.linear.gather @!p2 [hbm4b:s15+s4], $0x50, $0x38;
	[tilespmem:$0x1FDB0] =	vst v63  }
0x16d: {  	_ =	swait.ge [sflag:s3], $0x50  }
0x16e: {  	[sflag:s3] =	ssyncset.done $0x0  }
0x16f: {  	[sflag:s3] =	ssyncadd.s32 $0xFFFFFFB0  }
0x170: {  	_ =	swait.ge [sflag:s3], $0x50  }
0x171: {  	[sflag:s3] =	ssyncset.done $0x0  }
0x172: {  	[sflag:s3] =	ssyncadd.s32 $0xFFFFFFB0  }
0x173: {  	v3 =	vld [tilespmem:$0x230]  }
0x174: {  	v43 =	vld [tilespmem:$0x240]  }
0x175: {  	v44 =	vld [tilespmem:$0x250]  }
0x176: {  	v45 =	vld [tilespmem:$0x260]  }
0x177: {  	v46 =	vld [tilespmem:$0x270]  }
0x178: {  	v3 =	vshll.u32 v3, $0x1  }
0x179: {  	v4 =	vshll.u32 v43, $0x1;
	v3 =	vor.u32 v0, v3  }
0x17a: {  	v47 =	vshll.u32 v44, $0x1;
	[tilespmem:$0x230] =	vst v3;
	v3 =	vor.u32 v0, v4  }
0x17b: {  	v48 =	vshll.u32 v45, $0x1;
	[tilespmem:$0x240] =	vst v3;
	v3 =	vor.u32 v0, v47  }
0x17c: {  	v49 =	vshll.u32 v46, $0x1;
	[tilespmem:$0x250] =	vst v3;
	v3 =	vor.u32 v0, v48  }
0x17d: {  	[tilespmem:$0x260] =	vst v3;
	v3 =	vor.u32 v0, v49  }
0x17e: {  	s22 =	simm.s32 $0x2E40;
	s21 =	simm.s32 $0x5;
	s14 =	simm.s32 $0x230;
	[tilespmem:$0x270] =	vst v3  }
0x17f: {  	[tilespmem:s22], [sflag:$0x3] =	stream.indirect.gather [hbm4b:s5+s8], $0x40, s14, s8, $0xb8;
	[tilespmem:$0x1FDB0] =	vst v63  }
0x180: {  	_ =	swait.ge [sflag:s21], $0x1400  }
0x181: {  	s23 =	simm.s32 @!p1 $0x50;
	[sflag:s21] =	ssyncset.done $0x0  }
0x182: {  	s16 =	simm.s32 $0x460;
	s22 =	simm.s32 $0x5640;
	[sflag:s21] =	ssyncadd.s32 $0xFFFFEC00  }
0x183: {  	[spmem:s29] =	stream.indirect.scatter.add.f32 [tilespmem:s22], [sflag:$0xA], $0x40, s16, s8, $0xb8;
	[tilespmem:$0x1FDB0] =	vst v63  }
0x184: {  	s26 =	simm.s32 $0x9;
	s15 =	simm.s32 @!p1 $0x460;
	s3 =	simm.s32 @!p1 $0x6A40  }
0x185: {  	[spmem:s2] =	stream.indirect.scatter.add.f32 @!p1 [tilespmem:s3], [sflag:$0xF], $0x10, s15, s23, $0xb8;
	[tilespmem:$0x1FDB0] =	vst v63  }
0x186: {  	_ =	swait.ge [sflag:s26], $0x1400  }
0x187: {  	[sflag:s26] =	ssyncset.done $0x0  }
0x188: {  	s15 =	simm.s32 @p0 $0xE;
	[sflag:s26] =	ssyncadd.s32 $0xFFFFEC00  }
0x189: {  	s16 =	sadd.s32 @!p2 $0xFFFFFE70, s10;
	_ =	swait.ge @p0 [sflag:s15], $0x500  }
0x18a: {  	s16 =	sshrl.u32 @!p2 s16, $0x3;
	[sflag:s15] =	ssyncset.done @p0 $0x0  }
0x18b: {  	s17 =	simm.s32 @!p2 $0xF0;
	[sflag:s15] =	ssyncadd.s32 @p0 $0xFFFFFB00;
	s15 =	sadd.s32 @!p2 s6, s16  }
0x18c: {  	[tilespmem:s17], [sflag:$0x13] =	stream.linear.gather @!p2 [hbm4b:s15+s4], $0x50, $0x38;
	[tilespmem:$0x1FDB0] =	vst v63  }
0x18d: {  	s15 =	sadd.s32 @!p2 s7, s16;
	s16 =	simm.s32 @!p2 $0x410;
	s17 =	simm.s32 $0x18  }
0x18e: {  	[tilespmem:s16], [sflag:$0x13] =	stream.linear.gather @!p2 [hbm4b:s15+s4], $0x50, $0x38;
	[tilespmem:$0x1FDB0] =	vst v63  }
0x18f: {  	_ =	swait.ge [sflag:s17], $0x50  }
0x190: {  	[sflag:s17] =	ssyncset.done $0x0  }
0x191: {  	[sflag:s17] =	ssyncadd.s32 $0xFFFFFFB0  }
0x192: {  	_ =	swait.ge [sflag:s17], $0x50  }
0x193: {  	[sflag:s17] =	ssyncset.done $0x0  }
0x194: {  	[sflag:s17] =	ssyncadd.s32 $0xFFFFFFB0  }
0x195: {  	v3 =	vld [tilespmem:$0x280]  }
0x196: {  	v50 =	vld [tilespmem:$0x290]  }
0x197: {  	v51 =	vld [tilespmem:$0x2A0]  }
0x198: {  	v52 =	vld [tilespmem:$0x2B0]  }
0x199: {  	v53 =	vld [tilespmem:$0x2C0]  }
0x19a: {  	v3 =	vshll.u32 v3, $0x1  }
0x19b: {  	v4 =	vshll.u32 v50, $0x1;
	v3 =	vor.u32 v0, v3  }
0x19c: {  	v54 =	vshll.u32 v51, $0x1;
	[tilespmem:$0x280] =	vst v3;
	v3 =	vor.u32 v0, v4  }
0x19d: {  	v55 =	vshll.u32 v52, $0x1;
	[tilespmem:$0x290] =	vst v3;
	v3 =	vor.u32 v0, v54  }
0x19e: {  	v56 =	vshll.u32 v53, $0x1;
	[tilespmem:$0x2A0] =	vst v3;
	v3 =	vor.u32 v0, v55  }
0x19f: {  	[tilespmem:$0x2B0] =	vst v3;
	v3 =	vor.u32 v0, v56  }
0x1a0: {  	[tilespmem:$0x2C0] =	vst v3  }
0x1a1: {  	[tilespmem:s13], [sflag:$0x4] =	stream.indirect.gather [hbm4b:s5+s8], $0x40, s18, s8, $0xb8;
	[tilespmem:$0x1FDB0] =	vst v63  }
0x1a2: {  	_ =	swait.ge [sflag:s9], $0x1400  }
0x1a3: {  	[sflag:s9] =	ssyncset.done $0x0  }
0x1a4: {  	s14 =	simm.s32 $0x640;
	s13 =	simm.s32 $0x4B0;
	[sflag:s9] =	ssyncadd.s32 $0xFFFFEC00  }
0x1a5: {  	[spmem:s29] =	stream.indirect.scatter.add.f32 [tilespmem:s14], [sflag:$0x6], $0x40, s13, s8, $0xb8;
	[tilespmem:$0x1FDB0] =	vst v63  }
0x1a6: {  	s15 =	simm.s32 @p0 $0x4B0;
	s16 =	simm.s32 $0xA;
	s13 =	simm.s32 @p0 $0x50  }
0x1a7: {  	[spmem:s2] =	stream.indirect.scatter.add.f32 @p0 [tilespmem:s12], [sflag:$0xB], $0x10, s15, s13, $0xb8;
	[tilespmem:$0x1FDB0] =	vst v63  }
0x1a8: {  	_ =	swait.ge [sflag:s16], $0x1400  }
0x1a9: {  	[sflag:s16] =	ssyncset.done $0x0  }
0x1aa: {  	s15 =	simm.s32 @!p1 $0xF;
	[sflag:s16] =	ssyncadd.s32 $0xFFFFEC00  }
0x1ab: {  	s16 =	sadd.s32 @!p2 $0xFFFFFEC0, s10;
	_ =	swait.ge @!p1 [sflag:s15], $0x500  }
0x1ac: {  	s16 =	sshrl.u32 @!p2 s16, $0x3;
	[sflag:s15] =	ssyncset.done @!p1 $0x0  }
0x1ad: {  	s17 =	simm.s32 @!p2 $0x140;
	[sflag:s15] =	ssyncadd.s32 @!p1 $0xFFFFFB00;
	s15 =	sadd.s32 @!p2 s6, s16  }
0x1ae: {  	[tilespmem:s17], [sflag:$0x14] =	stream.linear.gather @!p2 [hbm4b:s15+s4], $0x50, $0x38;
	[tilespmem:$0x1FDB0] =	vst v63  }
0x1af: {  	s15 =	sadd.s32 @!p2 s7, s16;
	s16 =	simm.s32 @!p2 $0x460;
	s17 =	simm.s32 $0x19  }
0x1b0: {  	[tilespmem:s16], [sflag:$0x14] =	stream.linear.gather @!p2 [hbm4b:s15+s4], $0x50, $0x38;
	[tilespmem:$0x1FDB0] =	vst v63  }
0x1b1: {  	_ =	swait.ge [sflag:s17], $0x50  }
0x1b2: {  	[sflag:s17] =	ssyncset.done $0x0  }
0x1b3: {  	[sflag:s17] =	ssyncadd.s32 $0xFFFFFFB0  }
0x1b4: {  	_ =	swait.ge [sflag:s17], $0x50  }
0x1b5: {  	[sflag:s17] =	ssyncset.done $0x0  }
0x1b6: {  	[sflag:s17] =	ssyncadd.s32 $0xFFFFFFB0  }
0x1b7: {  	v3 =	vld [tilespmem:$0x2D0]  }
0x1b8: {  	v57 =	vld [tilespmem:$0x2E0]  }
0x1b9: {  	v58 =	vld [tilespmem:$0x2F0]  }
0x1ba: {  	v59 =	vld [tilespmem:$0x300]  }
0x1bb: {  	v60 =	vld [tilespmem:$0x310]  }
0x1bc: {  	v3 =	vshll.u32 v3, $0x1  }
0x1bd: {  	v4 =	vshll.u32 v57, $0x1;
	v3 =	vor.u32 v0, v3  }
0x1be: {  	v61 =	vshll.u32 v58, $0x1;
	[tilespmem:$0x2D0] =	vst v3;
	v3 =	vor.u32 v0, v4  }
0x1bf: {  	v62 =	vshll.u32 v59, $0x1;
	[tilespmem:$0x2E0] =	vst v3;
	v3 =	vor.u32 v0, v61  }
0x1c0: {  	v63 =	vshll.u32 v60, $0x1;
	[tilespmem:$0x2F0] =	vst v3;
	v3 =	vor.u32 v0, v62  }
0x1c1: {  	[tilespmem:$0x300] =	vst v3;
	v3 =	vor.u32 v0, v63  }
0x1c2: {  	s18 =	simm.s32 $0x2D0;
	[tilespmem:$0x310] =	vst v3  }
0x1c3: {  	[tilespmem:s22], [sflag:$0x5] =	stream.indirect.gather [hbm4b:s5+s8], $0x40, s18, s8, $0xb8;
	[tilespmem:$0x1FDB0] =	vst v63  }
0x1c4: {  	_ =	swait.ge [sflag:s19], $0x1400  }
0x1c5: {  	[sflag:s19] =	ssyncset.done $0x0  }
0x1c6: {  	s22 =	simm.s32 $0x1A40;
	[sflag:s19] =	ssyncadd.s32 $0xFFFFEC00;
	s19 =	simm.s32 $0x500  }
0x1c7: {  	[spmem:s29] =	stream.indirect.scatter.add.f32 [tilespmem:s22], [sflag:$0x7], $0x40, s19, s8, $0xb8;
	[tilespmem:$0x1FDB0] =	vst v63  }
0x1c8: {  	s15 =	simm.s32 @!p1 $0x500  }
0x1c9: {  	[spmem:s2] =	stream.indirect.scatter.add.f32 @!p1 [tilespmem:s3], [sflag:$0xC], $0x10, s15, s23, $0xb8;
	[tilespmem:$0x1FDB0] =	vst v63  }
0x1ca: {  	_ =	swait.ge [sflag:s1], $0x1400  }
0x1cb: {  	[sflag:s1] =	ssyncset.done $0x0  }
0x1cc: {  	s15 =	simm.s32 @p0 $0xB;
	[sflag:s1] =	ssyncadd.s32 $0xFFFFEC00  }
0x1cd: {  	s16 =	sadd.s32 @!p2 $0xFFFFFF10, s10;
	_ =	swait.ge @p0 [sflag:s15], $0x500  }
0x1ce: {  	s16 =	sshrl.u32 @!p2 s16, $0x3;
	[sflag:s15] =	ssyncset.done @p0 $0x0  }
0x1cf: {  	s17 =	simm.s32 @!p2 $0x190;
	[sflag:s15] =	ssyncadd.s32 @p0 $0xFFFFFB00;
	s15 =	sadd.s32 @!p2 s6, s16  }
0x1d0: {  	[tilespmem:s17], [sflag:$0x15] =	stream.linear.gather @!p2 [hbm4b:s15+s4], $0x50, $0x38;
	[tilespmem:$0x1FDB0] =	vst v63  }
0x1d1: {  	s15 =	sadd.s32 @!p2 s7, s16;
	s16 =	simm.s32 @!p2 $0x4B0  }
0x1d2: {  	[tilespmem:s16], [sflag:$0x15] =	stream.linear.gather @!p2 [hbm4b:s15+s4], $0x50, $0x38;
	[tilespmem:$0x1FDB0] =	vst v63  }
0x1d3: {  	s15 =	simm.s32 @!p2 $0x10  }
0x1d4: {  	_ =	swait.ge @!p2 [sflag:s15], $0x50  }
0x1d5: {  	[sflag:s15] =	ssyncset.done @!p2 $0x0  }
0x1d6: {  	[sflag:s15] =	ssyncadd.s32 @!p2 $0xFFFFFFB0  }
0x1d7: {  	_ =	swait.ge @!p2 [sflag:s15], $0x50  }
0x1d8: {  	[sflag:s15] =	ssyncset.done @!p2 $0x0  }
0x1d9: {  	[sflag:s15] =	ssyncadd.s32 @!p2 $0xFFFFFFB0  }
0x1da: {  	v3 =	vld @!p2 [tilespmem:$0x0]  }
0x1db: {  	v4 =	vld @!p2 [tilespmem:$0x10]  }
0x1dc: {  	v5 =	vld @!p2 [tilespmem:$0x20]  }
0x1dd: {  	v6 =	vld @!p2 [tilespmem:$0x30]  }
0x1de: {  	v7 =	vld @!p2 [tilespmem:$0x40]  }
0x1df: {  	v3 =	vshll.u32 @!p2 v3, $0x1  }
0x1e0: {  	v4 =	vshll.u32 @!p2 v4, $0x1;
	v3 =	vor.u32 @!p2 v0, v3  }
0x1e1: {  	[tilespmem:$0x0] =	vst @!p2 v3;
	v3 =	vor.u32 @!p2 v0, v4;
	v4 =	vshll.u32 @!p2 v5, $0x1  }
0x1e2: {  	[tilespmem:$0x10] =	vst @!p2 v3;
	v3 =	vor.u32 @!p2 v0, v4;
	v4 =	vshll.u32 @!p2 v6, $0x1  }
0x1e3: {  	[tilespmem:$0x20] =	vst @!p2 v3;
	v3 =	vor.u32 @!p2 v0, v4;
	v4 =	vshll.u32 @!p2 v7, $0x1  }
0x1e4: {  	[tilespmem:$0x30] =	vst @!p2 v3;
	v3 =	vor.u32 @!p2 v0, v4  }
0x1e5: {  	s1 =	simm.s32 @!p2 $0x50;
	s15 =	simm.s32 @!p2 $0x640;
	[tilespmem:$0x40] =	vst @!p2 v3  }
0x1e6: {  	[tilespmem:s15], [sflag:$0x1] =	stream.indirect.gather @!p2 [hbm4b:s5+s1], $0x40, s4, s1, $0xb8;
	[tilespmem:$0x1FDB0] =	vst v63  }
0x1e7: {  	_ =	swait.ge [sflag:s11], $0x1400  }
0x1e8: {  	[sflag:s11] =	ssyncset.done $0x0  }
0x1e9: {  	s16 =	simm.s32 $0x2E40;
	[sflag:s11] =	ssyncadd.s32 $0xFFFFEC00;
	s11 =	simm.s32 $0x550  }
0x1ea: {  	[spmem:s29] =	stream.indirect.scatter.add.f32 [tilespmem:s16], [sflag:$0x8], $0x40, s11, s8, $0xb8;
	[tilespmem:$0x1FDB0] =	vst v63  }
0x1eb: {  	s15 =	simm.s32 @p0 $0x550  }
0x1ec: {  	[spmem:s2] =	stream.indirect.scatter.add.f32 @p0 [tilespmem:s12], [sflag:$0xD], $0x10, s15, s13, $0xb8;
	[tilespmem:$0x1FDB0] =	vst v63  }
0x1ed: {  	_ =	swait.ge [sflag:s31], $0x1400  }
0x1ee: {  	[sflag:s31] =	ssyncset.done $0x0  }
0x1ef: {  	s3 =	simm.s32 @!p1 $0xC;
	[sflag:s31] =	ssyncadd.s32 $0xFFFFEC00  }
0x1f0: {  	s12 =	sadd.s32 @!p2 $0xFFFFFF60, s10;
	_ =	swait.ge @!p1 [sflag:s3], $0x500  }
0x1f1: {  	s12 =	sshrl.u32 @!p2 s12, $0x3;
	[sflag:s3] =	ssyncset.done @!p1 $0x0  }
0x1f2: {  	s15 =	simm.s32 @!p2 $0x1E0;
	[sflag:s3] =	ssyncadd.s32 @!p1 $0xFFFFFB00;
	s3 =	sadd.s32 @!p2 s6, s12  }
0x1f3: {  	[tilespmem:s15], [sflag:$0x16] =	stream.linear.gather @!p2 [hbm4b:s3+s4], $0x50, $0x38;
	[tilespmem:$0x1FDB0] =	vst v63  }
0x1f4: {  	s3 =	sadd.s32 @!p2 s7, s12;
	s12 =	simm.s32 @!p2 $0x500  }
0x1f5: {  	[tilespmem:s12], [sflag:$0x16] =	stream.linear.gather @!p2 [hbm4b:s3+s4], $0x50, $0x38;
	[tilespmem:$0x1FDB0] =	vst v63  }
0x1f6: {  	s3 =	simm.s32 @!p2 $0x11  }
0x1f7: {  	_ =	swait.ge @!p2 [sflag:s3], $0x50  }
0x1f8: {  	[sflag:s3] =	ssyncset.done @!p2 $0x0  }
0x1f9: {  	[sflag:s3] =	ssyncadd.s32 @!p2 $0xFFFFFFB0  }
0x1fa: {  	_ =	swait.ge @!p2 [sflag:s3], $0x50  }
0x1fb: {  	[sflag:s3] =	ssyncset.done @!p2 $0x0  }
0x1fc: {  	[sflag:s3] =	ssyncadd.s32 @!p2 $0xFFFFFFB0  }
0x1fd: {  	v3 =	vld @!p2 [tilespmem:$0x50]  }
0x1fe: {  	v4 =	vld @!p2 [tilespmem:$0x60]  }
0x1ff: {  	v5 =	vld @!p2 [tilespmem:$0x70]  }
0x200: {  	v6 =	vld @!p2 [tilespmem:$0x80]  }
0x201: {  	v7 =	vld @!p2 [tilespmem:$0x90]  }
0x202: {  	v3 =	vshll.u32 @!p2 v3, $0x1  }
0x203: {  	v4 =	vshll.u32 @!p2 v4, $0x1;
	v3 =	vor.u32 @!p2 v0, v3  }
0x204: {  	[tilespmem:$0x50] =	vst @!p2 v3;
	v3 =	vor.u32 @!p2 v0, v4;
	v4 =	vshll.u32 @!p2 v5, $0x1  }
0x205: {  	[tilespmem:$0x60] =	vst @!p2 v3;
	v3 =	vor.u32 @!p2 v0, v4;
	v4 =	vshll.u32 @!p2 v6, $0x1  }
0x206: {  	[tilespmem:$0x70] =	vst @!p2 v3;
	v3 =	vor.u32 @!p2 v0, v4;
	v4 =	vshll.u32 @!p2 v7, $0x1  }
0x207: {  	[tilespmem:$0x80] =	vst @!p2 v3;
	v3 =	vor.u32 @!p2 v0, v4  }
0x208: {  	s3 =	simm.s32 @!p2 $0x1A40;
	[tilespmem:$0x90] =	vst @!p2 v3  }
0x209: {  	[tilespmem:s3], [sflag:$0x2] =	stream.indirect.gather @!p2 [hbm4b:s5+s1], $0x40, s1, s1, $0xb8;
	[tilespmem:$0x1FDB0] =	vst v63  }
0x20a: {  	_ =	swait.ge [sflag:s28], $0x1400  }
0x20b: {  	[sflag:s28] =	ssyncset.done $0x0  }
0x20c: {  	s14 =	simm.s32 $0x4240;
	s23 =	simm.s32 $0x5A0;
	[sflag:s28] =	ssyncadd.s32 $0xFFFFEC00  }
0x20d: {  	[spmem:s29] =	stream.indirect.scatter.add.f32 [tilespmem:s14], [sflag:$0x9], $0x40, s23, s8, $0xb8;
	[tilespmem:$0x1FDB0] =	vst v63  }
0x20e: {  	s9 =	simm.s32 @!p1 $0x50;
	s22 =	simm.s32 @!p1 $0x6A40;
	s3 =	simm.s32 @!p1 $0x5A0  }
0x20f: {  	[spmem:s2] =	stream.indirect.scatter.add.f32 @!p1 [tilespmem:s22], [sflag:$0xE], $0x10, s3, s9, $0xb8;
	[tilespmem:$0x1FDB0] =	vst v63  }
0x210: {  	_ =	swait.ge [sflag:s20], $0x1400  }
0x211: {  	[sflag:s20] =	ssyncset.done $0x0  }
0x212: {  	s3 =	simm.s32 @p0 $0xD;
	[sflag:s20] =	ssyncadd.s32 $0xFFFFEC00  }
0x213: {  	s12 =	sadd.s32 @!p2 $0xFFFFFFB0, s10;
	_ =	swait.ge @p0 [sflag:s3], $0x500  }
0x214: {  	s12 =	sshrl.u32 @!p2 s12, $0x3;
	[sflag:s3] =	ssyncset.done @p0 $0x0  }
0x215: {  	s13 =	simm.s32 @!p2 $0x230;
	[sflag:s3] =	ssyncadd.s32 @p0 $0xFFFFFB00;
	s3 =	sadd.s32 @!p2 s6, s12  }
0x216: {  	[tilespmem:s13], [sflag:$0x17] =	stream.linear.gather @!p2 [hbm4b:s3+s4], $0x50, $0x38;
	[tilespmem:$0x1FDB0] =	vst v63  }
0x217: {  	s3 =	sadd.s32 @!p2 s7, s12;
	s12 =	simm.s32 @!p2 $0x550  }
0x218: {  	[tilespmem:s12], [sflag:$0x17] =	stream.linear.gather @!p2 [hbm4b:s3+s4], $0x50, $0x38;
	[tilespmem:$0x1FDB0] =	vst v63  }
0x219: {  	s3 =	simm.s32 @!p2 $0x12  }
0x21a: {  	_ =	swait.ge @!p2 [sflag:s3], $0x50  }
0x21b: {  	[sflag:s3] =	ssyncset.done @!p2 $0x0  }
0x21c: {  	[sflag:s3] =	ssyncadd.s32 @!p2 $0xFFFFFFB0  }
0x21d: {  	_ =	swait.ge @!p2 [sflag:s3], $0x50  }
0x21e: {  	[sflag:s3] =	ssyncset.done @!p2 $0x0  }
0x21f: {  	[sflag:s3] =	ssyncadd.s32 @!p2 $0xFFFFFFB0  }
0x220: {  	v3 =	vld @!p2 [tilespmem:$0xA0]  }
0x221: {  	v4 =	vld @!p2 [tilespmem:$0xB0]  }
0x222: {  	v5 =	vld @!p2 [tilespmem:$0xC0]  }
0x223: {  	v6 =	vld @!p2 [tilespmem:$0xD0]  }
0x224: {  	v7 =	vld @!p2 [tilespmem:$0xE0]  }
0x225: {  	v3 =	vshll.u32 @!p2 v3, $0x1  }
0x226: {  	v4 =	vshll.u32 @!p2 v4, $0x1;
	v3 =	vor.u32 @!p2 v0, v3  }
0x227: {  	[tilespmem:$0xA0] =	vst @!p2 v3;
	v3 =	vor.u32 @!p2 v0, v4;
	v4 =	vshll.u32 @!p2 v5, $0x1  }
0x228: {  	[tilespmem:$0xB0] =	vst @!p2 v3;
	v3 =	vor.u32 @!p2 v0, v4;
	v4 =	vshll.u32 @!p2 v6, $0x1  }
0x229: {  	[tilespmem:$0xC0] =	vst @!p2 v3;
	v3 =	vor.u32 @!p2 v0, v4;
	v4 =	vshll.u32 @!p2 v7, $0x1  }
0x22a: {  	[tilespmem:$0xD0] =	vst @!p2 v3;
	v3 =	vor.u32 @!p2 v0, v4  }
0x22b: {  	s11 =	simm.s32 @!p2 $0x50;
	s1 =	simm.s32 @!p2 $0xA0;
	s3 =	simm.s32 @!p2 $0x2E40;
	[tilespmem:$0xE0] =	vst @!p2 v3  }
0x22c: {  	[tilespmem:s3], [sflag:$0x3] =	stream.indirect.gather @!p2 [hbm4b:s5+s11], $0x40, s1, s11, $0xb8;
	[tilespmem:$0x1FDB0] =	vst v63  }
.Ltmp8:
0x22d: {  	_ = 	snop;
	(pc) =	sbr.rel @p1 .LBB2_13-.Ltmp8, $4  }
0x22e: {  	s18 =	simm.s32 $0x5640;
	_ =	swait.ge [sflag:s21], $0x1400  }
0x22f: {  	s19 =	simm.s32 $0x5F0;
	s17 =	simm.s32 $0x2E40;
	[sflag:s21] =	ssyncset.done $0x0  }
0x230: {  	s15 =	simm.s32 $0x4240;
	s14 =	simm.s32 $0x5A0;
	[sflag:s21] =	ssyncadd.s32 $0xFFFFEC00  }
0x231: {  	[spmem:s29] =	stream.indirect.scatter.add.f32 [tilespmem:s18], [sflag:$0xA], $0x40, s19, s8, $0xb8;
	[tilespmem:$0x1FDB0] =	vst v63  }
0x232: {  	_ =	swait.ge [sflag:s26], $0x1400  }
.Ltmp9:
0x233: {  	[sflag:s26] =	ssyncset.done $0x0;
	(pc) =	sbr.rel @!p2 .LBB2_14-.Ltmp9, $4  }
0x234: {  	s1 =	simm.s32 $0xE;
	[sflag:s26] =	ssyncadd.s32 $0xFFFFEC00  }
0x235: {  	_ =	swait.ge [sflag:s1], $0x500  }
0x236: {  	[sflag:s1] =	ssyncset.done $0x0  }
0x237: {  	[sflag:s1] =	ssyncadd.s32 $0xFFFFFB00  }
.Ltmp10:
0x238: {  	(pc) =	sbr.rel .LBB2_16-.Ltmp10, $4  }
0x239: {  	s1 =	simm.s32 $0xA  }
0x23a: {  	_ =	swait.ge [sflag:s1], $0x1400  }
0x23b: {  	[sflag:s1] =	ssyncset.done $0x0  }
0x23c: {  	s16 =	simm.s32 $0x0;
	[sflag:s1] =	ssyncadd.s32 $0xFFFFEC00;
	s1 =	rddreg [dreg:$0x1d]  }
.LBB2_17:
0x23d: {  	_ =	sfence.sel $0x180000  }
0x23e: {  	[bflag:$0x0] =	sbarrier.arrive $0xFFFF  }
0x23f: {  	_ =	strace $0x90000047  }
0x240: {  	s0 =	stileid.u32;
	[bflag:$0x2] =	sbarrier.arrive $0xFFFF  }
0x241: {  	p0 =	sne.s32 s0, $0x0;
	s0 =	rddreg [dreg:$0x5]  }
0x242: {  	s0 =	sadd.s32 @!p0 $0x100000, s0  }
0x243: {  	[sflag:s0] =	ssyncadd.tile.s32 @!p0 $0x1;
	_ =	shalt  }
.Lfunc_end2:
_tile_overlayer_lowered:
.L_overlay_start_2:
0x244: {  	(tag) =	ssettag $0x2  }
0x245: {  	s0 =	rddreg [dreg:$0x0];
	s2 =	stileid.u32  }
0x246: {  	s1 =	rddreg [dreg:$0x1];
	p0 =	sne.s32 s2, $0x0  }
0x247: {  	s3 =	rddreg [dreg:$0x2];
	[bflag:$0x3] =	sbarrier.arrive $0xFFFF;
	s2 =	simm.s32 @!p0 $0x1C1B  }
0x248: {  	[timem:s3], [sflag:s2] =	dma.local @!p0 [hbm:s0], s1  }
0x249: {  	s0 =	simm.s32 @!p0 $0x1B  }
0x24a: {  	_ =	swait.ge @!p0 [sflag:s0], s1  }
0x24b: {  	s1 =	ssub.s32 @!p0 $0x0, s1;
	[sflag:s0] =	ssyncset.done @!p0 $0x0  }
0x24c: {  	[sflag:s0] =	ssyncadd.s32 @!p0 s1  }
0x24d: {  	[bflag:$0x3] =	sbarrier.arrive $0xFFFF  }
0x24e: {  	_ =	shalt  }

</sc_bundles>
